<compile_context>
chip_gen: v7x
topology: tpu7x:2x2x1
jax: 0.10.2.dev20260603
libtpu: 0.0.44.dev20260713+nightly
codegen_flags: <defaults>
</compile_context>

<pallas_src>
import jax
import jax.numpy as jnp
from jax import lax
from jax.experimental import pallas as pl
from jax.experimental.pallas import tpu as pltpu
from jax.experimental.pallas import tpu_sc as plsc

N = 50000
NT = 51200
E = 800000
NC = 2
NS = 16
NW = NC * NS
B = 128
K = 196
EP = NW * K * B
CHK = 28
RPT = NT // NS
DEGW = 16
IN_DIM = 32
OUT_DIM = 128

_MESH = plsc.VectorSubcoreMesh(core_axis_name="c", subcore_axis_name="s")
_SC_PARAMS = pltpu.CompilerParams(use_tc_tiling_on_sc=False,
                                  needs_layout_passes=False)


def _zero_vmem(ref, nrow, ncol):
    z16 = jnp.zeros((16,), jnp.float32)

    def body(i, carry):
        for j in range(ncol // 16):
            ref[i, pl.ds(j * 16, 16)] = z16
        return carry

    lax.fori_loop(0, nrow, body, 0)


def _zero_table(tab, zer, s):
    def body(r, carry):
        pltpu.sync_copy(zer, tab.at[pl.ds(s * RPT + r * B, B)])
        return carry

    lax.fori_loop(0, RPT // B, body, 0)


def _deg_body(dst_hbm, out_hbm, tab, idx_v, val_v, zer_v):
    c = lax.axis_index("c")
    s = lax.axis_index("s")
    wid = c * NS + s
    one16 = jnp.ones((16,), jnp.float32)

    def fill(i, carry):
        val_v[i, :] = one16
        zer_v[i, :] = jnp.zeros((16,), jnp.float32)
        return carry

    lax.fori_loop(0, B, fill, 0)
    _zero_table(tab, zer_v, s)
    plsc.subcore_barrier()

    pltpu.sync_copy(dst_hbm.at[wid], idx_v)

    def body(g, carry):
        pltpu.sync_copy(val_v, tab.at[idx_v.at[g]], add=True)
        return carry

    lax.fori_loop(0, K, body, 0)
    plsc.subcore_barrier()
    pltpu.sync_copy(tab.at[pl.ds(s * RPT, RPT)], out_hbm.at[c, pl.ds(s * RPT, RPT)])


def _make_deg(interpret=False):
    return pl.kernel(
        _deg_body,
        out_type=jax.ShapeDtypeStruct((NC, NT, DEGW), jnp.float32),
        mesh=_MESH,
        scratch_types=[
            pltpu.VMEM_SHARED((NT, DEGW), jnp.float32),
            pltpu.VMEM((K, B), jnp.int32),
            pltpu.VMEM((B, DEGW), jnp.float32),
            pltpu.VMEM((B, DEGW), jnp.float32),
        ],
        interpret=interpret,
        compiler_params=_SC_PARAMS,
    )


def _scat_body(src_hbm, dst_hbm, xs_hbm, out_hbm, tab, sidx, didx,
               r0, r1, r2, r3, g0s, g1s, g2s, g3s, s0s, s1s, s2s, s3s):
    c = lax.axis_index("c")
    s = lax.axis_index("s")
    wid = c * NS + s
    bufs = ((r0, g0s, s0s), (r1, g1s, s1s), (r2, g2s, s2s), (r3, g3s, s3s))

    _zero_vmem(r0, B, IN_DIM)
    _zero_table(tab, r0, s)
    plsc.subcore_barrier()

    def issue_g(g, buf, sem):
        gg = jnp.minimum(g, CHK - 1)
        pltpu.async_copy(xs_hbm.at[sidx.at[gg]], buf, sem)

    def wait_g(buf, sem):
        pltpu.make_async_copy(xs_hbm.at[sidx.at[0]], buf, sem).wait()

    def issue_s(g, buf, sem):
        pltpu.async_copy(buf, tab.at[didx.at[g]], sem, add=True)

    def wait_s(g, buf, sem):
        pltpu.make_async_copy(buf, tab.at[didx.at[g]], sem).wait()

    def outer(o, carry):
        pltpu.sync_copy(src_hbm.at[wid, pl.ds(o * CHK, CHK)], sidx)
        pltpu.sync_copy(dst_hbm.at[wid, pl.ds(o * CHK, CHK)], didx)
        for b, (buf, gsem, _) in enumerate(bufs):
            issue_g(b, buf, gsem)

        def body(i, carry2):
            base = 4 * i
            for b, (buf, gsem, ssem) in enumerate(bufs):
                wait_g(buf, gsem)
                issue_s(base + b, buf, ssem)
            for b, (buf, gsem, ssem) in enumerate(bufs):
                wait_s(base + b, buf, ssem)
                issue_g(base + b + 4, buf, gsem)
            return carry2

        lax.fori_loop(0, CHK // 4, body, 0)
        for buf, gsem, _ in bufs:
            wait_g(buf, gsem)
        return carry

    lax.fori_loop(0, K // CHK, outer, 0)
    plsc.subcore_barrier()
    pltpu.sync_copy(tab.at[pl.ds(s * RPT, RPT)], out_hbm.at[c, pl.ds(s * RPT, RPT)])


def _make_scat(interpret=False):
    return pl.kernel(
        _scat_body,
        out_type=jax.ShapeDtypeStruct((NC, NT, IN_DIM), jnp.float32),
        mesh=_MESH,
        scratch_types=(
            [pltpu.VMEM_SHARED((NT, IN_DIM), jnp.float32),
             pltpu.VMEM((CHK, B), jnp.int32),
             pltpu.VMEM((CHK, B), jnp.int32)]
            + [pltpu.VMEM((B, IN_DIM), jnp.float32)] * 4
            + [pltpu.SemaphoreType.DMA] * 8
        ),
        interpret=interpret,
        compiler_params=_SC_PARAMS,
    )


def _dec_body(src_hbm, dst_hbm, z_hbm, out_hbm, sidx, didx,
              zs0, zd0, zs1, zd1, res, stage, sa0, sb0, sa1, sb1):
    c = lax.axis_index("c")
    s = lax.axis_index("s")
    wid = c * NS + s
    lane = jnp.arange(16, dtype=jnp.int32)

    pltpu.sync_copy(src_hbm.at[wid], sidx)
    pltpu.sync_copy(dst_hbm.at[wid], didx)

    def issue(g, zsb, zdb, sa, sb):
        gg = jnp.minimum(g, K - 1)
        pltpu.async_copy(z_hbm.at[sidx.at[gg]], zsb, sa)
        pltpu.async_copy(z_hbm.at[didx.at[gg]], zdb, sb)

    def wait(zsb, zdb, sa, sb):
        pltpu.make_async_copy(z_hbm.at[sidx.at[0]], zsb, sa).wait()
        pltpu.make_async_copy(z_hbm.at[didx.at[0]], zdb, sb).wait()

    def compute(zsb, zdb, g):
        def grp(t, carry2):
            nv = OUT_DIM // 16

            def loads(k):
                e = t * 16 + k
                aa, bb2 = [], []
                for j in range(OUT_DIM // 32):
                    a0, a1 = plsc.unpack(zsb[e, pl.ds(j * 32, 32)],
                                         format=plsc.PackFormat.INTERLEAVED)
                    b0, b1 = plsc.unpack(zdb[e, pl.ds(j * 32, 32)],
                                         format=plsc.PackFormat.INTERLEAVED)
                    aa += [a0, a1]
                    bb2 += [b0, b1]
                return (aa, bb2)

            cur = loads(0)
            for k in range(16):
                nxt = loads(k + 1) if k < 15 else None
                a, bb = cur
                prods = [a[j] * bb[j] for j in range(nv)]
                while len(prods) > 1:
                    prods = [prods[i] + prods[i + 1]
                             for i in range(0, len(prods), 2)]
                stage[k, :] = prods[0]
                cur = nxt
            sums = [jnp.zeros((16,), jnp.float32) for _ in range(4)]
            for j in range(16):
                col = (lane + j) & 15
                sums[j % 4] = sums[j % 4] + plsc.load_gather(stage, [lane, col])
            acc = (sums[0] + sums[1]) + (sums[2] + sums[3])
            res[pl.ds(t * 16, 16)] = 1.0 / (1.0 + jnp.exp(-acc)) + 1e-15
            return carry2

        lax.fori_loop(0, B // 16, grp, 0)
        pltpu.sync_copy(res, out_hbm.at[wid, g])

    issue(0, zs0, zd0, sa0, sb0)

    def outer(o, carry):
        g0 = 2 * o
        issue(g0 + 1, zs1, zd1, sa1, sb1)
        wait(zs0, zd0, sa0, sb0)
        compute(zs0, zd0, g0)
        issue(g0 + 2, zs0, zd0, sa0, sb0)
        wait(zs1, zd1, sa1, sb1)
        compute(zs1, zd1, g0 + 1)
        return carry

    lax.fori_loop(0, K // 2, outer, 0)
    wait(zs0, zd0, sa0, sb0)


def _make_dec(interpret=False):
    return pl.kernel(
        _dec_body,
        out_type=jax.ShapeDtypeStruct((NW, K, B), jnp.float32),
        mesh=_MESH,
        scratch_types=[
            pltpu.VMEM((K, B), jnp.int32),
            pltpu.VMEM((K, B), jnp.int32),
            pltpu.VMEM((B, OUT_DIM), jnp.bfloat16),
            pltpu.VMEM((B, OUT_DIM), jnp.bfloat16),
            pltpu.VMEM((B, OUT_DIM), jnp.bfloat16),
            pltpu.VMEM((B, OUT_DIM), jnp.bfloat16),
            pltpu.VMEM((B,), jnp.float32),
            pltpu.VMEM((16, 16), jnp.float32),
            pltpu.SemaphoreType.DMA,
            pltpu.SemaphoreType.DMA,
            pltpu.SemaphoreType.DMA,
            pltpu.SemaphoreType.DMA,
        ],
        interpret=interpret,
        compiler_params=_SC_PARAMS,
    )


def _dense_body(t_ref, xs_ref, d_ref, w_ref, b_ref, z_ref):
    t = t_ref[0] + t_ref[1] + xs_ref[...]
    y = jnp.dot(t, w_ref[...], preferred_element_type=jnp.float32)
    z = jnp.maximum(y * d_ref[...] + b_ref[...], 0.0)
    z_ref[...] = z.astype(jnp.bfloat16)


def _make_dense(interpret=False):
    blk = 1600
    return pl.pallas_call(
        _dense_body,
        grid=(NT // blk,),
        in_specs=[
            pl.BlockSpec((NC, blk, IN_DIM), lambda i: (0, i, 0)),
            pl.BlockSpec((blk, IN_DIM), lambda i: (i, 0)),
            pl.BlockSpec((blk, 1), lambda i: (i, 0)),
            pl.BlockSpec((IN_DIM, OUT_DIM), lambda i: (0, 0)),
            pl.BlockSpec((1, OUT_DIM), lambda i: (0, 0)),
        ],
        out_specs=pl.BlockSpec((blk, OUT_DIM), lambda i: (i, 0)),
        out_shape=jax.ShapeDtypeStruct((NT, OUT_DIM), jnp.bfloat16),
        interpret=interpret,
    )


def _build(interpret=False):
    return (_make_deg(interpret), _make_scat(interpret), _make_dec(interpret),
            _make_dense(interpret))


def kernel(x, edge_index, W, b):
    deg_call, scat_call, dec_call, dense_call = _build()

    src = edge_index[0].astype(jnp.int32)
    dst = edge_index[1].astype(jnp.int32)
    pad = EP - E
    srcp = jnp.concatenate([src, jnp.zeros((pad,), jnp.int32)]).reshape(NW, K, B)
    dstp_s = jnp.concatenate([dst, jnp.full((pad,), N, jnp.int32)]).reshape(NW, K, B)
    dstp_d = jnp.concatenate([dst, jnp.zeros((pad,), jnp.int32)]).reshape(NW, K, B)

    degt = deg_call(dstp_s)
    deg = degt[0, :, 0] + degt[1, :, 0] + 1.0
    dinv = lax.rsqrt(deg)
    x_pad = jnp.concatenate([x, jnp.zeros((NT - N, IN_DIM), jnp.float32)])
    xs = x_pad * dinv[:, None]

    t_tab = scat_call(srcp, dstp_s, xs)
    z = dense_call(t_tab, xs, dinv.reshape(NT, 1), W, b.reshape(1, OUT_DIM))

    outr = dec_call(srcp, dstp_d, z)
    adj_pred = outr.reshape(EP)[:E]
    return (adj_pred, edge_index)

# --- scband reference (transcript-rebuilt; emitter-appended) ---
"""Pipeline reference for scband-decoder-26104811225843 (READ-ONLY COPY).

The authoritative reference and input builder live on the scoring server;
editing this copy changes nothing except your own understanding.
"""

import jax, jax.numpy as jnp
import numpy as np

N_NODES = 50000
N_EDGES = 800000
IN_DIM = 32
OUT_DIM = 128

def setup_inputs(seed: int = 0) -> dict:
    key = jax.random.key(seed)
    k1, k2, k3 = jax.random.split(key, 3)
    x = jax.random.normal(k1, (N_NODES, IN_DIM), dtype=jnp.float32)
    edge_index = jax.random.randint(k2, (2, N_EDGES), 0, N_NODES, dtype=jnp.int64)
    W = jax.random.normal(k3, (IN_DIM, OUT_DIM), dtype=jnp.float32) * 0.1
    b = jnp.zeros((OUT_DIM,), dtype=jnp.float32)
    return {"x": x, "edge_index": edge_index, "W": W, "b": b}

def reference(x, edge_index, W, b):
    N = x.shape[0]
    src = edge_index[0]
    dst = edge_index[1]
    # GCNConv: add self-loops, symmetric normalization
    loop = jnp.arange(N, dtype=edge_index.dtype)
    row = jnp.concatenate([src, loop])
    col = jnp.concatenate([dst, loop])
    deg = jnp.zeros((N,), dtype=jnp.float32).at[col].add(1.0)
    deg_inv_sqrt = jnp.where(deg > 0, deg ** -0.5, 0.0)
    norm = deg_inv_sqrt[row] * deg_inv_sqrt[col]
    h = x @ W
    msg = h[row] * norm[:, None]
    agg = jnp.zeros((N, W.shape[1]), dtype=jnp.float32).at[col].add(msg)
    out = agg + b
    z = jax.nn.relu(out)
    # InnerProductDecoder over given edges, sigmoid=True
    adj_pred = jax.nn.sigmoid(jnp.sum(z[src] * z[dst], axis=1)) + 1e-15
    return (adj_pred, edge_index)

if __name__ == "__main__":
    import jax
    _d = setup_inputs()
    print(jax.jit(kernel)(*tuple(_d.values())))

</pallas_src>

<mosaic_0001>
#map = affine_map<(d0, d1) -> (0, 0, 0)>
module attributes {stable_mosaic.version = 14 : i64} {
  func.func @_deg_body(%arg0: i32, %arg1: i32, %arg2: memref<32x196x128xi32, #tpu.memory_space<hbm>>, %arg3: memref<2x51200x16xf32, #tpu.memory_space<hbm>>, %arg4: memref<51200x16xf32, #tpu.memory_space<vmem_shared>>, %arg5: memref<196x128xi32, #tpu.memory_space<vmem>>, %arg6: memref<128x16xf32, #tpu.memory_space<vmem>>, %arg7: memref<128x16xf32, #tpu.memory_space<vmem>>) attributes {dimension_semantics = [#tpu.dimension_semantics<core_parallel>, #tpu.dimension_semantics<subcore_parallel>], iteration_bounds = array<i64: 2, 16>, scalar_prefetch = 0 : i64, scratch_operands = 4 : i64, tpu.core_type = #tpu.core_type<sc_vector_subcore>, window_params = [{transform_indices = #map}, {transform_indices = #map}]} {
    %mul3A = arith.constant 16 : i32
    %mul3A_0 = arith.muli %arg0, %mul3A : i32
    %add3A = arith.addi %mul3A_0, %arg1 : i32
    %broadcast_in_dim3A = arith.constant 1.000000e+00 : f32
    %broadcast_in_dim3A_1 = vector.broadcast %broadcast_in_dim3A : f32 to vector<16xf32>
    %scan3A = arith.constant 0 : i32
    %scan3A_2 = arith.constant 0 : i32
    %scan3A_3 = arith.constant 128 : i32
    %scan3A_4 = arith.addi %scan3A_2, %scan3A_3 : i32
    %scan3A_5 = arith.constant 1 : i32
    scf.for %scan3A_24 = %scan3A_2 to %scan3A_4 step %scan3A_5  : i32 {
      %swap3A = arith.index_cast %scan3A_24 : i32 to index
      %swap3A_25 = arith.constant 0 : index
      %swap3A_26 = tpu.vector_load %arg6[%swap3A, %swap3A_25] {strides = array<i32>} : memref<128x16xf32, #tpu.memory_space<vmem>>, vector<16xf32>,
      tpu.vector_store %arg6[%swap3A, %swap3A_25], %broadcast_in_dim3A_1 {strides = array<i32>} : memref<128x16xf32, #tpu.memory_space<vmem>>, vector<16xf32>,
      %broadcast_in_dim3A_27 = arith.constant 0.000000e+00 : f32
      %broadcast_in_dim3A_28 = vector.broadcast %broadcast_in_dim3A_27 : f32 to vector<16xf32>
      %swap3A_29 = arith.index_cast %scan3A_24 : i32 to index
      %swap3A_30 = arith.constant 0 : index
      %swap3A_31 = tpu.vector_load %arg7[%swap3A_29, %swap3A_30] {strides = array<i32>} : memref<128x16xf32, #tpu.memory_space<vmem>>, vector<16xf32>,
      tpu.vector_store %arg7[%swap3A_29, %swap3A_30], %broadcast_in_dim3A_28 {strides = array<i32>} : memref<128x16xf32, #tpu.memory_space<vmem>>, vector<16xf32>,
    }
    %scan3A_6 = arith.constant 128 : i32
    %scan3A_7 = arith.constant 0 : i32
    %scan3A_8 = arith.constant 0 : i32
    %scan3A_9 = arith.constant 25 : i32
    %scan3A_10 = arith.addi %scan3A_8, %scan3A_9 : i32
    %scan3A_11 = arith.constant 1 : i32
    scf.for %scan3A_24 = %scan3A_8 to %scan3A_10 step %scan3A_11  : i32 {
      %mul3A_25 = arith.constant 3200 : i32
      %mul3A_26 = arith.muli %arg1, %mul3A_25 : i32
      %mul3A_27 = arith.constant 128 : i32
      %mul3A_28 = arith.muli %scan3A_24, %mul3A_27 : i32
      %add3A_29 = arith.addi %mul3A_26, %mul3A_28 : i32
      "tpu.region"() ({
        %run_scoped3A = tpu.sem_alloc : memref<!tpu.dma_semaphore, #tpu.memory_space<semaphore_mem>>
        %dma_start3A = arith.constant 0 : i32
        %dma_start3A_30 = tpu.memref_slice %arg4[%add3A_29, %dma_start3A] : memref<51200x16xf32, #tpu.memory_space<vmem_shared>> -> memref<128x16xf32, #tpu.memory_space<vmem_shared>>
        %dma_start3A_31 = arith.constant 0 : i32
        %dma_start3A_32 = tpu.memref_slice %arg4[%add3A_29, %dma_start3A_31] : memref<51200x16xf32, #tpu.memory_space<vmem_shared>> -> memref<128x16xf32, #tpu.memory_space<vmem_shared>>
        tpu.enqueue_dma source(%arg7 : memref<128x16xf32, #tpu.memory_space<vmem>>) target(%dma_start3A_32 : memref<128x16xf32, #tpu.memory_space<vmem_shared>>) target_semaphore(%run_scoped3A : memref<!tpu.dma_semaphore, #tpu.memory_space<semaphore_mem>>)
        %dma_wait3A = arith.constant 0 : i32
        %dma_wait3A_33 = tpu.memref_slice %arg4[%add3A_29, %dma_wait3A] : memref<51200x16xf32, #tpu.memory_space<vmem_shared>> -> memref<128x16xf32, #tpu.memory_space<vmem_shared>>
        %dma_wait3A_34 = arith.constant 0 : i32
        %dma_wait3A_35 = tpu.memref_slice %arg4[%add3A_29, %dma_wait3A_34] : memref<51200x16xf32, #tpu.memory_space<vmem_shared>> -> memref<128x16xf32, #tpu.memory_space<vmem_shared>>
        tpu.wait_dma2 semaphore(%run_scoped3A : memref<!tpu.dma_semaphore, #tpu.memory_space<semaphore_mem>>) src(%arg7 : memref<128x16xf32, #tpu.memory_space<vmem>>) dst(%dma_wait3A_35 : memref<128x16xf32, #tpu.memory_space<vmem_shared>>)
        tpu.yield
      }) : () -> ()
    }
    %scan3A_12 = arith.constant 25 : i32
    %barrier3A = arith.constant 0 : index
    tpu.barrier barrier_id(%barrier3A)
    "tpu.region"() ({
      %run_scoped3A = tpu.sem_alloc : memref<!tpu.dma_semaphore, #tpu.memory_space<semaphore_mem>>
      %dma_start3A = arith.constant 0 : i32
      %dma_start3A_24 = arith.constant 0 : i32
      %dma_start3A_25 = tpu.memref_slice %arg2[%add3A, %dma_start3A, %dma_start3A_24] : memref<32x196x128xi32, #tpu.memory_space<hbm>> -> memref<1x196x128xi32, #tpu.memory_space<hbm>>
      %dma_start3A_26 = tpu.memref_squeeze %dma_start3A_25 : memref<1x196x128xi32, #tpu.memory_space<hbm>> -> memref<196x128xi32, #tpu.memory_space<hbm>>
      %dma_start3A_27 = arith.constant 0 : i32
      %dma_start3A_28 = arith.constant 0 : i32
      %dma_start3A_29 = tpu.memref_slice %arg2[%add3A, %dma_start3A_27, %dma_start3A_28] : memref<32x196x128xi32, #tpu.memory_space<hbm>> -> memref<1x196x128xi32, #tpu.memory_space<hbm>>
      %dma_start3A_30 = tpu.memref_squeeze %dma_start3A_29 : memref<1x196x128xi32, #tpu.memory_space<hbm>> -> memref<196x128xi32, #tpu.memory_space<hbm>>
      tpu.enqueue_dma source(%dma_start3A_30 : memref<196x128xi32, #tpu.memory_space<hbm>>) target(%arg5 : memref<196x128xi32, #tpu.memory_space<vmem>>) target_semaphore(%run_scoped3A : memref<!tpu.dma_semaphore, #tpu.memory_space<semaphore_mem>>)
      %dma_wait3A = arith.constant 0 : i32
      %dma_wait3A_31 = arith.constant 0 : i32
      %dma_wait3A_32 = tpu.memref_slice %arg2[%add3A, %dma_wait3A, %dma_wait3A_31] : memref<32x196x128xi32, #tpu.memory_space<hbm>> -> memref<1x196x128xi32, #tpu.memory_space<hbm>>
      %dma_wait3A_33 = tpu.memref_squeeze %dma_wait3A_32 : memref<1x196x128xi32, #tpu.memory_space<hbm>> -> memref<196x128xi32, #tpu.memory_space<hbm>>
      %dma_wait3A_34 = arith.constant 0 : i32
      %dma_wait3A_35 = arith.constant 0 : i32
      %dma_wait3A_36 = tpu.memref_slice %arg2[%add3A, %dma_wait3A_34, %dma_wait3A_35] : memref<32x196x128xi32, #tpu.memory_space<hbm>> -> memref<1x196x128xi32, #tpu.memory_space<hbm>>
      %dma_wait3A_37 = tpu.memref_squeeze %dma_wait3A_36 : memref<1x196x128xi32, #tpu.memory_space<hbm>> -> memref<196x128xi32, #tpu.memory_space<hbm>>
      tpu.wait_dma2 semaphore(%run_scoped3A : memref<!tpu.dma_semaphore, #tpu.memory_space<semaphore_mem>>) src(%dma_wait3A_37 : memref<196x128xi32, #tpu.memory_space<hbm>>) dst(%arg5 : memref<196x128xi32, #tpu.memory_space<vmem>>)
      tpu.yield
    }) : () -> ()
    %scan3A_13 = arith.constant 0 : i32
    %scan3A_14 = arith.constant 0 : i32
    %scan3A_15 = arith.constant 196 : i32
    %scan3A_16 = arith.addi %scan3A_14, %scan3A_15 : i32
    %scan3A_17 = arith.constant 1 : i32
    scf.for %scan3A_24 = %scan3A_14 to %scan3A_16 step %scan3A_17  : i32 {
      "tpu.region"() ({
        %run_scoped3A = tpu.sem_alloc : memref<!tpu.dma_semaphore, #tpu.memory_space<semaphore_mem>>
        %dma_start3A = arith.constant 0 : i32
        %dma_start3A_25 = tpu.memref_slice %arg5[%scan3A_24, %dma_start3A] : memref<196x128xi32, #tpu.memory_space<vmem>> -> memref<1x128xi32, #tpu.memory_space<vmem>>
        %dma_start3A_26 = tpu.memref_squeeze %dma_start3A_25 : memref<1x128xi32, #tpu.memory_space<vmem>> -> memref<128xi32, #tpu.memory_space<vmem>>
        %dma_start3A_27 = arith.constant 0 : i32
        %dma_start3A_28 = arith.constant 0 : i32
        %dma_start3A_29 = tpu.memref_slice %arg4[%dma_start3A_27, %dma_start3A_28] : memref<51200x16xf32, #tpu.memory_space<vmem_shared>> -> memref<51200x16xf32, #tpu.memory_space<vmem_shared>>
        tpu.enqueue_indirect_dma source(%arg6 : memref<128x16xf32, #tpu.memory_space<vmem>>) target(%dma_start3A_29 : memref<51200x16xf32, #tpu.memory_space<vmem_shared>>) offsets(%dma_start3A_26 : memref<128xi32, #tpu.memory_space<vmem>>) semaphore(%run_scoped3A : memref<!tpu.dma_semaphore, #tpu.memory_space<semaphore_mem>>) {add = true}
        %dma_wait3A = arith.constant 0 : i32
        %dma_wait3A_30 = tpu.memref_slice %arg5[%scan3A_24, %dma_wait3A] : memref<196x128xi32, #tpu.memory_space<vmem>> -> memref<1x128xi32, #tpu.memory_space<vmem>>
        %dma_wait3A_31 = tpu.memref_squeeze %dma_wait3A_30 : memref<1x128xi32, #tpu.memory_space<vmem>> -> memref<128xi32, #tpu.memory_space<vmem>>
        %dma_wait3A_32 = arith.constant 0 : i32
        %dma_wait3A_33 = arith.constant 0 : i32
        %dma_wait3A_34 = tpu.memref_slice %arg4[%dma_wait3A_32, %dma_wait3A_33] : memref<51200x16xf32, #tpu.memory_space<vmem_shared>> -> memref<51200x16xf32, #tpu.memory_space<vmem_shared>>
        tpu.wait_indirect_dma semaphore(%run_scoped3A : memref<!tpu.dma_semaphore, #tpu.memory_space<semaphore_mem>>) src(%arg6 : memref<128x16xf32, #tpu.memory_space<vmem>>) dst(%dma_wait3A_34 : memref<51200x16xf32, #tpu.memory_space<vmem_shared>>)
        tpu.yield
      }) : () -> ()
    }
    %scan3A_18 = arith.constant 196 : i32
    %barrier3A_19 = arith.constant 0 : index
    tpu.barrier barrier_id(%barrier3A_19)
    %mul3A_20 = arith.constant 3200 : i32
    %mul3A_21 = arith.muli %arg1, %mul3A_20 : i32
    %mul3A_22 = arith.constant 3200 : i32
    %mul3A_23 = arith.muli %arg1, %mul3A_22 : i32
    "tpu.region"() ({
      %run_scoped3A = tpu.sem_alloc : memref<!tpu.dma_semaphore, #tpu.memory_space<semaphore_mem>>
      %dma_start3A = arith.constant 0 : i32
      %dma_start3A_24 = tpu.memref_slice %arg3[%arg0, %mul3A_23, %dma_start3A] : memref<2x51200x16xf32, #tpu.memory_space<hbm>> -> memref<1x3200x16xf32, #tpu.memory_space<hbm>>
      %dma_start3A_25 = tpu.memref_squeeze %dma_start3A_24 : memref<1x3200x16xf32, #tpu.memory_space<hbm>> -> memref<3200x16xf32, #tpu.memory_space<hbm>>
      %dma_start3A_26 = arith.constant 0 : i32
      %dma_start3A_27 = tpu.memref_slice %arg4[%mul3A_21, %dma_start3A_26] : memref<51200x16xf32, #tpu.memory_space<vmem_shared>> -> memref<3200x16xf32, #tpu.memory_space<vmem_shared>>
      tpu.enqueue_dma source(%dma_start3A_27 : memref<3200x16xf32, #tpu.memory_space<vmem_shared>>) target(%dma_start3A_25 : memref<3200x16xf32, #tpu.memory_space<hbm>>) target_semaphore(%run_scoped3A : memref<!tpu.dma_semaphore, #tpu.memory_space<semaphore_mem>>)
      %dma_wait3A = arith.constant 0 : i32
      %dma_wait3A_28 = tpu.memref_slice %arg3[%arg0, %mul3A_23, %dma_wait3A] : memref<2x51200x16xf32, #tpu.memory_space<hbm>> -> memref<1x3200x16xf32, #tpu.memory_space<hbm>>
      %dma_wait3A_29 = tpu.memref_squeeze %dma_wait3A_28 : memref<1x3200x16xf32, #tpu.memory_space<hbm>> -> memref<3200x16xf32, #tpu.memory_space<hbm>>
      %dma_wait3A_30 = arith.constant 0 : i32
      %dma_wait3A_31 = tpu.memref_slice %arg4[%mul3A_21, %dma_wait3A_30] : memref<51200x16xf32, #tpu.memory_space<vmem_shared>> -> memref<3200x16xf32, #tpu.memory_space<vmem_shared>>
      tpu.wait_dma2 semaphore(%run_scoped3A : memref<!tpu.dma_semaphore, #tpu.memory_space<semaphore_mem>>) src(%dma_wait3A_31 : memref<3200x16xf32, #tpu.memory_space<vmem_shared>>) dst(%dma_wait3A_29 : memref<3200x16xf32, #tpu.memory_space<hbm>>)
      tpu.yield
    }) : () -> ()
    return
  }
}

#map = affine_map<(d0, d1) -> (0, 0, 0)>
#map1 = affine_map<(d0, d1) -> (0, 0)>
module attributes {stable_mosaic.version = 14 : i64} {
  func.func @_scat_body(%arg0: i32, %arg1: i32, %arg2: memref<32x196x128xi32, #tpu.memory_space<hbm>>, %arg3: memref<32x196x128xi32, #tpu.memory_space<hbm>>, %arg4: memref<51200x32xf32, #tpu.memory_space<hbm>>, %arg5: memref<2x51200x32xf32, #tpu.memory_space<hbm>>, %arg6: memref<51200x32xf32, #tpu.memory_space<vmem_shared>>, %arg7: memref<28x128xi32, #tpu.memory_space<vmem>>, %arg8: memref<28x128xi32, #tpu.memory_space<vmem>>, %arg9: memref<128x32xf32, #tpu.memory_space<vmem>>, %arg10: memref<128x32xf32, #tpu.memory_space<vmem>>, %arg11: memref<128x32xf32, #tpu.memory_space<vmem>>, %arg12: memref<128x32xf32, #tpu.memory_space<vmem>>, %arg13: memref<!tpu.dma_semaphore, #tpu.memory_space<semaphore_mem>>, %arg14: memref<!tpu.dma_semaphore, #tpu.memory_space<semaphore_mem>>, %arg15: memref<!tpu.dma_semaphore, #tpu.memory_space<semaphore_mem>>, %arg16: memref<!tpu.dma_semaphore, #tpu.memory_space<semaphore_mem>>, %arg17: memref<!tpu.dma_semaphore, #tpu.memory_space<semaphore_mem>>, %arg18: memref<!tpu.dma_semaphore, #tpu.memory_space<semaphore_mem>>, %arg19: memref<!tpu.dma_semaphore, #tpu.memory_space<semaphore_mem>>, %arg20: memref<!tpu.dma_semaphore, #tpu.memory_space<semaphore_mem>>) attributes {dimension_semantics = [#tpu.dimension_semantics<core_parallel>, #tpu.dimension_semantics<subcore_parallel>], iteration_bounds = array<i64: 2, 16>, scalar_prefetch = 0 : i64, scratch_operands = 15 : i64, tpu.core_type = #tpu.core_type<sc_vector_subcore>, window_params = [{transform_indices = #map}, {transform_indices = #map}, {transform_indices = #map1}, {transform_indices = #map}]} {
    %mul3A = arith.constant 16 : i32
    %mul3A_0 = arith.muli %arg0, %mul3A : i32
    %add3A = arith.addi %mul3A_0, %arg1 : i32
    %broadcast_in_dim3A = arith.constant 0.000000e+00 : f32
    %broadcast_in_dim3A_1 = vector.broadcast %broadcast_in_dim3A : f32 to vector<16xf32>
    %scan3A = arith.constant 0 : i32
    %scan3A_2 = arith.constant 0 : i32
    %scan3A_3 = arith.constant 128 : i32
    %scan3A_4 = arith.addi %scan3A_2, %scan3A_3 : i32
    %scan3A_5 = arith.constant 1 : i32
    scf.for %scan3A_24 = %scan3A_2 to %scan3A_4 step %scan3A_5  : i32 {
      %swap3A = arith.index_cast %scan3A_24 : i32 to index
      %swap3A_25 = arith.constant 0 : index
      %swap3A_26 = tpu.vector_load %arg9[%swap3A, %swap3A_25] {strides = array<i32>} : memref<128x32xf32, #tpu.memory_space<vmem>>, vector<16xf32>,
      tpu.vector_store %arg9[%swap3A, %swap3A_25], %broadcast_in_dim3A_1 {strides = array<i32>} : memref<128x32xf32, #tpu.memory_space<vmem>>, vector<16xf32>,
      %swap3A_27 = arith.index_cast %scan3A_24 : i32 to index
      %swap3A_28 = arith.constant 16 : index
      %swap3A_29 = tpu.vector_load %arg9[%swap3A_27, %swap3A_28] {strides = array<i32>} : memref<128x32xf32, #tpu.memory_space<vmem>>, vector<16xf32>,
      tpu.vector_store %arg9[%swap3A_27, %swap3A_28], %broadcast_in_dim3A_1 {strides = array<i32>} : memref<128x32xf32, #tpu.memory_space<vmem>>, vector<16xf32>,
    }
    %scan3A_6 = arith.constant 128 : i32
    %scan3A_7 = arith.constant 0 : i32
    %scan3A_8 = arith.constant 0 : i32
    %scan3A_9 = arith.constant 25 : i32
    %scan3A_10 = arith.addi %scan3A_8, %scan3A_9 : i32
    %scan3A_11 = arith.constant 1 : i32
    scf.for %scan3A_24 = %scan3A_8 to %scan3A_10 step %scan3A_11  : i32 {
      %mul3A_25 = arith.constant 3200 : i32
      %mul3A_26 = arith.muli %arg1, %mul3A_25 : i32
      %mul3A_27 = arith.constant 128 : i32
      %mul3A_28 = arith.muli %scan3A_24, %mul3A_27 : i32
      %add3A_29 = arith.addi %mul3A_26, %mul3A_28 : i32
      "tpu.region"() ({
        %run_scoped3A = tpu.sem_alloc : memref<!tpu.dma_semaphore, #tpu.memory_space<semaphore_mem>>
        %dma_start3A = arith.constant 0 : i32
        %dma_start3A_30 = tpu.memref_slice %arg6[%add3A_29, %dma_start3A] : memref<51200x32xf32, #tpu.memory_space<vmem_shared>> -> memref<128x32xf32, #tpu.memory_space<vmem_shared>>
        %dma_start3A_31 = arith.constant 0 : i32
        %dma_start3A_32 = tpu.memref_slice %arg6[%add3A_29, %dma_start3A_31] : memref<51200x32xf32, #tpu.memory_space<vmem_shared>> -> memref<128x32xf32, #tpu.memory_space<vmem_shared>>
        tpu.enqueue_dma source(%arg9 : memref<128x32xf32, #tpu.memory_space<vmem>>) target(%dma_start3A_32 : memref<128x32xf32, #tpu.memory_space<vmem_shared>>) target_semaphore(%run_scoped3A : memref<!tpu.dma_semaphore, #tpu.memory_space<semaphore_mem>>)
        %dma_wait3A = arith.constant 0 : i32
        %dma_wait3A_33 = tpu.memref_slice %arg6[%add3A_29, %dma_wait3A] : memref<51200x32xf32, #tpu.memory_space<vmem_shared>> -> memref<128x32xf32, #tpu.memory_space<vmem_shared>>
        %dma_wait3A_34 = arith.constant 0 : i32
        %dma_wait3A_35 = tpu.memref_slice %arg6[%add3A_29, %dma_wait3A_34] : memref<51200x32xf32, #tpu.memory_space<vmem_shared>> -> memref<128x32xf32, #tpu.memory_space<vmem_shared>>
        tpu.wait_dma2 semaphore(%run_scoped3A : memref<!tpu.dma_semaphore, #tpu.memory_space<semaphore_mem>>) src(%arg9 : memref<128x32xf32, #tpu.memory_space<vmem>>) dst(%dma_wait3A_35 : memref<128x32xf32, #tpu.memory_space<vmem_shared>>)
        tpu.yield
      }) : () -> ()
    }
    %scan3A_12 = arith.constant 25 : i32
    %barrier3A = arith.constant 0 : index
    tpu.barrier barrier_id(%barrier3A)
    %scan3A_13 = arith.constant 0 : i32
    %scan3A_14 = arith.constant 0 : i32
    %scan3A_15 = arith.constant 7 : i32
    %scan3A_16 = arith.addi %scan3A_14, %scan3A_15 : i32
    %scan3A_17 = arith.constant 1 : i32
    scf.for %scan3A_24 = %scan3A_14 to %scan3A_16 step %scan3A_17  : i32 {
      %mul3A_25 = arith.constant 28 : i32
      %mul3A_26 = arith.muli %scan3A_24, %mul3A_25 : i32
      "tpu.region"() ({
        %run_scoped3A = tpu.sem_alloc : memref<!tpu.dma_semaphore, #tpu.memory_space<semaphore_mem>>
        %dma_start3A_96 = arith.constant 0 : i32
        %dma_start3A_97 = tpu.memref_slice %arg2[%add3A, %mul3A_26, %dma_start3A_96] : memref<32x196x128xi32, #tpu.memory_space<hbm>> -> memref<1x28x128xi32, #tpu.memory_space<hbm>>
        %dma_start3A_98 = tpu.memref_squeeze %dma_start3A_97 : memref<1x28x128xi32, #tpu.memory_space<hbm>> -> memref<28x128xi32, #tpu.memory_space<hbm>>
        %dma_start3A_99 = arith.constant 0 : i32
        %dma_start3A_100 = tpu.memref_slice %arg2[%add3A, %mul3A_26, %dma_start3A_99] : memref<32x196x128xi32, #tpu.memory_space<hbm>> -> memref<1x28x128xi32, #tpu.memory_space<hbm>>
        %dma_start3A_101 = tpu.memref_squeeze %dma_start3A_100 : memref<1x28x128xi32, #tpu.memory_space<hbm>> -> memref<28x128xi32, #tpu.memory_space<hbm>>
        tpu.enqueue_dma source(%dma_start3A_101 : memref<28x128xi32, #tpu.memory_space<hbm>>) target(%arg7 : memref<28x128xi32, #tpu.memory_space<vmem>>) target_semaphore(%run_scoped3A : memref<!tpu.dma_semaphore, #tpu.memory_space<semaphore_mem>>)
        %dma_wait3A_102 = arith.constant 0 : i32
        %dma_wait3A_103 = tpu.memref_slice %arg2[%add3A, %mul3A_26, %dma_wait3A_102] : memref<32x196x128xi32, #tpu.memory_space<hbm>> -> memref<1x28x128xi32, #tpu.memory_space<hbm>>
        %dma_wait3A_104 = tpu.memref_squeeze %dma_wait3A_103 : memref<1x28x128xi32, #tpu.memory_space<hbm>> -> memref<28x128xi32, #tpu.memory_space<hbm>>
        %dma_wait3A_105 = arith.constant 0 : i32
        %dma_wait3A_106 = tpu.memref_slice %arg2[%add3A, %mul3A_26, %dma_wait3A_105] : memref<32x196x128xi32, #tpu.memory_space<hbm>> -> memref<1x28x128xi32, #tpu.memory_space<hbm>>
        %dma_wait3A_107 = tpu.memref_squeeze %dma_wait3A_106 : memref<1x28x128xi32, #tpu.memory_space<hbm>> -> memref<28x128xi32, #tpu.memory_space<hbm>>
        tpu.wait_dma2 semaphore(%run_scoped3A : memref<!tpu.dma_semaphore, #tpu.memory_space<semaphore_mem>>) src(%dma_wait3A_107 : memref<28x128xi32, #tpu.memory_space<hbm>>) dst(%arg7 : memref<28x128xi32, #tpu.memory_space<vmem>>)
        tpu.yield
      }) : () -> ()
      %mul3A_27 = arith.constant 28 : i32
      %mul3A_28 = arith.muli %scan3A_24, %mul3A_27 : i32
      "tpu.region"() ({
        %run_scoped3A = tpu.sem_alloc : memref<!tpu.dma_semaphore, #tpu.memory_space<semaphore_mem>>
        %dma_start3A_96 = arith.constant 0 : i32
        %dma_start3A_97 = tpu.memref_slice %arg3[%add3A, %mul3A_28, %dma_start3A_96] : memref<32x196x128xi32, #tpu.memory_space<hbm>> -> memref<1x28x128xi32, #tpu.memory_space<hbm>>
        %dma_start3A_98 = tpu.memref_squeeze %dma_start3A_97 : memref<1x28x128xi32, #tpu.memory_space<hbm>> -> memref<28x128xi32, #tpu.memory_space<hbm>>
        %dma_start3A_99 = arith.constant 0 : i32
        %dma_start3A_100 = tpu.memref_slice %arg3[%add3A, %mul3A_28, %dma_start3A_99] : memref<32x196x128xi32, #tpu.memory_space<hbm>> -> memref<1x28x128xi32, #tpu.memory_space<hbm>>
        %dma_start3A_101 = tpu.memref_squeeze %dma_start3A_100 : memref<1x28x128xi32, #tpu.memory_space<hbm>> -> memref<28x128xi32, #tpu.memory_space<hbm>>
        tpu.enqueue_dma source(%dma_start3A_101 : memref<28x128xi32, #tpu.memory_space<hbm>>) target(%arg8 : memref<28x128xi32, #tpu.memory_space<vmem>>) target_semaphore(%run_scoped3A : memref<!tpu.dma_semaphore, #tpu.memory_space<semaphore_mem>>)
        %dma_wait3A_102 = arith.constant 0 : i32
        %dma_wait3A_103 = tpu.memref_slice %arg3[%add3A, %mul3A_28, %dma_wait3A_102] : memref<32x196x128xi32, #tpu.memory_space<hbm>> -> memref<1x28x128xi32, #tpu.memory_space<hbm>>
        %dma_wait3A_104 = tpu.memref_squeeze %dma_wait3A_103 : memref<1x28x128xi32, #tpu.memory_space<hbm>> -> memref<28x128xi32, #tpu.memory_space<hbm>>
        %dma_wait3A_105 = arith.constant 0 : i32
        %dma_wait3A_106 = tpu.memref_slice %arg3[%add3A, %mul3A_28, %dma_wait3A_105] : memref<32x196x128xi32, #tpu.memory_space<hbm>> -> memref<1x28x128xi32, #tpu.memory_space<hbm>>
        %dma_wait3A_107 = tpu.memref_squeeze %dma_wait3A_106 : memref<1x28x128xi32, #tpu.memory_space<hbm>> -> memref<28x128xi32, #tpu.memory_space<hbm>>
        tpu.wait_dma2 semaphore(%run_scoped3A : memref<!tpu.dma_semaphore, #tpu.memory_space<semaphore_mem>>) src(%dma_wait3A_107 : memref<28x128xi32, #tpu.memory_space<hbm>>) dst(%arg8 : memref<28x128xi32, #tpu.memory_space<vmem>>)
        tpu.yield
      }) : () -> ()
      %min3A = arith.constant 0 : i32
      %min3A_29 = arith.constant 27 : i32
      %min3A_30 = arith.minsi %min3A, %min3A_29 : i32
      %dma_start3A = arith.constant 0 : i32
      %dma_start3A_31 = tpu.memref_slice %arg7[%min3A_30, %dma_start3A] : memref<28x128xi32, #tpu.memory_space<vmem>> -> memref<1x128xi32, #tpu.memory_space<vmem>>
      %dma_start3A_32 = tpu.memref_squeeze %dma_start3A_31 : memref<1x128xi32, #tpu.memory_space<vmem>> -> memref<128xi32, #tpu.memory_space<vmem>>
      %dma_start3A_33 = arith.constant 0 : i32
      %dma_start3A_34 = arith.constant 0 : i32
      %dma_start3A_35 = tpu.memref_slice %arg4[%dma_start3A_33, %dma_start3A_34] : memref<51200x32xf32, #tpu.memory_space<hbm>> -> memref<51200x32xf32, #tpu.memory_space<hbm>>
      tpu.enqueue_indirect_dma source(%dma_start3A_35 : memref<51200x32xf32, #tpu.memory_space<hbm>>) target(%arg9 : memref<128x32xf32, #tpu.memory_space<vmem>>) offsets(%dma_start3A_32 : memref<128xi32, #tpu.memory_space<vmem>>) semaphore(%arg13 : memref<!tpu.dma_semaphore, #tpu.memory_space<semaphore_mem>>)
      %min3A_36 = arith.constant 1 : i32
      %min3A_37 = arith.constant 27 : i32
      %min3A_38 = arith.minsi %min3A_36, %min3A_37 : i32
      %dma_start3A_39 = arith.constant 0 : i32
      %dma_start3A_40 = tpu.memref_slice %arg7[%min3A_38, %dma_start3A_39] : memref<28x128xi32, #tpu.memory_space<vmem>> -> memref<1x128xi32, #tpu.memory_space<vmem>>
      %dma_start3A_41 = tpu.memref_squeeze %dma_start3A_40 : memref<1x128xi32, #tpu.memory_space<vmem>> -> memref<128xi32, #tpu.memory_space<vmem>>
      %dma_start3A_42 = arith.constant 0 : i32
      %dma_start3A_43 = arith.constant 0 : i32
      %dma_start3A_44 = tpu.memref_slice %arg4[%dma_start3A_42, %dma_start3A_43] : memref<51200x32xf32, #tpu.memory_space<hbm>> -> memref<51200x32xf32, #tpu.memory_space<hbm>>
      tpu.enqueue_indirect_dma source(%dma_start3A_44 : memref<51200x32xf32, #tpu.memory_space<hbm>>) target(%arg10 : memref<128x32xf32, #tpu.memory_space<vmem>>) offsets(%dma_start3A_41 : memref<128xi32, #tpu.memory_space<vmem>>) semaphore(%arg14 : memref<!tpu.dma_semaphore, #tpu.memory_space<semaphore_mem>>)
      %min3A_45 = arith.constant 2 : i32
      %min3A_46 = arith.constant 27 : i32
      %min3A_47 = arith.minsi %min3A_45, %min3A_46 : i32
      %dma_start3A_48 = arith.constant 0 : i32
      %dma_start3A_49 = tpu.memref_slice %arg7[%min3A_47, %dma_start3A_48] : memref<28x128xi32, #tpu.memory_space<vmem>> -> memref<1x128xi32, #tpu.memory_space<vmem>>
      %dma_start3A_50 = tpu.memref_squeeze %dma_start3A_49 : memref<1x128xi32, #tpu.memory_space<vmem>> -> memref<128xi32, #tpu.memory_space<vmem>>
      %dma_start3A_51 = arith.constant 0 : i32
      %dma_start3A_52 = arith.constant 0 : i32
      %dma_start3A_53 = tpu.memref_slice %arg4[%dma_start3A_51, %dma_start3A_52] : memref<51200x32xf32, #tpu.memory_space<hbm>> -> memref<51200x32xf32, #tpu.memory_space<hbm>>
      tpu.enqueue_indirect_dma source(%dma_start3A_53 : memref<51200x32xf32, #tpu.memory_space<hbm>>) target(%arg11 : memref<128x32xf32, #tpu.memory_space<vmem>>) offsets(%dma_start3A_50 : memref<128xi32, #tpu.memory_space<vmem>>) semaphore(%arg15 : memref<!tpu.dma_semaphore, #tpu.memory_space<semaphore_mem>>)
      %min3A_54 = arith.constant 3 : i32
      %min3A_55 = arith.constant 27 : i32
      %min3A_56 = arith.minsi %min3A_54, %min3A_55 : i32
      %dma_start3A_57 = arith.constant 0 : i32
      %dma_start3A_58 = tpu.memref_slice %arg7[%min3A_56, %dma_start3A_57] : memref<28x128xi32, #tpu.memory_space<vmem>> -> memref<1x128xi32, #tpu.memory_space<vmem>>
      %dma_start3A_59 = tpu.memref_squeeze %dma_start3A_58 : memref<1x128xi32, #tpu.memory_space<vmem>> -> memref<128xi32, #tpu.memory_space<vmem>>
      %dma_start3A_60 = arith.constant 0 : i32
      %dma_start3A_61 = arith.constant 0 : i32
      %dma_start3A_62 = tpu.memref_slice %arg4[%dma_start3A_60, %dma_start3A_61] : memref<51200x32xf32, #tpu.memory_space<hbm>> -> memref<51200x32xf32, #tpu.memory_space<hbm>>
      tpu.enqueue_indirect_dma source(%dma_start3A_62 : memref<51200x32xf32, #tpu.memory_space<hbm>>) target(%arg12 : memref<128x32xf32, #tpu.memory_space<vmem>>) offsets(%dma_start3A_59 : memref<128xi32, #tpu.memory_space<vmem>>) semaphore(%arg16 : memref<!tpu.dma_semaphore, #tpu.memory_space<semaphore_mem>>)
      %scan3A_63 = arith.constant 0 : i32
      %scan3A_64 = arith.constant 0 : i32
      %scan3A_65 = arith.constant 7 : i32
      %scan3A_66 = arith.addi %scan3A_64, %scan3A_65 : i32
      %scan3A_67 = arith.constant 1 : i32
      scf.for %scan3A_96 = %scan3A_64 to %scan3A_66 step %scan3A_67  : i32 {
        %mul3A_97 = arith.constant 4 : i32
        %mul3A_98 = arith.muli %mul3A_97, %scan3A_96 : i32
        %dma_wait3A_99 = arith.constant 0 : i32
        %dma_wait3A_100 = arith.constant 0 : i32
        %dma_wait3A_101 = tpu.memref_slice %arg7[%dma_wait3A_99, %dma_wait3A_100] : memref<28x128xi32, #tpu.memory_space<vmem>> -> memref<1x128xi32, #tpu.memory_space<vmem>>
        %dma_wait3A_102 = tpu.memref_squeeze %dma_wait3A_101 : memref<1x128xi32, #tpu.memory_space<vmem>> -> memref<128xi32, #tpu.memory_space<vmem>>
        %dma_wait3A_103 = arith.constant 0 : i32
        %dma_wait3A_104 = arith.constant 0 : i32
        %dma_wait3A_105 = tpu.memref_slice %arg4[%dma_wait3A_103, %dma_wait3A_104] : memref<51200x32xf32, #tpu.memory_space<hbm>> -> memref<51200x32xf32, #tpu.memory_space<hbm>>
        tpu.wait_indirect_dma semaphore(%arg13 : memref<!tpu.dma_semaphore, #tpu.memory_space<semaphore_mem>>) src(%dma_wait3A_105 : memref<51200x32xf32, #tpu.memory_space<hbm>>) dst(%arg9 : memref<128x32xf32, #tpu.memory_space<vmem>>)
        %add3A_106 = arith.constant 0 : i32
        %add3A_107 = arith.addi %mul3A_98, %add3A_106 : i32
        %dma_start3A_108 = arith.constant 0 : i32
        %dma_start3A_109 = tpu.memref_slice %arg8[%add3A_107, %dma_start3A_108] : memref<28x128xi32, #tpu.memory_space<vmem>> -> memref<1x128xi32, #tpu.memory_space<vmem>>
        %dma_start3A_110 = tpu.memref_squeeze %dma_start3A_109 : memref<1x128xi32, #tpu.memory_space<vmem>> -> memref<128xi32, #tpu.memory_space<vmem>>
        %dma_start3A_111 = arith.constant 0 : i32
        %dma_start3A_112 = arith.constant 0 : i32
        %dma_start3A_113 = tpu.memref_slice %arg6[%dma_start3A_111, %dma_start3A_112] : memref<51200x32xf32, #tpu.memory_space<vmem_shared>> -> memref<51200x32xf32, #tpu.memory_space<vmem_shared>>
        tpu.enqueue_indirect_dma source(%arg9 : memref<128x32xf32, #tpu.memory_space<vmem>>) target(%dma_start3A_113 : memref<51200x32xf32, #tpu.memory_space<vmem_shared>>) offsets(%dma_start3A_110 : memref<128xi32, #tpu.memory_space<vmem>>) semaphore(%arg17 : memref<!tpu.dma_semaphore, #tpu.memory_space<semaphore_mem>>) {add = true}
        %dma_wait3A_114 = arith.constant 0 : i32
        %dma_wait3A_115 = arith.constant 0 : i32
        %dma_wait3A_116 = tpu.memref_slice %arg7[%dma_wait3A_114, %dma_wait3A_115] : memref<28x128xi32, #tpu.memory_space<vmem>> -> memref<1x128xi32, #tpu.memory_space<vmem>>
        %dma_wait3A_117 = tpu.memref_squeeze %dma_wait3A_116 : memref<1x128xi32, #tpu.memory_space<vmem>> -> memref<128xi32, #tpu.memory_space<vmem>>
        %dma_wait3A_118 = arith.constant 0 : i32
        %dma_wait3A_119 = arith.constant 0 : i32
        %dma_wait3A_120 = tpu.memref_slice %arg4[%dma_wait3A_118, %dma_wait3A_119] : memref<51200x32xf32, #tpu.memory_space<hbm>> -> memref<51200x32xf32, #tpu.memory_space<hbm>>
        tpu.wait_indirect_dma semaphore(%arg14 : memref<!tpu.dma_semaphore, #tpu.memory_space<semaphore_mem>>) src(%dma_wait3A_120 : memref<51200x32xf32, #tpu.memory_space<hbm>>) dst(%arg10 : memref<128x32xf32, #tpu.memory_space<vmem>>)
        %add3A_121 = arith.constant 1 : i32
        %add3A_122 = arith.addi %mul3A_98, %add3A_121 : i32
        %dma_start3A_123 = arith.constant 0 : i32
        %dma_start3A_124 = tpu.memref_slice %arg8[%add3A_122, %dma_start3A_123] : memref<28x128xi32, #tpu.memory_space<vmem>> -> memref<1x128xi32, #tpu.memory_space<vmem>>
        %dma_start3A_125 = tpu.memref_squeeze %dma_start3A_124 : memref<1x128xi32, #tpu.memory_space<vmem>> -> memref<128xi32, #tpu.memory_space<vmem>>
        %dma_start3A_126 = arith.constant 0 : i32
        %dma_start3A_127 = arith.constant 0 : i32
        %dma_start3A_128 = tpu.memref_slice %arg6[%dma_start3A_126, %dma_start3A_127] : memref<51200x32xf32, #tpu.memory_space<vmem_shared>> -> memref<51200x32xf32, #tpu.memory_space<vmem_shared>>
        tpu.enqueue_indirect_dma source(%arg10 : memref<128x32xf32, #tpu.memory_space<vmem>>) target(%dma_start3A_128 : memref<51200x32xf32, #tpu.memory_space<vmem_shared>>) offsets(%dma_start3A_125 : memref<128xi32, #tpu.memory_space<vmem>>) semaphore(%arg18 : memref<!tpu.dma_semaphore, #tpu.memory_space<semaphore_mem>>) {add = true}
        %dma_wait3A_129 = arith.constant 0 : i32
        %dma_wait3A_130 = arith.constant 0 : i32
        %dma_wait3A_131 = tpu.memref_slice %arg7[%dma_wait3A_129, %dma_wait3A_130] : memref<28x128xi32, #tpu.memory_space<vmem>> -> memref<1x128xi32, #tpu.memory_space<vmem>>
        %dma_wait3A_132 = tpu.memref_squeeze %dma_wait3A_131 : memref<1x128xi32, #tpu.memory_space<vmem>> -> memref<128xi32, #tpu.memory_space<vmem>>
        %dma_wait3A_133 = arith.constant 0 : i32
        %dma_wait3A_134 = arith.constant 0 : i32
        %dma_wait3A_135 = tpu.memref_slice %arg4[%dma_wait3A_133, %dma_wait3A_134] : memref<51200x32xf32, #tpu.memory_space<hbm>> -> memref<51200x32xf32, #tpu.memory_space<hbm>>
        tpu.wait_indirect_dma semaphore(%arg15 : memref<!tpu.dma_semaphore, #tpu.memory_space<semaphore_mem>>) src(%dma_wait3A_135 : memref<51200x32xf32, #tpu.memory_space<hbm>>) dst(%arg11 : memref<128x32xf32, #tpu.memory_space<vmem>>)
        %add3A_136 = arith.constant 2 : i32
        %add3A_137 = arith.addi %mul3A_98, %add3A_136 : i32
        %dma_start3A_138 = arith.constant 0 : i32
        %dma_start3A_139 = tpu.memref_slice %arg8[%add3A_137, %dma_start3A_138] : memref<28x128xi32, #tpu.memory_space<vmem>> -> memref<1x128xi32, #tpu.memory_space<vmem>>
        %dma_start3A_140 = tpu.memref_squeeze %dma_start3A_139 : memref<1x128xi32, #tpu.memory_space<vmem>> -> memref<128xi32, #tpu.memory_space<vmem>>
        %dma_start3A_141 = arith.constant 0 : i32
        %dma_start3A_142 = arith.constant 0 : i32
        %dma_start3A_143 = tpu.memref_slice %arg6[%dma_start3A_141, %dma_start3A_142] : memref<51200x32xf32, #tpu.memory_space<vmem_shared>> -> memref<51200x32xf32, #tpu.memory_space<vmem_shared>>
        tpu.enqueue_indirect_dma source(%arg11 : memref<128x32xf32, #tpu.memory_space<vmem>>) target(%dma_start3A_143 : memref<51200x32xf32, #tpu.memory_space<vmem_shared>>) offsets(%dma_start3A_140 : memref<128xi32, #tpu.memory_space<vmem>>) semaphore(%arg19 : memref<!tpu.dma_semaphore, #tpu.memory_space<semaphore_mem>>) {add = true}
        %dma_wait3A_144 = arith.constant 0 : i32
        %dma_wait3A_145 = arith.constant 0 : i32
        %dma_wait3A_146 = tpu.memref_slice %arg7[%dma_wait3A_144, %dma_wait3A_145] : memref<28x128xi32, #tpu.memory_space<vmem>> -> memref<1x128xi32, #tpu.memory_space<vmem>>
        %dma_wait3A_147 = tpu.memref_squeeze %dma_wait3A_146 : memref<1x128xi32, #tpu.memory_space<vmem>> -> memref<128xi32, #tpu.memory_space<vmem>>
        %dma_wait3A_148 = arith.constant 0 : i32
        %dma_wait3A_149 = arith.constant 0 : i32
        %dma_wait3A_150 = tpu.memref_slice %arg4[%dma_wait3A_148, %dma_wait3A_149] : memref<51200x32xf32, #tpu.memory_space<hbm>> -> memref<51200x32xf32, #tpu.memory_space<hbm>>
        tpu.wait_indirect_dma semaphore(%arg16 : memref<!tpu.dma_semaphore, #tpu.memory_space<semaphore_mem>>) src(%dma_wait3A_150 : memref<51200x32xf32, #tpu.memory_space<hbm>>) dst(%arg12 : memref<128x32xf32, #tpu.memory_space<vmem>>)
        %add3A_151 = arith.constant 3 : i32
        %add3A_152 = arith.addi %mul3A_98, %add3A_151 : i32
        %dma_start3A_153 = arith.constant 0 : i32
        %dma_start3A_154 = tpu.memref_slice %arg8[%add3A_152, %dma_start3A_153] : memref<28x128xi32, #tpu.memory_space<vmem>> -> memref<1x128xi32, #tpu.memory_space<vmem>>
        %dma_start3A_155 = tpu.memref_squeeze %dma_start3A_154 : memref<1x128xi32, #tpu.memory_space<vmem>> -> memref<128xi32, #tpu.memory_space<vmem>>
        %dma_start3A_156 = arith.constant 0 : i32
        %dma_start3A_157 = arith.constant 0 : i32
        %dma_start3A_158 = tpu.memref_slice %arg6[%dma_start3A_156, %dma_start3A_157] : memref<51200x32xf32, #tpu.memory_space<vmem_shared>> -> memref<51200x32xf32, #tpu.memory_space<vmem_shared>>
        tpu.enqueue_indirect_dma source(%arg12 : memref<128x32xf32, #tpu.memory_space<vmem>>) target(%dma_start3A_158 : memref<51200x32xf32, #tpu.memory_space<vmem_shared>>) offsets(%dma_start3A_155 : memref<128xi32, #tpu.memory_space<vmem>>) semaphore(%arg20 : memref<!tpu.dma_semaphore, #tpu.memory_space<semaphore_mem>>) {add = true}
        %add3A_159 = arith.constant 0 : i32
        %add3A_160 = arith.addi %mul3A_98, %add3A_159 : i32
        %dma_wait3A_161 = arith.constant 0 : i32
        %dma_wait3A_162 = tpu.memref_slice %arg8[%add3A_160, %dma_wait3A_161] : memref<28x128xi32, #tpu.memory_space<vmem>> -> memref<1x128xi32, #tpu.memory_space<vmem>>
        %dma_wait3A_163 = tpu.memref_squeeze %dma_wait3A_162 : memref<1x128xi32, #tpu.memory_space<vmem>> -> memref<128xi32, #tpu.memory_space<vmem>>
        %dma_wait3A_164 = arith.constant 0 : i32
        %dma_wait3A_165 = arith.constant 0 : i32
        %dma_wait3A_166 = tpu.memref_slice %arg6[%dma_wait3A_164, %dma_wait3A_165] : memref<51200x32xf32, #tpu.memory_space<vmem_shared>> -> memref<51200x32xf32, #tpu.memory_space<vmem_shared>>
        tpu.wait_indirect_dma semaphore(%arg17 : memref<!tpu.dma_semaphore, #tpu.memory_space<semaphore_mem>>) src(%arg9 : memref<128x32xf32, #tpu.memory_space<vmem>>) dst(%dma_wait3A_166 : memref<51200x32xf32, #tpu.memory_space<vmem_shared>>)
        %add3A_167 = arith.constant 0 : i32
        %add3A_168 = arith.addi %mul3A_98, %add3A_167 : i32
        %add3A_169 = arith.constant 4 : i32
        %add3A_170 = arith.addi %add3A_168, %add3A_169 : i32
        %min3A_171 = arith.constant 27 : i32
        %min3A_172 = arith.minsi %add3A_170, %min3A_171 : i32
        %dma_start3A_173 = arith.constant 0 : i32
        %dma_start3A_174 = tpu.memref_slice %arg7[%min3A_172, %dma_start3A_173] : memref<28x128xi32, #tpu.memory_space<vmem>> -> memref<1x128xi32, #tpu.memory_space<vmem>>
        %dma_start3A_175 = tpu.memref_squeeze %dma_start3A_174 : memref<1x128xi32, #tpu.memory_space<vmem>> -> memref<128xi32, #tpu.memory_space<vmem>>
        %dma_start3A_176 = arith.constant 0 : i32
        %dma_start3A_177 = arith.constant 0 : i32
        %dma_start3A_178 = tpu.memref_slice %arg4[%dma_start3A_176, %dma_start3A_177] : memref<51200x32xf32, #tpu.memory_space<hbm>> -> memref<51200x32xf32, #tpu.memory_space<hbm>>
        tpu.enqueue_indirect_dma source(%dma_start3A_178 : memref<51200x32xf32, #tpu.memory_space<hbm>>) target(%arg9 : memref<128x32xf32, #tpu.memory_space<vmem>>) offsets(%dma_start3A_175 : memref<128xi32, #tpu.memory_space<vmem>>) semaphore(%arg13 : memref<!tpu.dma_semaphore, #tpu.memory_space<semaphore_mem>>)
        %add3A_179 = arith.constant 1 : i32
        %add3A_180 = arith.addi %mul3A_98, %add3A_179 : i32
        %dma_wait3A_181 = arith.constant 0 : i32
        %dma_wait3A_182 = tpu.memref_slice %arg8[%add3A_180, %dma_wait3A_181] : memref<28x128xi32, #tpu.memory_space<vmem>> -> memref<1x128xi32, #tpu.memory_space<vmem>>
        %dma_wait3A_183 = tpu.memref_squeeze %dma_wait3A_182 : memref<1x128xi32, #tpu.memory_space<vmem>> -> memref<128xi32, #tpu.memory_space<vmem>>
        %dma_wait3A_184 = arith.constant 0 : i32
        %dma_wait3A_185 = arith.constant 0 : i32
        %dma_wait3A_186 = tpu.memref_slice %arg6[%dma_wait3A_184, %dma_wait3A_185] : memref<51200x32xf32, #tpu.memory_space<vmem_shared>> -> memref<51200x32xf32, #tpu.memory_space<vmem_shared>>
        tpu.wait_indirect_dma semaphore(%arg18 : memref<!tpu.dma_semaphore, #tpu.memory_space<semaphore_mem>>) src(%arg10 : memref<128x32xf32, #tpu.memory_space<vmem>>) dst(%dma_wait3A_186 : memref<51200x32xf32, #tpu.memory_space<vmem_shared>>)
        %add3A_187 = arith.constant 1 : i32
        %add3A_188 = arith.addi %mul3A_98, %add3A_187 : i32
        %add3A_189 = arith.constant 4 : i32
        %add3A_190 = arith.addi %add3A_188, %add3A_189 : i32
        %min3A_191 = arith.constant 27 : i32
        %min3A_192 = arith.minsi %add3A_190, %min3A_191 : i32
        %dma_start3A_193 = arith.constant 0 : i32
        %dma_start3A_194 = tpu.memref_slice %arg7[%min3A_192, %dma_start3A_193] : memref<28x128xi32, #tpu.memory_space<vmem>> -> memref<1x128xi32, #tpu.memory_space<vmem>>
        %dma_start3A_195 = tpu.memref_squeeze %dma_start3A_194 : memref<1x128xi32, #tpu.memory_space<vmem>> -> memref<128xi32, #tpu.memory_space<vmem>>
        %dma_start3A_196 = arith.constant 0 : i32
        %dma_start3A_197 = arith.constant 0 : i32
        %dma_start3A_198 = tpu.memref_slice %arg4[%dma_start3A_196, %dma_start3A_197] : memref<51200x32xf32, #tpu.memory_space<hbm>> -> memref<51200x32xf32, #tpu.memory_space<hbm>>
        tpu.enqueue_indirect_dma source(%dma_start3A_198 : memref<51200x32xf32, #tpu.memory_space<hbm>>) target(%arg10 : memref<128x32xf32, #tpu.memory_space<vmem>>) offsets(%dma_start3A_195 : memref<128xi32, #tpu.memory_space<vmem>>) semaphore(%arg14 : memref<!tpu.dma_semaphore, #tpu.memory_space<semaphore_mem>>)
        %add3A_199 = arith.constant 2 : i32
        %add3A_200 = arith.addi %mul3A_98, %add3A_199 : i32
        %dma_wait3A_201 = arith.constant 0 : i32
        %dma_wait3A_202 = tpu.memref_slice %arg8[%add3A_200, %dma_wait3A_201] : memref<28x128xi32, #tpu.memory_space<vmem>> -> memref<1x128xi32, #tpu.memory_space<vmem>>
        %dma_wait3A_203 = tpu.memref_squeeze %dma_wait3A_202 : memref<1x128xi32, #tpu.memory_space<vmem>> -> memref<128xi32, #tpu.memory_space<vmem>>
        %dma_wait3A_204 = arith.constant 0 : i32
        %dma_wait3A_205 = arith.constant 0 : i32
        %dma_wait3A_206 = tpu.memref_slice %arg6[%dma_wait3A_204, %dma_wait3A_205] : memref<51200x32xf32, #tpu.memory_space<vmem_shared>> -> memref<51200x32xf32, #tpu.memory_space<vmem_shared>>
        tpu.wait_indirect_dma semaphore(%arg19 : memref<!tpu.dma_semaphore, #tpu.memory_space<semaphore_mem>>) src(%arg11 : memref<128x32xf32, #tpu.memory_space<vmem>>) dst(%dma_wait3A_206 : memref<51200x32xf32, #tpu.memory_space<vmem_shared>>)
        %add3A_207 = arith.constant 2 : i32
        %add3A_208 = arith.addi %mul3A_98, %add3A_207 : i32
        %add3A_209 = arith.constant 4 : i32
        %add3A_210 = arith.addi %add3A_208, %add3A_209 : i32
        %min3A_211 = arith.constant 27 : i32
        %min3A_212 = arith.minsi %add3A_210, %min3A_211 : i32
        %dma_start3A_213 = arith.constant 0 : i32
        %dma_start3A_214 = tpu.memref_slice %arg7[%min3A_212, %dma_start3A_213] : memref<28x128xi32, #tpu.memory_space<vmem>> -> memref<1x128xi32, #tpu.memory_space<vmem>>
        %dma_start3A_215 = tpu.memref_squeeze %dma_start3A_214 : memref<1x128xi32, #tpu.memory_space<vmem>> -> memref<128xi32, #tpu.memory_space<vmem>>
        %dma_start3A_216 = arith.constant 0 : i32
        %dma_start3A_217 = arith.constant 0 : i32
        %dma_start3A_218 = tpu.memref_slice %arg4[%dma_start3A_216, %dma_start3A_217] : memref<51200x32xf32, #tpu.memory_space<hbm>> -> memref<51200x32xf32, #tpu.memory_space<hbm>>
        tpu.enqueue_indirect_dma source(%dma_start3A_218 : memref<51200x32xf32, #tpu.memory_space<hbm>>) target(%arg11 : memref<128x32xf32, #tpu.memory_space<vmem>>) offsets(%dma_start3A_215 : memref<128xi32, #tpu.memory_space<vmem>>) semaphore(%arg15 : memref<!tpu.dma_semaphore, #tpu.memory_space<semaphore_mem>>)
        %add3A_219 = arith.constant 3 : i32
        %add3A_220 = arith.addi %mul3A_98, %add3A_219 : i32
        %dma_wait3A_221 = arith.constant 0 : i32
        %dma_wait3A_222 = tpu.memref_slice %arg8[%add3A_220, %dma_wait3A_221] : memref<28x128xi32, #tpu.memory_space<vmem>> -> memref<1x128xi32, #tpu.memory_space<vmem>>
        %dma_wait3A_223 = tpu.memref_squeeze %dma_wait3A_222 : memref<1x128xi32, #tpu.memory_space<vmem>> -> memref<128xi32, #tpu.memory_space<vmem>>
        %dma_wait3A_224 = arith.constant 0 : i32
        %dma_wait3A_225 = arith.constant 0 : i32
        %dma_wait3A_226 = tpu.memref_slice %arg6[%dma_wait3A_224, %dma_wait3A_225] : memref<51200x32xf32, #tpu.memory_space<vmem_shared>> -> memref<51200x32xf32, #tpu.memory_space<vmem_shared>>
        tpu.wait_indirect_dma semaphore(%arg20 : memref<!tpu.dma_semaphore, #tpu.memory_space<semaphore_mem>>) src(%arg12 : memref<128x32xf32, #tpu.memory_space<vmem>>) dst(%dma_wait3A_226 : memref<51200x32xf32, #tpu.memory_space<vmem_shared>>)
        %add3A_227 = arith.constant 3 : i32
        %add3A_228 = arith.addi %mul3A_98, %add3A_227 : i32
        %add3A_229 = arith.constant 4 : i32
        %add3A_230 = arith.addi %add3A_228, %add3A_229 : i32
        %min3A_231 = arith.constant 27 : i32
        %min3A_232 = arith.minsi %add3A_230, %min3A_231 : i32
        %dma_start3A_233 = arith.constant 0 : i32
        %dma_start3A_234 = tpu.memref_slice %arg7[%min3A_232, %dma_start3A_233] : memref<28x128xi32, #tpu.memory_space<vmem>> -> memref<1x128xi32, #tpu.memory_space<vmem>>
        %dma_start3A_235 = tpu.memref_squeeze %dma_start3A_234 : memref<1x128xi32, #tpu.memory_space<vmem>> -> memref<128xi32, #tpu.memory_space<vmem>>
        %dma_start3A_236 = arith.constant 0 : i32
        %dma_start3A_237 = arith.constant 0 : i32
        %dma_start3A_238 = tpu.memref_slice %arg4[%dma_start3A_236, %dma_start3A_237] : memref<51200x32xf32, #tpu.memory_space<hbm>> -> memref<51200x32xf32, #tpu.memory_space<hbm>>
        tpu.enqueue_indirect_dma source(%dma_start3A_238 : memref<51200x32xf32, #tpu.memory_space<hbm>>) target(%arg12 : memref<128x32xf32, #tpu.memory_space<vmem>>) offsets(%dma_start3A_235 : memref<128xi32, #tpu.memory_space<vmem>>) semaphore(%arg16 : memref<!tpu.dma_semaphore, #tpu.memory_space<semaphore_mem>>)
      }
      %scan3A_68 = arith.constant 7 : i32
      %dma_wait3A = arith.constant 0 : i32
      %dma_wait3A_69 = arith.constant 0 : i32
      %dma_wait3A_70 = tpu.memref_slice %arg7[%dma_wait3A, %dma_wait3A_69] : memref<28x128xi32, #tpu.memory_space<vmem>> -> memref<1x128xi32, #tpu.memory_space<vmem>>
      %dma_wait3A_71 = tpu.memref_squeeze %dma_wait3A_70 : memref<1x128xi32, #tpu.memory_space<vmem>> -> memref<128xi32, #tpu.memory_space<vmem>>
      %dma_wait3A_72 = arith.constant 0 : i32
      %dma_wait3A_73 = arith.constant 0 : i32
      %dma_wait3A_74 = tpu.memref_slice %arg4[%dma_wait3A_72, %dma_wait3A_73] : memref<51200x32xf32, #tpu.memory_space<hbm>> -> memref<51200x32xf32, #tpu.memory_space<hbm>>
      tpu.wait_indirect_dma semaphore(%arg13 : memref<!tpu.dma_semaphore, #tpu.memory_space<semaphore_mem>>) src(%dma_wait3A_74 : memref<51200x32xf32, #tpu.memory_space<hbm>>) dst(%arg9 : memref<128x32xf32, #tpu.memory_space<vmem>>)
      %dma_wait3A_75 = arith.constant 0 : i32
      %dma_wait3A_76 = arith.constant 0 : i32
      %dma_wait3A_77 = tpu.memref_slice %arg7[%dma_wait3A_75, %dma_wait3A_76] : memref<28x128xi32, #tpu.memory_space<vmem>> -> memref<1x128xi32, #tpu.memory_space<vmem>>
      %dma_wait3A_78 = tpu.memref_squeeze %dma_wait3A_77 : memref<1x128xi32, #tpu.memory_space<vmem>> -> memref<128xi32, #tpu.memory_space<vmem>>
      %dma_wait3A_79 = arith.constant 0 : i32
      %dma_wait3A_80 = arith.constant 0 : i32
      %dma_wait3A_81 = tpu.memref_slice %arg4[%dma_wait3A_79, %dma_wait3A_80] : memref<51200x32xf32, #tpu.memory_space<hbm>> -> memref<51200x32xf32, #tpu.memory_space<hbm>>
      tpu.wait_indirect_dma semaphore(%arg14 : memref<!tpu.dma_semaphore, #tpu.memory_space<semaphore_mem>>) src(%dma_wait3A_81 : memref<51200x32xf32, #tpu.memory_space<hbm>>) dst(%arg10 : memref<128x32xf32, #tpu.memory_space<vmem>>)
      %dma_wait3A_82 = arith.constant 0 : i32
      %dma_wait3A_83 = arith.constant 0 : i32
      %dma_wait3A_84 = tpu.memref_slice %arg7[%dma_wait3A_82, %dma_wait3A_83] : memref<28x128xi32, #tpu.memory_space<vmem>> -> memref<1x128xi32, #tpu.memory_space<vmem>>
      %dma_wait3A_85 = tpu.memref_squeeze %dma_wait3A_84 : memref<1x128xi32, #tpu.memory_space<vmem>> -> memref<128xi32, #tpu.memory_space<vmem>>
      %dma_wait3A_86 = arith.constant 0 : i32
      %dma_wait3A_87 = arith.constant 0 : i32
      %dma_wait3A_88 = tpu.memref_slice %arg4[%dma_wait3A_86, %dma_wait3A_87] : memref<51200x32xf32, #tpu.memory_space<hbm>> -> memref<51200x32xf32, #tpu.memory_space<hbm>>
      tpu.wait_indirect_dma semaphore(%arg15 : memref<!tpu.dma_semaphore, #tpu.memory_space<semaphore_mem>>) src(%dma_wait3A_88 : memref<51200x32xf32, #tpu.memory_space<hbm>>) dst(%arg11 : memref<128x32xf32, #tpu.memory_space<vmem>>)
      %dma_wait3A_89 = arith.constant 0 : i32
      %dma_wait3A_90 = arith.constant 0 : i32
      %dma_wait3A_91 = tpu.memref_slice %arg7[%dma_wait3A_89, %dma_wait3A_90] : memref<28x128xi32, #tpu.memory_space<vmem>> -> memref<1x128xi32, #tpu.memory_space<vmem>>
      %dma_wait3A_92 = tpu.memref_squeeze %dma_wait3A_91 : memref<1x128xi32, #tpu.memory_space<vmem>> -> memref<128xi32, #tpu.memory_space<vmem>>
      %dma_wait3A_93 = arith.constant 0 : i32
      %dma_wait3A_94 = arith.constant 0 : i32
      %dma_wait3A_95 = tpu.memref_slice %arg4[%dma_wait3A_93, %dma_wait3A_94] : memref<51200x32xf32, #tpu.memory_space<hbm>> -> memref<51200x32xf32, #tpu.memory_space<hbm>>
      tpu.wait_indirect_dma semaphore(%arg16 : memref<!tpu.dma_semaphore, #tpu.memory_space<semaphore_mem>>) src(%dma_wait3A_95 : memref<51200x32xf32, #tpu.memory_space<hbm>>) dst(%arg12 : memref<128x32xf32, #tpu.memory_space<vmem>>)
    }
    %scan3A_18 = arith.constant 7 : i32
    %barrier3A_19 = arith.constant 0 : index
    tpu.barrier barrier_id(%barrier3A_19)
    %mul3A_20 = arith.constant 3200 : i32
    %mul3A_21 = arith.muli %arg1, %mul3A_20 : i32
    %mul3A_22 = arith.constant 3200 : i32
    %mul3A_23 = arith.muli %arg1, %mul3A_22 : i32
    "tpu.region"() ({
      %run_scoped3A = tpu.sem_alloc : memref<!tpu.dma_semaphore, #tpu.memory_space<semaphore_mem>>
      %dma_start3A = arith.constant 0 : i32
      %dma_start3A_24 = tpu.memref_slice %arg5[%arg0, %mul3A_23, %dma_start3A] : memref<2x51200x32xf32, #tpu.memory_space<hbm>> -> memref<1x3200x32xf32, #tpu.memory_space<hbm>>
      %dma_start3A_25 = tpu.memref_squeeze %dma_start3A_24 : memref<1x3200x32xf32, #tpu.memory_space<hbm>> -> memref<3200x32xf32, #tpu.memory_space<hbm>>
      %dma_start3A_26 = arith.constant 0 : i32
      %dma_start3A_27 = tpu.memref_slice %arg6[%mul3A_21, %dma_start3A_26] : memref<51200x32xf32, #tpu.memory_space<vmem_shared>> -> memref<3200x32xf32, #tpu.memory_space<vmem_shared>>
      tpu.enqueue_dma source(%dma_start3A_27 : memref<3200x32xf32, #tpu.memory_space<vmem_shared>>) target(%dma_start3A_25 : memref<3200x32xf32, #tpu.memory_space<hbm>>) target_semaphore(%run_scoped3A : memref<!tpu.dma_semaphore, #tpu.memory_space<semaphore_mem>>)
      %dma_wait3A = arith.constant 0 : i32
      %dma_wait3A_28 = tpu.memref_slice %arg5[%arg0, %mul3A_23, %dma_wait3A] : memref<2x51200x32xf32, #tpu.memory_space<hbm>> -> memref<1x3200x32xf32, #tpu.memory_space<hbm>>
      %dma_wait3A_29 = tpu.memref_squeeze %dma_wait3A_28 : memref<1x3200x32xf32, #tpu.memory_space<hbm>> -> memref<3200x32xf32, #tpu.memory_space<hbm>>
      %dma_wait3A_30 = arith.constant 0 : i32
      %dma_wait3A_31 = tpu.memref_slice %arg6[%mul3A_21, %dma_wait3A_30] : memref<51200x32xf32, #tpu.memory_space<vmem_shared>> -> memref<3200x32xf32, #tpu.memory_space<vmem_shared>>
      tpu.wait_dma2 semaphore(%run_scoped3A : memref<!tpu.dma_semaphore, #tpu.memory_space<semaphore_mem>>) src(%dma_wait3A_31 : memref<3200x32xf32, #tpu.memory_space<vmem_shared>>) dst(%dma_wait3A_29 : memref<3200x32xf32, #tpu.memory_space<hbm>>)
      tpu.yield
    }) : () -> ()
    return
  }
}

#map = affine_map<(d0, d1) -> (0, 0, 0)>
#map1 = affine_map<(d0, d1) -> (0, 0)>
module attributes {stable_mosaic.version = 14 : i64} {
  func.func @_dec_body(%arg0: i32, %arg1: i32, %arg2: memref<32x196x128xi32, #tpu.memory_space<hbm>>, %arg3: memref<32x196x128xi32, #tpu.memory_space<hbm>>, %arg4: memref<51200x128xbf16, #tpu.memory_space<hbm>>, %arg5: memref<32x196x128xf32, #tpu.memory_space<hbm>>, %arg6: memref<196x128xi32, #tpu.memory_space<vmem>>, %arg7: memref<196x128xi32, #tpu.memory_space<vmem>>, %arg8: memref<128x128xbf16, #tpu.memory_space<vmem>>, %arg9: memref<128x128xbf16, #tpu.memory_space<vmem>>, %arg10: memref<128x128xbf16, #tpu.memory_space<vmem>>, %arg11: memref<128x128xbf16, #tpu.memory_space<vmem>>, %arg12: memref<128xf32, #tpu.memory_space<vmem>>, %arg13: memref<16x16xf32, #tpu.memory_space<vmem>>, %arg14: memref<!tpu.dma_semaphore, #tpu.memory_space<semaphore_mem>>, %arg15: memref<!tpu.dma_semaphore, #tpu.memory_space<semaphore_mem>>, %arg16: memref<!tpu.dma_semaphore, #tpu.memory_space<semaphore_mem>>, %arg17: memref<!tpu.dma_semaphore, #tpu.memory_space<semaphore_mem>>) attributes {dimension_semantics = [#tpu.dimension_semantics<core_parallel>, #tpu.dimension_semantics<subcore_parallel>], iteration_bounds = array<i64: 2, 16>, scalar_prefetch = 0 : i64, scratch_operands = 12 : i64, tpu.core_type = #tpu.core_type<sc_vector_subcore>, window_params = [{transform_indices = #map}, {transform_indices = #map}, {transform_indices = #map1}, {transform_indices = #map}]} {
    %mul3A = arith.constant 16 : i32
    %mul3A_0 = arith.muli %arg0, %mul3A : i32
    %add3A = arith.addi %mul3A_0, %arg1 : i32
    %iota3A = tpu.iota {dimensions = array<i32: 0>} : vector<16xi32>
    "tpu.region"() ({
      %run_scoped3A = tpu.sem_alloc : memref<!tpu.dma_semaphore, #tpu.memory_space<semaphore_mem>>
      %dma_start3A_32 = arith.constant 0 : i32
      %dma_start3A_33 = arith.constant 0 : i32
      %dma_start3A_34 = tpu.memref_slice %arg2[%add3A, %dma_start3A_32, %dma_start3A_33] : memref<32x196x128xi32, #tpu.memory_space<hbm>> -> memref<1x196x128xi32, #tpu.memory_space<hbm>>
      %dma_start3A_35 = tpu.memref_squeeze %dma_start3A_34 : memref<1x196x128xi32, #tpu.memory_space<hbm>> -> memref<196x128xi32, #tpu.memory_space<hbm>>
      %dma_start3A_36 = arith.constant 0 : i32
      %dma_start3A_37 = arith.constant 0 : i32
      %dma_start3A_38 = tpu.memref_slice %arg2[%add3A, %dma_start3A_36, %dma_start3A_37] : memref<32x196x128xi32, #tpu.memory_space<hbm>> -> memref<1x196x128xi32, #tpu.memory_space<hbm>>
      %dma_start3A_39 = tpu.memref_squeeze %dma_start3A_38 : memref<1x196x128xi32, #tpu.memory_space<hbm>> -> memref<196x128xi32, #tpu.memory_space<hbm>>
      tpu.enqueue_dma source(%dma_start3A_39 : memref<196x128xi32, #tpu.memory_space<hbm>>) target(%arg6 : memref<196x128xi32, #tpu.memory_space<vmem>>) target_semaphore(%run_scoped3A : memref<!tpu.dma_semaphore, #tpu.memory_space<semaphore_mem>>)
      %dma_wait3A_40 = arith.constant 0 : i32
      %dma_wait3A_41 = arith.constant 0 : i32
      %dma_wait3A_42 = tpu.memref_slice %arg2[%add3A, %dma_wait3A_40, %dma_wait3A_41] : memref<32x196x128xi32, #tpu.memory_space<hbm>> -> memref<1x196x128xi32, #tpu.memory_space<hbm>>
      %dma_wait3A_43 = tpu.memref_squeeze %dma_wait3A_42 : memref<1x196x128xi32, #tpu.memory_space<hbm>> -> memref<196x128xi32, #tpu.memory_space<hbm>>
      %dma_wait3A_44 = arith.constant 0 : i32
      %dma_wait3A_45 = arith.constant 0 : i32
      %dma_wait3A_46 = tpu.memref_slice %arg2[%add3A, %dma_wait3A_44, %dma_wait3A_45] : memref<32x196x128xi32, #tpu.memory_space<hbm>> -> memref<1x196x128xi32, #tpu.memory_space<hbm>>
      %dma_wait3A_47 = tpu.memref_squeeze %dma_wait3A_46 : memref<1x196x128xi32, #tpu.memory_space<hbm>> -> memref<196x128xi32, #tpu.memory_space<hbm>>
      tpu.wait_dma2 semaphore(%run_scoped3A : memref<!tpu.dma_semaphore, #tpu.memory_space<semaphore_mem>>) src(%dma_wait3A_47 : memref<196x128xi32, #tpu.memory_space<hbm>>) dst(%arg6 : memref<196x128xi32, #tpu.memory_space<vmem>>)
      tpu.yield
    }) : () -> ()
    "tpu.region"() ({
      %run_scoped3A = tpu.sem_alloc : memref<!tpu.dma_semaphore, #tpu.memory_space<semaphore_mem>>
      %dma_start3A_32 = arith.constant 0 : i32
      %dma_start3A_33 = arith.constant 0 : i32
      %dma_start3A_34 = tpu.memref_slice %arg3[%add3A, %dma_start3A_32, %dma_start3A_33] : memref<32x196x128xi32, #tpu.memory_space<hbm>> -> memref<1x196x128xi32, #tpu.memory_space<hbm>>
      %dma_start3A_35 = tpu.memref_squeeze %dma_start3A_34 : memref<1x196x128xi32, #tpu.memory_space<hbm>> -> memref<196x128xi32, #tpu.memory_space<hbm>>
      %dma_start3A_36 = arith.constant 0 : i32
      %dma_start3A_37 = arith.constant 0 : i32
      %dma_start3A_38 = tpu.memref_slice %arg3[%add3A, %dma_start3A_36, %dma_start3A_37] : memref<32x196x128xi32, #tpu.memory_space<hbm>> -> memref<1x196x128xi32, #tpu.memory_space<hbm>>
      %dma_start3A_39 = tpu.memref_squeeze %dma_start3A_38 : memref<1x196x128xi32, #tpu.memory_space<hbm>> -> memref<196x128xi32, #tpu.memory_space<hbm>>
      tpu.enqueue_dma source(%dma_start3A_39 : memref<196x128xi32, #tpu.memory_space<hbm>>) target(%arg7 : memref<196x128xi32, #tpu.memory_space<vmem>>) target_semaphore(%run_scoped3A : memref<!tpu.dma_semaphore, #tpu.memory_space<semaphore_mem>>)
      %dma_wait3A_40 = arith.constant 0 : i32
      %dma_wait3A_41 = arith.constant 0 : i32
      %dma_wait3A_42 = tpu.memref_slice %arg3[%add3A, %dma_wait3A_40, %dma_wait3A_41] : memref<32x196x128xi32, #tpu.memory_space<hbm>> -> memref<1x196x128xi32, #tpu.memory_space<hbm>>
      %dma_wait3A_43 = tpu.memref_squeeze %dma_wait3A_42 : memref<1x196x128xi32, #tpu.memory_space<hbm>> -> memref<196x128xi32, #tpu.memory_space<hbm>>
      %dma_wait3A_44 = arith.constant 0 : i32
      %dma_wait3A_45 = arith.constant 0 : i32
      %dma_wait3A_46 = tpu.memref_slice %arg3[%add3A, %dma_wait3A_44, %dma_wait3A_45] : memref<32x196x128xi32, #tpu.memory_space<hbm>> -> memref<1x196x128xi32, #tpu.memory_space<hbm>>
      %dma_wait3A_47 = tpu.memref_squeeze %dma_wait3A_46 : memref<1x196x128xi32, #tpu.memory_space<hbm>> -> memref<196x128xi32, #tpu.memory_space<hbm>>
      tpu.wait_dma2 semaphore(%run_scoped3A : memref<!tpu.dma_semaphore, #tpu.memory_space<semaphore_mem>>) src(%dma_wait3A_47 : memref<196x128xi32, #tpu.memory_space<hbm>>) dst(%arg7 : memref<196x128xi32, #tpu.memory_space<vmem>>)
      tpu.yield
    }) : () -> ()
    %min3A = arith.constant 0 : i32
    %min3A_1 = arith.constant 195 : i32
    %min3A_2 = arith.minsi %min3A, %min3A_1 : i32
    %dma_start3A = arith.constant 0 : i32
    %dma_start3A_3 = tpu.memref_slice %arg6[%min3A_2, %dma_start3A] : memref<196x128xi32, #tpu.memory_space<vmem>> -> memref<1x128xi32, #tpu.memory_space<vmem>>
    %dma_start3A_4 = tpu.memref_squeeze %dma_start3A_3 : memref<1x128xi32, #tpu.memory_space<vmem>> -> memref<128xi32, #tpu.memory_space<vmem>>
    %dma_start3A_5 = arith.constant 0 : i32
    %dma_start3A_6 = arith.constant 0 : i32
    %dma_start3A_7 = tpu.memref_slice %arg4[%dma_start3A_5, %dma_start3A_6] : memref<51200x128xbf16, #tpu.memory_space<hbm>> -> memref<51200x128xbf16, #tpu.memory_space<hbm>>
    tpu.enqueue_indirect_dma source(%dma_start3A_7 : memref<51200x128xbf16, #tpu.memory_space<hbm>>) target(%arg8 : memref<128x128xbf16, #tpu.memory_space<vmem>>) offsets(%dma_start3A_4 : memref<128xi32, #tpu.memory_space<vmem>>) semaphore(%arg14 : memref<!tpu.dma_semaphore, #tpu.memory_space<semaphore_mem>>)
    %dma_start3A_8 = arith.constant 0 : i32
    %dma_start3A_9 = tpu.memref_slice %arg7[%min3A_2, %dma_start3A_8] : memref<196x128xi32, #tpu.memory_space<vmem>> -> memref<1x128xi32, #tpu.memory_space<vmem>>
    %dma_start3A_10 = tpu.memref_squeeze %dma_start3A_9 : memref<1x128xi32, #tpu.memory_space<vmem>> -> memref<128xi32, #tpu.memory_space<vmem>>
    %dma_start3A_11 = arith.constant 0 : i32
    %dma_start3A_12 = arith.constant 0 : i32
    %dma_start3A_13 = tpu.memref_slice %arg4[%dma_start3A_11, %dma_start3A_12] : memref<51200x128xbf16, #tpu.memory_space<hbm>> -> memref<51200x128xbf16, #tpu.memory_space<hbm>>
    tpu.enqueue_indirect_dma source(%dma_start3A_13 : memref<51200x128xbf16, #tpu.memory_space<hbm>>) target(%arg9 : memref<128x128xbf16, #tpu.memory_space<vmem>>) offsets(%dma_start3A_10 : memref<128xi32, #tpu.memory_space<vmem>>) semaphore(%arg15 : memref<!tpu.dma_semaphore, #tpu.memory_space<semaphore_mem>>)
    %scan3A = arith.constant 0 : i32
    %scan3A_14 = arith.constant 0 : i32
    %scan3A_15 = arith.constant 98 : i32
    %scan3A_16 = arith.addi %scan3A_14, %scan3A_15 : i32
    %scan3A_17 = arith.constant 1 : i32
    scf.for %scan3A_32 = %scan3A_14 to %scan3A_16 step %scan3A_17  : i32 {
      %mul3A_33 = arith.constant 2 : i32
      %mul3A_34 = arith.muli %mul3A_33, %scan3A_32 : i32
      %add3A_35 = arith.constant 1 : i32
      %add3A_36 = arith.addi %mul3A_34, %add3A_35 : i32
      %min3A_37 = arith.constant 195 : i32
      %min3A_38 = arith.minsi %add3A_36, %min3A_37 : i32
      %dma_start3A_39 = arith.constant 0 : i32
      %dma_start3A_40 = tpu.memref_slice %arg6[%min3A_38, %dma_start3A_39] : memref<196x128xi32, #tpu.memory_space<vmem>> -> memref<1x128xi32, #tpu.memory_space<vmem>>
      %dma_start3A_41 = tpu.memref_squeeze %dma_start3A_40 : memref<1x128xi32, #tpu.memory_space<vmem>> -> memref<128xi32, #tpu.memory_space<vmem>>
      %dma_start3A_42 = arith.constant 0 : i32
      %dma_start3A_43 = arith.constant 0 : i32
      %dma_start3A_44 = tpu.memref_slice %arg4[%dma_start3A_42, %dma_start3A_43] : memref<51200x128xbf16, #tpu.memory_space<hbm>> -> memref<51200x128xbf16, #tpu.memory_space<hbm>>
      tpu.enqueue_indirect_dma source(%dma_start3A_44 : memref<51200x128xbf16, #tpu.memory_space<hbm>>) target(%arg10 : memref<128x128xbf16, #tpu.memory_space<vmem>>) offsets(%dma_start3A_41 : memref<128xi32, #tpu.memory_space<vmem>>) semaphore(%arg16 : memref<!tpu.dma_semaphore, #tpu.memory_space<semaphore_mem>>)
      %dma_start3A_45 = arith.constant 0 : i32
      %dma_start3A_46 = tpu.memref_slice %arg7[%min3A_38, %dma_start3A_45] : memref<196x128xi32, #tpu.memory_space<vmem>> -> memref<1x128xi32, #tpu.memory_space<vmem>>
      %dma_start3A_47 = tpu.memref_squeeze %dma_start3A_46 : memref<1x128xi32, #tpu.memory_space<vmem>> -> memref<128xi32, #tpu.memory_space<vmem>>
      %dma_start3A_48 = arith.constant 0 : i32
      %dma_start3A_49 = arith.constant 0 : i32
      %dma_start3A_50 = tpu.memref_slice %arg4[%dma_start3A_48, %dma_start3A_49] : memref<51200x128xbf16, #tpu.memory_space<hbm>> -> memref<51200x128xbf16, #tpu.memory_space<hbm>>
      tpu.enqueue_indirect_dma source(%dma_start3A_50 : memref<51200x128xbf16, #tpu.memory_space<hbm>>) target(%arg11 : memref<128x128xbf16, #tpu.memory_space<vmem>>) offsets(%dma_start3A_47 : memref<128xi32, #tpu.memory_space<vmem>>) semaphore(%arg17 : memref<!tpu.dma_semaphore, #tpu.memory_space<semaphore_mem>>)
      %dma_wait3A_51 = arith.constant 0 : i32
      %dma_wait3A_52 = arith.constant 0 : i32
      %dma_wait3A_53 = tpu.memref_slice %arg6[%dma_wait3A_51, %dma_wait3A_52] : memref<196x128xi32, #tpu.memory_space<vmem>> -> memref<1x128xi32, #tpu.memory_space<vmem>>
      %dma_wait3A_54 = tpu.memref_squeeze %dma_wait3A_53 : memref<1x128xi32, #tpu.memory_space<vmem>> -> memref<128xi32, #tpu.memory_space<vmem>>
      %dma_wait3A_55 = arith.constant 0 : i32
      %dma_wait3A_56 = arith.constant 0 : i32
      %dma_wait3A_57 = tpu.memref_slice %arg4[%dma_wait3A_55, %dma_wait3A_56] : memref<51200x128xbf16, #tpu.memory_space<hbm>> -> memref<51200x128xbf16, #tpu.memory_space<hbm>>
      tpu.wait_indirect_dma semaphore(%arg14 : memref<!tpu.dma_semaphore, #tpu.memory_space<semaphore_mem>>) src(%dma_wait3A_57 : memref<51200x128xbf16, #tpu.memory_space<hbm>>) dst(%arg8 : memref<128x128xbf16, #tpu.memory_space<vmem>>)
      %dma_wait3A_58 = arith.constant 0 : i32
      %dma_wait3A_59 = arith.constant 0 : i32
      %dma_wait3A_60 = tpu.memref_slice %arg7[%dma_wait3A_58, %dma_wait3A_59] : memref<196x128xi32, #tpu.memory_space<vmem>> -> memref<1x128xi32, #tpu.memory_space<vmem>>
      %dma_wait3A_61 = tpu.memref_squeeze %dma_wait3A_60 : memref<1x128xi32, #tpu.memory_space<vmem>> -> memref<128xi32, #tpu.memory_space<vmem>>
      %dma_wait3A_62 = arith.constant 0 : i32
      %dma_wait3A_63 = arith.constant 0 : i32
      %dma_wait3A_64 = tpu.memref_slice %arg4[%dma_wait3A_62, %dma_wait3A_63] : memref<51200x128xbf16, #tpu.memory_space<hbm>> -> memref<51200x128xbf16, #tpu.memory_space<hbm>>
      tpu.wait_indirect_dma semaphore(%arg15 : memref<!tpu.dma_semaphore, #tpu.memory_space<semaphore_mem>>) src(%dma_wait3A_64 : memref<51200x128xbf16, #tpu.memory_space<hbm>>) dst(%arg9 : memref<128x128xbf16, #tpu.memory_space<vmem>>)
      %scan3A_65 = arith.constant 0 : i32
      %scan3A_66 = arith.constant 0 : i32
      %scan3A_67 = arith.constant 8 : i32
      %scan3A_68 = arith.addi %scan3A_66, %scan3A_67 : i32
      %scan3A_69 = arith.constant 1 : i32
      scf.for %scan3A_109 = %scan3A_66 to %scan3A_68 step %scan3A_69  : i32 {
        %mul3A_110 = arith.constant 16 : i32
        %mul3A_111 = arith.muli %scan3A_109, %mul3A_110 : i32
        %add3A_112 = arith.constant 0 : i32
        %add3A_113 = arith.addi %mul3A_111, %add3A_112 : i32
        %get3A = arith.index_cast %add3A_113 : i32 to index
        %get3A_114 = arith.constant 0 : index
        %get3A_115 = tpu.vector_load %arg8[%get3A, %get3A_114] {strides = array<i32>} : memref<128x128xbf16, #tpu.memory_space<vmem>>, vector<32xbf16>,
        %unpack3A = tpu.unpack_subelements %get3A_115, 0 {pack_format = #tpu.pack_format<interleaved>} : vector<32xbf16> -> vector<16xf32>
        %unpack3A_116 = tpu.unpack_subelements %get3A_115, 1 {pack_format = #tpu.pack_format<interleaved>} : vector<32xbf16> -> vector<16xf32>
        %get3A_117 = arith.index_cast %add3A_113 : i32 to index
        %get3A_118 = arith.constant 0 : index
        %get3A_119 = tpu.vector_load %arg9[%get3A_117, %get3A_118] {strides = array<i32>} : memref<128x128xbf16, #tpu.memory_space<vmem>>, vector<32xbf16>,
        %unpack3A_120 = tpu.unpack_subelements %get3A_119, 0 {pack_format = #tpu.pack_format<interleaved>} : vector<32xbf16> -> vector<16xf32>
        %unpack3A_121 = tpu.unpack_subelements %get3A_119, 1 {pack_format = #tpu.pack_format<interleaved>} : vector<32xbf16> -> vector<16xf32>
        %get3A_122 = arith.index_cast %add3A_113 : i32 to index
        %get3A_123 = arith.constant 32 : index
        %get3A_124 = tpu.vector_load %arg8[%get3A_122, %get3A_123] {strides = array<i32>} : memref<128x128xbf16, #tpu.memory_space<vmem>>, vector<32xbf16>,
        %unpack3A_125 = tpu.unpack_subelements %get3A_124, 0 {pack_format = #tpu.pack_format<interleaved>} : vector<32xbf16> -> vector<16xf32>
        %unpack3A_126 = tpu.unpack_subelements %get3A_124, 1 {pack_format = #tpu.pack_format<interleaved>} : vector<32xbf16> -> vector<16xf32>
        %get3A_127 = arith.index_cast %add3A_113 : i32 to index
        %get3A_128 = arith.constant 32 : index
        %get3A_129 = tpu.vector_load %arg9[%get3A_127, %get3A_128] {strides = array<i32>} : memref<128x128xbf16, #tpu.memory_space<vmem>>, vector<32xbf16>,
        %unpack3A_130 = tpu.unpack_subelements %get3A_129, 0 {pack_format = #tpu.pack_format<interleaved>} : vector<32xbf16> -> vector<16xf32>
        %unpack3A_131 = tpu.unpack_subelements %get3A_129, 1 {pack_format = #tpu.pack_format<interleaved>} : vector<32xbf16> -> vector<16xf32>
        %get3A_132 = arith.index_cast %add3A_113 : i32 to index
        %get3A_133 = arith.constant 64 : index
        %get3A_134 = tpu.vector_load %arg8[%get3A_132, %get3A_133] {strides = array<i32>} : memref<128x128xbf16, #tpu.memory_space<vmem>>, vector<32xbf16>,
        %unpack3A_135 = tpu.unpack_subelements %get3A_134, 0 {pack_format = #tpu.pack_format<interleaved>} : vector<32xbf16> -> vector<16xf32>
        %unpack3A_136 = tpu.unpack_subelements %get3A_134, 1 {pack_format = #tpu.pack_format<interleaved>} : vector<32xbf16> -> vector<16xf32>
        %get3A_137 = arith.index_cast %add3A_113 : i32 to index
        %get3A_138 = arith.constant 64 : index
        %get3A_139 = tpu.vector_load %arg9[%get3A_137, %get3A_138] {strides = array<i32>} : memref<128x128xbf16, #tpu.memory_space<vmem>>, vector<32xbf16>,
        %unpack3A_140 = tpu.unpack_subelements %get3A_139, 0 {pack_format = #tpu.pack_format<interleaved>} : vector<32xbf16> -> vector<16xf32>
        %unpack3A_141 = tpu.unpack_subelements %get3A_139, 1 {pack_format = #tpu.pack_format<interleaved>} : vector<32xbf16> -> vector<16xf32>
        %get3A_142 = arith.index_cast %add3A_113 : i32 to index
        %get3A_143 = arith.constant 96 : index
        %get3A_144 = tpu.vector_load %arg8[%get3A_142, %get3A_143] {strides = array<i32>} : memref<128x128xbf16, #tpu.memory_space<vmem>>, vector<32xbf16>,
        %unpack3A_145 = tpu.unpack_subelements %get3A_144, 0 {pack_format = #tpu.pack_format<interleaved>} : vector<32xbf16> -> vector<16xf32>
        %unpack3A_146 = tpu.unpack_subelements %get3A_144, 1 {pack_format = #tpu.pack_format<interleaved>} : vector<32xbf16> -> vector<16xf32>
        %get3A_147 = arith.index_cast %add3A_113 : i32 to index
        %get3A_148 = arith.constant 96 : index
        %get3A_149 = tpu.vector_load %arg9[%get3A_147, %get3A_148] {strides = array<i32>} : memref<128x128xbf16, #tpu.memory_space<vmem>>, vector<32xbf16>,
        %unpack3A_150 = tpu.unpack_subelements %get3A_149, 0 {pack_format = #tpu.pack_format<interleaved>} : vector<32xbf16> -> vector<16xf32>
        %unpack3A_151 = tpu.unpack_subelements %get3A_149, 1 {pack_format = #tpu.pack_format<interleaved>} : vector<32xbf16> -> vector<16xf32>
        %mul3A_152 = arith.constant 16 : i32
        %mul3A_153 = arith.muli %scan3A_109, %mul3A_152 : i32
        %add3A_154 = arith.constant 1 : i32
        %add3A_155 = arith.addi %mul3A_153, %add3A_154 : i32
        %get3A_156 = arith.index_cast %add3A_155 : i32 to index
        %get3A_157 = arith.constant 0 : index
        %get3A_158 = tpu.vector_load %arg8[%get3A_156, %get3A_157] {strides = array<i32>} : memref<128x128xbf16, #tpu.memory_space<vmem>>, vector<32xbf16>,
        %unpack3A_159 = tpu.unpack_subelements %get3A_158, 0 {pack_format = #tpu.pack_format<interleaved>} : vector<32xbf16> -> vector<16xf32>
        %unpack3A_160 = tpu.unpack_subelements %get3A_158, 1 {pack_format = #tpu.pack_format<interleaved>} : vector<32xbf16> -> vector<16xf32>
        %get3A_161 = arith.index_cast %add3A_155 : i32 to index
        %get3A_162 = arith.constant 0 : index
        %get3A_163 = tpu.vector_load %arg9[%get3A_161, %get3A_162] {strides = array<i32>} : memref<128x128xbf16, #tpu.memory_space<vmem>>, vector<32xbf16>,
        %unpack3A_164 = tpu.unpack_subelements %get3A_163, 0 {pack_format = #tpu.pack_format<interleaved>} : vector<32xbf16> -> vector<16xf32>
        %unpack3A_165 = tpu.unpack_subelements %get3A_163, 1 {pack_format = #tpu.pack_format<interleaved>} : vector<32xbf16> -> vector<16xf32>
        %get3A_166 = arith.index_cast %add3A_155 : i32 to index
        %get3A_167 = arith.constant 32 : index
        %get3A_168 = tpu.vector_load %arg8[%get3A_166, %get3A_167] {strides = array<i32>} : memref<128x128xbf16, #tpu.memory_space<vmem>>, vector<32xbf16>,
        %unpack3A_169 = tpu.unpack_subelements %get3A_168, 0 {pack_format = #tpu.pack_format<interleaved>} : vector<32xbf16> -> vector<16xf32>
        %unpack3A_170 = tpu.unpack_subelements %get3A_168, 1 {pack_format = #tpu.pack_format<interleaved>} : vector<32xbf16> -> vector<16xf32>
        %get3A_171 = arith.index_cast %add3A_155 : i32 to index
        %get3A_172 = arith.constant 32 : index
        %get3A_173 = tpu.vector_load %arg9[%get3A_171, %get3A_172] {strides = array<i32>} : memref<128x128xbf16, #tpu.memory_space<vmem>>, vector<32xbf16>,
        %unpack3A_174 = tpu.unpack_subelements %get3A_173, 0 {pack_format = #tpu.pack_format<interleaved>} : vector<32xbf16> -> vector<16xf32>
        %unpack3A_175 = tpu.unpack_subelements %get3A_173, 1 {pack_format = #tpu.pack_format<interleaved>} : vector<32xbf16> -> vector<16xf32>
        %get3A_176 = arith.index_cast %add3A_155 : i32 to index
        %get3A_177 = arith.constant 64 : index
        %get3A_178 = tpu.vector_load %arg8[%get3A_176, %get3A_177] {strides = array<i32>} : memref<128x128xbf16, #tpu.memory_space<vmem>>, vector<32xbf16>,
        %unpack3A_179 = tpu.unpack_subelements %get3A_178, 0 {pack_format = #tpu.pack_format<interleaved>} : vector<32xbf16> -> vector<16xf32>
        %unpack3A_180 = tpu.unpack_subelements %get3A_178, 1 {pack_format = #tpu.pack_format<interleaved>} : vector<32xbf16> -> vector<16xf32>
        %get3A_181 = arith.index_cast %add3A_155 : i32 to index
        %get3A_182 = arith.constant 64 : index
        %get3A_183 = tpu.vector_load %arg9[%get3A_181, %get3A_182] {strides = array<i32>} : memref<128x128xbf16, #tpu.memory_space<vmem>>, vector<32xbf16>,
        %unpack3A_184 = tpu.unpack_subelements %get3A_183, 0 {pack_format = #tpu.pack_format<interleaved>} : vector<32xbf16> -> vector<16xf32>
        %unpack3A_185 = tpu.unpack_subelements %get3A_183, 1 {pack_format = #tpu.pack_format<interleaved>} : vector<32xbf16> -> vector<16xf32>
        %get3A_186 = arith.index_cast %add3A_155 : i32 to index
        %get3A_187 = arith.constant 96 : index
        %get3A_188 = tpu.vector_load %arg8[%get3A_186, %get3A_187] {strides = array<i32>} : memref<128x128xbf16, #tpu.memory_space<vmem>>, vector<32xbf16>,
        %unpack3A_189 = tpu.unpack_subelements %get3A_188, 0 {pack_format = #tpu.pack_format<interleaved>} : vector<32xbf16> -> vector<16xf32>
        %unpack3A_190 = tpu.unpack_subelements %get3A_188, 1 {pack_format = #tpu.pack_format<interleaved>} : vector<32xbf16> -> vector<16xf32>
        %get3A_191 = arith.index_cast %add3A_155 : i32 to index
        %get3A_192 = arith.constant 96 : index
        %get3A_193 = tpu.vector_load %arg9[%get3A_191, %get3A_192] {strides = array<i32>} : memref<128x128xbf16, #tpu.memory_space<vmem>>, vector<32xbf16>,
        %unpack3A_194 = tpu.unpack_subelements %get3A_193, 0 {pack_format = #tpu.pack_format<interleaved>} : vector<32xbf16> -> vector<16xf32>
        %unpack3A_195 = tpu.unpack_subelements %get3A_193, 1 {pack_format = #tpu.pack_format<interleaved>} : vector<32xbf16> -> vector<16xf32>
        %mul3A_196 = arith.mulf %unpack3A, %unpack3A_120 : vector<16xf32>
        %mul3A_197 = arith.mulf %unpack3A_116, %unpack3A_121 : vector<16xf32>
        %mul3A_198 = arith.mulf %unpack3A_125, %unpack3A_130 : vector<16xf32>
        %mul3A_199 = arith.mulf %unpack3A_126, %unpack3A_131 : vector<16xf32>
        %mul3A_200 = arith.mulf %unpack3A_135, %unpack3A_140 : vector<16xf32>
        %mul3A_201 = arith.mulf %unpack3A_136, %unpack3A_141 : vector<16xf32>
        %mul3A_202 = arith.mulf %unpack3A_145, %unpack3A_150 : vector<16xf32>
        %mul3A_203 = arith.mulf %unpack3A_146, %unpack3A_151 : vector<16xf32>
        %add3A_204 = arith.addf %mul3A_196, %mul3A_197 : vector<16xf32>
        %add3A_205 = arith.addf %mul3A_198, %mul3A_199 : vector<16xf32>
        %add3A_206 = arith.addf %mul3A_200, %mul3A_201 : vector<16xf32>
        %add3A_207 = arith.addf %mul3A_202, %mul3A_203 : vector<16xf32>
        %add3A_208 = arith.addf %add3A_204, %add3A_205 : vector<16xf32>
        %add3A_209 = arith.addf %add3A_206, %add3A_207 : vector<16xf32>
        %add3A_210 = arith.addf %add3A_208, %add3A_209 : vector<16xf32>
        %swap3A = arith.constant 0 : i32
        %swap3A_211 = arith.index_cast %swap3A : i32 to index
        %swap3A_212 = arith.constant 0 : index
        %swap3A_213 = tpu.vector_load %arg13[%swap3A_211, %swap3A_212] {strides = array<i32>} : memref<16x16xf32, #tpu.memory_space<vmem>>, vector<16xf32>,
        tpu.vector_store %arg13[%swap3A_211, %swap3A_212], %add3A_210 {strides = array<i32>} : memref<16x16xf32, #tpu.memory_space<vmem>>, vector<16xf32>,
        %mul3A_214 = arith.constant 16 : i32
        %mul3A_215 = arith.muli %scan3A_109, %mul3A_214 : i32
        %add3A_216 = arith.constant 2 : i32
        %add3A_217 = arith.addi %mul3A_215, %add3A_216 : i32
        %get3A_218 = arith.index_cast %add3A_217 : i32 to index
        %get3A_219 = arith.constant 0 : index
        %get3A_220 = tpu.vector_load %arg8[%get3A_218, %get3A_219] {strides = array<i32>} : memref<128x128xbf16, #tpu.memory_space<vmem>>, vector<32xbf16>,
        %unpack3A_221 = tpu.unpack_subelements %get3A_220, 0 {pack_format = #tpu.pack_format<interleaved>} : vector<32xbf16> -> vector<16xf32>
        %unpack3A_222 = tpu.unpack_subelements %get3A_220, 1 {pack_format = #tpu.pack_format<interleaved>} : vector<32xbf16> -> vector<16xf32>
        %get3A_223 = arith.index_cast %add3A_217 : i32 to index
        %get3A_224 = arith.constant 0 : index
        %get3A_225 = tpu.vector_load %arg9[%get3A_223, %get3A_224] {strides = array<i32>} : memref<128x128xbf16, #tpu.memory_space<vmem>>, vector<32xbf16>,
        %unpack3A_226 = tpu.unpack_subelements %get3A_225, 0 {pack_format = #tpu.pack_format<interleaved>} : vector<32xbf16> -> vector<16xf32>
        %unpack3A_227 = tpu.unpack_subelements %get3A_225, 1 {pack_format = #tpu.pack_format<interleaved>} : vector<32xbf16> -> vector<16xf32>
        %get3A_228 = arith.index_cast %add3A_217 : i32 to index
        %get3A_229 = arith.constant 32 : index
        %get3A_230 = tpu.vector_load %arg8[%get3A_228, %get3A_229] {strides = array<i32>} : memref<128x128xbf16, #tpu.memory_space<vmem>>, vector<32xbf16>,
        %unpack3A_231 = tpu.unpack_subelements %get3A_230, 0 {pack_format = #tpu.pack_format<interleaved>} : vector<32xbf16> -> vector<16xf32>
        %unpack3A_232 = tpu.unpack_subelements %get3A_230, 1 {pack_format = #tpu.pack_format<interleaved>} : vector<32xbf16> -> vector<16xf32>
        %get3A_233 = arith.index_cast %add3A_217 : i32 to index
        %get3A_234 = arith.constant 32 : index
        %get3A_235 = tpu.vector_load %arg9[%get3A_233, %get3A_234] {strides = array<i32>} : memref<128x128xbf16, #tpu.memory_space<vmem>>, vector<32xbf16>,
        %unpack3A_236 = tpu.unpack_subelements %get3A_235, 0 {pack_format = #tpu.pack_format<interleaved>} : vector<32xbf16> -> vector<16xf32>
        %unpack3A_237 = tpu.unpack_subelements %get3A_235, 1 {pack_format = #tpu.pack_format<interleaved>} : vector<32xbf16> -> vector<16xf32>
        %get3A_238 = arith.index_cast %add3A_217 : i32 to index
        %get3A_239 = arith.constant 64 : index
        %get3A_240 = tpu.vector_load %arg8[%get3A_238, %get3A_239] {strides = array<i32>} : memref<128x128xbf16, #tpu.memory_space<vmem>>, vector<32xbf16>,
        %unpack3A_241 = tpu.unpack_subelements %get3A_240, 0 {pack_format = #tpu.pack_format<interleaved>} : vector<32xbf16> -> vector<16xf32>
        %unpack3A_242 = tpu.unpack_subelements %get3A_240, 1 {pack_format = #tpu.pack_format<interleaved>} : vector<32xbf16> -> vector<16xf32>
        %get3A_243 = arith.index_cast %add3A_217 : i32 to index
        %get3A_244 = arith.constant 64 : index
        %get3A_245 = tpu.vector_load %arg9[%get3A_243, %get3A_244] {strides = array<i32>} : memref<128x128xbf16, #tpu.memory_space<vmem>>, vector<32xbf16>,
        %unpack3A_246 = tpu.unpack_subelements %get3A_245, 0 {pack_format = #tpu.pack_format<interleaved>} : vector<32xbf16> -> vector<16xf32>
        %unpack3A_247 = tpu.unpack_subelements %get3A_245, 1 {pack_format = #tpu.pack_format<interleaved>} : vector<32xbf16> -> vector<16xf32>
        %get3A_248 = arith.index_cast %add3A_217 : i32 to index
        %get3A_249 = arith.constant 96 : index
        %get3A_250 = tpu.vector_load %arg8[%get3A_248, %get3A_249] {strides = array<i32>} : memref<128x128xbf16, #tpu.memory_space<vmem>>, vector<32xbf16>,
        %unpack3A_251 = tpu.unpack_subelements %get3A_250, 0 {pack_format = #tpu.pack_format<interleaved>} : vector<32xbf16> -> vector<16xf32>
        %unpack3A_252 = tpu.unpack_subelements %get3A_250, 1 {pack_format = #tpu.pack_format<interleaved>} : vector<32xbf16> -> vector<16xf32>
        %get3A_253 = arith.index_cast %add3A_217 : i32 to index
        %get3A_254 = arith.constant 96 : index
        %get3A_255 = tpu.vector_load %arg9[%get3A_253, %get3A_254] {strides = array<i32>} : memref<128x128xbf16, #tpu.memory_space<vmem>>, vector<32xbf16>,
        %unpack3A_256 = tpu.unpack_subelements %get3A_255, 0 {pack_format = #tpu.pack_format<interleaved>} : vector<32xbf16> -> vector<16xf32>
        %unpack3A_257 = tpu.unpack_subelements %get3A_255, 1 {pack_format = #tpu.pack_format<interleaved>} : vector<32xbf16> -> vector<16xf32>
        %mul3A_258 = arith.mulf %unpack3A_159, %unpack3A_164 : vector<16xf32>
        %mul3A_259 = arith.mulf %unpack3A_160, %unpack3A_165 : vector<16xf32>
        %mul3A_260 = arith.mulf %unpack3A_169, %unpack3A_174 : vector<16xf32>
        %mul3A_261 = arith.mulf %unpack3A_170, %unpack3A_175 : vector<16xf32>
        %mul3A_262 = arith.mulf %unpack3A_179, %unpack3A_184 : vector<16xf32>
        %mul3A_263 = arith.mulf %unpack3A_180, %unpack3A_185 : vector<16xf32>
        %mul3A_264 = arith.mulf %unpack3A_189, %unpack3A_194 : vector<16xf32>
        %mul3A_265 = arith.mulf %unpack3A_190, %unpack3A_195 : vector<16xf32>
        %add3A_266 = arith.addf %mul3A_258, %mul3A_259 : vector<16xf32>
        %add3A_267 = arith.addf %mul3A_260, %mul3A_261 : vector<16xf32>
        %add3A_268 = arith.addf %mul3A_262, %mul3A_263 : vector<16xf32>
        %add3A_269 = arith.addf %mul3A_264, %mul3A_265 : vector<16xf32>
        %add3A_270 = arith.addf %add3A_266, %add3A_267 : vector<16xf32>
        %add3A_271 = arith.addf %add3A_268, %add3A_269 : vector<16xf32>
        %add3A_272 = arith.addf %add3A_270, %add3A_271 : vector<16xf32>
        %swap3A_273 = arith.constant 1 : i32
        %swap3A_274 = arith.index_cast %swap3A_273 : i32 to index
        %swap3A_275 = arith.constant 0 : index
        %swap3A_276 = tpu.vector_load %arg13[%swap3A_274, %swap3A_275] {strides = array<i32>} : memref<16x16xf32, #tpu.memory_space<vmem>>, vector<16xf32>,
        tpu.vector_store %arg13[%swap3A_274, %swap3A_275], %add3A_272 {strides = array<i32>} : memref<16x16xf32, #tpu.memory_space<vmem>>, vector<16xf32>,
        %mul3A_277 = arith.constant 16 : i32
        %mul3A_278 = arith.muli %scan3A_109, %mul3A_277 : i32
        %add3A_279 = arith.constant 3 : i32
        %add3A_280 = arith.addi %mul3A_278, %add3A_279 : i32
        %get3A_281 = arith.index_cast %add3A_280 : i32 to index
        %get3A_282 = arith.constant 0 : index
        %get3A_283 = tpu.vector_load %arg8[%get3A_281, %get3A_282] {strides = array<i32>} : memref<128x128xbf16, #tpu.memory_space<vmem>>, vector<32xbf16>,
        %unpack3A_284 = tpu.unpack_subelements %get3A_283, 0 {pack_format = #tpu.pack_format<interleaved>} : vector<32xbf16> -> vector<16xf32>
        %unpack3A_285 = tpu.unpack_subelements %get3A_283, 1 {pack_format = #tpu.pack_format<interleaved>} : vector<32xbf16> -> vector<16xf32>
        %get3A_286 = arith.index_cast %add3A_280 : i32 to index
        %get3A_287 = arith.constant 0 : index
        %get3A_288 = tpu.vector_load %arg9[%get3A_286, %get3A_287] {strides = array<i32>} : memref<128x128xbf16, #tpu.memory_space<vmem>>, vector<32xbf16>,
        %unpack3A_289 = tpu.unpack_subelements %get3A_288, 0 {pack_format = #tpu.pack_format<interleaved>} : vector<32xbf16> -> vector<16xf32>
        %unpack3A_290 = tpu.unpack_subelements %get3A_288, 1 {pack_format = #tpu.pack_format<interleaved>} : vector<32xbf16> -> vector<16xf32>
        %get3A_291 = arith.index_cast %add3A_280 : i32 to index
        %get3A_292 = arith.constant 32 : index
        %get3A_293 = tpu.vector_load %arg8[%get3A_291, %get3A_292] {strides = array<i32>} : memref<128x128xbf16, #tpu.memory_space<vmem>>, vector<32xbf16>,
        %unpack3A_294 = tpu.unpack_subelements %get3A_293, 0 {pack_format = #tpu.pack_format<interleaved>} : vector<32xbf16> -> vector<16xf32>
        %unpack3A_295 = tpu.unpack_subelements %get3A_293, 1 {pack_format = #tpu.pack_format<interleaved>} : vector<32xbf16> -> vector<16xf32>
        %get3A_296 = arith.index_cast %add3A_280 : i32 to index
        %get3A_297 = arith.constant 32 : index
        %get3A_298 = tpu.vector_load %arg9[%get3A_296, %get3A_297] {strides = array<i32>} : memref<128x128xbf16, #tpu.memory_space<vmem>>, vector<32xbf16>,
        %unpack3A_299 = tpu.unpack_subelements %get3A_298, 0 {pack_format = #tpu.pack_format<interleaved>} : vector<32xbf16> -> vector<16xf32>
        %unpack3A_300 = tpu.unpack_subelements %get3A_298, 1 {pack_format = #tpu.pack_format<interleaved>} : vector<32xbf16> -> vector<16xf32>
        %get3A_301 = arith.index_cast %add3A_280 : i32 to index
        %get3A_302 = arith.constant 64 : index
        %get3A_303 = tpu.vector_load %arg8[%get3A_301, %get3A_302] {strides = array<i32>} : memref<128x128xbf16, #tpu.memory_space<vmem>>, vector<32xbf16>,
        %unpack3A_304 = tpu.unpack_subelements %get3A_303, 0 {pack_format = #tpu.pack_format<interleaved>} : vector<32xbf16> -> vector<16xf32>
        %unpack3A_305 = tpu.unpack_subelements %get3A_303, 1 {pack_format = #tpu.pack_format<interleaved>} : vector<32xbf16> -> vector<16xf32>
        %get3A_306 = arith.index_cast %add3A_280 : i32 to index
        %get3A_307 = arith.constant 64 : index
        %get3A_308 = tpu.vector_load %arg9[%get3A_306, %get3A_307] {strides = array<i32>} : memref<128x128xbf16, #tpu.memory_space<vmem>>, vector<32xbf16>,
        %unpack3A_309 = tpu.unpack_subelements %get3A_308, 0 {pack_format = #tpu.pack_format<interleaved>} : vector<32xbf16> -> vector<16xf32>
        %unpack3A_310 = tpu.unpack_subelements %get3A_308, 1 {pack_format = #tpu.pack_format<interleaved>} : vector<32xbf16> -> vector<16xf32>
        %get3A_311 = arith.index_cast %add3A_280 : i32 to index
        %get3A_312 = arith.constant 96 : index
        %get3A_313 = tpu.vector_load %arg8[%get3A_311, %get3A_312] {strides = array<i32>} : memref<128x128xbf16, #tpu.memory_space<vmem>>, vector<32xbf16>,
        %unpack3A_314 = tpu.unpack_subelements %get3A_313, 0 {pack_format = #tpu.pack_format<interleaved>} : vector<32xbf16> -> vector<16xf32>
        %unpack3A_315 = tpu.unpack_subelements %get3A_313, 1 {pack_format = #tpu.pack_format<interleaved>} : vector<32xbf16> -> vector<16xf32>
        %get3A_316 = arith.index_cast %add3A_280 : i32 to index
        %get3A_317 = arith.constant 96 : index
        %get3A_318 = tpu.vector_load %arg9[%get3A_316, %get3A_317] {strides = array<i32>} : memref<128x128xbf16, #tpu.memory_space<vmem>>, vector<32xbf16>,
        %unpack3A_319 = tpu.unpack_subelements %get3A_318, 0 {pack_format = #tpu.pack_format<interleaved>} : vector<32xbf16> -> vector<16xf32>
        %unpack3A_320 = tpu.unpack_subelements %get3A_318, 1 {pack_format = #tpu.pack_format<interleaved>} : vector<32xbf16> -> vector<16xf32>
        %mul3A_321 = arith.mulf %unpack3A_221, %unpack3A_226 : vector<16xf32>
        %mul3A_322 = arith.mulf %unpack3A_222, %unpack3A_227 : vector<16xf32>
        %mul3A_323 = arith.mulf %unpack3A_231, %unpack3A_236 : vector<16xf32>
        %mul3A_324 = arith.mulf %unpack3A_232, %unpack3A_237 : vector<16xf32>
        %mul3A_325 = arith.mulf %unpack3A_241, %unpack3A_246 : vector<16xf32>
        %mul3A_326 = arith.mulf %unpack3A_242, %unpack3A_247 : vector<16xf32>
        %mul3A_327 = arith.mulf %unpack3A_251, %unpack3A_256 : vector<16xf32>
        %mul3A_328 = arith.mulf %unpack3A_252, %unpack3A_257 : vector<16xf32>
        %add3A_329 = arith.addf %mul3A_321, %mul3A_322 : vector<16xf32>
        %add3A_330 = arith.addf %mul3A_323, %mul3A_324 : vector<16xf32>
        %add3A_331 = arith.addf %mul3A_325, %mul3A_326 : vector<16xf32>
        %add3A_332 = arith.addf %mul3A_327, %mul3A_328 : vector<16xf32>
        %add3A_333 = arith.addf %add3A_329, %add3A_330 : vector<16xf32>
        %add3A_334 = arith.addf %add3A_331, %add3A_332 : vector<16xf32>
        %add3A_335 = arith.addf %add3A_333, %add3A_334 : vector<16xf32>
        %swap3A_336 = arith.constant 2 : i32
        %swap3A_337 = arith.index_cast %swap3A_336 : i32 to index
        %swap3A_338 = arith.constant 0 : index
        %swap3A_339 = tpu.vector_load %arg13[%swap3A_337, %swap3A_338] {strides = array<i32>} : memref<16x16xf32, #tpu.memory_space<vmem>>, vector<16xf32>,
        tpu.vector_store %arg13[%swap3A_337, %swap3A_338], %add3A_335 {strides = array<i32>} : memref<16x16xf32, #tpu.memory_space<vmem>>, vector<16xf32>,
        %mul3A_340 = arith.constant 16 : i32
        %mul3A_341 = arith.muli %scan3A_109, %mul3A_340 : i32
        %add3A_342 = arith.constant 4 : i32
        %add3A_343 = arith.addi %mul3A_341, %add3A_342 : i32
        %get3A_344 = arith.index_cast %add3A_343 : i32 to index
        %get3A_345 = arith.constant 0 : index
        %get3A_346 = tpu.vector_load %arg8[%get3A_344, %get3A_345] {strides = array<i32>} : memref<128x128xbf16, #tpu.memory_space<vmem>>, vector<32xbf16>,
        %unpack3A_347 = tpu.unpack_subelements %get3A_346, 0 {pack_format = #tpu.pack_format<interleaved>} : vector<32xbf16> -> vector<16xf32>
        %unpack3A_348 = tpu.unpack_subelements %get3A_346, 1 {pack_format = #tpu.pack_format<interleaved>} : vector<32xbf16> -> vector<16xf32>
        %get3A_349 = arith.index_cast %add3A_343 : i32 to index
        %get3A_350 = arith.constant 0 : index
        %get3A_351 = tpu.vector_load %arg9[%get3A_349, %get3A_350] {strides = array<i32>} : memref<128x128xbf16, #tpu.memory_space<vmem>>, vector<32xbf16>,
        %unpack3A_352 = tpu.unpack_subelements %get3A_351, 0 {pack_format = #tpu.pack_format<interleaved>} : vector<32xbf16> -> vector<16xf32>
        %unpack3A_353 = tpu.unpack_subelements %get3A_351, 1 {pack_format = #tpu.pack_format<interleaved>} : vector<32xbf16> -> vector<16xf32>
        %get3A_354 = arith.index_cast %add3A_343 : i32 to index
        %get3A_355 = arith.constant 32 : index
        %get3A_356 = tpu.vector_load %arg8[%get3A_354, %get3A_355] {strides = array<i32>} : memref<128x128xbf16, #tpu.memory_space<vmem>>, vector<32xbf16>,
        %unpack3A_357 = tpu.unpack_subelements %get3A_356, 0 {pack_format = #tpu.pack_format<interleaved>} : vector<32xbf16> -> vector<16xf32>
        %unpack3A_358 = tpu.unpack_subelements %get3A_356, 1 {pack_format = #tpu.pack_format<interleaved>} : vector<32xbf16> -> vector<16xf32>
        %get3A_359 = arith.index_cast %add3A_343 : i32 to index
        %get3A_360 = arith.constant 32 : index
        %get3A_361 = tpu.vector_load %arg9[%get3A_359, %get3A_360] {strides = array<i32>} : memref<128x128xbf16, #tpu.memory_space<vmem>>, vector<32xbf16>,
        %unpack3A_362 = tpu.unpack_subelements %get3A_361, 0 {pack_format = #tpu.pack_format<interleaved>} : vector<32xbf16> -> vector<16xf32>
        %unpack3A_363 = tpu.unpack_subelements %get3A_361, 1 {pack_format = #tpu.pack_format<interleaved>} : vector<32xbf16> -> vector<16xf32>
        %get3A_364 = arith.index_cast %add3A_343 : i32 to index
        %get3A_365 = arith.constant 64 : index
        %get3A_366 = tpu.vector_load %arg8[%get3A_364, %get3A_365] {strides = array<i32>} : memref<128x128xbf16, #tpu.memory_space<vmem>>, vector<32xbf16>,
        %unpack3A_367 = tpu.unpack_subelements %get3A_366, 0 {pack_format = #tpu.pack_format<interleaved>} : vector<32xbf16> -> vector<16xf32>
        %unpack3A_368 = tpu.unpack_subelements %get3A_366, 1 {pack_format = #tpu.pack_format<interleaved>} : vector<32xbf16> -> vector<16xf32>
        %get3A_369 = arith.index_cast %add3A_343 : i32 to index
        %get3A_370 = arith.constant 64 : index
        %get3A_371 = tpu.vector_load %arg9[%get3A_369, %get3A_370] {strides = array<i32>} : memref<128x128xbf16, #tpu.memory_space<vmem>>, vector<32xbf16>,
        %unpack3A_372 = tpu.unpack_subelements %get3A_371, 0 {pack_format = #tpu.pack_format<interleaved>} : vector<32xbf16> -> vector<16xf32>
        %unpack3A_373 = tpu.unpack_subelements %get3A_371, 1 {pack_format = #tpu.pack_format<interleaved>} : vector<32xbf16> -> vector<16xf32>
        %get3A_374 = arith.index_cast %add3A_343 : i32 to index
        %get3A_375 = arith.constant 96 : index
        %get3A_376 = tpu.vector_load %arg8[%get3A_374, %get3A_375] {strides = array<i32>} : memref<128x128xbf16, #tpu.memory_space<vmem>>, vector<32xbf16>,
        %unpack3A_377 = tpu.unpack_subelements %get3A_376, 0 {pack_format = #tpu.pack_format<interleaved>} : vector<32xbf16> -> vector<16xf32>
        %unpack3A_378 = tpu.unpack_subelements %get3A_376, 1 {pack_format = #tpu.pack_format<interleaved>} : vector<32xbf16> -> vector<16xf32>
        %get3A_379 = arith.index_cast %add3A_343 : i32 to index
        %get3A_380 = arith.constant 96 : index
        %get3A_381 = tpu.vector_load %arg9[%get3A_379, %get3A_380] {strides = array<i32>} : memref<128x128xbf16, #tpu.memory_space<vmem>>, vector<32xbf16>,
        %unpack3A_382 = tpu.unpack_subelements %get3A_381, 0 {pack_format = #tpu.pack_format<interleaved>} : vector<32xbf16> -> vector<16xf32>
        %unpack3A_383 = tpu.unpack_subelements %get3A_381, 1 {pack_format = #tpu.pack_format<interleaved>} : vector<32xbf16> -> vector<16xf32>
        %mul3A_384 = arith.mulf %unpack3A_284, %unpack3A_289 : vector<16xf32>
        %mul3A_385 = arith.mulf %unpack3A_285, %unpack3A_290 : vector<16xf32>
        %mul3A_386 = arith.mulf %unpack3A_294, %unpack3A_299 : vector<16xf32>
        %mul3A_387 = arith.mulf %unpack3A_295, %unpack3A_300 : vector<16xf32>
        %mul3A_388 = arith.mulf %unpack3A_304, %unpack3A_309 : vector<16xf32>
        %mul3A_389 = arith.mulf %unpack3A_305, %unpack3A_310 : vector<16xf32>
        %mul3A_390 = arith.mulf %unpack3A_314, %unpack3A_319 : vector<16xf32>
        %mul3A_391 = arith.mulf %unpack3A_315, %unpack3A_320 : vector<16xf32>
        %add3A_392 = arith.addf %mul3A_384, %mul3A_385 : vector<16xf32>
        %add3A_393 = arith.addf %mul3A_386, %mul3A_387 : vector<16xf32>
        %add3A_394 = arith.addf %mul3A_388, %mul3A_389 : vector<16xf32>
        %add3A_395 = arith.addf %mul3A_390, %mul3A_391 : vector<16xf32>
        %add3A_396 = arith.addf %add3A_392, %add3A_393 : vector<16xf32>
        %add3A_397 = arith.addf %add3A_394, %add3A_395 : vector<16xf32>
        %add3A_398 = arith.addf %add3A_396, %add3A_397 : vector<16xf32>
        %swap3A_399 = arith.constant 3 : i32
        %swap3A_400 = arith.index_cast %swap3A_399 : i32 to index
        %swap3A_401 = arith.constant 0 : index
        %swap3A_402 = tpu.vector_load %arg13[%swap3A_400, %swap3A_401] {strides = array<i32>} : memref<16x16xf32, #tpu.memory_space<vmem>>, vector<16xf32>,
        tpu.vector_store %arg13[%swap3A_400, %swap3A_401], %add3A_398 {strides = array<i32>} : memref<16x16xf32, #tpu.memory_space<vmem>>, vector<16xf32>,
        %mul3A_403 = arith.constant 16 : i32
        %mul3A_404 = arith.muli %scan3A_109, %mul3A_403 : i32
        %add3A_405 = arith.constant 5 : i32
        %add3A_406 = arith.addi %mul3A_404, %add3A_405 : i32
        %get3A_407 = arith.index_cast %add3A_406 : i32 to index
        %get3A_408 = arith.constant 0 : index
        %get3A_409 = tpu.vector_load %arg8[%get3A_407, %get3A_408] {strides = array<i32>} : memref<128x128xbf16, #tpu.memory_space<vmem>>, vector<32xbf16>,
        %unpack3A_410 = tpu.unpack_subelements %get3A_409, 0 {pack_format = #tpu.pack_format<interleaved>} : vector<32xbf16> -> vector<16xf32>
        %unpack3A_411 = tpu.unpack_subelements %get3A_409, 1 {pack_format = #tpu.pack_format<interleaved>} : vector<32xbf16> -> vector<16xf32>
        %get3A_412 = arith.index_cast %add3A_406 : i32 to index
        %get3A_413 = arith.constant 0 : index
        %get3A_414 = tpu.vector_load %arg9[%get3A_412, %get3A_413] {strides = array<i32>} : memref<128x128xbf16, #tpu.memory_space<vmem>>, vector<32xbf16>,
        %unpack3A_415 = tpu.unpack_subelements %get3A_414, 0 {pack_format = #tpu.pack_format<interleaved>} : vector<32xbf16> -> vector<16xf32>
        %unpack3A_416 = tpu.unpack_subelements %get3A_414, 1 {pack_format = #tpu.pack_format<interleaved>} : vector<32xbf16> -> vector<16xf32>
        %get3A_417 = arith.index_cast %add3A_406 : i32 to index
        %get3A_418 = arith.constant 32 : index
        %get3A_419 = tpu.vector_load %arg8[%get3A_417, %get3A_418] {strides = array<i32>} : memref<128x128xbf16, #tpu.memory_space<vmem>>, vector<32xbf16>,
        %unpack3A_420 = tpu.unpack_subelements %get3A_419, 0 {pack_format = #tpu.pack_format<interleaved>} : vector<32xbf16> -> vector<16xf32>
        %unpack3A_421 = tpu.unpack_subelements %get3A_419, 1 {pack_format = #tpu.pack_format<interleaved>} : vector<32xbf16> -> vector<16xf32>
        %get3A_422 = arith.index_cast %add3A_406 : i32 to index
        %get3A_423 = arith.constant 32 : index
        %get3A_424 = tpu.vector_load %arg9[%get3A_422, %get3A_423] {strides = array<i32>} : memref<128x128xbf16, #tpu.memory_space<vmem>>, vector<32xbf16>,
        %unpack3A_425 = tpu.unpack_subelements %get3A_424, 0 {pack_format = #tpu.pack_format<interleaved>} : vector<32xbf16> -> vector<16xf32>
        %unpack3A_426 = tpu.unpack_subelements %get3A_424, 1 {pack_format = #tpu.pack_format<interleaved>} : vector<32xbf16> -> vector<16xf32>
        %get3A_427 = arith.index_cast %add3A_406 : i32 to index
        %get3A_428 = arith.constant 64 : index
        %get3A_429 = tpu.vector_load %arg8[%get3A_427, %get3A_428] {strides = array<i32>} : memref<128x128xbf16, #tpu.memory_space<vmem>>, vector<32xbf16>,
        %unpack3A_430 = tpu.unpack_subelements %get3A_429, 0 {pack_format = #tpu.pack_format<interleaved>} : vector<32xbf16> -> vector<16xf32>
        %unpack3A_431 = tpu.unpack_subelements %get3A_429, 1 {pack_format = #tpu.pack_format<interleaved>} : vector<32xbf16> -> vector<16xf32>
        %get3A_432 = arith.index_cast %add3A_406 : i32 to index
        %get3A_433 = arith.constant 64 : index
        %get3A_434 = tpu.vector_load %arg9[%get3A_432, %get3A_433] {strides = array<i32>} : memref<128x128xbf16, #tpu.memory_space<vmem>>, vector<32xbf16>,
        %unpack3A_435 = tpu.unpack_subelements %get3A_434, 0 {pack_format = #tpu.pack_format<interleaved>} : vector<32xbf16> -> vector<16xf32>
        %unpack3A_436 = tpu.unpack_subelements %get3A_434, 1 {pack_format = #tpu.pack_format<interleaved>} : vector<32xbf16> -> vector<16xf32>
        %get3A_437 = arith.index_cast %add3A_406 : i32 to index
        %get3A_438 = arith.constant 96 : index
        %get3A_439 = tpu.vector_load %arg8[%get3A_437, %get3A_438] {strides = array<i32>} : memref<128x128xbf16, #tpu.memory_space<vmem>>, vector<32xbf16>,
        %unpack3A_440 = tpu.unpack_subelements %get3A_439, 0 {pack_format = #tpu.pack_format<interleaved>} : vector<32xbf16> -> vector<16xf32>
        %unpack3A_441 = tpu.unpack_subelements %get3A_439, 1 {pack_format = #tpu.pack_format<interleaved>} : vector<32xbf16> -> vector<16xf32>
        %get3A_442 = arith.index_cast %add3A_406 : i32 to index
        %get3A_443 = arith.constant 96 : index
        %get3A_444 = tpu.vector_load %arg9[%get3A_442, %get3A_443] {strides = array<i32>} : memref<128x128xbf16, #tpu.memory_space<vmem>>, vector<32xbf16>,
        %unpack3A_445 = tpu.unpack_subelements %get3A_444, 0 {pack_format = #tpu.pack_format<interleaved>} : vector<32xbf16> -> vector<16xf32>
        %unpack3A_446 = tpu.unpack_subelements %get3A_444, 1 {pack_format = #tpu.pack_format<interleaved>} : vector<32xbf16> -> vector<16xf32>
        %mul3A_447 = arith.mulf %unpack3A_347, %unpack3A_352 : vector<16xf32>
        %mul3A_448 = arith.mulf %unpack3A_348, %unpack3A_353 : vector<16xf32>
        %mul3A_449 = arith.mulf %unpack3A_357, %unpack3A_362 : vector<16xf32>
        %mul3A_450 = arith.mulf %unpack3A_358, %unpack3A_363 : vector<16xf32>
        %mul3A_451 = arith.mulf %unpack3A_367, %unpack3A_372 : vector<16xf32>
        %mul3A_452 = arith.mulf %unpack3A_368, %unpack3A_373 : vector<16xf32>
        %mul3A_453 = arith.mulf %unpack3A_377, %unpack3A_382 : vector<16xf32>
        %mul3A_454 = arith.mulf %unpack3A_378, %unpack3A_383 : vector<16xf32>
        %add3A_455 = arith.addf %mul3A_447, %mul3A_448 : vector<16xf32>
        %add3A_456 = arith.addf %mul3A_449, %mul3A_450 : vector<16xf32>
        %add3A_457 = arith.addf %mul3A_451, %mul3A_452 : vector<16xf32>
        %add3A_458 = arith.addf %mul3A_453, %mul3A_454 : vector<16xf32>
        %add3A_459 = arith.addf %add3A_455, %add3A_456 : vector<16xf32>
        %add3A_460 = arith.addf %add3A_457, %add3A_458 : vector<16xf32>
        %add3A_461 = arith.addf %add3A_459, %add3A_460 : vector<16xf32>
        %swap3A_462 = arith.constant 4 : i32
        %swap3A_463 = arith.index_cast %swap3A_462 : i32 to index
        %swap3A_464 = arith.constant 0 : index
        %swap3A_465 = tpu.vector_load %arg13[%swap3A_463, %swap3A_464] {strides = array<i32>} : memref<16x16xf32, #tpu.memory_space<vmem>>, vector<16xf32>,
        tpu.vector_store %arg13[%swap3A_463, %swap3A_464], %add3A_461 {strides = array<i32>} : memref<16x16xf32, #tpu.memory_space<vmem>>, vector<16xf32>,
        %mul3A_466 = arith.constant 16 : i32
        %mul3A_467 = arith.muli %scan3A_109, %mul3A_466 : i32
        %add3A_468 = arith.constant 6 : i32
        %add3A_469 = arith.addi %mul3A_467, %add3A_468 : i32
        %get3A_470 = arith.index_cast %add3A_469 : i32 to index
        %get3A_471 = arith.constant 0 : index
        %get3A_472 = tpu.vector_load %arg8[%get3A_470, %get3A_471] {strides = array<i32>} : memref<128x128xbf16, #tpu.memory_space<vmem>>, vector<32xbf16>,
        %unpack3A_473 = tpu.unpack_subelements %get3A_472, 0 {pack_format = #tpu.pack_format<interleaved>} : vector<32xbf16> -> vector<16xf32>
        %unpack3A_474 = tpu.unpack_subelements %get3A_472, 1 {pack_format = #tpu.pack_format<interleaved>} : vector<32xbf16> -> vector<16xf32>
        %get3A_475 = arith.index_cast %add3A_469 : i32 to index
        %get3A_476 = arith.constant 0 : index
        %get3A_477 = tpu.vector_load %arg9[%get3A_475, %get3A_476] {strides = array<i32>} : memref<128x128xbf16, #tpu.memory_space<vmem>>, vector<32xbf16>,
        %unpack3A_478 = tpu.unpack_subelements %get3A_477, 0 {pack_format = #tpu.pack_format<interleaved>} : vector<32xbf16> -> vector<16xf32>
        %unpack3A_479 = tpu.unpack_subelements %get3A_477, 1 {pack_format = #tpu.pack_format<interleaved>} : vector<32xbf16> -> vector<16xf32>
        %get3A_480 = arith.index_cast %add3A_469 : i32 to index
        %get3A_481 = arith.constant 32 : index
        %get3A_482 = tpu.vector_load %arg8[%get3A_480, %get3A_481] {strides = array<i32>} : memref<128x128xbf16, #tpu.memory_space<vmem>>, vector<32xbf16>,
        %unpack3A_483 = tpu.unpack_subelements %get3A_482, 0 {pack_format = #tpu.pack_format<interleaved>} : vector<32xbf16> -> vector<16xf32>
        %unpack3A_484 = tpu.unpack_subelements %get3A_482, 1 {pack_format = #tpu.pack_format<interleaved>} : vector<32xbf16> -> vector<16xf32>
        %get3A_485 = arith.index_cast %add3A_469 : i32 to index
        %get3A_486 = arith.constant 32 : index
        %get3A_487 = tpu.vector_load %arg9[%get3A_485, %get3A_486] {strides = array<i32>} : memref<128x128xbf16, #tpu.memory_space<vmem>>, vector<32xbf16>,
        %unpack3A_488 = tpu.unpack_subelements %get3A_487, 0 {pack_format = #tpu.pack_format<interleaved>} : vector<32xbf16> -> vector<16xf32>
        %unpack3A_489 = tpu.unpack_subelements %get3A_487, 1 {pack_format = #tpu.pack_format<interleaved>} : vector<32xbf16> -> vector<16xf32>
        %get3A_490 = arith.index_cast %add3A_469 : i32 to index
        %get3A_491 = arith.constant 64 : index
        %get3A_492 = tpu.vector_load %arg8[%get3A_490, %get3A_491] {strides = array<i32>} : memref<128x128xbf16, #tpu.memory_space<vmem>>, vector<32xbf16>,
        %unpack3A_493 = tpu.unpack_subelements %get3A_492, 0 {pack_format = #tpu.pack_format<interleaved>} : vector<32xbf16> -> vector<16xf32>
        %unpack3A_494 = tpu.unpack_subelements %get3A_492, 1 {pack_format = #tpu.pack_format<interleaved>} : vector<32xbf16> -> vector<16xf32>
        %get3A_495 = arith.index_cast %add3A_469 : i32 to index
        %get3A_496 = arith.constant 64 : index
        %get3A_497 = tpu.vector_load %arg9[%get3A_495, %get3A_496] {strides = array<i32>} : memref<128x128xbf16, #tpu.memory_space<vmem>>, vector<32xbf16>,
        %unpack3A_498 = tpu.unpack_subelements %get3A_497, 0 {pack_format = #tpu.pack_format<interleaved>} : vector<32xbf16> -> vector<16xf32>
        %unpack3A_499 = tpu.unpack_subelements %get3A_497, 1 {pack_format = #tpu.pack_format<interleaved>} : vector<32xbf16> -> vector<16xf32>
        %get3A_500 = arith.index_cast %add3A_469 : i32 to index
        %get3A_501 = arith.constant 96 : index
        %get3A_502 = tpu.vector_load %arg8[%get3A_500, %get3A_501] {strides = array<i32>} : memref<128x128xbf16, #tpu.memory_space<vmem>>, vector<32xbf16>,
        %unpack3A_503 = tpu.unpack_subelements %get3A_502, 0 {pack_format = #tpu.pack_format<interleaved>} : vector<32xbf16> -> vector<16xf32>
        %unpack3A_504 = tpu.unpack_subelements %get3A_502, 1 {pack_format = #tpu.pack_format<interleaved>} : vector<32xbf16> -> vector<16xf32>
        %get3A_505 = arith.index_cast %add3A_469 : i32 to index
        %get3A_506 = arith.constant 96 : index
        %get3A_507 = tpu.vector_load %arg9[%get3A_505, %get3A_506] {strides = array<i32>} : memref<128x128xbf16, #tpu.memory_space<vmem>>, vector<32xbf16>,
        %unpack3A_508 = tpu.unpack_subelements %get3A_507, 0 {pack_format = #tpu.pack_format<interleaved>} : vector<32xbf16> -> vector<16xf32>
        %unpack3A_509 = tpu.unpack_subelements %get3A_507, 1 {pack_format = #tpu.pack_format<interleaved>} : vector<32xbf16> -> vector<16xf32>
        %mul3A_510 = arith.mulf %unpack3A_410, %unpack3A_415 : vector<16xf32>
        %mul3A_511 = arith.mulf %unpack3A_411, %unpack3A_416 : vector<16xf32>
        %mul3A_512 = arith.mulf %unpack3A_420, %unpack3A_425 : vector<16xf32>
        %mul3A_513 = arith.mulf %unpack3A_421, %unpack3A_426 : vector<16xf32>
        %mul3A_514 = arith.mulf %unpack3A_430, %unpack3A_435 : vector<16xf32>
        %mul3A_515 = arith.mulf %unpack3A_431, %unpack3A_436 : vector<16xf32>
        %mul3A_516 = arith.mulf %unpack3A_440, %unpack3A_445 : vector<16xf32>
        %mul3A_517 = arith.mulf %unpack3A_441, %unpack3A_446 : vector<16xf32>
        %add3A_518 = arith.addf %mul3A_510, %mul3A_511 : vector<16xf32>
        %add3A_519 = arith.addf %mul3A_512, %mul3A_513 : vector<16xf32>
        %add3A_520 = arith.addf %mul3A_514, %mul3A_515 : vector<16xf32>
        %add3A_521 = arith.addf %mul3A_516, %mul3A_517 : vector<16xf32>
        %add3A_522 = arith.addf %add3A_518, %add3A_519 : vector<16xf32>
        %add3A_523 = arith.addf %add3A_520, %add3A_521 : vector<16xf32>
        %add3A_524 = arith.addf %add3A_522, %add3A_523 : vector<16xf32>
        %swap3A_525 = arith.constant 5 : i32
        %swap3A_526 = arith.index_cast %swap3A_525 : i32 to index
        %swap3A_527 = arith.constant 0 : index
        %swap3A_528 = tpu.vector_load %arg13[%swap3A_526, %swap3A_527] {strides = array<i32>} : memref<16x16xf32, #tpu.memory_space<vmem>>, vector<16xf32>,
        tpu.vector_store %arg13[%swap3A_526, %swap3A_527], %add3A_524 {strides = array<i32>} : memref<16x16xf32, #tpu.memory_space<vmem>>, vector<16xf32>,
        %mul3A_529 = arith.constant 16 : i32
        %mul3A_530 = arith.muli %scan3A_109, %mul3A_529 : i32
        %add3A_531 = arith.constant 7 : i32
        %add3A_532 = arith.addi %mul3A_530, %add3A_531 : i32
        %get3A_533 = arith.index_cast %add3A_532 : i32 to index
        %get3A_534 = arith.constant 0 : index
        %get3A_535 = tpu.vector_load %arg8[%get3A_533, %get3A_534] {strides = array<i32>} : memref<128x128xbf16, #tpu.memory_space<vmem>>, vector<32xbf16>,
        %unpack3A_536 = tpu.unpack_subelements %get3A_535, 0 {pack_format = #tpu.pack_format<interleaved>} : vector<32xbf16> -> vector<16xf32>
        %unpack3A_537 = tpu.unpack_subelements %get3A_535, 1 {pack_format = #tpu.pack_format<interleaved>} : vector<32xbf16> -> vector<16xf32>
        %get3A_538 = arith.index_cast %add3A_532 : i32 to index
        %get3A_539 = arith.constant 0 : index
        %get3A_540 = tpu.vector_load %arg9[%get3A_538, %get3A_539] {strides = array<i32>} : memref<128x128xbf16, #tpu.memory_space<vmem>>, vector<32xbf16>,
        %unpack3A_541 = tpu.unpack_subelements %get3A_540, 0 {pack_format = #tpu.pack_format<interleaved>} : vector<32xbf16> -> vector<16xf32>
        %unpack3A_542 = tpu.unpack_subelements %get3A_540, 1 {pack_format = #tpu.pack_format<interleaved>} : vector<32xbf16> -> vector<16xf32>
        %get3A_543 = arith.index_cast %add3A_532 : i32 to index
        %get3A_544 = arith.constant 32 : index
        %get3A_545 = tpu.vector_load %arg8[%get3A_543, %get3A_544] {strides = array<i32>} : memref<128x128xbf16, #tpu.memory_space<vmem>>, vector<32xbf16>,
        %unpack3A_546 = tpu.unpack_subelements %get3A_545, 0 {pack_format = #tpu.pack_format<interleaved>} : vector<32xbf16> -> vector<16xf32>
        %unpack3A_547 = tpu.unpack_subelements %get3A_545, 1 {pack_format = #tpu.pack_format<interleaved>} : vector<32xbf16> -> vector<16xf32>
        %get3A_548 = arith.index_cast %add3A_532 : i32 to index
        %get3A_549 = arith.constant 32 : index
        %get3A_550 = tpu.vector_load %arg9[%get3A_548, %get3A_549] {strides = array<i32>} : memref<128x128xbf16, #tpu.memory_space<vmem>>, vector<32xbf16>,
        %unpack3A_551 = tpu.unpack_subelements %get3A_550, 0 {pack_format = #tpu.pack_format<interleaved>} : vector<32xbf16> -> vector<16xf32>
        %unpack3A_552 = tpu.unpack_subelements %get3A_550, 1 {pack_format = #tpu.pack_format<interleaved>} : vector<32xbf16> -> vector<16xf32>
        %get3A_553 = arith.index_cast %add3A_532 : i32 to index
        %get3A_554 = arith.constant 64 : index
        %get3A_555 = tpu.vector_load %arg8[%get3A_553, %get3A_554] {strides = array<i32>} : memref<128x128xbf16, #tpu.memory_space<vmem>>, vector<32xbf16>,
        %unpack3A_556 = tpu.unpack_subelements %get3A_555, 0 {pack_format = #tpu.pack_format<interleaved>} : vector<32xbf16> -> vector<16xf32>
        %unpack3A_557 = tpu.unpack_subelements %get3A_555, 1 {pack_format = #tpu.pack_format<interleaved>} : vector<32xbf16> -> vector<16xf32>
        %get3A_558 = arith.index_cast %add3A_532 : i32 to index
        %get3A_559 = arith.constant 64 : index
        %get3A_560 = tpu.vector_load %arg9[%get3A_558, %get3A_559] {strides = array<i32>} : memref<128x128xbf16, #tpu.memory_space<vmem>>, vector<32xbf16>,
        %unpack3A_561 = tpu.unpack_subelements %get3A_560, 0 {pack_format = #tpu.pack_format<interleaved>} : vector<32xbf16> -> vector<16xf32>
        %unpack3A_562 = tpu.unpack_subelements %get3A_560, 1 {pack_format = #tpu.pack_format<interleaved>} : vector<32xbf16> -> vector<16xf32>
        %get3A_563 = arith.index_cast %add3A_532 : i32 to index
        %get3A_564 = arith.constant 96 : index
        %get3A_565 = tpu.vector_load %arg8[%get3A_563, %get3A_564] {strides = array<i32>} : memref<128x128xbf16, #tpu.memory_space<vmem>>, vector<32xbf16>,
        %unpack3A_566 = tpu.unpack_subelements %get3A_565, 0 {pack_format = #tpu.pack_format<interleaved>} : vector<32xbf16> -> vector<16xf32>
        %unpack3A_567 = tpu.unpack_subelements %get3A_565, 1 {pack_format = #tpu.pack_format<interleaved>} : vector<32xbf16> -> vector<16xf32>
        %get3A_568 = arith.index_cast %add3A_532 : i32 to index
        %get3A_569 = arith.constant 96 : index
        %get3A_570 = tpu.vector_load %arg9[%get3A_568, %get3A_569] {strides = array<i32>} : memref<128x128xbf16, #tpu.memory_space<vmem>>, vector<32xbf16>,
        %unpack3A_571 = tpu.unpack_subelements %get3A_570, 0 {pack_format = #tpu.pack_format<interleaved>} : vector<32xbf16> -> vector<16xf32>
        %unpack3A_572 = tpu.unpack_subelements %get3A_570, 1 {pack_format = #tpu.pack_format<interleaved>} : vector<32xbf16> -> vector<16xf32>
        %mul3A_573 = arith.mulf %unpack3A_473, %unpack3A_478 : vector<16xf32>
        %mul3A_574 = arith.mulf %unpack3A_474, %unpack3A_479 : vector<16xf32>
        %mul3A_575 = arith.mulf %unpack3A_483, %unpack3A_488 : vector<16xf32>
        %mul3A_576 = arith.mulf %unpack3A_484, %unpack3A_489 : vector<16xf32>
        %mul3A_577 = arith.mulf %unpack3A_493, %unpack3A_498 : vector<16xf32>
        %mul3A_578 = arith.mulf %unpack3A_494, %unpack3A_499 : vector<16xf32>
        %mul3A_579 = arith.mulf %unpack3A_503, %unpack3A_508 : vector<16xf32>
        %mul3A_580 = arith.mulf %unpack3A_504, %unpack3A_509 : vector<16xf32>
        %add3A_581 = arith.addf %mul3A_573, %mul3A_574 : vector<16xf32>
        %add3A_582 = arith.addf %mul3A_575, %mul3A_576 : vector<16xf32>
        %add3A_583 = arith.addf %mul3A_577, %mul3A_578 : vector<16xf32>
        %add3A_584 = arith.addf %mul3A_579, %mul3A_580 : vector<16xf32>
        %add3A_585 = arith.addf %add3A_581, %add3A_582 : vector<16xf32>
        %add3A_586 = arith.addf %add3A_583, %add3A_584 : vector<16xf32>
        %add3A_587 = arith.addf %add3A_585, %add3A_586 : vector<16xf32>
        %swap3A_588 = arith.constant 6 : i32
        %swap3A_589 = arith.index_cast %swap3A_588 : i32 to index
        %swap3A_590 = arith.constant 0 : index
        %swap3A_591 = tpu.vector_load %arg13[%swap3A_589, %swap3A_590] {strides = array<i32>} : memref<16x16xf32, #tpu.memory_space<vmem>>, vector<16xf32>,
        tpu.vector_store %arg13[%swap3A_589, %swap3A_590], %add3A_587 {strides = array<i32>} : memref<16x16xf32, #tpu.memory_space<vmem>>, vector<16xf32>,
        %mul3A_592 = arith.constant 16 : i32
        %mul3A_593 = arith.muli %scan3A_109, %mul3A_592 : i32
        %add3A_594 = arith.constant 8 : i32
        %add3A_595 = arith.addi %mul3A_593, %add3A_594 : i32
        %get3A_596 = arith.index_cast %add3A_595 : i32 to index
        %get3A_597 = arith.constant 0 : index
        %get3A_598 = tpu.vector_load %arg8[%get3A_596, %get3A_597] {strides = array<i32>} : memref<128x128xbf16, #tpu.memory_space<vmem>>, vector<32xbf16>,
        %unpack3A_599 = tpu.unpack_subelements %get3A_598, 0 {pack_format = #tpu.pack_format<interleaved>} : vector<32xbf16> -> vector<16xf32>
        %unpack3A_600 = tpu.unpack_subelements %get3A_598, 1 {pack_format = #tpu.pack_format<interleaved>} : vector<32xbf16> -> vector<16xf32>
        %get3A_601 = arith.index_cast %add3A_595 : i32 to index
        %get3A_602 = arith.constant 0 : index
        %get3A_603 = tpu.vector_load %arg9[%get3A_601, %get3A_602] {strides = array<i32>} : memref<128x128xbf16, #tpu.memory_space<vmem>>, vector<32xbf16>,
        %unpack3A_604 = tpu.unpack_subelements %get3A_603, 0 {pack_format = #tpu.pack_format<interleaved>} : vector<32xbf16> -> vector<16xf32>
        %unpack3A_605 = tpu.unpack_subelements %get3A_603, 1 {pack_format = #tpu.pack_format<interleaved>} : vector<32xbf16> -> vector<16xf32>
        %get3A_606 = arith.index_cast %add3A_595 : i32 to index
        %get3A_607 = arith.constant 32 : index
        %get3A_608 = tpu.vector_load %arg8[%get3A_606, %get3A_607] {strides = array<i32>} : memref<128x128xbf16, #tpu.memory_space<vmem>>, vector<32xbf16>,
        %unpack3A_609 = tpu.unpack_subelements %get3A_608, 0 {pack_format = #tpu.pack_format<interleaved>} : vector<32xbf16> -> vector<16xf32>
        %unpack3A_610 = tpu.unpack_subelements %get3A_608, 1 {pack_format = #tpu.pack_format<interleaved>} : vector<32xbf16> -> vector<16xf32>
        %get3A_611 = arith.index_cast %add3A_595 : i32 to index
        %get3A_612 = arith.constant 32 : index
        %get3A_613 = tpu.vector_load %arg9[%get3A_611, %get3A_612] {strides = array<i32>} : memref<128x128xbf16, #tpu.memory_space<vmem>>, vector<32xbf16>,
        %unpack3A_614 = tpu.unpack_subelements %get3A_613, 0 {pack_format = #tpu.pack_format<interleaved>} : vector<32xbf16> -> vector<16xf32>
        %unpack3A_615 = tpu.unpack_subelements %get3A_613, 1 {pack_format = #tpu.pack_format<interleaved>} : vector<32xbf16> -> vector<16xf32>
        %get3A_616 = arith.index_cast %add3A_595 : i32 to index
        %get3A_617 = arith.constant 64 : index
        %get3A_618 = tpu.vector_load %arg8[%get3A_616, %get3A_617] {strides = array<i32>} : memref<128x128xbf16, #tpu.memory_space<vmem>>, vector<32xbf16>,
        %unpack3A_619 = tpu.unpack_subelements %get3A_618, 0 {pack_format = #tpu.pack_format<interleaved>} : vector<32xbf16> -> vector<16xf32>
        %unpack3A_620 = tpu.unpack_subelements %get3A_618, 1 {pack_format = #tpu.pack_format<interleaved>} : vector<32xbf16> -> vector<16xf32>
        %get3A_621 = arith.index_cast %add3A_595 : i32 to index
        %get3A_622 = arith.constant 64 : index
        %get3A_623 = tpu.vector_load %arg9[%get3A_621, %get3A_622] {strides = array<i32>} : memref<128x128xbf16, #tpu.memory_space<vmem>>, vector<32xbf16>,
        %unpack3A_624 = tpu.unpack_subelements %get3A_623, 0 {pack_format = #tpu.pack_format<interleaved>} : vector<32xbf16> -> vector<16xf32>
        %unpack3A_625 = tpu.unpack_subelements %get3A_623, 1 {pack_format = #tpu.pack_format<interleaved>} : vector<32xbf16> -> vector<16xf32>
        %get3A_626 = arith.index_cast %add3A_595 : i32 to index
        %get3A_627 = arith.constant 96 : index
        %get3A_628 = tpu.vector_load %arg8[%get3A_626, %get3A_627] {strides = array<i32>} : memref<128x128xbf16, #tpu.memory_space<vmem>>, vector<32xbf16>,
        %unpack3A_629 = tpu.unpack_subelements %get3A_628, 0 {pack_format = #tpu.pack_format<interleaved>} : vector<32xbf16> -> vector<16xf32>
        %unpack3A_630 = tpu.unpack_subelements %get3A_628, 1 {pack_format = #tpu.pack_format<interleaved>} : vector<32xbf16> -> vector<16xf32>
        %get3A_631 = arith.index_cast %add3A_595 : i32 to index
        %get3A_632 = arith.constant 96 : index
        %get3A_633 = tpu.vector_load %arg9[%get3A_631, %get3A_632] {strides = array<i32>} : memref<128x128xbf16, #tpu.memory_space<vmem>>, vector<32xbf16>,
        %unpack3A_634 = tpu.unpack_subelements %get3A_633, 0 {pack_format = #tpu.pack_format<interleaved>} : vector<32xbf16> -> vector<16xf32>
        %unpack3A_635 = tpu.unpack_subelements %get3A_633, 1 {pack_format = #tpu.pack_format<interleaved>} : vector<32xbf16> -> vector<16xf32>
        %mul3A_636 = arith.mulf %unpack3A_536, %unpack3A_541 : vector<16xf32>
        %mul3A_637 = arith.mulf %unpack3A_537, %unpack3A_542 : vector<16xf32>
        %mul3A_638 = arith.mulf %unpack3A_546, %unpack3A_551 : vector<16xf32>
        %mul3A_639 = arith.mulf %unpack3A_547, %unpack3A_552 : vector<16xf32>
        %mul3A_640 = arith.mulf %unpack3A_556, %unpack3A_561 : vector<16xf32>
        %mul3A_641 = arith.mulf %unpack3A_557, %unpack3A_562 : vector<16xf32>
        %mul3A_642 = arith.mulf %unpack3A_566, %unpack3A_571 : vector<16xf32>
        %mul3A_643 = arith.mulf %unpack3A_567, %unpack3A_572 : vector<16xf32>
        %add3A_644 = arith.addf %mul3A_636, %mul3A_637 : vector<16xf32>
        %add3A_645 = arith.addf %mul3A_638, %mul3A_639 : vector<16xf32>
        %add3A_646 = arith.addf %mul3A_640, %mul3A_641 : vector<16xf32>
        %add3A_647 = arith.addf %mul3A_642, %mul3A_643 : vector<16xf32>
        %add3A_648 = arith.addf %add3A_644, %add3A_645 : vector<16xf32>
        %add3A_649 = arith.addf %add3A_646, %add3A_647 : vector<16xf32>
        %add3A_650 = arith.addf %add3A_648, %add3A_649 : vector<16xf32>
        %swap3A_651 = arith.constant 7 : i32
        %swap3A_652 = arith.index_cast %swap3A_651 : i32 to index
        %swap3A_653 = arith.constant 0 : index
        %swap3A_654 = tpu.vector_load %arg13[%swap3A_652, %swap3A_653] {strides = array<i32>} : memref<16x16xf32, #tpu.memory_space<vmem>>, vector<16xf32>,
        tpu.vector_store %arg13[%swap3A_652, %swap3A_653], %add3A_650 {strides = array<i32>} : memref<16x16xf32, #tpu.memory_space<vmem>>, vector<16xf32>,
        %mul3A_655 = arith.constant 16 : i32
        %mul3A_656 = arith.muli %scan3A_109, %mul3A_655 : i32
        %add3A_657 = arith.constant 9 : i32
        %add3A_658 = arith.addi %mul3A_656, %add3A_657 : i32
        %get3A_659 = arith.index_cast %add3A_658 : i32 to index
        %get3A_660 = arith.constant 0 : index
        %get3A_661 = tpu.vector_load %arg8[%get3A_659, %get3A_660] {strides = array<i32>} : memref<128x128xbf16, #tpu.memory_space<vmem>>, vector<32xbf16>,
        %unpack3A_662 = tpu.unpack_subelements %get3A_661, 0 {pack_format = #tpu.pack_format<interleaved>} : vector<32xbf16> -> vector<16xf32>
        %unpack3A_663 = tpu.unpack_subelements %get3A_661, 1 {pack_format = #tpu.pack_format<interleaved>} : vector<32xbf16> -> vector<16xf32>
        %get3A_664 = arith.index_cast %add3A_658 : i32 to index
        %get3A_665 = arith.constant 0 : index
        %get3A_666 = tpu.vector_load %arg9[%get3A_664, %get3A_665] {strides = array<i32>} : memref<128x128xbf16, #tpu.memory_space<vmem>>, vector<32xbf16>,
        %unpack3A_667 = tpu.unpack_subelements %get3A_666, 0 {pack_format = #tpu.pack_format<interleaved>} : vector<32xbf16> -> vector<16xf32>
        %unpack3A_668 = tpu.unpack_subelements %get3A_666, 1 {pack_format = #tpu.pack_format<interleaved>} : vector<32xbf16> -> vector<16xf32>
        %get3A_669 = arith.index_cast %add3A_658 : i32 to index
        %get3A_670 = arith.constant 32 : index
        %get3A_671 = tpu.vector_load %arg8[%get3A_669, %get3A_670] {strides = array<i32>} : memref<128x128xbf16, #tpu.memory_space<vmem>>, vector<32xbf16>,
        %unpack3A_672 = tpu.unpack_subelements %get3A_671, 0 {pack_format = #tpu.pack_format<interleaved>} : vector<32xbf16> -> vector<16xf32>
        %unpack3A_673 = tpu.unpack_subelements %get3A_671, 1 {pack_format = #tpu.pack_format<interleaved>} : vector<32xbf16> -> vector<16xf32>
        %get3A_674 = arith.index_cast %add3A_658 : i32 to index
        %get3A_675 = arith.constant 32 : index
        %get3A_676 = tpu.vector_load %arg9[%get3A_674, %get3A_675] {strides = array<i32>} : memref<128x128xbf16, #tpu.memory_space<vmem>>, vector<32xbf16>,
        %unpack3A_677 = tpu.unpack_subelements %get3A_676, 0 {pack_format = #tpu.pack_format<interleaved>} : vector<32xbf16> -> vector<16xf32>
        %unpack3A_678 = tpu.unpack_subelements %get3A_676, 1 {pack_format = #tpu.pack_format<interleaved>} : vector<32xbf16> -> vector<16xf32>
        %get3A_679 = arith.index_cast %add3A_658 : i32 to index
        %get3A_680 = arith.constant 64 : index
        %get3A_681 = tpu.vector_load %arg8[%get3A_679, %get3A_680] {strides = array<i32>} : memref<128x128xbf16, #tpu.memory_space<vmem>>, vector<32xbf16>,
        %unpack3A_682 = tpu.unpack_subelements %get3A_681, 0 {pack_format = #tpu.pack_format<interleaved>} : vector<32xbf16> -> vector<16xf32>
        %unpack3A_683 = tpu.unpack_subelements %get3A_681, 1 {pack_format = #tpu.pack_format<interleaved>} : vector<32xbf16> -> vector<16xf32>
        %get3A_684 = arith.index_cast %add3A_658 : i32 to index
        %get3A_685 = arith.constant 64 : index
        %get3A_686 = tpu.vector_load %arg9[%get3A_684, %get3A_685] {strides = array<i32>} : memref<128x128xbf16, #tpu.memory_space<vmem>>, vector<32xbf16>,
        %unpack3A_687 = tpu.unpack_subelements %get3A_686, 0 {pack_format = #tpu.pack_format<interleaved>} : vector<32xbf16> -> vector<16xf32>
        %unpack3A_688 = tpu.unpack_subelements %get3A_686, 1 {pack_format = #tpu.pack_format<interleaved>} : vector<32xbf16> -> vector<16xf32>
        %get3A_689 = arith.index_cast %add3A_658 : i32 to index
        %get3A_690 = arith.constant 96 : index
        %get3A_691 = tpu.vector_load %arg8[%get3A_689, %get3A_690] {strides = array<i32>} : memref<128x128xbf16, #tpu.memory_space<vmem>>, vector<32xbf16>,
        %unpack3A_692 = tpu.unpack_subelements %get3A_691, 0 {pack_format = #tpu.pack_format<interleaved>} : vector<32xbf16> -> vector<16xf32>
        %unpack3A_693 = tpu.unpack_subelements %get3A_691, 1 {pack_format = #tpu.pack_format<interleaved>} : vector<32xbf16> -> vector<16xf32>
        %get3A_694 = arith.index_cast %add3A_658 : i32 to index
        %get3A_695 = arith.constant 96 : index
        %get3A_696 = tpu.vector_load %arg9[%get3A_694, %get3A_695] {strides = array<i32>} : memref<128x128xbf16, #tpu.memory_space<vmem>>, vector<32xbf16>,
        %unpack3A_697 = tpu.unpack_subelements %get3A_696, 0 {pack_format = #tpu.pack_format<interleaved>} : vector<32xbf16> -> vector<16xf32>
        %unpack3A_698 = tpu.unpack_subelements %get3A_696, 1 {pack_format = #tpu.pack_format<interleaved>} : vector<32xbf16> -> vector<16xf32>
        %mul3A_699 = arith.mulf %unpack3A_599, %unpack3A_604 : vector<16xf32>
        %mul3A_700 = arith.mulf %unpack3A_600, %unpack3A_605 : vector<16xf32>
        %mul3A_701 = arith.mulf %unpack3A_609, %unpack3A_614 : vector<16xf32>
        %mul3A_702 = arith.mulf %unpack3A_610, %unpack3A_615 : vector<16xf32>
        %mul3A_703 = arith.mulf %unpack3A_619, %unpack3A_624 : vector<16xf32>
        %mul3A_704 = arith.mulf %unpack3A_620, %unpack3A_625 : vector<16xf32>
        %mul3A_705 = arith.mulf %unpack3A_629, %unpack3A_634 : vector<16xf32>
        %mul3A_706 = arith.mulf %unpack3A_630, %unpack3A_635 : vector<16xf32>
        %add3A_707 = arith.addf %mul3A_699, %mul3A_700 : vector<16xf32>
        %add3A_708 = arith.addf %mul3A_701, %mul3A_702 : vector<16xf32>
        %add3A_709 = arith.addf %mul3A_703, %mul3A_704 : vector<16xf32>
        %add3A_710 = arith.addf %mul3A_705, %mul3A_706 : vector<16xf32>
        %add3A_711 = arith.addf %add3A_707, %add3A_708 : vector<16xf32>
        %add3A_712 = arith.addf %add3A_709, %add3A_710 : vector<16xf32>
        %add3A_713 = arith.addf %add3A_711, %add3A_712 : vector<16xf32>
        %swap3A_714 = arith.constant 8 : i32
        %swap3A_715 = arith.index_cast %swap3A_714 : i32 to index
        %swap3A_716 = arith.constant 0 : index
        %swap3A_717 = tpu.vector_load %arg13[%swap3A_715, %swap3A_716] {strides = array<i32>} : memref<16x16xf32, #tpu.memory_space<vmem>>, vector<16xf32>,
        tpu.vector_store %arg13[%swap3A_715, %swap3A_716], %add3A_713 {strides = array<i32>} : memref<16x16xf32, #tpu.memory_space<vmem>>, vector<16xf32>,
        %mul3A_718 = arith.constant 16 : i32
        %mul3A_719 = arith.muli %scan3A_109, %mul3A_718 : i32
        %add3A_720 = arith.constant 10 : i32
        %add3A_721 = arith.addi %mul3A_719, %add3A_720 : i32
        %get3A_722 = arith.index_cast %add3A_721 : i32 to index
        %get3A_723 = arith.constant 0 : index
        %get3A_724 = tpu.vector_load %arg8[%get3A_722, %get3A_723] {strides = array<i32>} : memref<128x128xbf16, #tpu.memory_space<vmem>>, vector<32xbf16>,
        %unpack3A_725 = tpu.unpack_subelements %get3A_724, 0 {pack_format = #tpu.pack_format<interleaved>} : vector<32xbf16> -> vector<16xf32>
        %unpack3A_726 = tpu.unpack_subelements %get3A_724, 1 {pack_format = #tpu.pack_format<interleaved>} : vector<32xbf16> -> vector<16xf32>
        %get3A_727 = arith.index_cast %add3A_721 : i32 to index
        %get3A_728 = arith.constant 0 : index
        %get3A_729 = tpu.vector_load %arg9[%get3A_727, %get3A_728] {strides = array<i32>} : memref<128x128xbf16, #tpu.memory_space<vmem>>, vector<32xbf16>,
        %unpack3A_730 = tpu.unpack_subelements %get3A_729, 0 {pack_format = #tpu.pack_format<interleaved>} : vector<32xbf16> -> vector<16xf32>
        %unpack3A_731 = tpu.unpack_subelements %get3A_729, 1 {pack_format = #tpu.pack_format<interleaved>} : vector<32xbf16> -> vector<16xf32>
        %get3A_732 = arith.index_cast %add3A_721 : i32 to index
        %get3A_733 = arith.constant 32 : index
        %get3A_734 = tpu.vector_load %arg8[%get3A_732, %get3A_733] {strides = array<i32>} : memref<128x128xbf16, #tpu.memory_space<vmem>>, vector<32xbf16>,
        %unpack3A_735 = tpu.unpack_subelements %get3A_734, 0 {pack_format = #tpu.pack_format<interleaved>} : vector<32xbf16> -> vector<16xf32>
        %unpack3A_736 = tpu.unpack_subelements %get3A_734, 1 {pack_format = #tpu.pack_format<interleaved>} : vector<32xbf16> -> vector<16xf32>
        %get3A_737 = arith.index_cast %add3A_721 : i32 to index
        %get3A_738 = arith.constant 32 : index
        %get3A_739 = tpu.vector_load %arg9[%get3A_737, %get3A_738] {strides = array<i32>} : memref<128x128xbf16, #tpu.memory_space<vmem>>, vector<32xbf16>,
        %unpack3A_740 = tpu.unpack_subelements %get3A_739, 0 {pack_format = #tpu.pack_format<interleaved>} : vector<32xbf16> -> vector<16xf32>
        %unpack3A_741 = tpu.unpack_subelements %get3A_739, 1 {pack_format = #tpu.pack_format<interleaved>} : vector<32xbf16> -> vector<16xf32>
        %get3A_742 = arith.index_cast %add3A_721 : i32 to index
        %get3A_743 = arith.constant 64 : index
        %get3A_744 = tpu.vector_load %arg8[%get3A_742, %get3A_743] {strides = array<i32>} : memref<128x128xbf16, #tpu.memory_space<vmem>>, vector<32xbf16>,
        %unpack3A_745 = tpu.unpack_subelements %get3A_744, 0 {pack_format = #tpu.pack_format<interleaved>} : vector<32xbf16> -> vector<16xf32>
        %unpack3A_746 = tpu.unpack_subelements %get3A_744, 1 {pack_format = #tpu.pack_format<interleaved>} : vector<32xbf16> -> vector<16xf32>
        %get3A_747 = arith.index_cast %add3A_721 : i32 to index
        %get3A_748 = arith.constant 64 : index
        %get3A_749 = tpu.vector_load %arg9[%get3A_747, %get3A_748] {strides = array<i32>} : memref<128x128xbf16, #tpu.memory_space<vmem>>, vector<32xbf16>,
        %unpack3A_750 = tpu.unpack_subelements %get3A_749, 0 {pack_format = #tpu.pack_format<interleaved>} : vector<32xbf16> -> vector<16xf32>
        %unpack3A_751 = tpu.unpack_subelements %get3A_749, 1 {pack_format = #tpu.pack_format<interleaved>} : vector<32xbf16> -> vector<16xf32>
        %get3A_752 = arith.index_cast %add3A_721 : i32 to index
        %get3A_753 = arith.constant 96 : index
        %get3A_754 = tpu.vector_load %arg8[%get3A_752, %get3A_753] {strides = array<i32>} : memref<128x128xbf16, #tpu.memory_space<vmem>>, vector<32xbf16>,
        %unpack3A_755 = tpu.unpack_subelements %get3A_754, 0 {pack_format = #tpu.pack_format<interleaved>} : vector<32xbf16> -> vector<16xf32>
        %unpack3A_756 = tpu.unpack_subelements %get3A_754, 1 {pack_format = #tpu.pack_format<interleaved>} : vector<32xbf16> -> vector<16xf32>
        %get3A_757 = arith.index_cast %add3A_721 : i32 to index
        %get3A_758 = arith.constant 96 : index
        %get3A_759 = tpu.vector_load %arg9[%get3A_757, %get3A_758] {strides = array<i32>} : memref<128x128xbf16, #tpu.memory_space<vmem>>, vector<32xbf16>,
        %unpack3A_760 = tpu.unpack_subelements %get3A_759, 0 {pack_format = #tpu.pack_format<interleaved>} : vector<32xbf16> -> vector<16xf32>
        %unpack3A_761 = tpu.unpack_subelements %get3A_759, 1 {pack_format = #tpu.pack_format<interleaved>} : vector<32xbf16> -> vector<16xf32>
        %mul3A_762 = arith.mulf %unpack3A_662, %unpack3A_667 : vector<16xf32>
        %mul3A_763 = arith.mulf %unpack3A_663, %unpack3A_668 : vector<16xf32>
        %mul3A_764 = arith.mulf %unpack3A_672, %unpack3A_677 : vector<16xf32>
        %mul3A_765 = arith.mulf %unpack3A_673, %unpack3A_678 : vector<16xf32>
        %mul3A_766 = arith.mulf %unpack3A_682, %unpack3A_687 : vector<16xf32>
        %mul3A_767 = arith.mulf %unpack3A_683, %unpack3A_688 : vector<16xf32>
        %mul3A_768 = arith.mulf %unpack3A_692, %unpack3A_697 : vector<16xf32>
        %mul3A_769 = arith.mulf %unpack3A_693, %unpack3A_698 : vector<16xf32>
        %add3A_770 = arith.addf %mul3A_762, %mul3A_763 : vector<16xf32>
        %add3A_771 = arith.addf %mul3A_764, %mul3A_765 : vector<16xf32>
        %add3A_772 = arith.addf %mul3A_766, %mul3A_767 : vector<16xf32>
        %add3A_773 = arith.addf %mul3A_768, %mul3A_769 : vector<16xf32>
        %add3A_774 = arith.addf %add3A_770, %add3A_771 : vector<16xf32>
        %add3A_775 = arith.addf %add3A_772, %add3A_773 : vector<16xf32>
        %add3A_776 = arith.addf %add3A_774, %add3A_775 : vector<16xf32>
        %swap3A_777 = arith.constant 9 : i32
        %swap3A_778 = arith.index_cast %swap3A_777 : i32 to index
        %swap3A_779 = arith.constant 0 : index
        %swap3A_780 = tpu.vector_load %arg13[%swap3A_778, %swap3A_779] {strides = array<i32>} : memref<16x16xf32, #tpu.memory_space<vmem>>, vector<16xf32>,
        tpu.vector_store %arg13[%swap3A_778, %swap3A_779], %add3A_776 {strides = array<i32>} : memref<16x16xf32, #tpu.memory_space<vmem>>, vector<16xf32>,
        %mul3A_781 = arith.constant 16 : i32
        %mul3A_782 = arith.muli %scan3A_109, %mul3A_781 : i32
        %add3A_783 = arith.constant 11 : i32
        %add3A_784 = arith.addi %mul3A_782, %add3A_783 : i32
        %get3A_785 = arith.index_cast %add3A_784 : i32 to index
        %get3A_786 = arith.constant 0 : index
        %get3A_787 = tpu.vector_load %arg8[%get3A_785, %get3A_786] {strides = array<i32>} : memref<128x128xbf16, #tpu.memory_space<vmem>>, vector<32xbf16>,
        %unpack3A_788 = tpu.unpack_subelements %get3A_787, 0 {pack_format = #tpu.pack_format<interleaved>} : vector<32xbf16> -> vector<16xf32>
        %unpack3A_789 = tpu.unpack_subelements %get3A_787, 1 {pack_format = #tpu.pack_format<interleaved>} : vector<32xbf16> -> vector<16xf32>
        %get3A_790 = arith.index_cast %add3A_784 : i32 to index
        %get3A_791 = arith.constant 0 : index
        %get3A_792 = tpu.vector_load %arg9[%get3A_790, %get3A_791] {strides = array<i32>} : memref<128x128xbf16, #tpu.memory_space<vmem>>, vector<32xbf16>,
        %unpack3A_793 = tpu.unpack_subelements %get3A_792, 0 {pack_format = #tpu.pack_format<interleaved>} : vector<32xbf16> -> vector<16xf32>
        %unpack3A_794 = tpu.unpack_subelements %get3A_792, 1 {pack_format = #tpu.pack_format<interleaved>} : vector<32xbf16> -> vector<16xf32>
        %get3A_795 = arith.index_cast %add3A_784 : i32 to index
        %get3A_796 = arith.constant 32 : index
        %get3A_797 = tpu.vector_load %arg8[%get3A_795, %get3A_796] {strides = array<i32>} : memref<128x128xbf16, #tpu.memory_space<vmem>>, vector<32xbf16>,
        %unpack3A_798 = tpu.unpack_subelements %get3A_797, 0 {pack_format = #tpu.pack_format<interleaved>} : vector<32xbf16> -> vector<16xf32>
        %unpack3A_799 = tpu.unpack_subelements %get3A_797, 1 {pack_format = #tpu.pack_format<interleaved>} : vector<32xbf16> -> vector<16xf32>
        %get3A_800 = arith.index_cast %add3A_784 : i32 to index
        %get3A_801 = arith.constant 32 : index
        %get3A_802 = tpu.vector_load %arg9[%get3A_800, %get3A_801] {strides = array<i32>} : memref<128x128xbf16, #tpu.memory_space<vmem>>, vector<32xbf16>,
        %unpack3A_803 = tpu.unpack_subelements %get3A_802, 0 {pack_format = #tpu.pack_format<interleaved>} : vector<32xbf16> -> vector<16xf32>
        %unpack3A_804 = tpu.unpack_subelements %get3A_802, 1 {pack_format = #tpu.pack_format<interleaved>} : vector<32xbf16> -> vector<16xf32>
        %get3A_805 = arith.index_cast %add3A_784 : i32 to index
        %get3A_806 = arith.constant 64 : index
        %get3A_807 = tpu.vector_load %arg8[%get3A_805, %get3A_806] {strides = array<i32>} : memref<128x128xbf16, #tpu.memory_space<vmem>>, vector<32xbf16>,
        %unpack3A_808 = tpu.unpack_subelements %get3A_807, 0 {pack_format = #tpu.pack_format<interleaved>} : vector<32xbf16> -> vector<16xf32>
        %unpack3A_809 = tpu.unpack_subelements %get3A_807, 1 {pack_format = #tpu.pack_format<interleaved>} : vector<32xbf16> -> vector<16xf32>
        %get3A_810 = arith.index_cast %add3A_784 : i32 to index
        %get3A_811 = arith.constant 64 : index
        %get3A_812 = tpu.vector_load %arg9[%get3A_810, %get3A_811] {strides = array<i32>} : memref<128x128xbf16, #tpu.memory_space<vmem>>, vector<32xbf16>,
        %unpack3A_813 = tpu.unpack_subelements %get3A_812, 0 {pack_format = #tpu.pack_format<interleaved>} : vector<32xbf16> -> vector<16xf32>
        %unpack3A_814 = tpu.unpack_subelements %get3A_812, 1 {pack_format = #tpu.pack_format<interleaved>} : vector<32xbf16> -> vector<16xf32>
        %get3A_815 = arith.index_cast %add3A_784 : i32 to index
        %get3A_816 = arith.constant 96 : index
        %get3A_817 = tpu.vector_load %arg8[%get3A_815, %get3A_816] {strides = array<i32>} : memref<128x128xbf16, #tpu.memory_space<vmem>>, vector<32xbf16>,
        %unpack3A_818 = tpu.unpack_subelements %get3A_817, 0 {pack_format = #tpu.pack_format<interleaved>} : vector<32xbf16> -> vector<16xf32>
        %unpack3A_819 = tpu.unpack_subelements %get3A_817, 1 {pack_format = #tpu.pack_format<interleaved>} : vector<32xbf16> -> vector<16xf32>
        %get3A_820 = arith.index_cast %add3A_784 : i32 to index
        %get3A_821 = arith.constant 96 : index
        %get3A_822 = tpu.vector_load %arg9[%get3A_820, %get3A_821] {strides = array<i32>} : memref<128x128xbf16, #tpu.memory_space<vmem>>, vector<32xbf16>,
        %unpack3A_823 = tpu.unpack_subelements %get3A_822, 0 {pack_format = #tpu.pack_format<interleaved>} : vector<32xbf16> -> vector<16xf32>
        %unpack3A_824 = tpu.unpack_subelements %get3A_822, 1 {pack_format = #tpu.pack_format<interleaved>} : vector<32xbf16> -> vector<16xf32>
        %mul3A_825 = arith.mulf %unpack3A_725, %unpack3A_730 : vector<16xf32>
        %mul3A_826 = arith.mulf %unpack3A_726, %unpack3A_731 : vector<16xf32>
        %mul3A_827 = arith.mulf %unpack3A_735, %unpack3A_740 : vector<16xf32>
        %mul3A_828 = arith.mulf %unpack3A_736, %unpack3A_741 : vector<16xf32>
        %mul3A_829 = arith.mulf %unpack3A_745, %unpack3A_750 : vector<16xf32>
        %mul3A_830 = arith.mulf %unpack3A_746, %unpack3A_751 : vector<16xf32>
        %mul3A_831 = arith.mulf %unpack3A_755, %unpack3A_760 : vector<16xf32>
        %mul3A_832 = arith.mulf %unpack3A_756, %unpack3A_761 : vector<16xf32>
        %add3A_833 = arith.addf %mul3A_825, %mul3A_826 : vector<16xf32>
        %add3A_834 = arith.addf %mul3A_827, %mul3A_828 : vector<16xf32>
        %add3A_835 = arith.addf %mul3A_829, %mul3A_830 : vector<16xf32>
        %add3A_836 = arith.addf %mul3A_831, %mul3A_832 : vector<16xf32>
        %add3A_837 = arith.addf %add3A_833, %add3A_834 : vector<16xf32>
        %add3A_838 = arith.addf %add3A_835, %add3A_836 : vector<16xf32>
        %add3A_839 = arith.addf %add3A_837, %add3A_838 : vector<16xf32>
        %swap3A_840 = arith.constant 10 : i32
        %swap3A_841 = arith.index_cast %swap3A_840 : i32 to index
        %swap3A_842 = arith.constant 0 : index
        %swap3A_843 = tpu.vector_load %arg13[%swap3A_841, %swap3A_842] {strides = array<i32>} : memref<16x16xf32, #tpu.memory_space<vmem>>, vector<16xf32>,
        tpu.vector_store %arg13[%swap3A_841, %swap3A_842], %add3A_839 {strides = array<i32>} : memref<16x16xf32, #tpu.memory_space<vmem>>, vector<16xf32>,
        %mul3A_844 = arith.constant 16 : i32
        %mul3A_845 = arith.muli %scan3A_109, %mul3A_844 : i32
        %add3A_846 = arith.constant 12 : i32
        %add3A_847 = arith.addi %mul3A_845, %add3A_846 : i32
        %get3A_848 = arith.index_cast %add3A_847 : i32 to index
        %get3A_849 = arith.constant 0 : index
        %get3A_850 = tpu.vector_load %arg8[%get3A_848, %get3A_849] {strides = array<i32>} : memref<128x128xbf16, #tpu.memory_space<vmem>>, vector<32xbf16>,
        %unpack3A_851 = tpu.unpack_subelements %get3A_850, 0 {pack_format = #tpu.pack_format<interleaved>} : vector<32xbf16> -> vector<16xf32>
        %unpack3A_852 = tpu.unpack_subelements %get3A_850, 1 {pack_format = #tpu.pack_format<interleaved>} : vector<32xbf16> -> vector<16xf32>
        %get3A_853 = arith.index_cast %add3A_847 : i32 to index
        %get3A_854 = arith.constant 0 : index
        %get3A_855 = tpu.vector_load %arg9[%get3A_853, %get3A_854] {strides = array<i32>} : memref<128x128xbf16, #tpu.memory_space<vmem>>, vector<32xbf16>,
        %unpack3A_856 = tpu.unpack_subelements %get3A_855, 0 {pack_format = #tpu.pack_format<interleaved>} : vector<32xbf16> -> vector<16xf32>
        %unpack3A_857 = tpu.unpack_subelements %get3A_855, 1 {pack_format = #tpu.pack_format<interleaved>} : vector<32xbf16> -> vector<16xf32>
        %get3A_858 = arith.index_cast %add3A_847 : i32 to index
        %get3A_859 = arith.constant 32 : index
        %get3A_860 = tpu.vector_load %arg8[%get3A_858, %get3A_859] {strides = array<i32>} : memref<128x128xbf16, #tpu.memory_space<vmem>>, vector<32xbf16>,
        %unpack3A_861 = tpu.unpack_subelements %get3A_860, 0 {pack_format = #tpu.pack_format<interleaved>} : vector<32xbf16> -> vector<16xf32>
        %unpack3A_862 = tpu.unpack_subelements %get3A_860, 1 {pack_format = #tpu.pack_format<interleaved>} : vector<32xbf16> -> vector<16xf32>
        %get3A_863 = arith.index_cast %add3A_847 : i32 to index
        %get3A_864 = arith.constant 32 : index
        %get3A_865 = tpu.vector_load %arg9[%get3A_863, %get3A_864] {strides = array<i32>} : memref<128x128xbf16, #tpu.memory_space<vmem>>, vector<32xbf16>,
        %unpack3A_866 = tpu.unpack_subelements %get3A_865, 0 {pack_format = #tpu.pack_format<interleaved>} : vector<32xbf16> -> vector<16xf32>
        %unpack3A_867 = tpu.unpack_subelements %get3A_865, 1 {pack_format = #tpu.pack_format<interleaved>} : vector<32xbf16> -> vector<16xf32>
        %get3A_868 = arith.index_cast %add3A_847 : i32 to index
        %get3A_869 = arith.constant 64 : index
        %get3A_870 = tpu.vector_load %arg8[%get3A_868, %get3A_869] {strides = array<i32>} : memref<128x128xbf16, #tpu.memory_space<vmem>>, vector<32xbf16>,
        %unpack3A_871 = tpu.unpack_subelements %get3A_870, 0 {pack_format = #tpu.pack_format<interleaved>} : vector<32xbf16> -> vector<16xf32>
        %unpack3A_872 = tpu.unpack_subelements %get3A_870, 1 {pack_format = #tpu.pack_format<interleaved>} : vector<32xbf16> -> vector<16xf32>
        %get3A_873 = arith.index_cast %add3A_847 : i32 to index
        %get3A_874 = arith.constant 64 : index
        %get3A_875 = tpu.vector_load %arg9[%get3A_873, %get3A_874] {strides = array<i32>} : memref<128x128xbf16, #tpu.memory_space<vmem>>, vector<32xbf16>,
        %unpack3A_876 = tpu.unpack_subelements %get3A_875, 0 {pack_format = #tpu.pack_format<interleaved>} : vector<32xbf16> -> vector<16xf32>
        %unpack3A_877 = tpu.unpack_subelements %get3A_875, 1 {pack_format = #tpu.pack_format<interleaved>} : vector<32xbf16> -> vector<16xf32>
        %get3A_878 = arith.index_cast %add3A_847 : i32 to index
        %get3A_879 = arith.constant 96 : index
        %get3A_880 = tpu.vector_load %arg8[%get3A_878, %get3A_879] {strides = array<i32>} : memref<128x128xbf16, #tpu.memory_space<vmem>>, vector<32xbf16>,
        %unpack3A_881 = tpu.unpack_subelements %get3A_880, 0 {pack_format = #tpu.pack_format<interleaved>} : vector<32xbf16> -> vector<16xf32>
        %unpack3A_882 = tpu.unpack_subelements %get3A_880, 1 {pack_format = #tpu.pack_format<interleaved>} : vector<32xbf16> -> vector<16xf32>
        %get3A_883 = arith.index_cast %add3A_847 : i32 to index
        %get3A_884 = arith.constant 96 : index
        %get3A_885 = tpu.vector_load %arg9[%get3A_883, %get3A_884] {strides = array<i32>} : memref<128x128xbf16, #tpu.memory_space<vmem>>, vector<32xbf16>,
        %unpack3A_886 = tpu.unpack_subelements %get3A_885, 0 {pack_format = #tpu.pack_format<interleaved>} : vector<32xbf16> -> vector<16xf32>
        %unpack3A_887 = tpu.unpack_subelements %get3A_885, 1 {pack_format = #tpu.pack_format<interleaved>} : vector<32xbf16> -> vector<16xf32>
        %mul3A_888 = arith.mulf %unpack3A_788, %unpack3A_793 : vector<16xf32>
        %mul3A_889 = arith.mulf %unpack3A_789, %unpack3A_794 : vector<16xf32>
        %mul3A_890 = arith.mulf %unpack3A_798, %unpack3A_803 : vector<16xf32>
        %mul3A_891 = arith.mulf %unpack3A_799, %unpack3A_804 : vector<16xf32>
        %mul3A_892 = arith.mulf %unpack3A_808, %unpack3A_813 : vector<16xf32>
        %mul3A_893 = arith.mulf %unpack3A_809, %unpack3A_814 : vector<16xf32>
        %mul3A_894 = arith.mulf %unpack3A_818, %unpack3A_823 : vector<16xf32>
        %mul3A_895 = arith.mulf %unpack3A_819, %unpack3A_824 : vector<16xf32>
        %add3A_896 = arith.addf %mul3A_888, %mul3A_889 : vector<16xf32>
        %add3A_897 = arith.addf %mul3A_890, %mul3A_891 : vector<16xf32>
        %add3A_898 = arith.addf %mul3A_892, %mul3A_893 : vector<16xf32>
        %add3A_899 = arith.addf %mul3A_894, %mul3A_895 : vector<16xf32>
        %add3A_900 = arith.addf %add3A_896, %add3A_897 : vector<16xf32>
        %add3A_901 = arith.addf %add3A_898, %add3A_899 : vector<16xf32>
        %add3A_902 = arith.addf %add3A_900, %add3A_901 : vector<16xf32>
        %swap3A_903 = arith.constant 11 : i32
        %swap3A_904 = arith.index_cast %swap3A_903 : i32 to index
        %swap3A_905 = arith.constant 0 : index
        %swap3A_906 = tpu.vector_load %arg13[%swap3A_904, %swap3A_905] {strides = array<i32>} : memref<16x16xf32, #tpu.memory_space<vmem>>, vector<16xf32>,
        tpu.vector_store %arg13[%swap3A_904, %swap3A_905], %add3A_902 {strides = array<i32>} : memref<16x16xf32, #tpu.memory_space<vmem>>, vector<16xf32>,
        %mul3A_907 = arith.constant 16 : i32
        %mul3A_908 = arith.muli %scan3A_109, %mul3A_907 : i32
        %add3A_909 = arith.constant 13 : i32
        %add3A_910 = arith.addi %mul3A_908, %add3A_909 : i32
        %get3A_911 = arith.index_cast %add3A_910 : i32 to index
        %get3A_912 = arith.constant 0 : index
        %get3A_913 = tpu.vector_load %arg8[%get3A_911, %get3A_912] {strides = array<i32>} : memref<128x128xbf16, #tpu.memory_space<vmem>>, vector<32xbf16>,
        %unpack3A_914 = tpu.unpack_subelements %get3A_913, 0 {pack_format = #tpu.pack_format<interleaved>} : vector<32xbf16> -> vector<16xf32>
        %unpack3A_915 = tpu.unpack_subelements %get3A_913, 1 {pack_format = #tpu.pack_format<interleaved>} : vector<32xbf16> -> vector<16xf32>
        %get3A_916 = arith.index_cast %add3A_910 : i32 to index
        %get3A_917 = arith.constant 0 : index
        %get3A_918 = tpu.vector_load %arg9[%get3A_916, %get3A_917] {strides = array<i32>} : memref<128x128xbf16, #tpu.memory_space<vmem>>, vector<32xbf16>,
        %unpack3A_919 = tpu.unpack_subelements %get3A_918, 0 {pack_format = #tpu.pack_format<interleaved>} : vector<32xbf16> -> vector<16xf32>
        %unpack3A_920 = tpu.unpack_subelements %get3A_918, 1 {pack_format = #tpu.pack_format<interleaved>} : vector<32xbf16> -> vector<16xf32>
        %get3A_921 = arith.index_cast %add3A_910 : i32 to index
        %get3A_922 = arith.constant 32 : index
        %get3A_923 = tpu.vector_load %arg8[%get3A_921, %get3A_922] {strides = array<i32>} : memref<128x128xbf16, #tpu.memory_space<vmem>>, vector<32xbf16>,
        %unpack3A_924 = tpu.unpack_subelements %get3A_923, 0 {pack_format = #tpu.pack_format<interleaved>} : vector<32xbf16> -> vector<16xf32>
        %unpack3A_925 = tpu.unpack_subelements %get3A_923, 1 {pack_format = #tpu.pack_format<interleaved>} : vector<32xbf16> -> vector<16xf32>
        %get3A_926 = arith.index_cast %add3A_910 : i32 to index
        %get3A_927 = arith.constant 32 : index
        %get3A_928 = tpu.vector_load %arg9[%get3A_926, %get3A_927] {strides = array<i32>} : memref<128x128xbf16, #tpu.memory_space<vmem>>, vector<32xbf16>,
        %unpack3A_929 = tpu.unpack_subelements %get3A_928, 0 {pack_format = #tpu.pack_format<interleaved>} : vector<32xbf16> -> vector<16xf32>
        %unpack3A_930 = tpu.unpack_subelements %get3A_928, 1 {pack_format = #tpu.pack_format<interleaved>} : vector<32xbf16> -> vector<16xf32>
        %get3A_931 = arith.index_cast %add3A_910 : i32 to index
        %get3A_932 = arith.constant 64 : index
        %get3A_933 = tpu.vector_load %arg8[%get3A_931, %get3A_932] {strides = array<i32>} : memref<128x128xbf16, #tpu.memory_space<vmem>>, vector<32xbf16>,
        %unpack3A_934 = tpu.unpack_subelements %get3A_933, 0 {pack_format = #tpu.pack_format<interleaved>} : vector<32xbf16> -> vector<16xf32>
        %unpack3A_935 = tpu.unpack_subelements %get3A_933, 1 {pack_format = #tpu.pack_format<interleaved>} : vector<32xbf16> -> vector<16xf32>
        %get3A_936 = arith.index_cast %add3A_910 : i32 to index
        %get3A_937 = arith.constant 64 : index
        %get3A_938 = tpu.vector_load %arg9[%get3A_936, %get3A_937] {strides = array<i32>} : memref<128x128xbf16, #tpu.memory_space<vmem>>, vector<32xbf16>,
        %unpack3A_939 = tpu.unpack_subelements %get3A_938, 0 {pack_format = #tpu.pack_format<interleaved>} : vector<32xbf16> -> vector<16xf32>
        %unpack3A_940 = tpu.unpack_subelements %get3A_938, 1 {pack_format = #tpu.pack_format<interleaved>} : vector<32xbf16> -> vector<16xf32>
        %get3A_941 = arith.index_cast %add3A_910 : i32 to index
        %get3A_942 = arith.constant 96 : index
        %get3A_943 = tpu.vector_load %arg8[%get3A_941, %get3A_942] {strides = array<i32>} : memref<128x128xbf16, #tpu.memory_space<vmem>>, vector<32xbf16>,
        %unpack3A_944 = tpu.unpack_subelements %get3A_943, 0 {pack_format = #tpu.pack_format<interleaved>} : vector<32xbf16> -> vector<16xf32>
        %unpack3A_945 = tpu.unpack_subelements %get3A_943, 1 {pack_format = #tpu.pack_format<interleaved>} : vector<32xbf16> -> vector<16xf32>
        %get3A_946 = arith.index_cast %add3A_910 : i32 to index
        %get3A_947 = arith.constant 96 : index
        %get3A_948 = tpu.vector_load %arg9[%get3A_946, %get3A_947] {strides = array<i32>} : memref<128x128xbf16, #tpu.memory_space<vmem>>, vector<32xbf16>,
        %unpack3A_949 = tpu.unpack_subelements %get3A_948, 0 {pack_format = #tpu.pack_format<interleaved>} : vector<32xbf16> -> vector<16xf32>
        %unpack3A_950 = tpu.unpack_subelements %get3A_948, 1 {pack_format = #tpu.pack_format<interleaved>} : vector<32xbf16> -> vector<16xf32>
        %mul3A_951 = arith.mulf %unpack3A_851, %unpack3A_856 : vector<16xf32>
        %mul3A_952 = arith.mulf %unpack3A_852, %unpack3A_857 : vector<16xf32>
        %mul3A_953 = arith.mulf %unpack3A_861, %unpack3A_866 : vector<16xf32>
        %mul3A_954 = arith.mulf %unpack3A_862, %unpack3A_867 : vector<16xf32>
        %mul3A_955 = arith.mulf %unpack3A_871, %unpack3A_876 : vector<16xf32>
        %mul3A_956 = arith.mulf %unpack3A_872, %unpack3A_877 : vector<16xf32>
        %mul3A_957 = arith.mulf %unpack3A_881, %unpack3A_886 : vector<16xf32>
        %mul3A_958 = arith.mulf %unpack3A_882, %unpack3A_887 : vector<16xf32>
        %add3A_959 = arith.addf %mul3A_951, %mul3A_952 : vector<16xf32>
        %add3A_960 = arith.addf %mul3A_953, %mul3A_954 : vector<16xf32>
        %add3A_961 = arith.addf %mul3A_955, %mul3A_956 : vector<16xf32>
        %add3A_962 = arith.addf %mul3A_957, %mul3A_958 : vector<16xf32>
        %add3A_963 = arith.addf %add3A_959, %add3A_960 : vector<16xf32>
        %add3A_964 = arith.addf %add3A_961, %add3A_962 : vector<16xf32>
        %add3A_965 = arith.addf %add3A_963, %add3A_964 : vector<16xf32>
        %swap3A_966 = arith.constant 12 : i32
        %swap3A_967 = arith.index_cast %swap3A_966 : i32 to index
        %swap3A_968 = arith.constant 0 : index
        %swap3A_969 = tpu.vector_load %arg13[%swap3A_967, %swap3A_968] {strides = array<i32>} : memref<16x16xf32, #tpu.memory_space<vmem>>, vector<16xf32>,
        tpu.vector_store %arg13[%swap3A_967, %swap3A_968], %add3A_965 {strides = array<i32>} : memref<16x16xf32, #tpu.memory_space<vmem>>, vector<16xf32>,
        %mul3A_970 = arith.constant 16 : i32
        %mul3A_971 = arith.muli %scan3A_109, %mul3A_970 : i32
        %add3A_972 = arith.constant 14 : i32
        %add3A_973 = arith.addi %mul3A_971, %add3A_972 : i32
        %get3A_974 = arith.index_cast %add3A_973 : i32 to index
        %get3A_975 = arith.constant 0 : index
        %get3A_976 = tpu.vector_load %arg8[%get3A_974, %get3A_975] {strides = array<i32>} : memref<128x128xbf16, #tpu.memory_space<vmem>>, vector<32xbf16>,
        %unpack3A_977 = tpu.unpack_subelements %get3A_976, 0 {pack_format = #tpu.pack_format<interleaved>} : vector<32xbf16> -> vector<16xf32>
        %unpack3A_978 = tpu.unpack_subelements %get3A_976, 1 {pack_format = #tpu.pack_format<interleaved>} : vector<32xbf16> -> vector<16xf32>
        %get3A_979 = arith.index_cast %add3A_973 : i32 to index
        %get3A_980 = arith.constant 0 : index
        %get3A_981 = tpu.vector_load %arg9[%get3A_979, %get3A_980] {strides = array<i32>} : memref<128x128xbf16, #tpu.memory_space<vmem>>, vector<32xbf16>,
        %unpack3A_982 = tpu.unpack_subelements %get3A_981, 0 {pack_format = #tpu.pack_format<interleaved>} : vector<32xbf16> -> vector<16xf32>
        %unpack3A_983 = tpu.unpack_subelements %get3A_981, 1 {pack_format = #tpu.pack_format<interleaved>} : vector<32xbf16> -> vector<16xf32>
        %get3A_984 = arith.index_cast %add3A_973 : i32 to index
        %get3A_985 = arith.constant 32 : index
        %get3A_986 = tpu.vector_load %arg8[%get3A_984, %get3A_985] {strides = array<i32>} : memref<128x128xbf16, #tpu.memory_space<vmem>>, vector<32xbf16>,
        %unpack3A_987 = tpu.unpack_subelements %get3A_986, 0 {pack_format = #tpu.pack_format<interleaved>} : vector<32xbf16> -> vector<16xf32>
        %unpack3A_988 = tpu.unpack_subelements %get3A_986, 1 {pack_format = #tpu.pack_format<interleaved>} : vector<32xbf16> -> vector<16xf32>
        %get3A_989 = arith.index_cast %add3A_973 : i32 to index
        %get3A_990 = arith.constant 32 : index
        %get3A_991 = tpu.vector_load %arg9[%get3A_989, %get3A_990] {strides = array<i32>} : memref<128x128xbf16, #tpu.memory_space<vmem>>, vector<32xbf16>,
        %unpack3A_992 = tpu.unpack_subelements %get3A_991, 0 {pack_format = #tpu.pack_format<interleaved>} : vector<32xbf16> -> vector<16xf32>
        %unpack3A_993 = tpu.unpack_subelements %get3A_991, 1 {pack_format = #tpu.pack_format<interleaved>} : vector<32xbf16> -> vector<16xf32>
        %get3A_994 = arith.index_cast %add3A_973 : i32 to index
        %get3A_995 = arith.constant 64 : index
        %get3A_996 = tpu.vector_load %arg8[%get3A_994, %get3A_995] {strides = array<i32>} : memref<128x128xbf16, #tpu.memory_space<vmem>>, vector<32xbf16>,
        %unpack3A_997 = tpu.unpack_subelements %get3A_996, 0 {pack_format = #tpu.pack_format<interleaved>} : vector<32xbf16> -> vector<16xf32>
        %unpack3A_998 = tpu.unpack_subelements %get3A_996, 1 {pack_format = #tpu.pack_format<interleaved>} : vector<32xbf16> -> vector<16xf32>
        %get3A_999 = arith.index_cast %add3A_973 : i32 to index
        %get3A_1000 = arith.constant 64 : index
        %get3A_1001 = tpu.vector_load %arg9[%get3A_999, %get3A_1000] {strides = array<i32>} : memref<128x128xbf16, #tpu.memory_space<vmem>>, vector<32xbf16>,
        %unpack3A_1002 = tpu.unpack_subelements %get3A_1001, 0 {pack_format = #tpu.pack_format<interleaved>} : vector<32xbf16> -> vector<16xf32>
        %unpack3A_1003 = tpu.unpack_subelements %get3A_1001, 1 {pack_format = #tpu.pack_format<interleaved>} : vector<32xbf16> -> vector<16xf32>
        %get3A_1004 = arith.index_cast %add3A_973 : i32 to index
        %get3A_1005 = arith.constant 96 : index
        %get3A_1006 = tpu.vector_load %arg8[%get3A_1004, %get3A_1005] {strides = array<i32>} : memref<128x128xbf16, #tpu.memory_space<vmem>>, vector<32xbf16>,
        %unpack3A_1007 = tpu.unpack_subelements %get3A_1006, 0 {pack_format = #tpu.pack_format<interleaved>} : vector<32xbf16> -> vector<16xf32>
        %unpack3A_1008 = tpu.unpack_subelements %get3A_1006, 1 {pack_format = #tpu.pack_format<interleaved>} : vector<32xbf16> -> vector<16xf32>
        %get3A_1009 = arith.index_cast %add3A_973 : i32 to index
        %get3A_1010 = arith.constant 96 : index
        %get3A_1011 = tpu.vector_load %arg9[%get3A_1009, %get3A_1010] {strides = array<i32>} : memref<128x128xbf16, #tpu.memory_space<vmem>>, vector<32xbf16>,
        %unpack3A_1012 = tpu.unpack_subelements %get3A_1011, 0 {pack_format = #tpu.pack_format<interleaved>} : vector<32xbf16> -> vector<16xf32>
        %unpack3A_1013 = tpu.unpack_subelements %get3A_1011, 1 {pack_format = #tpu.pack_format<interleaved>} : vector<32xbf16> -> vector<16xf32>
        %mul3A_1014 = arith.mulf %unpack3A_914, %unpack3A_919 : vector<16xf32>
        %mul3A_1015 = arith.mulf %unpack3A_915, %unpack3A_920 : vector<16xf32>
        %mul3A_1016 = arith.mulf %unpack3A_924, %unpack3A_929 : vector<16xf32>
        %mul3A_1017 = arith.mulf %unpack3A_925, %unpack3A_930 : vector<16xf32>
        %mul3A_1018 = arith.mulf %unpack3A_934, %unpack3A_939 : vector<16xf32>
        %mul3A_1019 = arith.mulf %unpack3A_935, %unpack3A_940 : vector<16xf32>
        %mul3A_1020 = arith.mulf %unpack3A_944, %unpack3A_949 : vector<16xf32>
        %mul3A_1021 = arith.mulf %unpack3A_945, %unpack3A_950 : vector<16xf32>
        %add3A_1022 = arith.addf %mul3A_1014, %mul3A_1015 : vector<16xf32>
        %add3A_1023 = arith.addf %mul3A_1016, %mul3A_1017 : vector<16xf32>
        %add3A_1024 = arith.addf %mul3A_1018, %mul3A_1019 : vector<16xf32>
        %add3A_1025 = arith.addf %mul3A_1020, %mul3A_1021 : vector<16xf32>
        %add3A_1026 = arith.addf %add3A_1022, %add3A_1023 : vector<16xf32>
        %add3A_1027 = arith.addf %add3A_1024, %add3A_1025 : vector<16xf32>
        %add3A_1028 = arith.addf %add3A_1026, %add3A_1027 : vector<16xf32>
        %swap3A_1029 = arith.constant 13 : i32
        %swap3A_1030 = arith.index_cast %swap3A_1029 : i32 to index
        %swap3A_1031 = arith.constant 0 : index
        %swap3A_1032 = tpu.vector_load %arg13[%swap3A_1030, %swap3A_1031] {strides = array<i32>} : memref<16x16xf32, #tpu.memory_space<vmem>>, vector<16xf32>,
        tpu.vector_store %arg13[%swap3A_1030, %swap3A_1031], %add3A_1028 {strides = array<i32>} : memref<16x16xf32, #tpu.memory_space<vmem>>, vector<16xf32>,
        %mul3A_1033 = arith.constant 16 : i32
        %mul3A_1034 = arith.muli %scan3A_109, %mul3A_1033 : i32
        %add3A_1035 = arith.constant 15 : i32
        %add3A_1036 = arith.addi %mul3A_1034, %add3A_1035 : i32
        %get3A_1037 = arith.index_cast %add3A_1036 : i32 to index
        %get3A_1038 = arith.constant 0 : index
        %get3A_1039 = tpu.vector_load %arg8[%get3A_1037, %get3A_1038] {strides = array<i32>} : memref<128x128xbf16, #tpu.memory_space<vmem>>, vector<32xbf16>,
        %unpack3A_1040 = tpu.unpack_subelements %get3A_1039, 0 {pack_format = #tpu.pack_format<interleaved>} : vector<32xbf16> -> vector<16xf32>
        %unpack3A_1041 = tpu.unpack_subelements %get3A_1039, 1 {pack_format = #tpu.pack_format<interleaved>} : vector<32xbf16> -> vector<16xf32>
        %get3A_1042 = arith.index_cast %add3A_1036 : i32 to index
        %get3A_1043 = arith.constant 0 : index
        %get3A_1044 = tpu.vector_load %arg9[%get3A_1042, %get3A_1043] {strides = array<i32>} : memref<128x128xbf16, #tpu.memory_space<vmem>>, vector<32xbf16>,
        %unpack3A_1045 = tpu.unpack_subelements %get3A_1044, 0 {pack_format = #tpu.pack_format<interleaved>} : vector<32xbf16> -> vector<16xf32>
        %unpack3A_1046 = tpu.unpack_subelements %get3A_1044, 1 {pack_format = #tpu.pack_format<interleaved>} : vector<32xbf16> -> vector<16xf32>
        %get3A_1047 = arith.index_cast %add3A_1036 : i32 to index
        %get3A_1048 = arith.constant 32 : index
        %get3A_1049 = tpu.vector_load %arg8[%get3A_1047, %get3A_1048] {strides = array<i32>} : memref<128x128xbf16, #tpu.memory_space<vmem>>, vector<32xbf16>,
        %unpack3A_1050 = tpu.unpack_subelements %get3A_1049, 0 {pack_format = #tpu.pack_format<interleaved>} : vector<32xbf16> -> vector<16xf32>
        %unpack3A_1051 = tpu.unpack_subelements %get3A_1049, 1 {pack_format = #tpu.pack_format<interleaved>} : vector<32xbf16> -> vector<16xf32>
        %get3A_1052 = arith.index_cast %add3A_1036 : i32 to index
        %get3A_1053 = arith.constant 32 : index
        %get3A_1054 = tpu.vector_load %arg9[%get3A_1052, %get3A_1053] {strides = array<i32>} : memref<128x128xbf16, #tpu.memory_space<vmem>>, vector<32xbf16>,
        %unpack3A_1055 = tpu.unpack_subelements %get3A_1054, 0 {pack_format = #tpu.pack_format<interleaved>} : vector<32xbf16> -> vector<16xf32>
        %unpack3A_1056 = tpu.unpack_subelements %get3A_1054, 1 {pack_format = #tpu.pack_format<interleaved>} : vector<32xbf16> -> vector<16xf32>
        %get3A_1057 = arith.index_cast %add3A_1036 : i32 to index
        %get3A_1058 = arith.constant 64 : index
        %get3A_1059 = tpu.vector_load %arg8[%get3A_1057, %get3A_1058] {strides = array<i32>} : memref<128x128xbf16, #tpu.memory_space<vmem>>, vector<32xbf16>,
        %unpack3A_1060 = tpu.unpack_subelements %get3A_1059, 0 {pack_format = #tpu.pack_format<interleaved>} : vector<32xbf16> -> vector<16xf32>
        %unpack3A_1061 = tpu.unpack_subelements %get3A_1059, 1 {pack_format = #tpu.pack_format<interleaved>} : vector<32xbf16> -> vector<16xf32>
        %get3A_1062 = arith.index_cast %add3A_1036 : i32 to index
        %get3A_1063 = arith.constant 64 : index
        %get3A_1064 = tpu.vector_load %arg9[%get3A_1062, %get3A_1063] {strides = array<i32>} : memref<128x128xbf16, #tpu.memory_space<vmem>>, vector<32xbf16>,
        %unpack3A_1065 = tpu.unpack_subelements %get3A_1064, 0 {pack_format = #tpu.pack_format<interleaved>} : vector<32xbf16> -> vector<16xf32>
        %unpack3A_1066 = tpu.unpack_subelements %get3A_1064, 1 {pack_format = #tpu.pack_format<interleaved>} : vector<32xbf16> -> vector<16xf32>
        %get3A_1067 = arith.index_cast %add3A_1036 : i32 to index
        %get3A_1068 = arith.constant 96 : index
        %get3A_1069 = tpu.vector_load %arg8[%get3A_1067, %get3A_1068] {strides = array<i32>} : memref<128x128xbf16, #tpu.memory_space<vmem>>, vector<32xbf16>,
        %unpack3A_1070 = tpu.unpack_subelements %get3A_1069, 0 {pack_format = #tpu.pack_format<interleaved>} : vector<32xbf16> -> vector<16xf32>
        %unpack3A_1071 = tpu.unpack_subelements %get3A_1069, 1 {pack_format = #tpu.pack_format<interleaved>} : vector<32xbf16> -> vector<16xf32>
        %get3A_1072 = arith.index_cast %add3A_1036 : i32 to index
        %get3A_1073 = arith.constant 96 : index
        %get3A_1074 = tpu.vector_load %arg9[%get3A_1072, %get3A_1073] {strides = array<i32>} : memref<128x128xbf16, #tpu.memory_space<vmem>>, vector<32xbf16>,
        %unpack3A_1075 = tpu.unpack_subelements %get3A_1074, 0 {pack_format = #tpu.pack_format<interleaved>} : vector<32xbf16> -> vector<16xf32>
        %unpack3A_1076 = tpu.unpack_subelements %get3A_1074, 1 {pack_format = #tpu.pack_format<interleaved>} : vector<32xbf16> -> vector<16xf32>
        %mul3A_1077 = arith.mulf %unpack3A_977, %unpack3A_982 : vector<16xf32>
        %mul3A_1078 = arith.mulf %unpack3A_978, %unpack3A_983 : vector<16xf32>
        %mul3A_1079 = arith.mulf %unpack3A_987, %unpack3A_992 : vector<16xf32>
        %mul3A_1080 = arith.mulf %unpack3A_988, %unpack3A_993 : vector<16xf32>
        %mul3A_1081 = arith.mulf %unpack3A_997, %unpack3A_1002 : vector<16xf32>
        %mul3A_1082 = arith.mulf %unpack3A_998, %unpack3A_1003 : vector<16xf32>
        %mul3A_1083 = arith.mulf %unpack3A_1007, %unpack3A_1012 : vector<16xf32>
        %mul3A_1084 = arith.mulf %unpack3A_1008, %unpack3A_1013 : vector<16xf32>
        %add3A_1085 = arith.addf %mul3A_1077, %mul3A_1078 : vector<16xf32>
        %add3A_1086 = arith.addf %mul3A_1079, %mul3A_1080 : vector<16xf32>
        %add3A_1087 = arith.addf %mul3A_1081, %mul3A_1082 : vector<16xf32>
        %add3A_1088 = arith.addf %mul3A_1083, %mul3A_1084 : vector<16xf32>
        %add3A_1089 = arith.addf %add3A_1085, %add3A_1086 : vector<16xf32>
        %add3A_1090 = arith.addf %add3A_1087, %add3A_1088 : vector<16xf32>
        %add3A_1091 = arith.addf %add3A_1089, %add3A_1090 : vector<16xf32>
        %swap3A_1092 = arith.constant 14 : i32
        %swap3A_1093 = arith.index_cast %swap3A_1092 : i32 to index
        %swap3A_1094 = arith.constant 0 : index
        %swap3A_1095 = tpu.vector_load %arg13[%swap3A_1093, %swap3A_1094] {strides = array<i32>} : memref<16x16xf32, #tpu.memory_space<vmem>>, vector<16xf32>,
        tpu.vector_store %arg13[%swap3A_1093, %swap3A_1094], %add3A_1091 {strides = array<i32>} : memref<16x16xf32, #tpu.memory_space<vmem>>, vector<16xf32>,
        %mul3A_1096 = arith.mulf %unpack3A_1040, %unpack3A_1045 : vector<16xf32>
        %mul3A_1097 = arith.mulf %unpack3A_1041, %unpack3A_1046 : vector<16xf32>
        %mul3A_1098 = arith.mulf %unpack3A_1050, %unpack3A_1055 : vector<16xf32>
        %mul3A_1099 = arith.mulf %unpack3A_1051, %unpack3A_1056 : vector<16xf32>
        %mul3A_1100 = arith.mulf %unpack3A_1060, %unpack3A_1065 : vector<16xf32>
        %mul3A_1101 = arith.mulf %unpack3A_1061, %unpack3A_1066 : vector<16xf32>
        %mul3A_1102 = arith.mulf %unpack3A_1070, %unpack3A_1075 : vector<16xf32>
        %mul3A_1103 = arith.mulf %unpack3A_1071, %unpack3A_1076 : vector<16xf32>
        %add3A_1104 = arith.addf %mul3A_1096, %mul3A_1097 : vector<16xf32>
        %add3A_1105 = arith.addf %mul3A_1098, %mul3A_1099 : vector<16xf32>
        %add3A_1106 = arith.addf %mul3A_1100, %mul3A_1101 : vector<16xf32>
        %add3A_1107 = arith.addf %mul3A_1102, %mul3A_1103 : vector<16xf32>
        %add3A_1108 = arith.addf %add3A_1104, %add3A_1105 : vector<16xf32>
        %add3A_1109 = arith.addf %add3A_1106, %add3A_1107 : vector<16xf32>
        %add3A_1110 = arith.addf %add3A_1108, %add3A_1109 : vector<16xf32>
        %swap3A_1111 = arith.constant 15 : i32
        %swap3A_1112 = arith.index_cast %swap3A_1111 : i32 to index
        %swap3A_1113 = arith.constant 0 : index
        %swap3A_1114 = tpu.vector_load %arg13[%swap3A_1112, %swap3A_1113] {strides = array<i32>} : memref<16x16xf32, #tpu.memory_space<vmem>>, vector<16xf32>,
        tpu.vector_store %arg13[%swap3A_1112, %swap3A_1113], %add3A_1110 {strides = array<i32>} : memref<16x16xf32, #tpu.memory_space<vmem>>, vector<16xf32>,
        %broadcast_in_dim3A = arith.constant 0.000000e+00 : f32
        %broadcast_in_dim3A_1115 = vector.broadcast %broadcast_in_dim3A : f32 to vector<16xf32>
        %broadcast_in_dim3A_1116 = arith.constant 0.000000e+00 : f32
        %broadcast_in_dim3A_1117 = vector.broadcast %broadcast_in_dim3A_1116 : f32 to vector<16xf32>
        %broadcast_in_dim3A_1118 = arith.constant 0.000000e+00 : f32
        %broadcast_in_dim3A_1119 = vector.broadcast %broadcast_in_dim3A_1118 : f32 to vector<16xf32>
        %broadcast_in_dim3A_1120 = arith.constant 0.000000e+00 : f32
        %broadcast_in_dim3A_1121 = vector.broadcast %broadcast_in_dim3A_1120 : f32 to vector<16xf32>
        %add3A_1122 = arith.constant 0 : i32
        %add3A_1123 = vector.broadcast %add3A_1122 : i32 to vector<16xi32>
        %add3A_1124 = arith.addi %iota3A, %add3A_1123 : vector<16xi32>
        %and3A = arith.constant 15 : i32
        %and3A_1125 = vector.broadcast %and3A : i32 to vector<16xi32>
        %and3A_1126 = arith.andi %add3A_1124, %and3A_1125 : vector<16xi32>
        %gather3A = tpu.vector_load_idx %arg13[%iota3A, %and3A_1126] : memref<16x16xf32, #tpu.memory_space<vmem>>[vector<16xi32>, vector<16xi32>], vector<16xf32>,
        %add3A_1127 = arith.addf %broadcast_in_dim3A_1115, %gather3A : vector<16xf32>
        %add3A_1128 = arith.constant 1 : i32
        %add3A_1129 = vector.broadcast %add3A_1128 : i32 to vector<16xi32>
        %add3A_1130 = arith.addi %iota3A, %add3A_1129 : vector<16xi32>
        %and3A_1131 = arith.constant 15 : i32
        %and3A_1132 = vector.broadcast %and3A_1131 : i32 to vector<16xi32>
        %and3A_1133 = arith.andi %add3A_1130, %and3A_1132 : vector<16xi32>
        %gather3A_1134 = tpu.vector_load_idx %arg13[%iota3A, %and3A_1133] : memref<16x16xf32, #tpu.memory_space<vmem>>[vector<16xi32>, vector<16xi32>], vector<16xf32>,
        %add3A_1135 = arith.addf %broadcast_in_dim3A_1117, %gather3A_1134 : vector<16xf32>
        %add3A_1136 = arith.constant 2 : i32
        %add3A_1137 = vector.broadcast %add3A_1136 : i32 to vector<16xi32>
        %add3A_1138 = arith.addi %iota3A, %add3A_1137 : vector<16xi32>
        %and3A_1139 = arith.constant 15 : i32
        %and3A_1140 = vector.broadcast %and3A_1139 : i32 to vector<16xi32>
        %and3A_1141 = arith.andi %add3A_1138, %and3A_1140 : vector<16xi32>
        %gather3A_1142 = tpu.vector_load_idx %arg13[%iota3A, %and3A_1141] : memref<16x16xf32, #tpu.memory_space<vmem>>[vector<16xi32>, vector<16xi32>], vector<16xf32>,
        %add3A_1143 = arith.addf %broadcast_in_dim3A_1119, %gather3A_1142 : vector<16xf32>
        %add3A_1144 = arith.constant 3 : i32
        %add3A_1145 = vector.broadcast %add3A_1144 : i32 to vector<16xi32>
        %add3A_1146 = arith.addi %iota3A, %add3A_1145 : vector<16xi32>
        %and3A_1147 = arith.constant 15 : i32
        %and3A_1148 = vector.broadcast %and3A_1147 : i32 to vector<16xi32>
        %and3A_1149 = arith.andi %add3A_1146, %and3A_1148 : vector<16xi32>
        %gather3A_1150 = tpu.vector_load_idx %arg13[%iota3A, %and3A_1149] : memref<16x16xf32, #tpu.memory_space<vmem>>[vector<16xi32>, vector<16xi32>], vector<16xf32>,
        %add3A_1151 = arith.addf %broadcast_in_dim3A_1121, %gather3A_1150 : vector<16xf32>
        %add3A_1152 = arith.constant 4 : i32
        %add3A_1153 = vector.broadcast %add3A_1152 : i32 to vector<16xi32>
        %add3A_1154 = arith.addi %iota3A, %add3A_1153 : vector<16xi32>
        %and3A_1155 = arith.constant 15 : i32
        %and3A_1156 = vector.broadcast %and3A_1155 : i32 to vector<16xi32>
        %and3A_1157 = arith.andi %add3A_1154, %and3A_1156 : vector<16xi32>
        %gather3A_1158 = tpu.vector_load_idx %arg13[%iota3A, %and3A_1157] : memref<16x16xf32, #tpu.memory_space<vmem>>[vector<16xi32>, vector<16xi32>], vector<16xf32>,
        %add3A_1159 = arith.addf %add3A_1127, %gather3A_1158 : vector<16xf32>
        %add3A_1160 = arith.constant 5 : i32
        %add3A_1161 = vector.broadcast %add3A_1160 : i32 to vector<16xi32>
        %add3A_1162 = arith.addi %iota3A, %add3A_1161 : vector<16xi32>
        %and3A_1163 = arith.constant 15 : i32
        %and3A_1164 = vector.broadcast %and3A_1163 : i32 to vector<16xi32>
        %and3A_1165 = arith.andi %add3A_1162, %and3A_1164 : vector<16xi32>
        %gather3A_1166 = tpu.vector_load_idx %arg13[%iota3A, %and3A_1165] : memref<16x16xf32, #tpu.memory_space<vmem>>[vector<16xi32>, vector<16xi32>], vector<16xf32>,
        %add3A_1167 = arith.addf %add3A_1135, %gather3A_1166 : vector<16xf32>
        %add3A_1168 = arith.constant 6 : i32
        %add3A_1169 = vector.broadcast %add3A_1168 : i32 to vector<16xi32>
        %add3A_1170 = arith.addi %iota3A, %add3A_1169 : vector<16xi32>
        %and3A_1171 = arith.constant 15 : i32
        %and3A_1172 = vector.broadcast %and3A_1171 : i32 to vector<16xi32>
        %and3A_1173 = arith.andi %add3A_1170, %and3A_1172 : vector<16xi32>
        %gather3A_1174 = tpu.vector_load_idx %arg13[%iota3A, %and3A_1173] : memref<16x16xf32, #tpu.memory_space<vmem>>[vector<16xi32>, vector<16xi32>], vector<16xf32>,
        %add3A_1175 = arith.addf %add3A_1143, %gather3A_1174 : vector<16xf32>
        %add3A_1176 = arith.constant 7 : i32
        %add3A_1177 = vector.broadcast %add3A_1176 : i32 to vector<16xi32>
        %add3A_1178 = arith.addi %iota3A, %add3A_1177 : vector<16xi32>
        %and3A_1179 = arith.constant 15 : i32
        %and3A_1180 = vector.broadcast %and3A_1179 : i32 to vector<16xi32>
        %and3A_1181 = arith.andi %add3A_1178, %and3A_1180 : vector<16xi32>
        %gather3A_1182 = tpu.vector_load_idx %arg13[%iota3A, %and3A_1181] : memref<16x16xf32, #tpu.memory_space<vmem>>[vector<16xi32>, vector<16xi32>], vector<16xf32>,
        %add3A_1183 = arith.addf %add3A_1151, %gather3A_1182 : vector<16xf32>
        %add3A_1184 = arith.constant 8 : i32
        %add3A_1185 = vector.broadcast %add3A_1184 : i32 to vector<16xi32>
        %add3A_1186 = arith.addi %iota3A, %add3A_1185 : vector<16xi32>
        %and3A_1187 = arith.constant 15 : i32
        %and3A_1188 = vector.broadcast %and3A_1187 : i32 to vector<16xi32>
        %and3A_1189 = arith.andi %add3A_1186, %and3A_1188 : vector<16xi32>
        %gather3A_1190 = tpu.vector_load_idx %arg13[%iota3A, %and3A_1189] : memref<16x16xf32, #tpu.memory_space<vmem>>[vector<16xi32>, vector<16xi32>], vector<16xf32>,
        %add3A_1191 = arith.addf %add3A_1159, %gather3A_1190 : vector<16xf32>
        %add3A_1192 = arith.constant 9 : i32
        %add3A_1193 = vector.broadcast %add3A_1192 : i32 to vector<16xi32>
        %add3A_1194 = arith.addi %iota3A, %add3A_1193 : vector<16xi32>
        %and3A_1195 = arith.constant 15 : i32
        %and3A_1196 = vector.broadcast %and3A_1195 : i32 to vector<16xi32>
        %and3A_1197 = arith.andi %add3A_1194, %and3A_1196 : vector<16xi32>
        %gather3A_1198 = tpu.vector_load_idx %arg13[%iota3A, %and3A_1197] : memref<16x16xf32, #tpu.memory_space<vmem>>[vector<16xi32>, vector<16xi32>], vector<16xf32>,
        %add3A_1199 = arith.addf %add3A_1167, %gather3A_1198 : vector<16xf32>
        %add3A_1200 = arith.constant 10 : i32
        %add3A_1201 = vector.broadcast %add3A_1200 : i32 to vector<16xi32>
        %add3A_1202 = arith.addi %iota3A, %add3A_1201 : vector<16xi32>
        %and3A_1203 = arith.constant 15 : i32
        %and3A_1204 = vector.broadcast %and3A_1203 : i32 to vector<16xi32>
        %and3A_1205 = arith.andi %add3A_1202, %and3A_1204 : vector<16xi32>
        %gather3A_1206 = tpu.vector_load_idx %arg13[%iota3A, %and3A_1205] : memref<16x16xf32, #tpu.memory_space<vmem>>[vector<16xi32>, vector<16xi32>], vector<16xf32>,
        %add3A_1207 = arith.addf %add3A_1175, %gather3A_1206 : vector<16xf32>
        %add3A_1208 = arith.constant 11 : i32
        %add3A_1209 = vector.broadcast %add3A_1208 : i32 to vector<16xi32>
        %add3A_1210 = arith.addi %iota3A, %add3A_1209 : vector<16xi32>
        %and3A_1211 = arith.constant 15 : i32
        %and3A_1212 = vector.broadcast %and3A_1211 : i32 to vector<16xi32>
        %and3A_1213 = arith.andi %add3A_1210, %and3A_1212 : vector<16xi32>
        %gather3A_1214 = tpu.vector_load_idx %arg13[%iota3A, %and3A_1213] : memref<16x16xf32, #tpu.memory_space<vmem>>[vector<16xi32>, vector<16xi32>], vector<16xf32>,
        %add3A_1215 = arith.addf %add3A_1183, %gather3A_1214 : vector<16xf32>
        %add3A_1216 = arith.constant 12 : i32
        %add3A_1217 = vector.broadcast %add3A_1216 : i32 to vector<16xi32>
        %add3A_1218 = arith.addi %iota3A, %add3A_1217 : vector<16xi32>
        %and3A_1219 = arith.constant 15 : i32
        %and3A_1220 = vector.broadcast %and3A_1219 : i32 to vector<16xi32>
        %and3A_1221 = arith.andi %add3A_1218, %and3A_1220 : vector<16xi32>
        %gather3A_1222 = tpu.vector_load_idx %arg13[%iota3A, %and3A_1221] : memref<16x16xf32, #tpu.memory_space<vmem>>[vector<16xi32>, vector<16xi32>], vector<16xf32>,
        %add3A_1223 = arith.addf %add3A_1191, %gather3A_1222 : vector<16xf32>
        %add3A_1224 = arith.constant 13 : i32
        %add3A_1225 = vector.broadcast %add3A_1224 : i32 to vector<16xi32>
        %add3A_1226 = arith.addi %iota3A, %add3A_1225 : vector<16xi32>
        %and3A_1227 = arith.constant 15 : i32
        %and3A_1228 = vector.broadcast %and3A_1227 : i32 to vector<16xi32>
        %and3A_1229 = arith.andi %add3A_1226, %and3A_1228 : vector<16xi32>
        %gather3A_1230 = tpu.vector_load_idx %arg13[%iota3A, %and3A_1229] : memref<16x16xf32, #tpu.memory_space<vmem>>[vector<16xi32>, vector<16xi32>], vector<16xf32>,
        %add3A_1231 = arith.addf %add3A_1199, %gather3A_1230 : vector<16xf32>
        %add3A_1232 = arith.constant 14 : i32
        %add3A_1233 = vector.broadcast %add3A_1232 : i32 to vector<16xi32>
        %add3A_1234 = arith.addi %iota3A, %add3A_1233 : vector<16xi32>
        %and3A_1235 = arith.constant 15 : i32
        %and3A_1236 = vector.broadcast %and3A_1235 : i32 to vector<16xi32>
        %and3A_1237 = arith.andi %add3A_1234, %and3A_1236 : vector<16xi32>
        %gather3A_1238 = tpu.vector_load_idx %arg13[%iota3A, %and3A_1237] : memref<16x16xf32, #tpu.memory_space<vmem>>[vector<16xi32>, vector<16xi32>], vector<16xf32>,
        %add3A_1239 = arith.addf %add3A_1207, %gather3A_1238 : vector<16xf32>
        %add3A_1240 = arith.constant 15 : i32
        %add3A_1241 = vector.broadcast %add3A_1240 : i32 to vector<16xi32>
        %add3A_1242 = arith.addi %iota3A, %add3A_1241 : vector<16xi32>
        %and3A_1243 = arith.constant 15 : i32
        %and3A_1244 = vector.broadcast %and3A_1243 : i32 to vector<16xi32>
        %and3A_1245 = arith.andi %add3A_1242, %and3A_1244 : vector<16xi32>
        %gather3A_1246 = tpu.vector_load_idx %arg13[%iota3A, %and3A_1245] : memref<16x16xf32, #tpu.memory_space<vmem>>[vector<16xi32>, vector<16xi32>], vector<16xf32>,
        %add3A_1247 = arith.addf %add3A_1215, %gather3A_1246 : vector<16xf32>
        %add3A_1248 = arith.addf %add3A_1223, %add3A_1231 : vector<16xf32>
        %add3A_1249 = arith.addf %add3A_1239, %add3A_1247 : vector<16xf32>
        %add3A_1250 = arith.addf %add3A_1248, %add3A_1249 : vector<16xf32>
        %neg3A = arith.constant 0.000000e+00 : f32
        %neg3A_1251 = vector.broadcast %neg3A : f32 to vector<16xf32>
        %neg3A_1252 = arith.subf %neg3A_1251, %add3A_1250 : vector<16xf32>
        %exp3A = math.exp %neg3A_1252 : vector<16xf32>
        %add3A_1253 = arith.constant 1.000000e+00 : f32
        %add3A_1254 = vector.broadcast %add3A_1253 : f32 to vector<16xf32>
        %add3A_1255 = arith.addf %add3A_1254, %exp3A : vector<16xf32>
        %div3A = arith.constant 1.000000e+00 : f32
        %div3A_1256 = vector.broadcast %div3A : f32 to vector<16xf32>
        %div3A_1257 = arith.divf %div3A_1256, %add3A_1255 : vector<16xf32>
        %add3A_1258 = arith.constant 1.000000e-15 : f32
        %add3A_1259 = vector.broadcast %add3A_1258 : f32 to vector<16xf32>
        %add3A_1260 = arith.addf %div3A_1257, %add3A_1259 : vector<16xf32>
        %mul3A_1261 = arith.constant 16 : i32
        %mul3A_1262 = arith.muli %scan3A_109, %mul3A_1261 : i32
        %swap3A_1263 = arith.index_cast %mul3A_1262 : i32 to index
        %swap3A_1264 = tpu.vector_load %arg12[%swap3A_1263] {strides = array<i32>} : memref<128xf32, #tpu.memory_space<vmem>>, vector<16xf32>,
        tpu.vector_store %arg12[%swap3A_1263], %add3A_1260 {strides = array<i32>} : memref<128xf32, #tpu.memory_space<vmem>>, vector<16xf32>,
      }
      %scan3A_70 = arith.constant 8 : i32
      "tpu.region"() ({
        %run_scoped3A = tpu.sem_alloc : memref<!tpu.dma_semaphore, #tpu.memory_space<semaphore_mem>>
        %dma_start3A_109 = arith.constant 0 : i32
        %dma_start3A_110 = tpu.memref_slice %arg5[%add3A, %mul3A_34, %dma_start3A_109] : memref<32x196x128xf32, #tpu.memory_space<hbm>> -> memref<1x1x128xf32, #tpu.memory_space<hbm>>
        %dma_start3A_111 = tpu.memref_squeeze %dma_start3A_110 : memref<1x1x128xf32, #tpu.memory_space<hbm>> -> memref<128xf32, #tpu.memory_space<hbm>>
        %dma_start3A_112 = arith.constant 0 : i32
        %dma_start3A_113 = tpu.memref_slice %arg5[%add3A, %mul3A_34, %dma_start3A_112] : memref<32x196x128xf32, #tpu.memory_space<hbm>> -> memref<1x1x128xf32, #tpu.memory_space<hbm>>
        %dma_start3A_114 = tpu.memref_squeeze %dma_start3A_113 : memref<1x1x128xf32, #tpu.memory_space<hbm>> -> memref<128xf32, #tpu.memory_space<hbm>>
        tpu.enqueue_dma source(%arg12 : memref<128xf32, #tpu.memory_space<vmem>>) target(%dma_start3A_114 : memref<128xf32, #tpu.memory_space<hbm>>) target_semaphore(%run_scoped3A : memref<!tpu.dma_semaphore, #tpu.memory_space<semaphore_mem>>)
        %dma_wait3A_115 = arith.constant 0 : i32
        %dma_wait3A_116 = tpu.memref_slice %arg5[%add3A, %mul3A_34, %dma_wait3A_115] : memref<32x196x128xf32, #tpu.memory_space<hbm>> -> memref<1x1x128xf32, #tpu.memory_space<hbm>>
        %dma_wait3A_117 = tpu.memref_squeeze %dma_wait3A_116 : memref<1x1x128xf32, #tpu.memory_space<hbm>> -> memref<128xf32, #tpu.memory_space<hbm>>
        %dma_wait3A_118 = arith.constant 0 : i32
        %dma_wait3A_119 = tpu.memref_slice %arg5[%add3A, %mul3A_34, %dma_wait3A_118] : memref<32x196x128xf32, #tpu.memory_space<hbm>> -> memref<1x1x128xf32, #tpu.memory_space<hbm>>
        %dma_wait3A_120 = tpu.memref_squeeze %dma_wait3A_119 : memref<1x1x128xf32, #tpu.memory_space<hbm>> -> memref<128xf32, #tpu.memory_space<hbm>>
        tpu.wait_dma2 semaphore(%run_scoped3A : memref<!tpu.dma_semaphore, #tpu.memory_space<semaphore_mem>>) src(%arg12 : memref<128xf32, #tpu.memory_space<vmem>>) dst(%dma_wait3A_120 : memref<128xf32, #tpu.memory_space<hbm>>)
        tpu.yield
      }) : () -> ()
      %add3A_71 = arith.constant 2 : i32
      %add3A_72 = arith.addi %mul3A_34, %add3A_71 : i32
      %min3A_73 = arith.constant 195 : i32
      %min3A_74 = arith.minsi %add3A_72, %min3A_73 : i32
      %dma_start3A_75 = arith.constant 0 : i32
      %dma_start3A_76 = tpu.memref_slice %arg6[%min3A_74, %dma_start3A_75] : memref<196x128xi32, #tpu.memory_space<vmem>> -> memref<1x128xi32, #tpu.memory_space<vmem>>
      %dma_start3A_77 = tpu.memref_squeeze %dma_start3A_76 : memref<1x128xi32, #tpu.memory_space<vmem>> -> memref<128xi32, #tpu.memory_space<vmem>>
      %dma_start3A_78 = arith.constant 0 : i32
      %dma_start3A_79 = arith.constant 0 : i32
      %dma_start3A_80 = tpu.memref_slice %arg4[%dma_start3A_78, %dma_start3A_79] : memref<51200x128xbf16, #tpu.memory_space<hbm>> -> memref<51200x128xbf16, #tpu.memory_space<hbm>>
      tpu.enqueue_indirect_dma source(%dma_start3A_80 : memref<51200x128xbf16, #tpu.memory_space<hbm>>) target(%arg8 : memref<128x128xbf16, #tpu.memory_space<vmem>>) offsets(%dma_start3A_77 : memref<128xi32, #tpu.memory_space<vmem>>) semaphore(%arg14 : memref<!tpu.dma_semaphore, #tpu.memory_space<semaphore_mem>>)
      %dma_start3A_81 = arith.constant 0 : i32
      %dma_start3A_82 = tpu.memref_slice %arg7[%min3A_74, %dma_start3A_81] : memref<196x128xi32, #tpu.memory_space<vmem>> -> memref<1x128xi32, #tpu.memory_space<vmem>>
      %dma_start3A_83 = tpu.memref_squeeze %dma_start3A_82 : memref<1x128xi32, #tpu.memory_space<vmem>> -> memref<128xi32, #tpu.memory_space<vmem>>
      %dma_start3A_84 = arith.constant 0 : i32
      %dma_start3A_85 = arith.constant 0 : i32
      %dma_start3A_86 = tpu.memref_slice %arg4[%dma_start3A_84, %dma_start3A_85] : memref<51200x128xbf16, #tpu.memory_space<hbm>> -> memref<51200x128xbf16, #tpu.memory_space<hbm>>
      tpu.enqueue_indirect_dma source(%dma_start3A_86 : memref<51200x128xbf16, #tpu.memory_space<hbm>>) target(%arg9 : memref<128x128xbf16, #tpu.memory_space<vmem>>) offsets(%dma_start3A_83 : memref<128xi32, #tpu.memory_space<vmem>>) semaphore(%arg15 : memref<!tpu.dma_semaphore, #tpu.memory_space<semaphore_mem>>)
      %dma_wait3A_87 = arith.constant 0 : i32
      %dma_wait3A_88 = arith.constant 0 : i32
      %dma_wait3A_89 = tpu.memref_slice %arg6[%dma_wait3A_87, %dma_wait3A_88] : memref<196x128xi32, #tpu.memory_space<vmem>> -> memref<1x128xi32, #tpu.memory_space<vmem>>
      %dma_wait3A_90 = tpu.memref_squeeze %dma_wait3A_89 : memref<1x128xi32, #tpu.memory_space<vmem>> -> memref<128xi32, #tpu.memory_space<vmem>>
      %dma_wait3A_91 = arith.constant 0 : i32
      %dma_wait3A_92 = arith.constant 0 : i32
      %dma_wait3A_93 = tpu.memref_slice %arg4[%dma_wait3A_91, %dma_wait3A_92] : memref<51200x128xbf16, #tpu.memory_space<hbm>> -> memref<51200x128xbf16, #tpu.memory_space<hbm>>
      tpu.wait_indirect_dma semaphore(%arg16 : memref<!tpu.dma_semaphore, #tpu.memory_space<semaphore_mem>>) src(%dma_wait3A_93 : memref<51200x128xbf16, #tpu.memory_space<hbm>>) dst(%arg10 : memref<128x128xbf16, #tpu.memory_space<vmem>>)
      %dma_wait3A_94 = arith.constant 0 : i32
      %dma_wait3A_95 = arith.constant 0 : i32
      %dma_wait3A_96 = tpu.memref_slice %arg7[%dma_wait3A_94, %dma_wait3A_95] : memref<196x128xi32, #tpu.memory_space<vmem>> -> memref<1x128xi32, #tpu.memory_space<vmem>>
      %dma_wait3A_97 = tpu.memref_squeeze %dma_wait3A_96 : memref<1x128xi32, #tpu.memory_space<vmem>> -> memref<128xi32, #tpu.memory_space<vmem>>
      %dma_wait3A_98 = arith.constant 0 : i32
      %dma_wait3A_99 = arith.constant 0 : i32
      %dma_wait3A_100 = tpu.memref_slice %arg4[%dma_wait3A_98, %dma_wait3A_99] : memref<51200x128xbf16, #tpu.memory_space<hbm>> -> memref<51200x128xbf16, #tpu.memory_space<hbm>>
      tpu.wait_indirect_dma semaphore(%arg17 : memref<!tpu.dma_semaphore, #tpu.memory_space<semaphore_mem>>) src(%dma_wait3A_100 : memref<51200x128xbf16, #tpu.memory_space<hbm>>) dst(%arg11 : memref<128x128xbf16, #tpu.memory_space<vmem>>)
      %add3A_101 = arith.constant 1 : i32
      %add3A_102 = arith.addi %mul3A_34, %add3A_101 : i32
      %scan3A_103 = arith.constant 0 : i32
      %scan3A_104 = arith.constant 0 : i32
      %scan3A_105 = arith.constant 8 : i32
      %scan3A_106 = arith.addi %scan3A_104, %scan3A_105 : i32
      %scan3A_107 = arith.constant 1 : i32
      scf.for %scan3A_109 = %scan3A_104 to %scan3A_106 step %scan3A_107  : i32 {
        %mul3A_110 = arith.constant 16 : i32
        %mul3A_111 = arith.muli %scan3A_109, %mul3A_110 : i32
        %add3A_112 = arith.constant 0 : i32
        %add3A_113 = arith.addi %mul3A_111, %add3A_112 : i32
        %get3A = arith.index_cast %add3A_113 : i32 to index
        %get3A_114 = arith.constant 0 : index
        %get3A_115 = tpu.vector_load %arg10[%get3A, %get3A_114] {strides = array<i32>} : memref<128x128xbf16, #tpu.memory_space<vmem>>, vector<32xbf16>,
        %unpack3A = tpu.unpack_subelements %get3A_115, 0 {pack_format = #tpu.pack_format<interleaved>} : vector<32xbf16> -> vector<16xf32>
        %unpack3A_116 = tpu.unpack_subelements %get3A_115, 1 {pack_format = #tpu.pack_format<interleaved>} : vector<32xbf16> -> vector<16xf32>
        %get3A_117 = arith.index_cast %add3A_113 : i32 to index
        %get3A_118 = arith.constant 0 : index
        %get3A_119 = tpu.vector_load %arg11[%get3A_117, %get3A_118] {strides = array<i32>} : memref<128x128xbf16, #tpu.memory_space<vmem>>, vector<32xbf16>,
        %unpack3A_120 = tpu.unpack_subelements %get3A_119, 0 {pack_format = #tpu.pack_format<interleaved>} : vector<32xbf16> -> vector<16xf32>
        %unpack3A_121 = tpu.unpack_subelements %get3A_119, 1 {pack_format = #tpu.pack_format<interleaved>} : vector<32xbf16> -> vector<16xf32>
        %get3A_122 = arith.index_cast %add3A_113 : i32 to index
        %get3A_123 = arith.constant 32 : index
        %get3A_124 = tpu.vector_load %arg10[%get3A_122, %get3A_123] {strides = array<i32>} : memref<128x128xbf16, #tpu.memory_space<vmem>>, vector<32xbf16>,
        %unpack3A_125 = tpu.unpack_subelements %get3A_124, 0 {pack_format = #tpu.pack_format<interleaved>} : vector<32xbf16> -> vector<16xf32>
        %unpack3A_126 = tpu.unpack_subelements %get3A_124, 1 {pack_format = #tpu.pack_format<interleaved>} : vector<32xbf16> -> vector<16xf32>
        %get3A_127 = arith.index_cast %add3A_113 : i32 to index
        %get3A_128 = arith.constant 32 : index
        %get3A_129 = tpu.vector_load %arg11[%get3A_127, %get3A_128] {strides = array<i32>} : memref<128x128xbf16, #tpu.memory_space<vmem>>, vector<32xbf16>,
        %unpack3A_130 = tpu.unpack_subelements %get3A_129, 0 {pack_format = #tpu.pack_format<interleaved>} : vector<32xbf16> -> vector<16xf32>
        %unpack3A_131 = tpu.unpack_subelements %get3A_129, 1 {pack_format = #tpu.pack_format<interleaved>} : vector<32xbf16> -> vector<16xf32>
        %get3A_132 = arith.index_cast %add3A_113 : i32 to index
        %get3A_133 = arith.constant 64 : index
        %get3A_134 = tpu.vector_load %arg10[%get3A_132, %get3A_133] {strides = array<i32>} : memref<128x128xbf16, #tpu.memory_space<vmem>>, vector<32xbf16>,
        %unpack3A_135 = tpu.unpack_subelements %get3A_134, 0 {pack_format = #tpu.pack_format<interleaved>} : vector<32xbf16> -> vector<16xf32>
        %unpack3A_136 = tpu.unpack_subelements %get3A_134, 1 {pack_format = #tpu.pack_format<interleaved>} : vector<32xbf16> -> vector<16xf32>
        %get3A_137 = arith.index_cast %add3A_113 : i32 to index
        %get3A_138 = arith.constant 64 : index
        %get3A_139 = tpu.vector_load %arg11[%get3A_137, %get3A_138] {strides = array<i32>} : memref<128x128xbf16, #tpu.memory_space<vmem>>, vector<32xbf16>,
        %unpack3A_140 = tpu.unpack_subelements %get3A_139, 0 {pack_format = #tpu.pack_format<interleaved>} : vector<32xbf16> -> vector<16xf32>
        %unpack3A_141 = tpu.unpack_subelements %get3A_139, 1 {pack_format = #tpu.pack_format<interleaved>} : vector<32xbf16> -> vector<16xf32>
        %get3A_142 = arith.index_cast %add3A_113 : i32 to index
        %get3A_143 = arith.constant 96 : index
        %get3A_144 = tpu.vector_load %arg10[%get3A_142, %get3A_143] {strides = array<i32>} : memref<128x128xbf16, #tpu.memory_space<vmem>>, vector<32xbf16>,
        %unpack3A_145 = tpu.unpack_subelements %get3A_144, 0 {pack_format = #tpu.pack_format<interleaved>} : vector<32xbf16> -> vector<16xf32>
        %unpack3A_146 = tpu.unpack_subelements %get3A_144, 1 {pack_format = #tpu.pack_format<interleaved>} : vector<32xbf16> -> vector<16xf32>
        %get3A_147 = arith.index_cast %add3A_113 : i32 to index
        %get3A_148 = arith.constant 96 : index
        %get3A_149 = tpu.vector_load %arg11[%get3A_147, %get3A_148] {strides = array<i32>} : memref<128x128xbf16, #tpu.memory_space<vmem>>, vector<32xbf16>,
        %unpack3A_150 = tpu.unpack_subelements %get3A_149, 0 {pack_format = #tpu.pack_format<interleaved>} : vector<32xbf16> -> vector<16xf32>
        %unpack3A_151 = tpu.unpack_subelements %get3A_149, 1 {pack_format = #tpu.pack_format<interleaved>} : vector<32xbf16> -> vector<16xf32>
        %mul3A_152 = arith.constant 16 : i32
        %mul3A_153 = arith.muli %scan3A_109, %mul3A_152 : i32
        %add3A_154 = arith.constant 1 : i32
        %add3A_155 = arith.addi %mul3A_153, %add3A_154 : i32
        %get3A_156 = arith.index_cast %add3A_155 : i32 to index
        %get3A_157 = arith.constant 0 : index
        %get3A_158 = tpu.vector_load %arg10[%get3A_156, %get3A_157] {strides = array<i32>} : memref<128x128xbf16, #tpu.memory_space<vmem>>, vector<32xbf16>,
        %unpack3A_159 = tpu.unpack_subelements %get3A_158, 0 {pack_format = #tpu.pack_format<interleaved>} : vector<32xbf16> -> vector<16xf32>
        %unpack3A_160 = tpu.unpack_subelements %get3A_158, 1 {pack_format = #tpu.pack_format<interleaved>} : vector<32xbf16> -> vector<16xf32>
        %get3A_161 = arith.index_cast %add3A_155 : i32 to index
        %get3A_162 = arith.constant 0 : index
        %get3A_163 = tpu.vector_load %arg11[%get3A_161, %get3A_162] {strides = array<i32>} : memref<128x128xbf16, #tpu.memory_space<vmem>>, vector<32xbf16>,
        %unpack3A_164 = tpu.unpack_subelements %get3A_163, 0 {pack_format = #tpu.pack_format<interleaved>} : vector<32xbf16> -> vector<16xf32>
        %unpack3A_165 = tpu.unpack_subelements %get3A_163, 1 {pack_format = #tpu.pack_format<interleaved>} : vector<32xbf16> -> vector<16xf32>
        %get3A_166 = arith.index_cast %add3A_155 : i32 to index
        %get3A_167 = arith.constant 32 : index
        %get3A_168 = tpu.vector_load %arg10[%get3A_166, %get3A_167] {strides = array<i32>} : memref<128x128xbf16, #tpu.memory_space<vmem>>, vector<32xbf16>,
        %unpack3A_169 = tpu.unpack_subelements %get3A_168, 0 {pack_format = #tpu.pack_format<interleaved>} : vector<32xbf16> -> vector<16xf32>
        %unpack3A_170 = tpu.unpack_subelements %get3A_168, 1 {pack_format = #tpu.pack_format<interleaved>} : vector<32xbf16> -> vector<16xf32>
        %get3A_171 = arith.index_cast %add3A_155 : i32 to index
        %get3A_172 = arith.constant 32 : index
        %get3A_173 = tpu.vector_load %arg11[%get3A_171, %get3A_172] {strides = array<i32>} : memref<128x128xbf16, #tpu.memory_space<vmem>>, vector<32xbf16>,
        %unpack3A_174 = tpu.unpack_subelements %get3A_173, 0 {pack_format = #tpu.pack_format<interleaved>} : vector<32xbf16> -> vector<16xf32>
        %unpack3A_175 = tpu.unpack_subelements %get3A_173, 1 {pack_format = #tpu.pack_format<interleaved>} : vector<32xbf16> -> vector<16xf32>
        %get3A_176 = arith.index_cast %add3A_155 : i32 to index
        %get3A_177 = arith.constant 64 : index
        %get3A_178 = tpu.vector_load %arg10[%get3A_176, %get3A_177] {strides = array<i32>} : memref<128x128xbf16, #tpu.memory_space<vmem>>, vector<32xbf16>,
        %unpack3A_179 = tpu.unpack_subelements %get3A_178, 0 {pack_format = #tpu.pack_format<interleaved>} : vector<32xbf16> -> vector<16xf32>
        %unpack3A_180 = tpu.unpack_subelements %get3A_178, 1 {pack_format = #tpu.pack_format<interleaved>} : vector<32xbf16> -> vector<16xf32>
        %get3A_181 = arith.index_cast %add3A_155 : i32 to index
        %get3A_182 = arith.constant 64 : index
        %get3A_183 = tpu.vector_load %arg11[%get3A_181, %get3A_182] {strides = array<i32>} : memref<128x128xbf16, #tpu.memory_space<vmem>>, vector<32xbf16>,
        %unpack3A_184 = tpu.unpack_subelements %get3A_183, 0 {pack_format = #tpu.pack_format<interleaved>} : vector<32xbf16> -> vector<16xf32>
        %unpack3A_185 = tpu.unpack_subelements %get3A_183, 1 {pack_format = #tpu.pack_format<interleaved>} : vector<32xbf16> -> vector<16xf32>
        %get3A_186 = arith.index_cast %add3A_155 : i32 to index
        %get3A_187 = arith.constant 96 : index
        %get3A_188 = tpu.vector_load %arg10[%get3A_186, %get3A_187] {strides = array<i32>} : memref<128x128xbf16, #tpu.memory_space<vmem>>, vector<32xbf16>,
        %unpack3A_189 = tpu.unpack_subelements %get3A_188, 0 {pack_format = #tpu.pack_format<interleaved>} : vector<32xbf16> -> vector<16xf32>
        %unpack3A_190 = tpu.unpack_subelements %get3A_188, 1 {pack_format = #tpu.pack_format<interleaved>} : vector<32xbf16> -> vector<16xf32>
        %get3A_191 = arith.index_cast %add3A_155 : i32 to index
        %get3A_192 = arith.constant 96 : index
        %get3A_193 = tpu.vector_load %arg11[%get3A_191, %get3A_192] {strides = array<i32>} : memref<128x128xbf16, #tpu.memory_space<vmem>>, vector<32xbf16>,
        %unpack3A_194 = tpu.unpack_subelements %get3A_193, 0 {pack_format = #tpu.pack_format<interleaved>} : vector<32xbf16> -> vector<16xf32>
        %unpack3A_195 = tpu.unpack_subelements %get3A_193, 1 {pack_format = #tpu.pack_format<interleaved>} : vector<32xbf16> -> vector<16xf32>
        %mul3A_196 = arith.mulf %unpack3A, %unpack3A_120 : vector<16xf32>
        %mul3A_197 = arith.mulf %unpack3A_116, %unpack3A_121 : vector<16xf32>
        %mul3A_198 = arith.mulf %unpack3A_125, %unpack3A_130 : vector<16xf32>
        %mul3A_199 = arith.mulf %unpack3A_126, %unpack3A_131 : vector<16xf32>
        %mul3A_200 = arith.mulf %unpack3A_135, %unpack3A_140 : vector<16xf32>
        %mul3A_201 = arith.mulf %unpack3A_136, %unpack3A_141 : vector<16xf32>
        %mul3A_202 = arith.mulf %unpack3A_145, %unpack3A_150 : vector<16xf32>
        %mul3A_203 = arith.mulf %unpack3A_146, %unpack3A_151 : vector<16xf32>
        %add3A_204 = arith.addf %mul3A_196, %mul3A_197 : vector<16xf32>
        %add3A_205 = arith.addf %mul3A_198, %mul3A_199 : vector<16xf32>
        %add3A_206 = arith.addf %mul3A_200, %mul3A_201 : vector<16xf32>
        %add3A_207 = arith.addf %mul3A_202, %mul3A_203 : vector<16xf32>
        %add3A_208 = arith.addf %add3A_204, %add3A_205 : vector<16xf32>
        %add3A_209 = arith.addf %add3A_206, %add3A_207 : vector<16xf32>
        %add3A_210 = arith.addf %add3A_208, %add3A_209 : vector<16xf32>
        %swap3A = arith.constant 0 : i32
        %swap3A_211 = arith.index_cast %swap3A : i32 to index
        %swap3A_212 = arith.constant 0 : index
        %swap3A_213 = tpu.vector_load %arg13[%swap3A_211, %swap3A_212] {strides = array<i32>} : memref<16x16xf32, #tpu.memory_space<vmem>>, vector<16xf32>,
        tpu.vector_store %arg13[%swap3A_211, %swap3A_212], %add3A_210 {strides = array<i32>} : memref<16x16xf32, #tpu.memory_space<vmem>>, vector<16xf32>,
        %mul3A_214 = arith.constant 16 : i32
        %mul3A_215 = arith.muli %scan3A_109, %mul3A_214 : i32
        %add3A_216 = arith.constant 2 : i32
        %add3A_217 = arith.addi %mul3A_215, %add3A_216 : i32
        %get3A_218 = arith.index_cast %add3A_217 : i32 to index
        %get3A_219 = arith.constant 0 : index
        %get3A_220 = tpu.vector_load %arg10[%get3A_218, %get3A_219] {strides = array<i32>} : memref<128x128xbf16, #tpu.memory_space<vmem>>, vector<32xbf16>,
        %unpack3A_221 = tpu.unpack_subelements %get3A_220, 0 {pack_format = #tpu.pack_format<interleaved>} : vector<32xbf16> -> vector<16xf32>
        %unpack3A_222 = tpu.unpack_subelements %get3A_220, 1 {pack_format = #tpu.pack_format<interleaved>} : vector<32xbf16> -> vector<16xf32>
        %get3A_223 = arith.index_cast %add3A_217 : i32 to index
        %get3A_224 = arith.constant 0 : index
        %get3A_225 = tpu.vector_load %arg11[%get3A_223, %get3A_224] {strides = array<i32>} : memref<128x128xbf16, #tpu.memory_space<vmem>>, vector<32xbf16>,
        %unpack3A_226 = tpu.unpack_subelements %get3A_225, 0 {pack_format = #tpu.pack_format<interleaved>} : vector<32xbf16> -> vector<16xf32>
        %unpack3A_227 = tpu.unpack_subelements %get3A_225, 1 {pack_format = #tpu.pack_format<interleaved>} : vector<32xbf16> -> vector<16xf32>
        %get3A_228 = arith.index_cast %add3A_217 : i32 to index
        %get3A_229 = arith.constant 32 : index
        %get3A_230 = tpu.vector_load %arg10[%get3A_228, %get3A_229] {strides = array<i32>} : memref<128x128xbf16, #tpu.memory_space<vmem>>, vector<32xbf16>,
        %unpack3A_231 = tpu.unpack_subelements %get3A_230, 0 {pack_format = #tpu.pack_format<interleaved>} : vector<32xbf16> -> vector<16xf32>
        %unpack3A_232 = tpu.unpack_subelements %get3A_230, 1 {pack_format = #tpu.pack_format<interleaved>} : vector<32xbf16> -> vector<16xf32>
        %get3A_233 = arith.index_cast %add3A_217 : i32 to index
        %get3A_234 = arith.constant 32 : index
        %get3A_235 = tpu.vector_load %arg11[%get3A_233, %get3A_234] {strides = array<i32>} : memref<128x128xbf16, #tpu.memory_space<vmem>>, vector<32xbf16>,
        %unpack3A_236 = tpu.unpack_subelements %get3A_235, 0 {pack_format = #tpu.pack_format<interleaved>} : vector<32xbf16> -> vector<16xf32>
        %unpack3A_237 = tpu.unpack_subelements %get3A_235, 1 {pack_format = #tpu.pack_format<interleaved>} : vector<32xbf16> -> vector<16xf32>
        %get3A_238 = arith.index_cast %add3A_217 : i32 to index
        %get3A_239 = arith.constant 64 : index
        %get3A_240 = tpu.vector_load %arg10[%get3A_238, %get3A_239] {strides = array<i32>} : memref<128x128xbf16, #tpu.memory_space<vmem>>, vector<32xbf16>,
        %unpack3A_241 = tpu.unpack_subelements %get3A_240, 0 {pack_format = #tpu.pack_format<interleaved>} : vector<32xbf16> -> vector<16xf32>
        %unpack3A_242 = tpu.unpack_subelements %get3A_240, 1 {pack_format = #tpu.pack_format<interleaved>} : vector<32xbf16> -> vector<16xf32>
        %get3A_243 = arith.index_cast %add3A_217 : i32 to index
        %get3A_244 = arith.constant 64 : index
        %get3A_245 = tpu.vector_load %arg11[%get3A_243, %get3A_244] {strides = array<i32>} : memref<128x128xbf16, #tpu.memory_space<vmem>>, vector<32xbf16>,
        %unpack3A_246 = tpu.unpack_subelements %get3A_245, 0 {pack_format = #tpu.pack_format<interleaved>} : vector<32xbf16> -> vector<16xf32>
        %unpack3A_247 = tpu.unpack_subelements %get3A_245, 1 {pack_format = #tpu.pack_format<interleaved>} : vector<32xbf16> -> vector<16xf32>
        %get3A_248 = arith.index_cast %add3A_217 : i32 to index
        %get3A_249 = arith.constant 96 : index
        %get3A_250 = tpu.vector_load %arg10[%get3A_248, %get3A_249] {strides = array<i32>} : memref<128x128xbf16, #tpu.memory_space<vmem>>, vector<32xbf16>,
        %unpack3A_251 = tpu.unpack_subelements %get3A_250, 0 {pack_format = #tpu.pack_format<interleaved>} : vector<32xbf16> -> vector<16xf32>
        %unpack3A_252 = tpu.unpack_subelements %get3A_250, 1 {pack_format = #tpu.pack_format<interleaved>} : vector<32xbf16> -> vector<16xf32>
        %get3A_253 = arith.index_cast %add3A_217 : i32 to index
        %get3A_254 = arith.constant 96 : index
        %get3A_255 = tpu.vector_load %arg11[%get3A_253, %get3A_254] {strides = array<i32>} : memref<128x128xbf16, #tpu.memory_space<vmem>>, vector<32xbf16>,
        %unpack3A_256 = tpu.unpack_subelements %get3A_255, 0 {pack_format = #tpu.pack_format<interleaved>} : vector<32xbf16> -> vector<16xf32>
        %unpack3A_257 = tpu.unpack_subelements %get3A_255, 1 {pack_format = #tpu.pack_format<interleaved>} : vector<32xbf16> -> vector<16xf32>
        %mul3A_258 = arith.mulf %unpack3A_159, %unpack3A_164 : vector<16xf32>
        %mul3A_259 = arith.mulf %unpack3A_160, %unpack3A_165 : vector<16xf32>
        %mul3A_260 = arith.mulf %unpack3A_169, %unpack3A_174 : vector<16xf32>
        %mul3A_261 = arith.mulf %unpack3A_170, %unpack3A_175 : vector<16xf32>
        %mul3A_262 = arith.mulf %unpack3A_179, %unpack3A_184 : vector<16xf32>
        %mul3A_263 = arith.mulf %unpack3A_180, %unpack3A_185 : vector<16xf32>
        %mul3A_264 = arith.mulf %unpack3A_189, %unpack3A_194 : vector<16xf32>
        %mul3A_265 = arith.mulf %unpack3A_190, %unpack3A_195 : vector<16xf32>
        %add3A_266 = arith.addf %mul3A_258, %mul3A_259 : vector<16xf32>
        %add3A_267 = arith.addf %mul3A_260, %mul3A_261 : vector<16xf32>
        %add3A_268 = arith.addf %mul3A_262, %mul3A_263 : vector<16xf32>
        %add3A_269 = arith.addf %mul3A_264, %mul3A_265 : vector<16xf32>
        %add3A_270 = arith.addf %add3A_266, %add3A_267 : vector<16xf32>
        %add3A_271 = arith.addf %add3A_268, %add3A_269 : vector<16xf32>
        %add3A_272 = arith.addf %add3A_270, %add3A_271 : vector<16xf32>
        %swap3A_273 = arith.constant 1 : i32
        %swap3A_274 = arith.index_cast %swap3A_273 : i32 to index
        %swap3A_275 = arith.constant 0 : index
        %swap3A_276 = tpu.vector_load %arg13[%swap3A_274, %swap3A_275] {strides = array<i32>} : memref<16x16xf32, #tpu.memory_space<vmem>>, vector<16xf32>,
        tpu.vector_store %arg13[%swap3A_274, %swap3A_275], %add3A_272 {strides = array<i32>} : memref<16x16xf32, #tpu.memory_space<vmem>>, vector<16xf32>,
        %mul3A_277 = arith.constant 16 : i32
        %mul3A_278 = arith.muli %scan3A_109, %mul3A_277 : i32
        %add3A_279 = arith.constant 3 : i32
        %add3A_280 = arith.addi %mul3A_278, %add3A_279 : i32
        %get3A_281 = arith.index_cast %add3A_280 : i32 to index
        %get3A_282 = arith.constant 0 : index
        %get3A_283 = tpu.vector_load %arg10[%get3A_281, %get3A_282] {strides = array<i32>} : memref<128x128xbf16, #tpu.memory_space<vmem>>, vector<32xbf16>,
        %unpack3A_284 = tpu.unpack_subelements %get3A_283, 0 {pack_format = #tpu.pack_format<interleaved>} : vector<32xbf16> -> vector<16xf32>
        %unpack3A_285 = tpu.unpack_subelements %get3A_283, 1 {pack_format = #tpu.pack_format<interleaved>} : vector<32xbf16> -> vector<16xf32>
        %get3A_286 = arith.index_cast %add3A_280 : i32 to index
        %get3A_287 = arith.constant 0 : index
        %get3A_288 = tpu.vector_load %arg11[%get3A_286, %get3A_287] {strides = array<i32>} : memref<128x128xbf16, #tpu.memory_space<vmem>>, vector<32xbf16>,
        %unpack3A_289 = tpu.unpack_subelements %get3A_288, 0 {pack_format = #tpu.pack_format<interleaved>} : vector<32xbf16> -> vector<16xf32>
        %unpack3A_290 = tpu.unpack_subelements %get3A_288, 1 {pack_format = #tpu.pack_format<interleaved>} : vector<32xbf16> -> vector<16xf32>
        %get3A_291 = arith.index_cast %add3A_280 : i32 to index
        %get3A_292 = arith.constant 32 : index
        %get3A_293 = tpu.vector_load %arg10[%get3A_291, %get3A_292] {strides = array<i32>} : memref<128x128xbf16, #tpu.memory_space<vmem>>, vector<32xbf16>,
        %unpack3A_294 = tpu.unpack_subelements %get3A_293, 0 {pack_format = #tpu.pack_format<interleaved>} : vector<32xbf16> -> vector<16xf32>
        %unpack3A_295 = tpu.unpack_subelements %get3A_293, 1 {pack_format = #tpu.pack_format<interleaved>} : vector<32xbf16> -> vector<16xf32>
        %get3A_296 = arith.index_cast %add3A_280 : i32 to index
        %get3A_297 = arith.constant 32 : index
        %get3A_298 = tpu.vector_load %arg11[%get3A_296, %get3A_297] {strides = array<i32>} : memref<128x128xbf16, #tpu.memory_space<vmem>>, vector<32xbf16>,
        %unpack3A_299 = tpu.unpack_subelements %get3A_298, 0 {pack_format = #tpu.pack_format<interleaved>} : vector<32xbf16> -> vector<16xf32>
        %unpack3A_300 = tpu.unpack_subelements %get3A_298, 1 {pack_format = #tpu.pack_format<interleaved>} : vector<32xbf16> -> vector<16xf32>
        %get3A_301 = arith.index_cast %add3A_280 : i32 to index
        %get3A_302 = arith.constant 64 : index
        %get3A_303 = tpu.vector_load %arg10[%get3A_301, %get3A_302] {strides = array<i32>} : memref<128x128xbf16, #tpu.memory_space<vmem>>, vector<32xbf16>,
        %unpack3A_304 = tpu.unpack_subelements %get3A_303, 0 {pack_format = #tpu.pack_format<interleaved>} : vector<32xbf16> -> vector<16xf32>
        %unpack3A_305 = tpu.unpack_subelements %get3A_303, 1 {pack_format = #tpu.pack_format<interleaved>} : vector<32xbf16> -> vector<16xf32>
        %get3A_306 = arith.index_cast %add3A_280 : i32 to index
        %get3A_307 = arith.constant 64 : index
        %get3A_308 = tpu.vector_load %arg11[%get3A_306, %get3A_307] {strides = array<i32>} : memref<128x128xbf16, #tpu.memory_space<vmem>>, vector<32xbf16>,
        %unpack3A_309 = tpu.unpack_subelements %get3A_308, 0 {pack_format = #tpu.pack_format<interleaved>} : vector<32xbf16> -> vector<16xf32>
        %unpack3A_310 = tpu.unpack_subelements %get3A_308, 1 {pack_format = #tpu.pack_format<interleaved>} : vector<32xbf16> -> vector<16xf32>
        %get3A_311 = arith.index_cast %add3A_280 : i32 to index
        %get3A_312 = arith.constant 96 : index
        %get3A_313 = tpu.vector_load %arg10[%get3A_311, %get3A_312] {strides = array<i32>} : memref<128x128xbf16, #tpu.memory_space<vmem>>, vector<32xbf16>,
        %unpack3A_314 = tpu.unpack_subelements %get3A_313, 0 {pack_format = #tpu.pack_format<interleaved>} : vector<32xbf16> -> vector<16xf32>
        %unpack3A_315 = tpu.unpack_subelements %get3A_313, 1 {pack_format = #tpu.pack_format<interleaved>} : vector<32xbf16> -> vector<16xf32>
        %get3A_316 = arith.index_cast %add3A_280 : i32 to index
        %get3A_317 = arith.constant 96 : index
        %get3A_318 = tpu.vector_load %arg11[%get3A_316, %get3A_317] {strides = array<i32>} : memref<128x128xbf16, #tpu.memory_space<vmem>>, vector<32xbf16>,
        %unpack3A_319 = tpu.unpack_subelements %get3A_318, 0 {pack_format = #tpu.pack_format<interleaved>} : vector<32xbf16> -> vector<16xf32>
        %unpack3A_320 = tpu.unpack_subelements %get3A_318, 1 {pack_format = #tpu.pack_format<interleaved>} : vector<32xbf16> -> vector<16xf32>
        %mul3A_321 = arith.mulf %unpack3A_221, %unpack3A_226 : vector<16xf32>
        %mul3A_322 = arith.mulf %unpack3A_222, %unpack3A_227 : vector<16xf32>
        %mul3A_323 = arith.mulf %unpack3A_231, %unpack3A_236 : vector<16xf32>
        %mul3A_324 = arith.mulf %unpack3A_232, %unpack3A_237 : vector<16xf32>
        %mul3A_325 = arith.mulf %unpack3A_241, %unpack3A_246 : vector<16xf32>
        %mul3A_326 = arith.mulf %unpack3A_242, %unpack3A_247 : vector<16xf32>
        %mul3A_327 = arith.mulf %unpack3A_251, %unpack3A_256 : vector<16xf32>
        %mul3A_328 = arith.mulf %unpack3A_252, %unpack3A_257 : vector<16xf32>
        %add3A_329 = arith.addf %mul3A_321, %mul3A_322 : vector<16xf32>
        %add3A_330 = arith.addf %mul3A_323, %mul3A_324 : vector<16xf32>
        %add3A_331 = arith.addf %mul3A_325, %mul3A_326 : vector<16xf32>
        %add3A_332 = arith.addf %mul3A_327, %mul3A_328 : vector<16xf32>
        %add3A_333 = arith.addf %add3A_329, %add3A_330 : vector<16xf32>
        %add3A_334 = arith.addf %add3A_331, %add3A_332 : vector<16xf32>
        %add3A_335 = arith.addf %add3A_333, %add3A_334 : vector<16xf32>
        %swap3A_336 = arith.constant 2 : i32
        %swap3A_337 = arith.index_cast %swap3A_336 : i32 to index
        %swap3A_338 = arith.constant 0 : index
        %swap3A_339 = tpu.vector_load %arg13[%swap3A_337, %swap3A_338] {strides = array<i32>} : memref<16x16xf32, #tpu.memory_space<vmem>>, vector<16xf32>,
        tpu.vector_store %arg13[%swap3A_337, %swap3A_338], %add3A_335 {strides = array<i32>} : memref<16x16xf32, #tpu.memory_space<vmem>>, vector<16xf32>,
        %mul3A_340 = arith.constant 16 : i32
        %mul3A_341 = arith.muli %scan3A_109, %mul3A_340 : i32
        %add3A_342 = arith.constant 4 : i32
        %add3A_343 = arith.addi %mul3A_341, %add3A_342 : i32
        %get3A_344 = arith.index_cast %add3A_343 : i32 to index
        %get3A_345 = arith.constant 0 : index
        %get3A_346 = tpu.vector_load %arg10[%get3A_344, %get3A_345] {strides = array<i32>} : memref<128x128xbf16, #tpu.memory_space<vmem>>, vector<32xbf16>,
        %unpack3A_347 = tpu.unpack_subelements %get3A_346, 0 {pack_format = #tpu.pack_format<interleaved>} : vector<32xbf16> -> vector<16xf32>
        %unpack3A_348 = tpu.unpack_subelements %get3A_346, 1 {pack_format = #tpu.pack_format<interleaved>} : vector<32xbf16> -> vector<16xf32>
        %get3A_349 = arith.index_cast %add3A_343 : i32 to index
        %get3A_350 = arith.constant 0 : index
        %get3A_351 = tpu.vector_load %arg11[%get3A_349, %get3A_350] {strides = array<i32>} : memref<128x128xbf16, #tpu.memory_space<vmem>>, vector<32xbf16>,
        %unpack3A_352 = tpu.unpack_subelements %get3A_351, 0 {pack_format = #tpu.pack_format<interleaved>} : vector<32xbf16> -> vector<16xf32>
        %unpack3A_353 = tpu.unpack_subelements %get3A_351, 1 {pack_format = #tpu.pack_format<interleaved>} : vector<32xbf16> -> vector<16xf32>
        %get3A_354 = arith.index_cast %add3A_343 : i32 to index
        %get3A_355 = arith.constant 32 : index
        %get3A_356 = tpu.vector_load %arg10[%get3A_354, %get3A_355] {strides = array<i32>} : memref<128x128xbf16, #tpu.memory_space<vmem>>, vector<32xbf16>,
        %unpack3A_357 = tpu.unpack_subelements %get3A_356, 0 {pack_format = #tpu.pack_format<interleaved>} : vector<32xbf16> -> vector<16xf32>
        %unpack3A_358 = tpu.unpack_subelements %get3A_356, 1 {pack_format = #tpu.pack_format<interleaved>} : vector<32xbf16> -> vector<16xf32>
        %get3A_359 = arith.index_cast %add3A_343 : i32 to index
        %get3A_360 = arith.constant 32 : index
        %get3A_361 = tpu.vector_load %arg11[%get3A_359, %get3A_360] {strides = array<i32>} : memref<128x128xbf16, #tpu.memory_space<vmem>>, vector<32xbf16>,
        %unpack3A_362 = tpu.unpack_subelements %get3A_361, 0 {pack_format = #tpu.pack_format<interleaved>} : vector<32xbf16> -> vector<16xf32>
        %unpack3A_363 = tpu.unpack_subelements %get3A_361, 1 {pack_format = #tpu.pack_format<interleaved>} : vector<32xbf16> -> vector<16xf32>
        %get3A_364 = arith.index_cast %add3A_343 : i32 to index
        %get3A_365 = arith.constant 64 : index
        %get3A_366 = tpu.vector_load %arg10[%get3A_364, %get3A_365] {strides = array<i32>} : memref<128x128xbf16, #tpu.memory_space<vmem>>, vector<32xbf16>,
        %unpack3A_367 = tpu.unpack_subelements %get3A_366, 0 {pack_format = #tpu.pack_format<interleaved>} : vector<32xbf16> -> vector<16xf32>
        %unpack3A_368 = tpu.unpack_subelements %get3A_366, 1 {pack_format = #tpu.pack_format<interleaved>} : vector<32xbf16> -> vector<16xf32>
        %get3A_369 = arith.index_cast %add3A_343 : i32 to index
        %get3A_370 = arith.constant 64 : index
        %get3A_371 = tpu.vector_load %arg11[%get3A_369, %get3A_370] {strides = array<i32>} : memref<128x128xbf16, #tpu.memory_space<vmem>>, vector<32xbf16>,
        %unpack3A_372 = tpu.unpack_subelements %get3A_371, 0 {pack_format = #tpu.pack_format<interleaved>} : vector<32xbf16> -> vector<16xf32>
        %unpack3A_373 = tpu.unpack_subelements %get3A_371, 1 {pack_format = #tpu.pack_format<interleaved>} : vector<32xbf16> -> vector<16xf32>
        %get3A_374 = arith.index_cast %add3A_343 : i32 to index
        %get3A_375 = arith.constant 96 : index
        %get3A_376 = tpu.vector_load %arg10[%get3A_374, %get3A_375] {strides = array<i32>} : memref<128x128xbf16, #tpu.memory_space<vmem>>, vector<32xbf16>,
        %unpack3A_377 = tpu.unpack_subelements %get3A_376, 0 {pack_format = #tpu.pack_format<interleaved>} : vector<32xbf16> -> vector<16xf32>
        %unpack3A_378 = tpu.unpack_subelements %get3A_376, 1 {pack_format = #tpu.pack_format<interleaved>} : vector<32xbf16> -> vector<16xf32>
        %get3A_379 = arith.index_cast %add3A_343 : i32 to index
        %get3A_380 = arith.constant 96 : index
        %get3A_381 = tpu.vector_load %arg11[%get3A_379, %get3A_380] {strides = array<i32>} : memref<128x128xbf16, #tpu.memory_space<vmem>>, vector<32xbf16>,
        %unpack3A_382 = tpu.unpack_subelements %get3A_381, 0 {pack_format = #tpu.pack_format<interleaved>} : vector<32xbf16> -> vector<16xf32>
        %unpack3A_383 = tpu.unpack_subelements %get3A_381, 1 {pack_format = #tpu.pack_format<interleaved>} : vector<32xbf16> -> vector<16xf32>
        %mul3A_384 = arith.mulf %unpack3A_284, %unpack3A_289 : vector<16xf32>
        %mul3A_385 = arith.mulf %unpack3A_285, %unpack3A_290 : vector<16xf32>
        %mul3A_386 = arith.mulf %unpack3A_294, %unpack3A_299 : vector<16xf32>
        %mul3A_387 = arith.mulf %unpack3A_295, %unpack3A_300 : vector<16xf32>
        %mul3A_388 = arith.mulf %unpack3A_304, %unpack3A_309 : vector<16xf32>
        %mul3A_389 = arith.mulf %unpack3A_305, %unpack3A_310 : vector<16xf32>
        %mul3A_390 = arith.mulf %unpack3A_314, %unpack3A_319 : vector<16xf32>
        %mul3A_391 = arith.mulf %unpack3A_315, %unpack3A_320 : vector<16xf32>
        %add3A_392 = arith.addf %mul3A_384, %mul3A_385 : vector<16xf32>
        %add3A_393 = arith.addf %mul3A_386, %mul3A_387 : vector<16xf32>
        %add3A_394 = arith.addf %mul3A_388, %mul3A_389 : vector<16xf32>
        %add3A_395 = arith.addf %mul3A_390, %mul3A_391 : vector<16xf32>
        %add3A_396 = arith.addf %add3A_392, %add3A_393 : vector<16xf32>
        %add3A_397 = arith.addf %add3A_394, %add3A_395 : vector<16xf32>
        %add3A_398 = arith.addf %add3A_396, %add3A_397 : vector<16xf32>
        %swap3A_399 = arith.constant 3 : i32
        %swap3A_400 = arith.index_cast %swap3A_399 : i32 to index
        %swap3A_401 = arith.constant 0 : index
        %swap3A_402 = tpu.vector_load %arg13[%swap3A_400, %swap3A_401] {strides = array<i32>} : memref<16x16xf32, #tpu.memory_space<vmem>>, vector<16xf32>,
        tpu.vector_store %arg13[%swap3A_400, %swap3A_401], %add3A_398 {strides = array<i32>} : memref<16x16xf32, #tpu.memory_space<vmem>>, vector<16xf32>,
        %mul3A_403 = arith.constant 16 : i32
        %mul3A_404 = arith.muli %scan3A_109, %mul3A_403 : i32
        %add3A_405 = arith.constant 5 : i32
        %add3A_406 = arith.addi %mul3A_404, %add3A_405 : i32
        %get3A_407 = arith.index_cast %add3A_406 : i32 to index
        %get3A_408 = arith.constant 0 : index
        %get3A_409 = tpu.vector_load %arg10[%get3A_407, %get3A_408] {strides = array<i32>} : memref<128x128xbf16, #tpu.memory_space<vmem>>, vector<32xbf16>,
        %unpack3A_410 = tpu.unpack_subelements %get3A_409, 0 {pack_format = #tpu.pack_format<interleaved>} : vector<32xbf16> -> vector<16xf32>
        %unpack3A_411 = tpu.unpack_subelements %get3A_409, 1 {pack_format = #tpu.pack_format<interleaved>} : vector<32xbf16> -> vector<16xf32>
        %get3A_412 = arith.index_cast %add3A_406 : i32 to index
        %get3A_413 = arith.constant 0 : index
        %get3A_414 = tpu.vector_load %arg11[%get3A_412, %get3A_413] {strides = array<i32>} : memref<128x128xbf16, #tpu.memory_space<vmem>>, vector<32xbf16>,
        %unpack3A_415 = tpu.unpack_subelements %get3A_414, 0 {pack_format = #tpu.pack_format<interleaved>} : vector<32xbf16> -> vector<16xf32>
        %unpack3A_416 = tpu.unpack_subelements %get3A_414, 1 {pack_format = #tpu.pack_format<interleaved>} : vector<32xbf16> -> vector<16xf32>
        %get3A_417 = arith.index_cast %add3A_406 : i32 to index
        %get3A_418 = arith.constant 32 : index
        %get3A_419 = tpu.vector_load %arg10[%get3A_417, %get3A_418] {strides = array<i32>} : memref<128x128xbf16, #tpu.memory_space<vmem>>, vector<32xbf16>,
        %unpack3A_420 = tpu.unpack_subelements %get3A_419, 0 {pack_format = #tpu.pack_format<interleaved>} : vector<32xbf16> -> vector<16xf32>
        %unpack3A_421 = tpu.unpack_subelements %get3A_419, 1 {pack_format = #tpu.pack_format<interleaved>} : vector<32xbf16> -> vector<16xf32>
        %get3A_422 = arith.index_cast %add3A_406 : i32 to index
        %get3A_423 = arith.constant 32 : index
        %get3A_424 = tpu.vector_load %arg11[%get3A_422, %get3A_423] {strides = array<i32>} : memref<128x128xbf16, #tpu.memory_space<vmem>>, vector<32xbf16>,
        %unpack3A_425 = tpu.unpack_subelements %get3A_424, 0 {pack_format = #tpu.pack_format<interleaved>} : vector<32xbf16> -> vector<16xf32>
        %unpack3A_426 = tpu.unpack_subelements %get3A_424, 1 {pack_format = #tpu.pack_format<interleaved>} : vector<32xbf16> -> vector<16xf32>
        %get3A_427 = arith.index_cast %add3A_406 : i32 to index
        %get3A_428 = arith.constant 64 : index
        %get3A_429 = tpu.vector_load %arg10[%get3A_427, %get3A_428] {strides = array<i32>} : memref<128x128xbf16, #tpu.memory_space<vmem>>, vector<32xbf16>,
        %unpack3A_430 = tpu.unpack_subelements %get3A_429, 0 {pack_format = #tpu.pack_format<interleaved>} : vector<32xbf16> -> vector<16xf32>
        %unpack3A_431 = tpu.unpack_subelements %get3A_429, 1 {pack_format = #tpu.pack_format<interleaved>} : vector<32xbf16> -> vector<16xf32>
        %get3A_432 = arith.index_cast %add3A_406 : i32 to index
        %get3A_433 = arith.constant 64 : index
        %get3A_434 = tpu.vector_load %arg11[%get3A_432, %get3A_433] {strides = array<i32>} : memref<128x128xbf16, #tpu.memory_space<vmem>>, vector<32xbf16>,
        %unpack3A_435 = tpu.unpack_subelements %get3A_434, 0 {pack_format = #tpu.pack_format<interleaved>} : vector<32xbf16> -> vector<16xf32>
        %unpack3A_436 = tpu.unpack_subelements %get3A_434, 1 {pack_format = #tpu.pack_format<interleaved>} : vector<32xbf16> -> vector<16xf32>
        %get3A_437 = arith.index_cast %add3A_406 : i32 to index
        %get3A_438 = arith.constant 96 : index
        %get3A_439 = tpu.vector_load %arg10[%get3A_437, %get3A_438] {strides = array<i32>} : memref<128x128xbf16, #tpu.memory_space<vmem>>, vector<32xbf16>,
        %unpack3A_440 = tpu.unpack_subelements %get3A_439, 0 {pack_format = #tpu.pack_format<interleaved>} : vector<32xbf16> -> vector<16xf32>
        %unpack3A_441 = tpu.unpack_subelements %get3A_439, 1 {pack_format = #tpu.pack_format<interleaved>} : vector<32xbf16> -> vector<16xf32>
        %get3A_442 = arith.index_cast %add3A_406 : i32 to index
        %get3A_443 = arith.constant 96 : index
        %get3A_444 = tpu.vector_load %arg11[%get3A_442, %get3A_443] {strides = array<i32>} : memref<128x128xbf16, #tpu.memory_space<vmem>>, vector<32xbf16>,
        %unpack3A_445 = tpu.unpack_subelements %get3A_444, 0 {pack_format = #tpu.pack_format<interleaved>} : vector<32xbf16> -> vector<16xf32>
        %unpack3A_446 = tpu.unpack_subelements %get3A_444, 1 {pack_format = #tpu.pack_format<interleaved>} : vector<32xbf16> -> vector<16xf32>
        %mul3A_447 = arith.mulf %unpack3A_347, %unpack3A_352 : vector<16xf32>
        %mul3A_448 = arith.mulf %unpack3A_348, %unpack3A_353 : vector<16xf32>
        %mul3A_449 = arith.mulf %unpack3A_357, %unpack3A_362 : vector<16xf32>
        %mul3A_450 = arith.mulf %unpack3A_358, %unpack3A_363 : vector<16xf32>
        %mul3A_451 = arith.mulf %unpack3A_367, %unpack3A_372 : vector<16xf32>
        %mul3A_452 = arith.mulf %unpack3A_368, %unpack3A_373 : vector<16xf32>
        %mul3A_453 = arith.mulf %unpack3A_377, %unpack3A_382 : vector<16xf32>
        %mul3A_454 = arith.mulf %unpack3A_378, %unpack3A_383 : vector<16xf32>
        %add3A_455 = arith.addf %mul3A_447, %mul3A_448 : vector<16xf32>
        %add3A_456 = arith.addf %mul3A_449, %mul3A_450 : vector<16xf32>
        %add3A_457 = arith.addf %mul3A_451, %mul3A_452 : vector<16xf32>
        %add3A_458 = arith.addf %mul3A_453, %mul3A_454 : vector<16xf32>
        %add3A_459 = arith.addf %add3A_455, %add3A_456 : vector<16xf32>
        %add3A_460 = arith.addf %add3A_457, %add3A_458 : vector<16xf32>
        %add3A_461 = arith.addf %add3A_459, %add3A_460 : vector<16xf32>
        %swap3A_462 = arith.constant 4 : i32
        %swap3A_463 = arith.index_cast %swap3A_462 : i32 to index
        %swap3A_464 = arith.constant 0 : index
        %swap3A_465 = tpu.vector_load %arg13[%swap3A_463, %swap3A_464] {strides = array<i32>} : memref<16x16xf32, #tpu.memory_space<vmem>>, vector<16xf32>,
        tpu.vector_store %arg13[%swap3A_463, %swap3A_464], %add3A_461 {strides = array<i32>} : memref<16x16xf32, #tpu.memory_space<vmem>>, vector<16xf32>,
        %mul3A_466 = arith.constant 16 : i32
        %mul3A_467 = arith.muli %scan3A_109, %mul3A_466 : i32
        %add3A_468 = arith.constant 6 : i32
        %add3A_469 = arith.addi %mul3A_467, %add3A_468 : i32
        %get3A_470 = arith.index_cast %add3A_469 : i32 to index
        %get3A_471 = arith.constant 0 : index
        %get3A_472 = tpu.vector_load %arg10[%get3A_470, %get3A_471] {strides = array<i32>} : memref<128x128xbf16, #tpu.memory_space<vmem>>, vector<32xbf16>,
        %unpack3A_473 = tpu.unpack_subelements %get3A_472, 0 {pack_format = #tpu.pack_format<interleaved>} : vector<32xbf16> -> vector<16xf32>
        %unpack3A_474 = tpu.unpack_subelements %get3A_472, 1 {pack_format = #tpu.pack_format<interleaved>} : vector<32xbf16> -> vector<16xf32>
        %get3A_475 = arith.index_cast %add3A_469 : i32 to index
        %get3A_476 = arith.constant 0 : index
        %get3A_477 = tpu.vector_load %arg11[%get3A_475, %get3A_476] {strides = array<i32>} : memref<128x128xbf16, #tpu.memory_space<vmem>>, vector<32xbf16>,
        %unpack3A_478 = tpu.unpack_subelements %get3A_477, 0 {pack_format = #tpu.pack_format<interleaved>} : vector<32xbf16> -> vector<16xf32>
        %unpack3A_479 = tpu.unpack_subelements %get3A_477, 1 {pack_format = #tpu.pack_format<interleaved>} : vector<32xbf16> -> vector<16xf32>
        %get3A_480 = arith.index_cast %add3A_469 : i32 to index
        %get3A_481 = arith.constant 32 : index
        %get3A_482 = tpu.vector_load %arg10[%get3A_480, %get3A_481] {strides = array<i32>} : memref<128x128xbf16, #tpu.memory_space<vmem>>, vector<32xbf16>,
        %unpack3A_483 = tpu.unpack_subelements %get3A_482, 0 {pack_format = #tpu.pack_format<interleaved>} : vector<32xbf16> -> vector<16xf32>
        %unpack3A_484 = tpu.unpack_subelements %get3A_482, 1 {pack_format = #tpu.pack_format<interleaved>} : vector<32xbf16> -> vector<16xf32>
        %get3A_485 = arith.index_cast %add3A_469 : i32 to index
        %get3A_486 = arith.constant 32 : index
        %get3A_487 = tpu.vector_load %arg11[%get3A_485, %get3A_486] {strides = array<i32>} : memref<128x128xbf16, #tpu.memory_space<vmem>>, vector<32xbf16>,
        %unpack3A_488 = tpu.unpack_subelements %get3A_487, 0 {pack_format = #tpu.pack_format<interleaved>} : vector<32xbf16> -> vector<16xf32>
        %unpack3A_489 = tpu.unpack_subelements %get3A_487, 1 {pack_format = #tpu.pack_format<interleaved>} : vector<32xbf16> -> vector<16xf32>
        %get3A_490 = arith.index_cast %add3A_469 : i32 to index
        %get3A_491 = arith.constant 64 : index
        %get3A_492 = tpu.vector_load %arg10[%get3A_490, %get3A_491] {strides = array<i32>} : memref<128x128xbf16, #tpu.memory_space<vmem>>, vector<32xbf16>,
        %unpack3A_493 = tpu.unpack_subelements %get3A_492, 0 {pack_format = #tpu.pack_format<interleaved>} : vector<32xbf16> -> vector<16xf32>
        %unpack3A_494 = tpu.unpack_subelements %get3A_492, 1 {pack_format = #tpu.pack_format<interleaved>} : vector<32xbf16> -> vector<16xf32>
        %get3A_495 = arith.index_cast %add3A_469 : i32 to index
        %get3A_496 = arith.constant 64 : index
        %get3A_497 = tpu.vector_load %arg11[%get3A_495, %get3A_496] {strides = array<i32>} : memref<128x128xbf16, #tpu.memory_space<vmem>>, vector<32xbf16>,
        %unpack3A_498 = tpu.unpack_subelements %get3A_497, 0 {pack_format = #tpu.pack_format<interleaved>} : vector<32xbf16> -> vector<16xf32>
        %unpack3A_499 = tpu.unpack_subelements %get3A_497, 1 {pack_format = #tpu.pack_format<interleaved>} : vector<32xbf16> -> vector<16xf32>
        %get3A_500 = arith.index_cast %add3A_469 : i32 to index
        %get3A_501 = arith.constant 96 : index
        %get3A_502 = tpu.vector_load %arg10[%get3A_500, %get3A_501] {strides = array<i32>} : memref<128x128xbf16, #tpu.memory_space<vmem>>, vector<32xbf16>,
        %unpack3A_503 = tpu.unpack_subelements %get3A_502, 0 {pack_format = #tpu.pack_format<interleaved>} : vector<32xbf16> -> vector<16xf32>
        %unpack3A_504 = tpu.unpack_subelements %get3A_502, 1 {pack_format = #tpu.pack_format<interleaved>} : vector<32xbf16> -> vector<16xf32>
        %get3A_505 = arith.index_cast %add3A_469 : i32 to index
        %get3A_506 = arith.constant 96 : index
        %get3A_507 = tpu.vector_load %arg11[%get3A_505, %get3A_506] {strides = array<i32>} : memref<128x128xbf16, #tpu.memory_space<vmem>>, vector<32xbf16>,
        %unpack3A_508 = tpu.unpack_subelements %get3A_507, 0 {pack_format = #tpu.pack_format<interleaved>} : vector<32xbf16> -> vector<16xf32>
        %unpack3A_509 = tpu.unpack_subelements %get3A_507, 1 {pack_format = #tpu.pack_format<interleaved>} : vector<32xbf16> -> vector<16xf32>
        %mul3A_510 = arith.mulf %unpack3A_410, %unpack3A_415 : vector<16xf32>
        %mul3A_511 = arith.mulf %unpack3A_411, %unpack3A_416 : vector<16xf32>
        %mul3A_512 = arith.mulf %unpack3A_420, %unpack3A_425 : vector<16xf32>
        %mul3A_513 = arith.mulf %unpack3A_421, %unpack3A_426 : vector<16xf32>
        %mul3A_514 = arith.mulf %unpack3A_430, %unpack3A_435 : vector<16xf32>
        %mul3A_515 = arith.mulf %unpack3A_431, %unpack3A_436 : vector<16xf32>
        %mul3A_516 = arith.mulf %unpack3A_440, %unpack3A_445 : vector<16xf32>
        %mul3A_517 = arith.mulf %unpack3A_441, %unpack3A_446 : vector<16xf32>
        %add3A_518 = arith.addf %mul3A_510, %mul3A_511 : vector<16xf32>
        %add3A_519 = arith.addf %mul3A_512, %mul3A_513 : vector<16xf32>
        %add3A_520 = arith.addf %mul3A_514, %mul3A_515 : vector<16xf32>
        %add3A_521 = arith.addf %mul3A_516, %mul3A_517 : vector<16xf32>
        %add3A_522 = arith.addf %add3A_518, %add3A_519 : vector<16xf32>
        %add3A_523 = arith.addf %add3A_520, %add3A_521 : vector<16xf32>
        %add3A_524 = arith.addf %add3A_522, %add3A_523 : vector<16xf32>
        %swap3A_525 = arith.constant 5 : i32
        %swap3A_526 = arith.index_cast %swap3A_525 : i32 to index
        %swap3A_527 = arith.constant 0 : index
        %swap3A_528 = tpu.vector_load %arg13[%swap3A_526, %swap3A_527] {strides = array<i32>} : memref<16x16xf32, #tpu.memory_space<vmem>>, vector<16xf32>,
        tpu.vector_store %arg13[%swap3A_526, %swap3A_527], %add3A_524 {strides = array<i32>} : memref<16x16xf32, #tpu.memory_space<vmem>>, vector<16xf32>,
        %mul3A_529 = arith.constant 16 : i32
        %mul3A_530 = arith.muli %scan3A_109, %mul3A_529 : i32
        %add3A_531 = arith.constant 7 : i32
        %add3A_532 = arith.addi %mul3A_530, %add3A_531 : i32
        %get3A_533 = arith.index_cast %add3A_532 : i32 to index
        %get3A_534 = arith.constant 0 : index
        %get3A_535 = tpu.vector_load %arg10[%get3A_533, %get3A_534] {strides = array<i32>} : memref<128x128xbf16, #tpu.memory_space<vmem>>, vector<32xbf16>,
        %unpack3A_536 = tpu.unpack_subelements %get3A_535, 0 {pack_format = #tpu.pack_format<interleaved>} : vector<32xbf16> -> vector<16xf32>
        %unpack3A_537 = tpu.unpack_subelements %get3A_535, 1 {pack_format = #tpu.pack_format<interleaved>} : vector<32xbf16> -> vector<16xf32>
        %get3A_538 = arith.index_cast %add3A_532 : i32 to index
        %get3A_539 = arith.constant 0 : index
        %get3A_540 = tpu.vector_load %arg11[%get3A_538, %get3A_539] {strides = array<i32>} : memref<128x128xbf16, #tpu.memory_space<vmem>>, vector<32xbf16>,
        %unpack3A_541 = tpu.unpack_subelements %get3A_540, 0 {pack_format = #tpu.pack_format<interleaved>} : vector<32xbf16> -> vector<16xf32>
        %unpack3A_542 = tpu.unpack_subelements %get3A_540, 1 {pack_format = #tpu.pack_format<interleaved>} : vector<32xbf16> -> vector<16xf32>
        %get3A_543 = arith.index_cast %add3A_532 : i32 to index
        %get3A_544 = arith.constant 32 : index
        %get3A_545 = tpu.vector_load %arg10[%get3A_543, %get3A_544] {strides = array<i32>} : memref<128x128xbf16, #tpu.memory_space<vmem>>, vector<32xbf16>,
        %unpack3A_546 = tpu.unpack_subelements %get3A_545, 0 {pack_format = #tpu.pack_format<interleaved>} : vector<32xbf16> -> vector<16xf32>
        %unpack3A_547 = tpu.unpack_subelements %get3A_545, 1 {pack_format = #tpu.pack_format<interleaved>} : vector<32xbf16> -> vector<16xf32>
        %get3A_548 = arith.index_cast %add3A_532 : i32 to index
        %get3A_549 = arith.constant 32 : index
        %get3A_550 = tpu.vector_load %arg11[%get3A_548, %get3A_549] {strides = array<i32>} : memref<128x128xbf16, #tpu.memory_space<vmem>>, vector<32xbf16>,
        %unpack3A_551 = tpu.unpack_subelements %get3A_550, 0 {pack_format = #tpu.pack_format<interleaved>} : vector<32xbf16> -> vector<16xf32>
        %unpack3A_552 = tpu.unpack_subelements %get3A_550, 1 {pack_format = #tpu.pack_format<interleaved>} : vector<32xbf16> -> vector<16xf32>
        %get3A_553 = arith.index_cast %add3A_532 : i32 to index
        %get3A_554 = arith.constant 64 : index
        %get3A_555 = tpu.vector_load %arg10[%get3A_553, %get3A_554] {strides = array<i32>} : memref<128x128xbf16, #tpu.memory_space<vmem>>, vector<32xbf16>,
        %unpack3A_556 = tpu.unpack_subelements %get3A_555, 0 {pack_format = #tpu.pack_format<interleaved>} : vector<32xbf16> -> vector<16xf32>
        %unpack3A_557 = tpu.unpack_subelements %get3A_555, 1 {pack_format = #tpu.pack_format<interleaved>} : vector<32xbf16> -> vector<16xf32>
        %get3A_558 = arith.index_cast %add3A_532 : i32 to index
        %get3A_559 = arith.constant 64 : index
        %get3A_560 = tpu.vector_load %arg11[%get3A_558, %get3A_559] {strides = array<i32>} : memref<128x128xbf16, #tpu.memory_space<vmem>>, vector<32xbf16>,
        %unpack3A_561 = tpu.unpack_subelements %get3A_560, 0 {pack_format = #tpu.pack_format<interleaved>} : vector<32xbf16> -> vector<16xf32>
        %unpack3A_562 = tpu.unpack_subelements %get3A_560, 1 {pack_format = #tpu.pack_format<interleaved>} : vector<32xbf16> -> vector<16xf32>
        %get3A_563 = arith.index_cast %add3A_532 : i32 to index
        %get3A_564 = arith.constant 96 : index
        %get3A_565 = tpu.vector_load %arg10[%get3A_563, %get3A_564] {strides = array<i32>} : memref<128x128xbf16, #tpu.memory_space<vmem>>, vector<32xbf16>,
        %unpack3A_566 = tpu.unpack_subelements %get3A_565, 0 {pack_format = #tpu.pack_format<interleaved>} : vector<32xbf16> -> vector<16xf32>
        %unpack3A_567 = tpu.unpack_subelements %get3A_565, 1 {pack_format = #tpu.pack_format<interleaved>} : vector<32xbf16> -> vector<16xf32>
        %get3A_568 = arith.index_cast %add3A_532 : i32 to index
        %get3A_569 = arith.constant 96 : index
        %get3A_570 = tpu.vector_load %arg11[%get3A_568, %get3A_569] {strides = array<i32>} : memref<128x128xbf16, #tpu.memory_space<vmem>>, vector<32xbf16>,
        %unpack3A_571 = tpu.unpack_subelements %get3A_570, 0 {pack_format = #tpu.pack_format<interleaved>} : vector<32xbf16> -> vector<16xf32>
        %unpack3A_572 = tpu.unpack_subelements %get3A_570, 1 {pack_format = #tpu.pack_format<interleaved>} : vector<32xbf16> -> vector<16xf32>
        %mul3A_573 = arith.mulf %unpack3A_473, %unpack3A_478 : vector<16xf32>
        %mul3A_574 = arith.mulf %unpack3A_474, %unpack3A_479 : vector<16xf32>
        %mul3A_575 = arith.mulf %unpack3A_483, %unpack3A_488 : vector<16xf32>
        %mul3A_576 = arith.mulf %unpack3A_484, %unpack3A_489 : vector<16xf32>
        %mul3A_577 = arith.mulf %unpack3A_493, %unpack3A_498 : vector<16xf32>
        %mul3A_578 = arith.mulf %unpack3A_494, %unpack3A_499 : vector<16xf32>
        %mul3A_579 = arith.mulf %unpack3A_503, %unpack3A_508 : vector<16xf32>
        %mul3A_580 = arith.mulf %unpack3A_504, %unpack3A_509 : vector<16xf32>
        %add3A_581 = arith.addf %mul3A_573, %mul3A_574 : vector<16xf32>
        %add3A_582 = arith.addf %mul3A_575, %mul3A_576 : vector<16xf32>
        %add3A_583 = arith.addf %mul3A_577, %mul3A_578 : vector<16xf32>
        %add3A_584 = arith.addf %mul3A_579, %mul3A_580 : vector<16xf32>
        %add3A_585 = arith.addf %add3A_581, %add3A_582 : vector<16xf32>
        %add3A_586 = arith.addf %add3A_583, %add3A_584 : vector<16xf32>
        %add3A_587 = arith.addf %add3A_585, %add3A_586 : vector<16xf32>
        %swap3A_588 = arith.constant 6 : i32
        %swap3A_589 = arith.index_cast %swap3A_588 : i32 to index
        %swap3A_590 = arith.constant 0 : index
        %swap3A_591 = tpu.vector_load %arg13[%swap3A_589, %swap3A_590] {strides = array<i32>} : memref<16x16xf32, #tpu.memory_space<vmem>>, vector<16xf32>,
        tpu.vector_store %arg13[%swap3A_589, %swap3A_590], %add3A_587 {strides = array<i32>} : memref<16x16xf32, #tpu.memory_space<vmem>>, vector<16xf32>,
        %mul3A_592 = arith.constant 16 : i32
        %mul3A_593 = arith.muli %scan3A_109, %mul3A_592 : i32
        %add3A_594 = arith.constant 8 : i32
        %add3A_595 = arith.addi %mul3A_593, %add3A_594 : i32
        %get3A_596 = arith.index_cast %add3A_595 : i32 to index
        %get3A_597 = arith.constant 0 : index
        %get3A_598 = tpu.vector_load %arg10[%get3A_596, %get3A_597] {strides = array<i32>} : memref<128x128xbf16, #tpu.memory_space<vmem>>, vector<32xbf16>,
        %unpack3A_599 = tpu.unpack_subelements %get3A_598, 0 {pack_format = #tpu.pack_format<interleaved>} : vector<32xbf16> -> vector<16xf32>
        %unpack3A_600 = tpu.unpack_subelements %get3A_598, 1 {pack_format = #tpu.pack_format<interleaved>} : vector<32xbf16> -> vector<16xf32>
        %get3A_601 = arith.index_cast %add3A_595 : i32 to index
        %get3A_602 = arith.constant 0 : index
        %get3A_603 = tpu.vector_load %arg11[%get3A_601, %get3A_602] {strides = array<i32>} : memref<128x128xbf16, #tpu.memory_space<vmem>>, vector<32xbf16>,
        %unpack3A_604 = tpu.unpack_subelements %get3A_603, 0 {pack_format = #tpu.pack_format<interleaved>} : vector<32xbf16> -> vector<16xf32>
        %unpack3A_605 = tpu.unpack_subelements %get3A_603, 1 {pack_format = #tpu.pack_format<interleaved>} : vector<32xbf16> -> vector<16xf32>
        %get3A_606 = arith.index_cast %add3A_595 : i32 to index
        %get3A_607 = arith.constant 32 : index
        %get3A_608 = tpu.vector_load %arg10[%get3A_606, %get3A_607] {strides = array<i32>} : memref<128x128xbf16, #tpu.memory_space<vmem>>, vector<32xbf16>,
        %unpack3A_609 = tpu.unpack_subelements %get3A_608, 0 {pack_format = #tpu.pack_format<interleaved>} : vector<32xbf16> -> vector<16xf32>
        %unpack3A_610 = tpu.unpack_subelements %get3A_608, 1 {pack_format = #tpu.pack_format<interleaved>} : vector<32xbf16> -> vector<16xf32>
        %get3A_611 = arith.index_cast %add3A_595 : i32 to index
        %get3A_612 = arith.constant 32 : index
        %get3A_613 = tpu.vector_load %arg11[%get3A_611, %get3A_612] {strides = array<i32>} : memref<128x128xbf16, #tpu.memory_space<vmem>>, vector<32xbf16>,
        %unpack3A_614 = tpu.unpack_subelements %get3A_613, 0 {pack_format = #tpu.pack_format<interleaved>} : vector<32xbf16> -> vector<16xf32>
        %unpack3A_615 = tpu.unpack_subelements %get3A_613, 1 {pack_format = #tpu.pack_format<interleaved>} : vector<32xbf16> -> vector<16xf32>
        %get3A_616 = arith.index_cast %add3A_595 : i32 to index
        %get3A_617 = arith.constant 64 : index
        %get3A_618 = tpu.vector_load %arg10[%get3A_616, %get3A_617] {strides = array<i32>} : memref<128x128xbf16, #tpu.memory_space<vmem>>, vector<32xbf16>,
        %unpack3A_619 = tpu.unpack_subelements %get3A_618, 0 {pack_format = #tpu.pack_format<interleaved>} : vector<32xbf16> -> vector<16xf32>
        %unpack3A_620 = tpu.unpack_subelements %get3A_618, 1 {pack_format = #tpu.pack_format<interleaved>} : vector<32xbf16> -> vector<16xf32>
        %get3A_621 = arith.index_cast %add3A_595 : i32 to index
        %get3A_622 = arith.constant 64 : index
        %get3A_623 = tpu.vector_load %arg11[%get3A_621, %get3A_622] {strides = array<i32>} : memref<128x128xbf16, #tpu.memory_space<vmem>>, vector<32xbf16>,
        %unpack3A_624 = tpu.unpack_subelements %get3A_623, 0 {pack_format = #tpu.pack_format<interleaved>} : vector<32xbf16> -> vector<16xf32>
        %unpack3A_625 = tpu.unpack_subelements %get3A_623, 1 {pack_format = #tpu.pack_format<interleaved>} : vector<32xbf16> -> vector<16xf32>
        %get3A_626 = arith.index_cast %add3A_595 : i32 to index
        %get3A_627 = arith.constant 96 : index
        %get3A_628 = tpu.vector_load %arg10[%get3A_626, %get3A_627] {strides = array<i32>} : memref<128x128xbf16, #tpu.memory_space<vmem>>, vector<32xbf16>,
        %unpack3A_629 = tpu.unpack_subelements %get3A_628, 0 {pack_format = #tpu.pack_format<interleaved>} : vector<32xbf16> -> vector<16xf32>
        %unpack3A_630 = tpu.unpack_subelements %get3A_628, 1 {pack_format = #tpu.pack_format<interleaved>} : vector<32xbf16> -> vector<16xf32>
        %get3A_631 = arith.index_cast %add3A_595 : i32 to index
        %get3A_632 = arith.constant 96 : index
        %get3A_633 = tpu.vector_load %arg11[%get3A_631, %get3A_632] {strides = array<i32>} : memref<128x128xbf16, #tpu.memory_space<vmem>>, vector<32xbf16>,
        %unpack3A_634 = tpu.unpack_subelements %get3A_633, 0 {pack_format = #tpu.pack_format<interleaved>} : vector<32xbf16> -> vector<16xf32>
        %unpack3A_635 = tpu.unpack_subelements %get3A_633, 1 {pack_format = #tpu.pack_format<interleaved>} : vector<32xbf16> -> vector<16xf32>
        %mul3A_636 = arith.mulf %unpack3A_536, %unpack3A_541 : vector<16xf32>
        %mul3A_637 = arith.mulf %unpack3A_537, %unpack3A_542 : vector<16xf32>
        %mul3A_638 = arith.mulf %unpack3A_546, %unpack3A_551 : vector<16xf32>
        %mul3A_639 = arith.mulf %unpack3A_547, %unpack3A_552 : vector<16xf32>
        %mul3A_640 = arith.mulf %unpack3A_556, %unpack3A_561 : vector<16xf32>
        %mul3A_641 = arith.mulf %unpack3A_557, %unpack3A_562 : vector<16xf32>
        %mul3A_642 = arith.mulf %unpack3A_566, %unpack3A_571 : vector<16xf32>
        %mul3A_643 = arith.mulf %unpack3A_567, %unpack3A_572 : vector<16xf32>
        %add3A_644 = arith.addf %mul3A_636, %mul3A_637 : vector<16xf32>
        %add3A_645 = arith.addf %mul3A_638, %mul3A_639 : vector<16xf32>
        %add3A_646 = arith.addf %mul3A_640, %mul3A_641 : vector<16xf32>
        %add3A_647 = arith.addf %mul3A_642, %mul3A_643 : vector<16xf32>
        %add3A_648 = arith.addf %add3A_644, %add3A_645 : vector<16xf32>
        %add3A_649 = arith.addf %add3A_646, %add3A_647 : vector<16xf32>
        %add3A_650 = arith.addf %add3A_648, %add3A_649 : vector<16xf32>
        %swap3A_651 = arith.constant 7 : i32
        %swap3A_652 = arith.index_cast %swap3A_651 : i32 to index
        %swap3A_653 = arith.constant 0 : index
        %swap3A_654 = tpu.vector_load %arg13[%swap3A_652, %swap3A_653] {strides = array<i32>} : memref<16x16xf32, #tpu.memory_space<vmem>>, vector<16xf32>,
        tpu.vector_store %arg13[%swap3A_652, %swap3A_653], %add3A_650 {strides = array<i32>} : memref<16x16xf32, #tpu.memory_space<vmem>>, vector<16xf32>,
        %mul3A_655 = arith.constant 16 : i32
        %mul3A_656 = arith.muli %scan3A_109, %mul3A_655 : i32
        %add3A_657 = arith.constant 9 : i32
        %add3A_658 = arith.addi %mul3A_656, %add3A_657 : i32
        %get3A_659 = arith.index_cast %add3A_658 : i32 to index
        %get3A_660 = arith.constant 0 : index
        %get3A_661 = tpu.vector_load %arg10[%get3A_659, %get3A_660] {strides = array<i32>} : memref<128x128xbf16, #tpu.memory_space<vmem>>, vector<32xbf16>,
        %unpack3A_662 = tpu.unpack_subelements %get3A_661, 0 {pack_format = #tpu.pack_format<interleaved>} : vector<32xbf16> -> vector<16xf32>
        %unpack3A_663 = tpu.unpack_subelements %get3A_661, 1 {pack_format = #tpu.pack_format<interleaved>} : vector<32xbf16> -> vector<16xf32>
        %get3A_664 = arith.index_cast %add3A_658 : i32 to index
        %get3A_665 = arith.constant 0 : index
        %get3A_666 = tpu.vector_load %arg11[%get3A_664, %get3A_665] {strides = array<i32>} : memref<128x128xbf16, #tpu.memory_space<vmem>>, vector<32xbf16>,
        %unpack3A_667 = tpu.unpack_subelements %get3A_666, 0 {pack_format = #tpu.pack_format<interleaved>} : vector<32xbf16> -> vector<16xf32>
        %unpack3A_668 = tpu.unpack_subelements %get3A_666, 1 {pack_format = #tpu.pack_format<interleaved>} : vector<32xbf16> -> vector<16xf32>
        %get3A_669 = arith.index_cast %add3A_658 : i32 to index
        %get3A_670 = arith.constant 32 : index
        %get3A_671 = tpu.vector_load %arg10[%get3A_669, %get3A_670] {strides = array<i32>} : memref<128x128xbf16, #tpu.memory_space<vmem>>, vector<32xbf16>,
        %unpack3A_672 = tpu.unpack_subelements %get3A_671, 0 {pack_format = #tpu.pack_format<interleaved>} : vector<32xbf16> -> vector<16xf32>
        %unpack3A_673 = tpu.unpack_subelements %get3A_671, 1 {pack_format = #tpu.pack_format<interleaved>} : vector<32xbf16> -> vector<16xf32>
        %get3A_674 = arith.index_cast %add3A_658 : i32 to index
        %get3A_675 = arith.constant 32 : index
        %get3A_676 = tpu.vector_load %arg11[%get3A_674, %get3A_675] {strides = array<i32>} : memref<128x128xbf16, #tpu.memory_space<vmem>>, vector<32xbf16>,
        %unpack3A_677 = tpu.unpack_subelements %get3A_676, 0 {pack_format = #tpu.pack_format<interleaved>} : vector<32xbf16> -> vector<16xf32>
        %unpack3A_678 = tpu.unpack_subelements %get3A_676, 1 {pack_format = #tpu.pack_format<interleaved>} : vector<32xbf16> -> vector<16xf32>
        %get3A_679 = arith.index_cast %add3A_658 : i32 to index
        %get3A_680 = arith.constant 64 : index
        %get3A_681 = tpu.vector_load %arg10[%get3A_679, %get3A_680] {strides = array<i32>} : memref<128x128xbf16, #tpu.memory_space<vmem>>, vector<32xbf16>,
        %unpack3A_682 = tpu.unpack_subelements %get3A_681, 0 {pack_format = #tpu.pack_format<interleaved>} : vector<32xbf16> -> vector<16xf32>
        %unpack3A_683 = tpu.unpack_subelements %get3A_681, 1 {pack_format = #tpu.pack_format<interleaved>} : vector<32xbf16> -> vector<16xf32>
        %get3A_684 = arith.index_cast %add3A_658 : i32 to index
        %get3A_685 = arith.constant 64 : index
        %get3A_686 = tpu.vector_load %arg11[%get3A_684, %get3A_685] {strides = array<i32>} : memref<128x128xbf16, #tpu.memory_space<vmem>>, vector<32xbf16>,
        %unpack3A_687 = tpu.unpack_subelements %get3A_686, 0 {pack_format = #tpu.pack_format<interleaved>} : vector<32xbf16> -> vector<16xf32>
        %unpack3A_688 = tpu.unpack_subelements %get3A_686, 1 {pack_format = #tpu.pack_format<interleaved>} : vector<32xbf16> -> vector<16xf32>
        %get3A_689 = arith.index_cast %add3A_658 : i32 to index
        %get3A_690 = arith.constant 96 : index
        %get3A_691 = tpu.vector_load %arg10[%get3A_689, %get3A_690] {strides = array<i32>} : memref<128x128xbf16, #tpu.memory_space<vmem>>, vector<32xbf16>,
        %unpack3A_692 = tpu.unpack_subelements %get3A_691, 0 {pack_format = #tpu.pack_format<interleaved>} : vector<32xbf16> -> vector<16xf32>
        %unpack3A_693 = tpu.unpack_subelements %get3A_691, 1 {pack_format = #tpu.pack_format<interleaved>} : vector<32xbf16> -> vector<16xf32>
        %get3A_694 = arith.index_cast %add3A_658 : i32 to index
        %get3A_695 = arith.constant 96 : index
        %get3A_696 = tpu.vector_load %arg11[%get3A_694, %get3A_695] {strides = array<i32>} : memref<128x128xbf16, #tpu.memory_space<vmem>>, vector<32xbf16>,
        %unpack3A_697 = tpu.unpack_subelements %get3A_696, 0 {pack_format = #tpu.pack_format<interleaved>} : vector<32xbf16> -> vector<16xf32>
        %unpack3A_698 = tpu.unpack_subelements %get3A_696, 1 {pack_format = #tpu.pack_format<interleaved>} : vector<32xbf16> -> vector<16xf32>
        %mul3A_699 = arith.mulf %unpack3A_599, %unpack3A_604 : vector<16xf32>
        %mul3A_700 = arith.mulf %unpack3A_600, %unpack3A_605 : vector<16xf32>
        %mul3A_701 = arith.mulf %unpack3A_609, %unpack3A_614 : vector<16xf32>
        %mul3A_702 = arith.mulf %unpack3A_610, %unpack3A_615 : vector<16xf32>
        %mul3A_703 = arith.mulf %unpack3A_619, %unpack3A_624 : vector<16xf32>
        %mul3A_704 = arith.mulf %unpack3A_620, %unpack3A_625 : vector<16xf32>
        %mul3A_705 = arith.mulf %unpack3A_629, %unpack3A_634 : vector<16xf32>
        %mul3A_706 = arith.mulf %unpack3A_630, %unpack3A_635 : vector<16xf32>
        %add3A_707 = arith.addf %mul3A_699, %mul3A_700 : vector<16xf32>
        %add3A_708 = arith.addf %mul3A_701, %mul3A_702 : vector<16xf32>
        %add3A_709 = arith.addf %mul3A_703, %mul3A_704 : vector<16xf32>
        %add3A_710 = arith.addf %mul3A_705, %mul3A_706 : vector<16xf32>
        %add3A_711 = arith.addf %add3A_707, %add3A_708 : vector<16xf32>
        %add3A_712 = arith.addf %add3A_709, %add3A_710 : vector<16xf32>
        %add3A_713 = arith.addf %add3A_711, %add3A_712 : vector<16xf32>
        %swap3A_714 = arith.constant 8 : i32
        %swap3A_715 = arith.index_cast %swap3A_714 : i32 to index
        %swap3A_716 = arith.constant 0 : index
        %swap3A_717 = tpu.vector_load %arg13[%swap3A_715, %swap3A_716] {strides = array<i32>} : memref<16x16xf32, #tpu.memory_space<vmem>>, vector<16xf32>,
        tpu.vector_store %arg13[%swap3A_715, %swap3A_716], %add3A_713 {strides = array<i32>} : memref<16x16xf32, #tpu.memory_space<vmem>>, vector<16xf32>,
        %mul3A_718 = arith.constant 16 : i32
        %mul3A_719 = arith.muli %scan3A_109, %mul3A_718 : i32
        %add3A_720 = arith.constant 10 : i32
        %add3A_721 = arith.addi %mul3A_719, %add3A_720 : i32
        %get3A_722 = arith.index_cast %add3A_721 : i32 to index
        %get3A_723 = arith.constant 0 : index
        %get3A_724 = tpu.vector_load %arg10[%get3A_722, %get3A_723] {strides = array<i32>} : memref<128x128xbf16, #tpu.memory_space<vmem>>, vector<32xbf16>,
        %unpack3A_725 = tpu.unpack_subelements %get3A_724, 0 {pack_format = #tpu.pack_format<interleaved>} : vector<32xbf16> -> vector<16xf32>
        %unpack3A_726 = tpu.unpack_subelements %get3A_724, 1 {pack_format = #tpu.pack_format<interleaved>} : vector<32xbf16> -> vector<16xf32>
        %get3A_727 = arith.index_cast %add3A_721 : i32 to index
        %get3A_728 = arith.constant 0 : index
        %get3A_729 = tpu.vector_load %arg11[%get3A_727, %get3A_728] {strides = array<i32>} : memref<128x128xbf16, #tpu.memory_space<vmem>>, vector<32xbf16>,
        %unpack3A_730 = tpu.unpack_subelements %get3A_729, 0 {pack_format = #tpu.pack_format<interleaved>} : vector<32xbf16> -> vector<16xf32>
        %unpack3A_731 = tpu.unpack_subelements %get3A_729, 1 {pack_format = #tpu.pack_format<interleaved>} : vector<32xbf16> -> vector<16xf32>
        %get3A_732 = arith.index_cast %add3A_721 : i32 to index
        %get3A_733 = arith.constant 32 : index
        %get3A_734 = tpu.vector_load %arg10[%get3A_732, %get3A_733] {strides = array<i32>} : memref<128x128xbf16, #tpu.memory_space<vmem>>, vector<32xbf16>,
        %unpack3A_735 = tpu.unpack_subelements %get3A_734, 0 {pack_format = #tpu.pack_format<interleaved>} : vector<32xbf16> -> vector<16xf32>
        %unpack3A_736 = tpu.unpack_subelements %get3A_734, 1 {pack_format = #tpu.pack_format<interleaved>} : vector<32xbf16> -> vector<16xf32>
        %get3A_737 = arith.index_cast %add3A_721 : i32 to index
        %get3A_738 = arith.constant 32 : index
        %get3A_739 = tpu.vector_load %arg11[%get3A_737, %get3A_738] {strides = array<i32>} : memref<128x128xbf16, #tpu.memory_space<vmem>>, vector<32xbf16>,
        %unpack3A_740 = tpu.unpack_subelements %get3A_739, 0 {pack_format = #tpu.pack_format<interleaved>} : vector<32xbf16> -> vector<16xf32>
        %unpack3A_741 = tpu.unpack_subelements %get3A_739, 1 {pack_format = #tpu.pack_format<interleaved>} : vector<32xbf16> -> vector<16xf32>
        %get3A_742 = arith.index_cast %add3A_721 : i32 to index
        %get3A_743 = arith.constant 64 : index
        %get3A_744 = tpu.vector_load %arg10[%get3A_742, %get3A_743] {strides = array<i32>} : memref<128x128xbf16, #tpu.memory_space<vmem>>, vector<32xbf16>,
        %unpack3A_745 = tpu.unpack_subelements %get3A_744, 0 {pack_format = #tpu.pack_format<interleaved>} : vector<32xbf16> -> vector<16xf32>
        %unpack3A_746 = tpu.unpack_subelements %get3A_744, 1 {pack_format = #tpu.pack_format<interleaved>} : vector<32xbf16> -> vector<16xf32>
        %get3A_747 = arith.index_cast %add3A_721 : i32 to index
        %get3A_748 = arith.constant 64 : index
        %get3A_749 = tpu.vector_load %arg11[%get3A_747, %get3A_748] {strides = array<i32>} : memref<128x128xbf16, #tpu.memory_space<vmem>>, vector<32xbf16>,
        %unpack3A_750 = tpu.unpack_subelements %get3A_749, 0 {pack_format = #tpu.pack_format<interleaved>} : vector<32xbf16> -> vector<16xf32>
        %unpack3A_751 = tpu.unpack_subelements %get3A_749, 1 {pack_format = #tpu.pack_format<interleaved>} : vector<32xbf16> -> vector<16xf32>
        %get3A_752 = arith.index_cast %add3A_721 : i32 to index
        %get3A_753 = arith.constant 96 : index
        %get3A_754 = tpu.vector_load %arg10[%get3A_752, %get3A_753] {strides = array<i32>} : memref<128x128xbf16, #tpu.memory_space<vmem>>, vector<32xbf16>,
        %unpack3A_755 = tpu.unpack_subelements %get3A_754, 0 {pack_format = #tpu.pack_format<interleaved>} : vector<32xbf16> -> vector<16xf32>
        %unpack3A_756 = tpu.unpack_subelements %get3A_754, 1 {pack_format = #tpu.pack_format<interleaved>} : vector<32xbf16> -> vector<16xf32>
        %get3A_757 = arith.index_cast %add3A_721 : i32 to index
        %get3A_758 = arith.constant 96 : index
        %get3A_759 = tpu.vector_load %arg11[%get3A_757, %get3A_758] {strides = array<i32>} : memref<128x128xbf16, #tpu.memory_space<vmem>>, vector<32xbf16>,
        %unpack3A_760 = tpu.unpack_subelements %get3A_759, 0 {pack_format = #tpu.pack_format<interleaved>} : vector<32xbf16> -> vector<16xf32>
        %unpack3A_761 = tpu.unpack_subelements %get3A_759, 1 {pack_format = #tpu.pack_format<interleaved>} : vector<32xbf16> -> vector<16xf32>
        %mul3A_762 = arith.mulf %unpack3A_662, %unpack3A_667 : vector<16xf32>
        %mul3A_763 = arith.mulf %unpack3A_663, %unpack3A_668 : vector<16xf32>
        %mul3A_764 = arith.mulf %unpack3A_672, %unpack3A_677 : vector<16xf32>
        %mul3A_765 = arith.mulf %unpack3A_673, %unpack3A_678 : vector<16xf32>
        %mul3A_766 = arith.mulf %unpack3A_682, %unpack3A_687 : vector<16xf32>
        %mul3A_767 = arith.mulf %unpack3A_683, %unpack3A_688 : vector<16xf32>
        %mul3A_768 = arith.mulf %unpack3A_692, %unpack3A_697 : vector<16xf32>
        %mul3A_769 = arith.mulf %unpack3A_693, %unpack3A_698 : vector<16xf32>
        %add3A_770 = arith.addf %mul3A_762, %mul3A_763 : vector<16xf32>
        %add3A_771 = arith.addf %mul3A_764, %mul3A_765 : vector<16xf32>
        %add3A_772 = arith.addf %mul3A_766, %mul3A_767 : vector<16xf32>
        %add3A_773 = arith.addf %mul3A_768, %mul3A_769 : vector<16xf32>
        %add3A_774 = arith.addf %add3A_770, %add3A_771 : vector<16xf32>
        %add3A_775 = arith.addf %add3A_772, %add3A_773 : vector<16xf32>
        %add3A_776 = arith.addf %add3A_774, %add3A_775 : vector<16xf32>
        %swap3A_777 = arith.constant 9 : i32
        %swap3A_778 = arith.index_cast %swap3A_777 : i32 to index
        %swap3A_779 = arith.constant 0 : index
        %swap3A_780 = tpu.vector_load %arg13[%swap3A_778, %swap3A_779] {strides = array<i32>} : memref<16x16xf32, #tpu.memory_space<vmem>>, vector<16xf32>,
        tpu.vector_store %arg13[%swap3A_778, %swap3A_779], %add3A_776 {strides = array<i32>} : memref<16x16xf32, #tpu.memory_space<vmem>>, vector<16xf32>,
        %mul3A_781 = arith.constant 16 : i32
        %mul3A_782 = arith.muli %scan3A_109, %mul3A_781 : i32
        %add3A_783 = arith.constant 11 : i32
        %add3A_784 = arith.addi %mul3A_782, %add3A_783 : i32
        %get3A_785 = arith.index_cast %add3A_784 : i32 to index
        %get3A_786 = arith.constant 0 : index
        %get3A_787 = tpu.vector_load %arg10[%get3A_785, %get3A_786] {strides = array<i32>} : memref<128x128xbf16, #tpu.memory_space<vmem>>, vector<32xbf16>,
        %unpack3A_788 = tpu.unpack_subelements %get3A_787, 0 {pack_format = #tpu.pack_format<interleaved>} : vector<32xbf16> -> vector<16xf32>
        %unpack3A_789 = tpu.unpack_subelements %get3A_787, 1 {pack_format = #tpu.pack_format<interleaved>} : vector<32xbf16> -> vector<16xf32>
        %get3A_790 = arith.index_cast %add3A_784 : i32 to index
        %get3A_791 = arith.constant 0 : index
        %get3A_792 = tpu.vector_load %arg11[%get3A_790, %get3A_791] {strides = array<i32>} : memref<128x128xbf16, #tpu.memory_space<vmem>>, vector<32xbf16>,
        %unpack3A_793 = tpu.unpack_subelements %get3A_792, 0 {pack_format = #tpu.pack_format<interleaved>} : vector<32xbf16> -> vector<16xf32>
        %unpack3A_794 = tpu.unpack_subelements %get3A_792, 1 {pack_format = #tpu.pack_format<interleaved>} : vector<32xbf16> -> vector<16xf32>
        %get3A_795 = arith.index_cast %add3A_784 : i32 to index
        %get3A_796 = arith.constant 32 : index
        %get3A_797 = tpu.vector_load %arg10[%get3A_795, %get3A_796] {strides = array<i32>} : memref<128x128xbf16, #tpu.memory_space<vmem>>, vector<32xbf16>,
        %unpack3A_798 = tpu.unpack_subelements %get3A_797, 0 {pack_format = #tpu.pack_format<interleaved>} : vector<32xbf16> -> vector<16xf32>
        %unpack3A_799 = tpu.unpack_subelements %get3A_797, 1 {pack_format = #tpu.pack_format<interleaved>} : vector<32xbf16> -> vector<16xf32>
        %get3A_800 = arith.index_cast %add3A_784 : i32 to index
        %get3A_801 = arith.constant 32 : index
        %get3A_802 = tpu.vector_load %arg11[%get3A_800, %get3A_801] {strides = array<i32>} : memref<128x128xbf16, #tpu.memory_space<vmem>>, vector<32xbf16>,
        %unpack3A_803 = tpu.unpack_subelements %get3A_802, 0 {pack_format = #tpu.pack_format<interleaved>} : vector<32xbf16> -> vector<16xf32>
        %unpack3A_804 = tpu.unpack_subelements %get3A_802, 1 {pack_format = #tpu.pack_format<interleaved>} : vector<32xbf16> -> vector<16xf32>
        %get3A_805 = arith.index_cast %add3A_784 : i32 to index
        %get3A_806 = arith.constant 64 : index
        %get3A_807 = tpu.vector_load %arg10[%get3A_805, %get3A_806] {strides = array<i32>} : memref<128x128xbf16, #tpu.memory_space<vmem>>, vector<32xbf16>,
        %unpack3A_808 = tpu.unpack_subelements %get3A_807, 0 {pack_format = #tpu.pack_format<interleaved>} : vector<32xbf16> -> vector<16xf32>
        %unpack3A_809 = tpu.unpack_subelements %get3A_807, 1 {pack_format = #tpu.pack_format<interleaved>} : vector<32xbf16> -> vector<16xf32>
        %get3A_810 = arith.index_cast %add3A_784 : i32 to index
        %get3A_811 = arith.constant 64 : index
        %get3A_812 = tpu.vector_load %arg11[%get3A_810, %get3A_811] {strides = array<i32>} : memref<128x128xbf16, #tpu.memory_space<vmem>>, vector<32xbf16>,
        %unpack3A_813 = tpu.unpack_subelements %get3A_812, 0 {pack_format = #tpu.pack_format<interleaved>} : vector<32xbf16> -> vector<16xf32>
        %unpack3A_814 = tpu.unpack_subelements %get3A_812, 1 {pack_format = #tpu.pack_format<interleaved>} : vector<32xbf16> -> vector<16xf32>
        %get3A_815 = arith.index_cast %add3A_784 : i32 to index
        %get3A_816 = arith.constant 96 : index
        %get3A_817 = tpu.vector_load %arg10[%get3A_815, %get3A_816] {strides = array<i32>} : memref<128x128xbf16, #tpu.memory_space<vmem>>, vector<32xbf16>,
        %unpack3A_818 = tpu.unpack_subelements %get3A_817, 0 {pack_format = #tpu.pack_format<interleaved>} : vector<32xbf16> -> vector<16xf32>
        %unpack3A_819 = tpu.unpack_subelements %get3A_817, 1 {pack_format = #tpu.pack_format<interleaved>} : vector<32xbf16> -> vector<16xf32>
        %get3A_820 = arith.index_cast %add3A_784 : i32 to index
        %get3A_821 = arith.constant 96 : index
        %get3A_822 = tpu.vector_load %arg11[%get3A_820, %get3A_821] {strides = array<i32>} : memref<128x128xbf16, #tpu.memory_space<vmem>>, vector<32xbf16>,
        %unpack3A_823 = tpu.unpack_subelements %get3A_822, 0 {pack_format = #tpu.pack_format<interleaved>} : vector<32xbf16> -> vector<16xf32>
        %unpack3A_824 = tpu.unpack_subelements %get3A_822, 1 {pack_format = #tpu.pack_format<interleaved>} : vector<32xbf16> -> vector<16xf32>
        %mul3A_825 = arith.mulf %unpack3A_725, %unpack3A_730 : vector<16xf32>
        %mul3A_826 = arith.mulf %unpack3A_726, %unpack3A_731 : vector<16xf32>
        %mul3A_827 = arith.mulf %unpack3A_735, %unpack3A_740 : vector<16xf32>
        %mul3A_828 = arith.mulf %unpack3A_736, %unpack3A_741 : vector<16xf32>
        %mul3A_829 = arith.mulf %unpack3A_745, %unpack3A_750 : vector<16xf32>
        %mul3A_830 = arith.mulf %unpack3A_746, %unpack3A_751 : vector<16xf32>
        %mul3A_831 = arith.mulf %unpack3A_755, %unpack3A_760 : vector<16xf32>
        %mul3A_832 = arith.mulf %unpack3A_756, %unpack3A_761 : vector<16xf32>
        %add3A_833 = arith.addf %mul3A_825, %mul3A_826 : vector<16xf32>
        %add3A_834 = arith.addf %mul3A_827, %mul3A_828 : vector<16xf32>
        %add3A_835 = arith.addf %mul3A_829, %mul3A_830 : vector<16xf32>
        %add3A_836 = arith.addf %mul3A_831, %mul3A_832 : vector<16xf32>
        %add3A_837 = arith.addf %add3A_833, %add3A_834 : vector<16xf32>
        %add3A_838 = arith.addf %add3A_835, %add3A_836 : vector<16xf32>
        %add3A_839 = arith.addf %add3A_837, %add3A_838 : vector<16xf32>
        %swap3A_840 = arith.constant 10 : i32
        %swap3A_841 = arith.index_cast %swap3A_840 : i32 to index
        %swap3A_842 = arith.constant 0 : index
        %swap3A_843 = tpu.vector_load %arg13[%swap3A_841, %swap3A_842] {strides = array<i32>} : memref<16x16xf32, #tpu.memory_space<vmem>>, vector<16xf32>,
        tpu.vector_store %arg13[%swap3A_841, %swap3A_842], %add3A_839 {strides = array<i32>} : memref<16x16xf32, #tpu.memory_space<vmem>>, vector<16xf32>,
        %mul3A_844 = arith.constant 16 : i32
        %mul3A_845 = arith.muli %scan3A_109, %mul3A_844 : i32
        %add3A_846 = arith.constant 12 : i32
        %add3A_847 = arith.addi %mul3A_845, %add3A_846 : i32
        %get3A_848 = arith.index_cast %add3A_847 : i32 to index
        %get3A_849 = arith.constant 0 : index
        %get3A_850 = tpu.vector_load %arg10[%get3A_848, %get3A_849] {strides = array<i32>} : memref<128x128xbf16, #tpu.memory_space<vmem>>, vector<32xbf16>,
        %unpack3A_851 = tpu.unpack_subelements %get3A_850, 0 {pack_format = #tpu.pack_format<interleaved>} : vector<32xbf16> -> vector<16xf32>
        %unpack3A_852 = tpu.unpack_subelements %get3A_850, 1 {pack_format = #tpu.pack_format<interleaved>} : vector<32xbf16> -> vector<16xf32>
        %get3A_853 = arith.index_cast %add3A_847 : i32 to index
        %get3A_854 = arith.constant 0 : index
        %get3A_855 = tpu.vector_load %arg11[%get3A_853, %get3A_854] {strides = array<i32>} : memref<128x128xbf16, #tpu.memory_space<vmem>>, vector<32xbf16>,
        %unpack3A_856 = tpu.unpack_subelements %get3A_855, 0 {pack_format = #tpu.pack_format<interleaved>} : vector<32xbf16> -> vector<16xf32>
        %unpack3A_857 = tpu.unpack_subelements %get3A_855, 1 {pack_format = #tpu.pack_format<interleaved>} : vector<32xbf16> -> vector<16xf32>
        %get3A_858 = arith.index_cast %add3A_847 : i32 to index
        %get3A_859 = arith.constant 32 : index
        %get3A_860 = tpu.vector_load %arg10[%get3A_858, %get3A_859] {strides = array<i32>} : memref<128x128xbf16, #tpu.memory_space<vmem>>, vector<32xbf16>,
        %unpack3A_861 = tpu.unpack_subelements %get3A_860, 0 {pack_format = #tpu.pack_format<interleaved>} : vector<32xbf16> -> vector<16xf32>
        %unpack3A_862 = tpu.unpack_subelements %get3A_860, 1 {pack_format = #tpu.pack_format<interleaved>} : vector<32xbf16> -> vector<16xf32>
        %get3A_863 = arith.index_cast %add3A_847 : i32 to index
        %get3A_864 = arith.constant 32 : index
        %get3A_865 = tpu.vector_load %arg11[%get3A_863, %get3A_864] {strides = array<i32>} : memref<128x128xbf16, #tpu.memory_space<vmem>>, vector<32xbf16>,
        %unpack3A_866 = tpu.unpack_subelements %get3A_865, 0 {pack_format = #tpu.pack_format<interleaved>} : vector<32xbf16> -> vector<16xf32>
        %unpack3A_867 = tpu.unpack_subelements %get3A_865, 1 {pack_format = #tpu.pack_format<interleaved>} : vector<32xbf16> -> vector<16xf32>
        %get3A_868 = arith.index_cast %add3A_847 : i32 to index
        %get3A_869 = arith.constant 64 : index
        %get3A_870 = tpu.vector_load %arg10[%get3A_868, %get3A_869] {strides = array<i32>} : memref<128x128xbf16, #tpu.memory_space<vmem>>, vector<32xbf16>,
        %unpack3A_871 = tpu.unpack_subelements %get3A_870, 0 {pack_format = #tpu.pack_format<interleaved>} : vector<32xbf16> -> vector<16xf32>
        %unpack3A_872 = tpu.unpack_subelements %get3A_870, 1 {pack_format = #tpu.pack_format<interleaved>} : vector<32xbf16> -> vector<16xf32>
        %get3A_873 = arith.index_cast %add3A_847 : i32 to index
        %get3A_874 = arith.constant 64 : index
        %get3A_875 = tpu.vector_load %arg11[%get3A_873, %get3A_874] {strides = array<i32>} : memref<128x128xbf16, #tpu.memory_space<vmem>>, vector<32xbf16>,
        %unpack3A_876 = tpu.unpack_subelements %get3A_875, 0 {pack_format = #tpu.pack_format<interleaved>} : vector<32xbf16> -> vector<16xf32>
        %unpack3A_877 = tpu.unpack_subelements %get3A_875, 1 {pack_format = #tpu.pack_format<interleaved>} : vector<32xbf16> -> vector<16xf32>
        %get3A_878 = arith.index_cast %add3A_847 : i32 to index
        %get3A_879 = arith.constant 96 : index
        %get3A_880 = tpu.vector_load %arg10[%get3A_878, %get3A_879] {strides = array<i32>} : memref<128x128xbf16, #tpu.memory_space<vmem>>, vector<32xbf16>,
        %unpack3A_881 = tpu.unpack_subelements %get3A_880, 0 {pack_format = #tpu.pack_format<interleaved>} : vector<32xbf16> -> vector<16xf32>
        %unpack3A_882 = tpu.unpack_subelements %get3A_880, 1 {pack_format = #tpu.pack_format<interleaved>} : vector<32xbf16> -> vector<16xf32>
        %get3A_883 = arith.index_cast %add3A_847 : i32 to index
        %get3A_884 = arith.constant 96 : index
        %get3A_885 = tpu.vector_load %arg11[%get3A_883, %get3A_884] {strides = array<i32>} : memref<128x128xbf16, #tpu.memory_space<vmem>>, vector<32xbf16>,
        %unpack3A_886 = tpu.unpack_subelements %get3A_885, 0 {pack_format = #tpu.pack_format<interleaved>} : vector<32xbf16> -> vector<16xf32>
        %unpack3A_887 = tpu.unpack_subelements %get3A_885, 1 {pack_format = #tpu.pack_format<interleaved>} : vector<32xbf16> -> vector<16xf32>
        %mul3A_888 = arith.mulf %unpack3A_788, %unpack3A_793 : vector<16xf32>
        %mul3A_889 = arith.mulf %unpack3A_789, %unpack3A_794 : vector<16xf32>
        %mul3A_890 = arith.mulf %unpack3A_798, %unpack3A_803 : vector<16xf32>
        %mul3A_891 = arith.mulf %unpack3A_799, %unpack3A_804 : vector<16xf32>
        %mul3A_892 = arith.mulf %unpack3A_808, %unpack3A_813 : vector<16xf32>
        %mul3A_893 = arith.mulf %unpack3A_809, %unpack3A_814 : vector<16xf32>
        %mul3A_894 = arith.mulf %unpack3A_818, %unpack3A_823 : vector<16xf32>
        %mul3A_895 = arith.mulf %unpack3A_819, %unpack3A_824 : vector<16xf32>
        %add3A_896 = arith.addf %mul3A_888, %mul3A_889 : vector<16xf32>
        %add3A_897 = arith.addf %mul3A_890, %mul3A_891 : vector<16xf32>
        %add3A_898 = arith.addf %mul3A_892, %mul3A_893 : vector<16xf32>
        %add3A_899 = arith.addf %mul3A_894, %mul3A_895 : vector<16xf32>
        %add3A_900 = arith.addf %add3A_896, %add3A_897 : vector<16xf32>
        %add3A_901 = arith.addf %add3A_898, %add3A_899 : vector<16xf32>
        %add3A_902 = arith.addf %add3A_900, %add3A_901 : vector<16xf32>
        %swap3A_903 = arith.constant 11 : i32
        %swap3A_904 = arith.index_cast %swap3A_903 : i32 to index
        %swap3A_905 = arith.constant 0 : index
        %swap3A_906 = tpu.vector_load %arg13[%swap3A_904, %swap3A_905] {strides = array<i32>} : memref<16x16xf32, #tpu.memory_space<vmem>>, vector<16xf32>,
        tpu.vector_store %arg13[%swap3A_904, %swap3A_905], %add3A_902 {strides = array<i32>} : memref<16x16xf32, #tpu.memory_space<vmem>>, vector<16xf32>,
        %mul3A_907 = arith.constant 16 : i32
        %mul3A_908 = arith.muli %scan3A_109, %mul3A_907 : i32
        %add3A_909 = arith.constant 13 : i32
        %add3A_910 = arith.addi %mul3A_908, %add3A_909 : i32
        %get3A_911 = arith.index_cast %add3A_910 : i32 to index
        %get3A_912 = arith.constant 0 : index
        %get3A_913 = tpu.vector_load %arg10[%get3A_911, %get3A_912] {strides = array<i32>} : memref<128x128xbf16, #tpu.memory_space<vmem>>, vector<32xbf16>,
        %unpack3A_914 = tpu.unpack_subelements %get3A_913, 0 {pack_format = #tpu.pack_format<interleaved>} : vector<32xbf16> -> vector<16xf32>
        %unpack3A_915 = tpu.unpack_subelements %get3A_913, 1 {pack_format = #tpu.pack_format<interleaved>} : vector<32xbf16> -> vector<16xf32>
        %get3A_916 = arith.index_cast %add3A_910 : i32 to index
        %get3A_917 = arith.constant 0 : index
        %get3A_918 = tpu.vector_load %arg11[%get3A_916, %get3A_917] {strides = array<i32>} : memref<128x128xbf16, #tpu.memory_space<vmem>>, vector<32xbf16>,
        %unpack3A_919 = tpu.unpack_subelements %get3A_918, 0 {pack_format = #tpu.pack_format<interleaved>} : vector<32xbf16> -> vector<16xf32>
        %unpack3A_920 = tpu.unpack_subelements %get3A_918, 1 {pack_format = #tpu.pack_format<interleaved>} : vector<32xbf16> -> vector<16xf32>
        %get3A_921 = arith.index_cast %add3A_910 : i32 to index
        %get3A_922 = arith.constant 32 : index
        %get3A_923 = tpu.vector_load %arg10[%get3A_921, %get3A_922] {strides = array<i32>} : memref<128x128xbf16, #tpu.memory_space<vmem>>, vector<32xbf16>,
        %unpack3A_924 = tpu.unpack_subelements %get3A_923, 0 {pack_format = #tpu.pack_format<interleaved>} : vector<32xbf16> -> vector<16xf32>
        %unpack3A_925 = tpu.unpack_subelements %get3A_923, 1 {pack_format = #tpu.pack_format<interleaved>} : vector<32xbf16> -> vector<16xf32>
        %get3A_926 = arith.index_cast %add3A_910 : i32 to index
        %get3A_927 = arith.constant 32 : index
        %get3A_928 = tpu.vector_load %arg11[%get3A_926, %get3A_927] {strides = array<i32>} : memref<128x128xbf16, #tpu.memory_space<vmem>>, vector<32xbf16>,
        %unpack3A_929 = tpu.unpack_subelements %get3A_928, 0 {pack_format = #tpu.pack_format<interleaved>} : vector<32xbf16> -> vector<16xf32>
        %unpack3A_930 = tpu.unpack_subelements %get3A_928, 1 {pack_format = #tpu.pack_format<interleaved>} : vector<32xbf16> -> vector<16xf32>
        %get3A_931 = arith.index_cast %add3A_910 : i32 to index
        %get3A_932 = arith.constant 64 : index
        %get3A_933 = tpu.vector_load %arg10[%get3A_931, %get3A_932] {strides = array<i32>} : memref<128x128xbf16, #tpu.memory_space<vmem>>, vector<32xbf16>,
        %unpack3A_934 = tpu.unpack_subelements %get3A_933, 0 {pack_format = #tpu.pack_format<interleaved>} : vector<32xbf16> -> vector<16xf32>
        %unpack3A_935 = tpu.unpack_subelements %get3A_933, 1 {pack_format = #tpu.pack_format<interleaved>} : vector<32xbf16> -> vector<16xf32>
        %get3A_936 = arith.index_cast %add3A_910 : i32 to index
        %get3A_937 = arith.constant 64 : index
        %get3A_938 = tpu.vector_load %arg11[%get3A_936, %get3A_937] {strides = array<i32>} : memref<128x128xbf16, #tpu.memory_space<vmem>>, vector<32xbf16>,
        %unpack3A_939 = tpu.unpack_subelements %get3A_938, 0 {pack_format = #tpu.pack_format<interleaved>} : vector<32xbf16> -> vector<16xf32>
        %unpack3A_940 = tpu.unpack_subelements %get3A_938, 1 {pack_format = #tpu.pack_format<interleaved>} : vector<32xbf16> -> vector<16xf32>
        %get3A_941 = arith.index_cast %add3A_910 : i32 to index
        %get3A_942 = arith.constant 96 : index
        %get3A_943 = tpu.vector_load %arg10[%get3A_941, %get3A_942] {strides = array<i32>} : memref<128x128xbf16, #tpu.memory_space<vmem>>, vector<32xbf16>,
        %unpack3A_944 = tpu.unpack_subelements %get3A_943, 0 {pack_format = #tpu.pack_format<interleaved>} : vector<32xbf16> -> vector<16xf32>
        %unpack3A_945 = tpu.unpack_subelements %get3A_943, 1 {pack_format = #tpu.pack_format<interleaved>} : vector<32xbf16> -> vector<16xf32>
        %get3A_946 = arith.index_cast %add3A_910 : i32 to index
        %get3A_947 = arith.constant 96 : index
        %get3A_948 = tpu.vector_load %arg11[%get3A_946, %get3A_947] {strides = array<i32>} : memref<128x128xbf16, #tpu.memory_space<vmem>>, vector<32xbf16>,
        %unpack3A_949 = tpu.unpack_subelements %get3A_948, 0 {pack_format = #tpu.pack_format<interleaved>} : vector<32xbf16> -> vector<16xf32>
        %unpack3A_950 = tpu.unpack_subelements %get3A_948, 1 {pack_format = #tpu.pack_format<interleaved>} : vector<32xbf16> -> vector<16xf32>
        %mul3A_951 = arith.mulf %unpack3A_851, %unpack3A_856 : vector<16xf32>
        %mul3A_952 = arith.mulf %unpack3A_852, %unpack3A_857 : vector<16xf32>
        %mul3A_953 = arith.mulf %unpack3A_861, %unpack3A_866 : vector<16xf32>
        %mul3A_954 = arith.mulf %unpack3A_862, %unpack3A_867 : vector<16xf32>
        %mul3A_955 = arith.mulf %unpack3A_871, %unpack3A_876 : vector<16xf32>
        %mul3A_956 = arith.mulf %unpack3A_872, %unpack3A_877 : vector<16xf32>
        %mul3A_957 = arith.mulf %unpack3A_881, %unpack3A_886 : vector<16xf32>
        %mul3A_958 = arith.mulf %unpack3A_882, %unpack3A_887 : vector<16xf32>
        %add3A_959 = arith.addf %mul3A_951, %mul3A_952 : vector<16xf32>
        %add3A_960 = arith.addf %mul3A_953, %mul3A_954 : vector<16xf32>
        %add3A_961 = arith.addf %mul3A_955, %mul3A_956 : vector<16xf32>
        %add3A_962 = arith.addf %mul3A_957, %mul3A_958 : vector<16xf32>
        %add3A_963 = arith.addf %add3A_959, %add3A_960 : vector<16xf32>
        %add3A_964 = arith.addf %add3A_961, %add3A_962 : vector<16xf32>
        %add3A_965 = arith.addf %add3A_963, %add3A_964 : vector<16xf32>
        %swap3A_966 = arith.constant 12 : i32
        %swap3A_967 = arith.index_cast %swap3A_966 : i32 to index
        %swap3A_968 = arith.constant 0 : index
        %swap3A_969 = tpu.vector_load %arg13[%swap3A_967, %swap3A_968] {strides = array<i32>} : memref<16x16xf32, #tpu.memory_space<vmem>>, vector<16xf32>,
        tpu.vector_store %arg13[%swap3A_967, %swap3A_968], %add3A_965 {strides = array<i32>} : memref<16x16xf32, #tpu.memory_space<vmem>>, vector<16xf32>,
        %mul3A_970 = arith.constant 16 : i32
        %mul3A_971 = arith.muli %scan3A_109, %mul3A_970 : i32
        %add3A_972 = arith.constant 14 : i32
        %add3A_973 = arith.addi %mul3A_971, %add3A_972 : i32
        %get3A_974 = arith.index_cast %add3A_973 : i32 to index
        %get3A_975 = arith.constant 0 : index
        %get3A_976 = tpu.vector_load %arg10[%get3A_974, %get3A_975] {strides = array<i32>} : memref<128x128xbf16, #tpu.memory_space<vmem>>, vector<32xbf16>,
        %unpack3A_977 = tpu.unpack_subelements %get3A_976, 0 {pack_format = #tpu.pack_format<interleaved>} : vector<32xbf16> -> vector<16xf32>
        %unpack3A_978 = tpu.unpack_subelements %get3A_976, 1 {pack_format = #tpu.pack_format<interleaved>} : vector<32xbf16> -> vector<16xf32>
        %get3A_979 = arith.index_cast %add3A_973 : i32 to index
        %get3A_980 = arith.constant 0 : index
        %get3A_981 = tpu.vector_load %arg11[%get3A_979, %get3A_980] {strides = array<i32>} : memref<128x128xbf16, #tpu.memory_space<vmem>>, vector<32xbf16>,
        %unpack3A_982 = tpu.unpack_subelements %get3A_981, 0 {pack_format = #tpu.pack_format<interleaved>} : vector<32xbf16> -> vector<16xf32>
        %unpack3A_983 = tpu.unpack_subelements %get3A_981, 1 {pack_format = #tpu.pack_format<interleaved>} : vector<32xbf16> -> vector<16xf32>
        %get3A_984 = arith.index_cast %add3A_973 : i32 to index
        %get3A_985 = arith.constant 32 : index
        %get3A_986 = tpu.vector_load %arg10[%get3A_984, %get3A_985] {strides = array<i32>} : memref<128x128xbf16, #tpu.memory_space<vmem>>, vector<32xbf16>,
        %unpack3A_987 = tpu.unpack_subelements %get3A_986, 0 {pack_format = #tpu.pack_format<interleaved>} : vector<32xbf16> -> vector<16xf32>
        %unpack3A_988 = tpu.unpack_subelements %get3A_986, 1 {pack_format = #tpu.pack_format<interleaved>} : vector<32xbf16> -> vector<16xf32>
        %get3A_989 = arith.index_cast %add3A_973 : i32 to index
        %get3A_990 = arith.constant 32 : index
        %get3A_991 = tpu.vector_load %arg11[%get3A_989, %get3A_990] {strides = array<i32>} : memref<128x128xbf16, #tpu.memory_space<vmem>>, vector<32xbf16>,
        %unpack3A_992 = tpu.unpack_subelements %get3A_991, 0 {pack_format = #tpu.pack_format<interleaved>} : vector<32xbf16> -> vector<16xf32>
        %unpack3A_993 = tpu.unpack_subelements %get3A_991, 1 {pack_format = #tpu.pack_format<interleaved>} : vector<32xbf16> -> vector<16xf32>
        %get3A_994 = arith.index_cast %add3A_973 : i32 to index
        %get3A_995 = arith.constant 64 : index
        %get3A_996 = tpu.vector_load %arg10[%get3A_994, %get3A_995] {strides = array<i32>} : memref<128x128xbf16, #tpu.memory_space<vmem>>, vector<32xbf16>,
        %unpack3A_997 = tpu.unpack_subelements %get3A_996, 0 {pack_format = #tpu.pack_format<interleaved>} : vector<32xbf16> -> vector<16xf32>
        %unpack3A_998 = tpu.unpack_subelements %get3A_996, 1 {pack_format = #tpu.pack_format<interleaved>} : vector<32xbf16> -> vector<16xf32>
        %get3A_999 = arith.index_cast %add3A_973 : i32 to index
        %get3A_1000 = arith.constant 64 : index
        %get3A_1001 = tpu.vector_load %arg11[%get3A_999, %get3A_1000] {strides = array<i32>} : memref<128x128xbf16, #tpu.memory_space<vmem>>, vector<32xbf16>,
        %unpack3A_1002 = tpu.unpack_subelements %get3A_1001, 0 {pack_format = #tpu.pack_format<interleaved>} : vector<32xbf16> -> vector<16xf32>
        %unpack3A_1003 = tpu.unpack_subelements %get3A_1001, 1 {pack_format = #tpu.pack_format<interleaved>} : vector<32xbf16> -> vector<16xf32>
        %get3A_1004 = arith.index_cast %add3A_973 : i32 to index
        %get3A_1005 = arith.constant 96 : index
        %get3A_1006 = tpu.vector_load %arg10[%get3A_1004, %get3A_1005] {strides = array<i32>} : memref<128x128xbf16, #tpu.memory_space<vmem>>, vector<32xbf16>,
        %unpack3A_1007 = tpu.unpack_subelements %get3A_1006, 0 {pack_format = #tpu.pack_format<interleaved>} : vector<32xbf16> -> vector<16xf32>
        %unpack3A_1008 = tpu.unpack_subelements %get3A_1006, 1 {pack_format = #tpu.pack_format<interleaved>} : vector<32xbf16> -> vector<16xf32>
        %get3A_1009 = arith.index_cast %add3A_973 : i32 to index
        %get3A_1010 = arith.constant 96 : index
        %get3A_1011 = tpu.vector_load %arg11[%get3A_1009, %get3A_1010] {strides = array<i32>} : memref<128x128xbf16, #tpu.memory_space<vmem>>, vector<32xbf16>,
        %unpack3A_1012 = tpu.unpack_subelements %get3A_1011, 0 {pack_format = #tpu.pack_format<interleaved>} : vector<32xbf16> -> vector<16xf32>
        %unpack3A_1013 = tpu.unpack_subelements %get3A_1011, 1 {pack_format = #tpu.pack_format<interleaved>} : vector<32xbf16> -> vector<16xf32>
        %mul3A_1014 = arith.mulf %unpack3A_914, %unpack3A_919 : vector<16xf32>
        %mul3A_1015 = arith.mulf %unpack3A_915, %unpack3A_920 : vector<16xf32>
        %mul3A_1016 = arith.mulf %unpack3A_924, %unpack3A_929 : vector<16xf32>
        %mul3A_1017 = arith.mulf %unpack3A_925, %unpack3A_930 : vector<16xf32>
        %mul3A_1018 = arith.mulf %unpack3A_934, %unpack3A_939 : vector<16xf32>
        %mul3A_1019 = arith.mulf %unpack3A_935, %unpack3A_940 : vector<16xf32>
        %mul3A_1020 = arith.mulf %unpack3A_944, %unpack3A_949 : vector<16xf32>
        %mul3A_1021 = arith.mulf %unpack3A_945, %unpack3A_950 : vector<16xf32>
        %add3A_1022 = arith.addf %mul3A_1014, %mul3A_1015 : vector<16xf32>
        %add3A_1023 = arith.addf %mul3A_1016, %mul3A_1017 : vector<16xf32>
        %add3A_1024 = arith.addf %mul3A_1018, %mul3A_1019 : vector<16xf32>
        %add3A_1025 = arith.addf %mul3A_1020, %mul3A_1021 : vector<16xf32>
        %add3A_1026 = arith.addf %add3A_1022, %add3A_1023 : vector<16xf32>
        %add3A_1027 = arith.addf %add3A_1024, %add3A_1025 : vector<16xf32>
        %add3A_1028 = arith.addf %add3A_1026, %add3A_1027 : vector<16xf32>
        %swap3A_1029 = arith.constant 13 : i32
        %swap3A_1030 = arith.index_cast %swap3A_1029 : i32 to index
        %swap3A_1031 = arith.constant 0 : index
        %swap3A_1032 = tpu.vector_load %arg13[%swap3A_1030, %swap3A_1031] {strides = array<i32>} : memref<16x16xf32, #tpu.memory_space<vmem>>, vector<16xf32>,
        tpu.vector_store %arg13[%swap3A_1030, %swap3A_1031], %add3A_1028 {strides = array<i32>} : memref<16x16xf32, #tpu.memory_space<vmem>>, vector<16xf32>,
        %mul3A_1033 = arith.constant 16 : i32
        %mul3A_1034 = arith.muli %scan3A_109, %mul3A_1033 : i32
        %add3A_1035 = arith.constant 15 : i32
        %add3A_1036 = arith.addi %mul3A_1034, %add3A_1035 : i32
        %get3A_1037 = arith.index_cast %add3A_1036 : i32 to index
        %get3A_1038 = arith.constant 0 : index
        %get3A_1039 = tpu.vector_load %arg10[%get3A_1037, %get3A_1038] {strides = array<i32>} : memref<128x128xbf16, #tpu.memory_space<vmem>>, vector<32xbf16>,
        %unpack3A_1040 = tpu.unpack_subelements %get3A_1039, 0 {pack_format = #tpu.pack_format<interleaved>} : vector<32xbf16> -> vector<16xf32>
        %unpack3A_1041 = tpu.unpack_subelements %get3A_1039, 1 {pack_format = #tpu.pack_format<interleaved>} : vector<32xbf16> -> vector<16xf32>
        %get3A_1042 = arith.index_cast %add3A_1036 : i32 to index
        %get3A_1043 = arith.constant 0 : index
        %get3A_1044 = tpu.vector_load %arg11[%get3A_1042, %get3A_1043] {strides = array<i32>} : memref<128x128xbf16, #tpu.memory_space<vmem>>, vector<32xbf16>,
        %unpack3A_1045 = tpu.unpack_subelements %get3A_1044, 0 {pack_format = #tpu.pack_format<interleaved>} : vector<32xbf16> -> vector<16xf32>
        %unpack3A_1046 = tpu.unpack_subelements %get3A_1044, 1 {pack_format = #tpu.pack_format<interleaved>} : vector<32xbf16> -> vector<16xf32>
        %get3A_1047 = arith.index_cast %add3A_1036 : i32 to index
        %get3A_1048 = arith.constant 32 : index
        %get3A_1049 = tpu.vector_load %arg10[%get3A_1047, %get3A_1048] {strides = array<i32>} : memref<128x128xbf16, #tpu.memory_space<vmem>>, vector<32xbf16>,
        %unpack3A_1050 = tpu.unpack_subelements %get3A_1049, 0 {pack_format = #tpu.pack_format<interleaved>} : vector<32xbf16> -> vector<16xf32>
        %unpack3A_1051 = tpu.unpack_subelements %get3A_1049, 1 {pack_format = #tpu.pack_format<interleaved>} : vector<32xbf16> -> vector<16xf32>
        %get3A_1052 = arith.index_cast %add3A_1036 : i32 to index
        %get3A_1053 = arith.constant 32 : index
        %get3A_1054 = tpu.vector_load %arg11[%get3A_1052, %get3A_1053] {strides = array<i32>} : memref<128x128xbf16, #tpu.memory_space<vmem>>, vector<32xbf16>,
        %unpack3A_1055 = tpu.unpack_subelements %get3A_1054, 0 {pack_format = #tpu.pack_format<interleaved>} : vector<32xbf16> -> vector<16xf32>
        %unpack3A_1056 = tpu.unpack_subelements %get3A_1054, 1 {pack_format = #tpu.pack_format<interleaved>} : vector<32xbf16> -> vector<16xf32>
        %get3A_1057 = arith.index_cast %add3A_1036 : i32 to index
        %get3A_1058 = arith.constant 64 : index
        %get3A_1059 = tpu.vector_load %arg10[%get3A_1057, %get3A_1058] {strides = array<i32>} : memref<128x128xbf16, #tpu.memory_space<vmem>>, vector<32xbf16>,
        %unpack3A_1060 = tpu.unpack_subelements %get3A_1059, 0 {pack_format = #tpu.pack_format<interleaved>} : vector<32xbf16> -> vector<16xf32>
        %unpack3A_1061 = tpu.unpack_subelements %get3A_1059, 1 {pack_format = #tpu.pack_format<interleaved>} : vector<32xbf16> -> vector<16xf32>
        %get3A_1062 = arith.index_cast %add3A_1036 : i32 to index
        %get3A_1063 = arith.constant 64 : index
        %get3A_1064 = tpu.vector_load %arg11[%get3A_1062, %get3A_1063] {strides = array<i32>} : memref<128x128xbf16, #tpu.memory_space<vmem>>, vector<32xbf16>,
        %unpack3A_1065 = tpu.unpack_subelements %get3A_1064, 0 {pack_format = #tpu.pack_format<interleaved>} : vector<32xbf16> -> vector<16xf32>
        %unpack3A_1066 = tpu.unpack_subelements %get3A_1064, 1 {pack_format = #tpu.pack_format<interleaved>} : vector<32xbf16> -> vector<16xf32>
        %get3A_1067 = arith.index_cast %add3A_1036 : i32 to index
        %get3A_1068 = arith.constant 96 : index
        %get3A_1069 = tpu.vector_load %arg10[%get3A_1067, %get3A_1068] {strides = array<i32>} : memref<128x128xbf16, #tpu.memory_space<vmem>>, vector<32xbf16>,
        %unpack3A_1070 = tpu.unpack_subelements %get3A_1069, 0 {pack_format = #tpu.pack_format<interleaved>} : vector<32xbf16> -> vector<16xf32>
        %unpack3A_1071 = tpu.unpack_subelements %get3A_1069, 1 {pack_format = #tpu.pack_format<interleaved>} : vector<32xbf16> -> vector<16xf32>
        %get3A_1072 = arith.index_cast %add3A_1036 : i32 to index
        %get3A_1073 = arith.constant 96 : index
        %get3A_1074 = tpu.vector_load %arg11[%get3A_1072, %get3A_1073] {strides = array<i32>} : memref<128x128xbf16, #tpu.memory_space<vmem>>, vector<32xbf16>,
        %unpack3A_1075 = tpu.unpack_subelements %get3A_1074, 0 {pack_format = #tpu.pack_format<interleaved>} : vector<32xbf16> -> vector<16xf32>
        %unpack3A_1076 = tpu.unpack_subelements %get3A_1074, 1 {pack_format = #tpu.pack_format<interleaved>} : vector<32xbf16> -> vector<16xf32>
        %mul3A_1077 = arith.mulf %unpack3A_977, %unpack3A_982 : vector<16xf32>
        %mul3A_1078 = arith.mulf %unpack3A_978, %unpack3A_983 : vector<16xf32>
        %mul3A_1079 = arith.mulf %unpack3A_987, %unpack3A_992 : vector<16xf32>
        %mul3A_1080 = arith.mulf %unpack3A_988, %unpack3A_993 : vector<16xf32>
        %mul3A_1081 = arith.mulf %unpack3A_997, %unpack3A_1002 : vector<16xf32>
        %mul3A_1082 = arith.mulf %unpack3A_998, %unpack3A_1003 : vector<16xf32>
        %mul3A_1083 = arith.mulf %unpack3A_1007, %unpack3A_1012 : vector<16xf32>
        %mul3A_1084 = arith.mulf %unpack3A_1008, %unpack3A_1013 : vector<16xf32>
        %add3A_1085 = arith.addf %mul3A_1077, %mul3A_1078 : vector<16xf32>
        %add3A_1086 = arith.addf %mul3A_1079, %mul3A_1080 : vector<16xf32>
        %add3A_1087 = arith.addf %mul3A_1081, %mul3A_1082 : vector<16xf32>
        %add3A_1088 = arith.addf %mul3A_1083, %mul3A_1084 : vector<16xf32>
        %add3A_1089 = arith.addf %add3A_1085, %add3A_1086 : vector<16xf32>
        %add3A_1090 = arith.addf %add3A_1087, %add3A_1088 : vector<16xf32>
        %add3A_1091 = arith.addf %add3A_1089, %add3A_1090 : vector<16xf32>
        %swap3A_1092 = arith.constant 14 : i32
        %swap3A_1093 = arith.index_cast %swap3A_1092 : i32 to index
        %swap3A_1094 = arith.constant 0 : index
        %swap3A_1095 = tpu.vector_load %arg13[%swap3A_1093, %swap3A_1094] {strides = array<i32>} : memref<16x16xf32, #tpu.memory_space<vmem>>, vector<16xf32>,
        tpu.vector_store %arg13[%swap3A_1093, %swap3A_1094], %add3A_1091 {strides = array<i32>} : memref<16x16xf32, #tpu.memory_space<vmem>>, vector<16xf32>,
        %mul3A_1096 = arith.mulf %unpack3A_1040, %unpack3A_1045 : vector<16xf32>
        %mul3A_1097 = arith.mulf %unpack3A_1041, %unpack3A_1046 : vector<16xf32>
        %mul3A_1098 = arith.mulf %unpack3A_1050, %unpack3A_1055 : vector<16xf32>
        %mul3A_1099 = arith.mulf %unpack3A_1051, %unpack3A_1056 : vector<16xf32>
        %mul3A_1100 = arith.mulf %unpack3A_1060, %unpack3A_1065 : vector<16xf32>
        %mul3A_1101 = arith.mulf %unpack3A_1061, %unpack3A_1066 : vector<16xf32>
        %mul3A_1102 = arith.mulf %unpack3A_1070, %unpack3A_1075 : vector<16xf32>
        %mul3A_1103 = arith.mulf %unpack3A_1071, %unpack3A_1076 : vector<16xf32>
        %add3A_1104 = arith.addf %mul3A_1096, %mul3A_1097 : vector<16xf32>
        %add3A_1105 = arith.addf %mul3A_1098, %mul3A_1099 : vector<16xf32>
        %add3A_1106 = arith.addf %mul3A_1100, %mul3A_1101 : vector<16xf32>
        %add3A_1107 = arith.addf %mul3A_1102, %mul3A_1103 : vector<16xf32>
        %add3A_1108 = arith.addf %add3A_1104, %add3A_1105 : vector<16xf32>
        %add3A_1109 = arith.addf %add3A_1106, %add3A_1107 : vector<16xf32>
        %add3A_1110 = arith.addf %add3A_1108, %add3A_1109 : vector<16xf32>
        %swap3A_1111 = arith.constant 15 : i32
        %swap3A_1112 = arith.index_cast %swap3A_1111 : i32 to index
        %swap3A_1113 = arith.constant 0 : index
        %swap3A_1114 = tpu.vector_load %arg13[%swap3A_1112, %swap3A_1113] {strides = array<i32>} : memref<16x16xf32, #tpu.memory_space<vmem>>, vector<16xf32>,
        tpu.vector_store %arg13[%swap3A_1112, %swap3A_1113], %add3A_1110 {strides = array<i32>} : memref<16x16xf32, #tpu.memory_space<vmem>>, vector<16xf32>,
        %broadcast_in_dim3A = arith.constant 0.000000e+00 : f32
        %broadcast_in_dim3A_1115 = vector.broadcast %broadcast_in_dim3A : f32 to vector<16xf32>
        %broadcast_in_dim3A_1116 = arith.constant 0.000000e+00 : f32
        %broadcast_in_dim3A_1117 = vector.broadcast %broadcast_in_dim3A_1116 : f32 to vector<16xf32>
        %broadcast_in_dim3A_1118 = arith.constant 0.000000e+00 : f32
        %broadcast_in_dim3A_1119 = vector.broadcast %broadcast_in_dim3A_1118 : f32 to vector<16xf32>
        %broadcast_in_dim3A_1120 = arith.constant 0.000000e+00 : f32
        %broadcast_in_dim3A_1121 = vector.broadcast %broadcast_in_dim3A_1120 : f32 to vector<16xf32>
        %add3A_1122 = arith.constant 0 : i32
        %add3A_1123 = vector.broadcast %add3A_1122 : i32 to vector<16xi32>
        %add3A_1124 = arith.addi %iota3A, %add3A_1123 : vector<16xi32>
        %and3A = arith.constant 15 : i32
        %and3A_1125 = vector.broadcast %and3A : i32 to vector<16xi32>
        %and3A_1126 = arith.andi %add3A_1124, %and3A_1125 : vector<16xi32>
        %gather3A = tpu.vector_load_idx %arg13[%iota3A, %and3A_1126] : memref<16x16xf32, #tpu.memory_space<vmem>>[vector<16xi32>, vector<16xi32>], vector<16xf32>,
        %add3A_1127 = arith.addf %broadcast_in_dim3A_1115, %gather3A : vector<16xf32>
        %add3A_1128 = arith.constant 1 : i32
        %add3A_1129 = vector.broadcast %add3A_1128 : i32 to vector<16xi32>
        %add3A_1130 = arith.addi %iota3A, %add3A_1129 : vector<16xi32>
        %and3A_1131 = arith.constant 15 : i32
        %and3A_1132 = vector.broadcast %and3A_1131 : i32 to vector<16xi32>
        %and3A_1133 = arith.andi %add3A_1130, %and3A_1132 : vector<16xi32>
        %gather3A_1134 = tpu.vector_load_idx %arg13[%iota3A, %and3A_1133] : memref<16x16xf32, #tpu.memory_space<vmem>>[vector<16xi32>, vector<16xi32>], vector<16xf32>,
        %add3A_1135 = arith.addf %broadcast_in_dim3A_1117, %gather3A_1134 : vector<16xf32>
        %add3A_1136 = arith.constant 2 : i32
        %add3A_1137 = vector.broadcast %add3A_1136 : i32 to vector<16xi32>
        %add3A_1138 = arith.addi %iota3A, %add3A_1137 : vector<16xi32>
        %and3A_1139 = arith.constant 15 : i32
        %and3A_1140 = vector.broadcast %and3A_1139 : i32 to vector<16xi32>
        %and3A_1141 = arith.andi %add3A_1138, %and3A_1140 : vector<16xi32>
        %gather3A_1142 = tpu.vector_load_idx %arg13[%iota3A, %and3A_1141] : memref<16x16xf32, #tpu.memory_space<vmem>>[vector<16xi32>, vector<16xi32>], vector<16xf32>,
        %add3A_1143 = arith.addf %broadcast_in_dim3A_1119, %gather3A_1142 : vector<16xf32>
        %add3A_1144 = arith.constant 3 : i32
        %add3A_1145 = vector.broadcast %add3A_1144 : i32 to vector<16xi32>
        %add3A_1146 = arith.addi %iota3A, %add3A_1145 : vector<16xi32>
        %and3A_1147 = arith.constant 15 : i32
        %and3A_1148 = vector.broadcast %and3A_1147 : i32 to vector<16xi32>
        %and3A_1149 = arith.andi %add3A_1146, %and3A_1148 : vector<16xi32>
        %gather3A_1150 = tpu.vector_load_idx %arg13[%iota3A, %and3A_1149] : memref<16x16xf32, #tpu.memory_space<vmem>>[vector<16xi32>, vector<16xi32>], vector<16xf32>,
        %add3A_1151 = arith.addf %broadcast_in_dim3A_1121, %gather3A_1150 : vector<16xf32>
        %add3A_1152 = arith.constant 4 : i32
        %add3A_1153 = vector.broadcast %add3A_1152 : i32 to vector<16xi32>
        %add3A_1154 = arith.addi %iota3A, %add3A_1153 : vector<16xi32>
        %and3A_1155 = arith.constant 15 : i32
        %and3A_1156 = vector.broadcast %and3A_1155 : i32 to vector<16xi32>
        %and3A_1157 = arith.andi %add3A_1154, %and3A_1156 : vector<16xi32>
        %gather3A_1158 = tpu.vector_load_idx %arg13[%iota3A, %and3A_1157] : memref<16x16xf32, #tpu.memory_space<vmem>>[vector<16xi32>, vector<16xi32>], vector<16xf32>,
        %add3A_1159 = arith.addf %add3A_1127, %gather3A_1158 : vector<16xf32>
        %add3A_1160 = arith.constant 5 : i32
        %add3A_1161 = vector.broadcast %add3A_1160 : i32 to vector<16xi32>
        %add3A_1162 = arith.addi %iota3A, %add3A_1161 : vector<16xi32>
        %and3A_1163 = arith.constant 15 : i32
        %and3A_1164 = vector.broadcast %and3A_1163 : i32 to vector<16xi32>
        %and3A_1165 = arith.andi %add3A_1162, %and3A_1164 : vector<16xi32>
        %gather3A_1166 = tpu.vector_load_idx %arg13[%iota3A, %and3A_1165] : memref<16x16xf32, #tpu.memory_space<vmem>>[vector<16xi32>, vector<16xi32>], vector<16xf32>,
        %add3A_1167 = arith.addf %add3A_1135, %gather3A_1166 : vector<16xf32>
        %add3A_1168 = arith.constant 6 : i32
        %add3A_1169 = vector.broadcast %add3A_1168 : i32 to vector<16xi32>
        %add3A_1170 = arith.addi %iota3A, %add3A_1169 : vector<16xi32>
        %and3A_1171 = arith.constant 15 : i32
        %and3A_1172 = vector.broadcast %and3A_1171 : i32 to vector<16xi32>
        %and3A_1173 = arith.andi %add3A_1170, %and3A_1172 : vector<16xi32>
        %gather3A_1174 = tpu.vector_load_idx %arg13[%iota3A, %and3A_1173] : memref<16x16xf32, #tpu.memory_space<vmem>>[vector<16xi32>, vector<16xi32>], vector<16xf32>,
        %add3A_1175 = arith.addf %add3A_1143, %gather3A_1174 : vector<16xf32>
        %add3A_1176 = arith.constant 7 : i32
        %add3A_1177 = vector.broadcast %add3A_1176 : i32 to vector<16xi32>
        %add3A_1178 = arith.addi %iota3A, %add3A_1177 : vector<16xi32>
        %and3A_1179 = arith.constant 15 : i32
        %and3A_1180 = vector.broadcast %and3A_1179 : i32 to vector<16xi32>
        %and3A_1181 = arith.andi %add3A_1178, %and3A_1180 : vector<16xi32>
        %gather3A_1182 = tpu.vector_load_idx %arg13[%iota3A, %and3A_1181] : memref<16x16xf32, #tpu.memory_space<vmem>>[vector<16xi32>, vector<16xi32>], vector<16xf32>,
        %add3A_1183 = arith.addf %add3A_1151, %gather3A_1182 : vector<16xf32>
        %add3A_1184 = arith.constant 8 : i32
        %add3A_1185 = vector.broadcast %add3A_1184 : i32 to vector<16xi32>
        %add3A_1186 = arith.addi %iota3A, %add3A_1185 : vector<16xi32>
        %and3A_1187 = arith.constant 15 : i32
        %and3A_1188 = vector.broadcast %and3A_1187 : i32 to vector<16xi32>
        %and3A_1189 = arith.andi %add3A_1186, %and3A_1188 : vector<16xi32>
        %gather3A_1190 = tpu.vector_load_idx %arg13[%iota3A, %and3A_1189] : memref<16x16xf32, #tpu.memory_space<vmem>>[vector<16xi32>, vector<16xi32>], vector<16xf32>,
        %add3A_1191 = arith.addf %add3A_1159, %gather3A_1190 : vector<16xf32>
        %add3A_1192 = arith.constant 9 : i32
        %add3A_1193 = vector.broadcast %add3A_1192 : i32 to vector<16xi32>
        %add3A_1194 = arith.addi %iota3A, %add3A_1193 : vector<16xi32>
        %and3A_1195 = arith.constant 15 : i32
        %and3A_1196 = vector.broadcast %and3A_1195 : i32 to vector<16xi32>
        %and3A_1197 = arith.andi %add3A_1194, %and3A_1196 : vector<16xi32>
        %gather3A_1198 = tpu.vector_load_idx %arg13[%iota3A, %and3A_1197] : memref<16x16xf32, #tpu.memory_space<vmem>>[vector<16xi32>, vector<16xi32>], vector<16xf32>,
        %add3A_1199 = arith.addf %add3A_1167, %gather3A_1198 : vector<16xf32>
        %add3A_1200 = arith.constant 10 : i32
        %add3A_1201 = vector.broadcast %add3A_1200 : i32 to vector<16xi32>
        %add3A_1202 = arith.addi %iota3A, %add3A_1201 : vector<16xi32>
        %and3A_1203 = arith.constant 15 : i32
        %and3A_1204 = vector.broadcast %and3A_1203 : i32 to vector<16xi32>
        %and3A_1205 = arith.andi %add3A_1202, %and3A_1204 : vector<16xi32>
        %gather3A_1206 = tpu.vector_load_idx %arg13[%iota3A, %and3A_1205] : memref<16x16xf32, #tpu.memory_space<vmem>>[vector<16xi32>, vector<16xi32>], vector<16xf32>,
        %add3A_1207 = arith.addf %add3A_1175, %gather3A_1206 : vector<16xf32>
        %add3A_1208 = arith.constant 11 : i32
        %add3A_1209 = vector.broadcast %add3A_1208 : i32 to vector<16xi32>
        %add3A_1210 = arith.addi %iota3A, %add3A_1209 : vector<16xi32>
        %and3A_1211 = arith.constant 15 : i32
        %and3A_1212 = vector.broadcast %and3A_1211 : i32 to vector<16xi32>
        %and3A_1213 = arith.andi %add3A_1210, %and3A_1212 : vector<16xi32>
        %gather3A_1214 = tpu.vector_load_idx %arg13[%iota3A, %and3A_1213] : memref<16x16xf32, #tpu.memory_space<vmem>>[vector<16xi32>, vector<16xi32>], vector<16xf32>,
        %add3A_1215 = arith.addf %add3A_1183, %gather3A_1214 : vector<16xf32>
        %add3A_1216 = arith.constant 12 : i32
        %add3A_1217 = vector.broadcast %add3A_1216 : i32 to vector<16xi32>
        %add3A_1218 = arith.addi %iota3A, %add3A_1217 : vector<16xi32>
        %and3A_1219 = arith.constant 15 : i32
        %and3A_1220 = vector.broadcast %and3A_1219 : i32 to vector<16xi32>
        %and3A_1221 = arith.andi %add3A_1218, %and3A_1220 : vector<16xi32>
        %gather3A_1222 = tpu.vector_load_idx %arg13[%iota3A, %and3A_1221] : memref<16x16xf32, #tpu.memory_space<vmem>>[vector<16xi32>, vector<16xi32>], vector<16xf32>,
        %add3A_1223 = arith.addf %add3A_1191, %gather3A_1222 : vector<16xf32>
        %add3A_1224 = arith.constant 13 : i32
        %add3A_1225 = vector.broadcast %add3A_1224 : i32 to vector<16xi32>
        %add3A_1226 = arith.addi %iota3A, %add3A_1225 : vector<16xi32>
        %and3A_1227 = arith.constant 15 : i32
        %and3A_1228 = vector.broadcast %and3A_1227 : i32 to vector<16xi32>
        %and3A_1229 = arith.andi %add3A_1226, %and3A_1228 : vector<16xi32>
        %gather3A_1230 = tpu.vector_load_idx %arg13[%iota3A, %and3A_1229] : memref<16x16xf32, #tpu.memory_space<vmem>>[vector<16xi32>, vector<16xi32>], vector<16xf32>,
        %add3A_1231 = arith.addf %add3A_1199, %gather3A_1230 : vector<16xf32>
        %add3A_1232 = arith.constant 14 : i32
        %add3A_1233 = vector.broadcast %add3A_1232 : i32 to vector<16xi32>
        %add3A_1234 = arith.addi %iota3A, %add3A_1233 : vector<16xi32>
        %and3A_1235 = arith.constant 15 : i32
        %and3A_1236 = vector.broadcast %and3A_1235 : i32 to vector<16xi32>
        %and3A_1237 = arith.andi %add3A_1234, %and3A_1236 : vector<16xi32>
        %gather3A_1238 = tpu.vector_load_idx %arg13[%iota3A, %and3A_1237] : memref<16x16xf32, #tpu.memory_space<vmem>>[vector<16xi32>, vector<16xi32>], vector<16xf32>,
        %add3A_1239 = arith.addf %add3A_1207, %gather3A_1238 : vector<16xf32>
        %add3A_1240 = arith.constant 15 : i32
        %add3A_1241 = vector.broadcast %add3A_1240 : i32 to vector<16xi32>
        %add3A_1242 = arith.addi %iota3A, %add3A_1241 : vector<16xi32>
        %and3A_1243 = arith.constant 15 : i32
        %and3A_1244 = vector.broadcast %and3A_1243 : i32 to vector<16xi32>
        %and3A_1245 = arith.andi %add3A_1242, %and3A_1244 : vector<16xi32>
        %gather3A_1246 = tpu.vector_load_idx %arg13[%iota3A, %and3A_1245] : memref<16x16xf32, #tpu.memory_space<vmem>>[vector<16xi32>, vector<16xi32>], vector<16xf32>,
        %add3A_1247 = arith.addf %add3A_1215, %gather3A_1246 : vector<16xf32>
        %add3A_1248 = arith.addf %add3A_1223, %add3A_1231 : vector<16xf32>
        %add3A_1249 = arith.addf %add3A_1239, %add3A_1247 : vector<16xf32>
        %add3A_1250 = arith.addf %add3A_1248, %add3A_1249 : vector<16xf32>
        %neg3A = arith.constant 0.000000e+00 : f32
        %neg3A_1251 = vector.broadcast %neg3A : f32 to vector<16xf32>
        %neg3A_1252 = arith.subf %neg3A_1251, %add3A_1250 : vector<16xf32>
        %exp3A = math.exp %neg3A_1252 : vector<16xf32>
        %add3A_1253 = arith.constant 1.000000e+00 : f32
        %add3A_1254 = vector.broadcast %add3A_1253 : f32 to vector<16xf32>
        %add3A_1255 = arith.addf %add3A_1254, %exp3A : vector<16xf32>
        %div3A = arith.constant 1.000000e+00 : f32
        %div3A_1256 = vector.broadcast %div3A : f32 to vector<16xf32>
        %div3A_1257 = arith.divf %div3A_1256, %add3A_1255 : vector<16xf32>
        %add3A_1258 = arith.constant 1.000000e-15 : f32
        %add3A_1259 = vector.broadcast %add3A_1258 : f32 to vector<16xf32>
        %add3A_1260 = arith.addf %div3A_1257, %add3A_1259 : vector<16xf32>
        %mul3A_1261 = arith.constant 16 : i32
        %mul3A_1262 = arith.muli %scan3A_109, %mul3A_1261 : i32
        %swap3A_1263 = arith.index_cast %mul3A_1262 : i32 to index
        %swap3A_1264 = tpu.vector_load %arg12[%swap3A_1263] {strides = array<i32>} : memref<128xf32, #tpu.memory_space<vmem>>, vector<16xf32>,
        tpu.vector_store %arg12[%swap3A_1263], %add3A_1260 {strides = array<i32>} : memref<128xf32, #tpu.memory_space<vmem>>, vector<16xf32>,
      }
      %scan3A_108 = arith.constant 8 : i32
      "tpu.region"() ({
        %run_scoped3A = tpu.sem_alloc : memref<!tpu.dma_semaphore, #tpu.memory_space<semaphore_mem>>
        %dma_start3A_109 = arith.constant 0 : i32
        %dma_start3A_110 = tpu.memref_slice %arg5[%add3A, %add3A_102, %dma_start3A_109] : memref<32x196x128xf32, #tpu.memory_space<hbm>> -> memref<1x1x128xf32, #tpu.memory_space<hbm>>
        %dma_start3A_111 = tpu.memref_squeeze %dma_start3A_110 : memref<1x1x128xf32, #tpu.memory_space<hbm>> -> memref<128xf32, #tpu.memory_space<hbm>>
        %dma_start3A_112 = arith.constant 0 : i32
        %dma_start3A_113 = tpu.memref_slice %arg5[%add3A, %add3A_102, %dma_start3A_112] : memref<32x196x128xf32, #tpu.memory_space<hbm>> -> memref<1x1x128xf32, #tpu.memory_space<hbm>>
        %dma_start3A_114 = tpu.memref_squeeze %dma_start3A_113 : memref<1x1x128xf32, #tpu.memory_space<hbm>> -> memref<128xf32, #tpu.memory_space<hbm>>
        tpu.enqueue_dma source(%arg12 : memref<128xf32, #tpu.memory_space<vmem>>) target(%dma_start3A_114 : memref<128xf32, #tpu.memory_space<hbm>>) target_semaphore(%run_scoped3A : memref<!tpu.dma_semaphore, #tpu.memory_space<semaphore_mem>>)
        %dma_wait3A_115 = arith.constant 0 : i32
        %dma_wait3A_116 = tpu.memref_slice %arg5[%add3A, %add3A_102, %dma_wait3A_115] : memref<32x196x128xf32, #tpu.memory_space<hbm>> -> memref<1x1x128xf32, #tpu.memory_space<hbm>>
        %dma_wait3A_117 = tpu.memref_squeeze %dma_wait3A_116 : memref<1x1x128xf32, #tpu.memory_space<hbm>> -> memref<128xf32, #tpu.memory_space<hbm>>
        %dma_wait3A_118 = arith.constant 0 : i32
        %dma_wait3A_119 = tpu.memref_slice %arg5[%add3A, %add3A_102, %dma_wait3A_118] : memref<32x196x128xf32, #tpu.memory_space<hbm>> -> memref<1x1x128xf32, #tpu.memory_space<hbm>>
        %dma_wait3A_120 = tpu.memref_squeeze %dma_wait3A_119 : memref<1x1x128xf32, #tpu.memory_space<hbm>> -> memref<128xf32, #tpu.memory_space<hbm>>
        tpu.wait_dma2 semaphore(%run_scoped3A : memref<!tpu.dma_semaphore, #tpu.memory_space<semaphore_mem>>) src(%arg12 : memref<128xf32, #tpu.memory_space<vmem>>) dst(%dma_wait3A_120 : memref<128xf32, #tpu.memory_space<hbm>>)
        tpu.yield
      }) : () -> ()
    }
    %scan3A_18 = arith.constant 98 : i32
    %dma_wait3A = arith.constant 0 : i32
    %dma_wait3A_19 = arith.constant 0 : i32
    %dma_wait3A_20 = tpu.memref_slice %arg6[%dma_wait3A, %dma_wait3A_19] : memref<196x128xi32, #tpu.memory_space<vmem>> -> memref<1x128xi32, #tpu.memory_space<vmem>>
    %dma_wait3A_21 = tpu.memref_squeeze %dma_wait3A_20 : memref<1x128xi32, #tpu.memory_space<vmem>> -> memref<128xi32, #tpu.memory_space<vmem>>
    %dma_wait3A_22 = arith.constant 0 : i32
    %dma_wait3A_23 = arith.constant 0 : i32
    %dma_wait3A_24 = tpu.memref_slice %arg4[%dma_wait3A_22, %dma_wait3A_23] : memref<51200x128xbf16, #tpu.memory_space<hbm>> -> memref<51200x128xbf16, #tpu.memory_space<hbm>>
    tpu.wait_indirect_dma semaphore(%arg14 : memref<!tpu.dma_semaphore, #tpu.memory_space<semaphore_mem>>) src(%dma_wait3A_24 : memref<51200x128xbf16, #tpu.memory_space<hbm>>) dst(%arg8 : memref<128x128xbf16, #tpu.memory_space<vmem>>)
    %dma_wait3A_25 = arith.constant 0 : i32
    %dma_wait3A_26 = arith.constant 0 : i32
    %dma_wait3A_27 = tpu.memref_slice %arg7[%dma_wait3A_25, %dma_wait3A_26] : memref<196x128xi32, #tpu.memory_space<vmem>> -> memref<1x128xi32, #tpu.memory_space<vmem>>
    %dma_wait3A_28 = tpu.memref_squeeze %dma_wait3A_27 : memref<1x128xi32, #tpu.memory_space<vmem>> -> memref<128xi32, #tpu.memory_space<vmem>>
    %dma_wait3A_29 = arith.constant 0 : i32
    %dma_wait3A_30 = arith.constant 0 : i32
    %dma_wait3A_31 = tpu.memref_slice %arg4[%dma_wait3A_29, %dma_wait3A_30] : memref<51200x128xbf16, #tpu.memory_space<hbm>> -> memref<51200x128xbf16, #tpu.memory_space<hbm>>
    tpu.wait_indirect_dma semaphore(%arg15 : memref<!tpu.dma_semaphore, #tpu.memory_space<semaphore_mem>>) src(%dma_wait3A_31 : memref<51200x128xbf16, #tpu.memory_space<hbm>>) dst(%arg9 : memref<128x128xbf16, #tpu.memory_space<vmem>>)
    return
  }
}

module attributes {stable_mosaic.version = 14 : i64} {
  func.func @_dense_body(%arg0: i32, %arg1: memref<2x1600x32xf32, #tpu.memory_space<vmem>>, %arg2: memref<1600x32xf32, #tpu.memory_space<vmem>>, %arg3: memref<1600x1xf32, #tpu.memory_space<vmem>>, %arg4: memref<32x128xf32, #tpu.memory_space<vmem>>, %arg5: memref<1x128xf32, #tpu.memory_space<vmem>>, %arg6: memref<1600x128xbf16, #tpu.memory_space<vmem>>) attributes {dimension_semantics = [#tpu.dimension_semantics<arbitrary>], iteration_bounds = array<i64: 32>, scalar_prefetch = 0 : i64, scratch_operands = 0 : i64, tpu.core_type = #tpu.core_type<tc>, window_params = [{transform_indices = @transform_0, window_bounds = array<i64: 2, 1600, 32>}, {transform_indices = @transform_1, window_bounds = array<i64: 1600, 32>}, {transform_indices = @transform_2, window_bounds = array<i64: 1600, 1>}, {pipeline_mode = #tpu.pipeline_mode<synchronous>, transform_indices = @transform_3, window_bounds = array<i64: 32, 128>}, {pipeline_mode = #tpu.pipeline_mode<synchronous>, transform_indices = @transform_4, window_bounds = array<i64: 1, 128>}, {transform_indices = @transform_5, window_bounds = array<i64: 1600, 128>}]} {
    %get3A = arith.constant 0 : index
    %get3A_0 = arith.constant 0 : index
    %get3A_1 = arith.constant 0 : index
    %get3A_2 = vector.load %arg1[%get3A, %get3A_0, %get3A_1] : memref<2x1600x32xf32, #tpu.memory_space<vmem>>, vector<1x1600x32xf32>
    %get3A_3 = vector.shape_cast %get3A_2 : vector<1x1600x32xf32> to vector<1600x32xf32>
    %get3A_4 = arith.constant 1 : index
    %get3A_5 = arith.constant 0 : index
    %get3A_6 = arith.constant 0 : index
    %get3A_7 = vector.load %arg1[%get3A_4, %get3A_5, %get3A_6] : memref<2x1600x32xf32, #tpu.memory_space<vmem>>, vector<1x1600x32xf32>
    %get3A_8 = vector.shape_cast %get3A_7 : vector<1x1600x32xf32> to vector<1600x32xf32>
    %add3A = arith.addf %get3A_3, %get3A_8 : vector<1600x32xf32>
    %get3A_9 = arith.constant 0 : index
    %get3A_10 = arith.constant 0 : index
    %get3A_11 = vector.load %arg2[%get3A_9, %get3A_10] : memref<1600x32xf32, #tpu.memory_space<vmem>>, vector<1600x32xf32>
    %add3A_12 = arith.addf %add3A, %get3A_11 : vector<1600x32xf32>
    %get3A_13 = arith.constant 0 : index
    %get3A_14 = arith.constant 0 : index
    %get3A_15 = vector.load %arg4[%get3A_13, %get3A_14] : memref<32x128xf32, #tpu.memory_space<vmem>>, vector<32x128xf32>
    %dot_general3A = arith.constant dense<0.000000e+00> : vector<1600x128xf32>
    %dot_general3A_16 = tpu.matmul %add3A_12, %get3A_15, %dot_general3A {dimension_numbers = #tpu.dot_dimension_numbers<[1], [0], [0], [1], [0, 0, 1, 1], [], []>, transpose_lhs_hint = false} : vector<1600x32xf32>, vector<32x128xf32>, vector<1600x128xf32> -> vector<1600x128xf32>
    %get3A_17 = arith.constant 0 : index
    %get3A_18 = arith.constant 0 : index
    %get3A_19 = vector.load %arg3[%get3A_17, %get3A_18] : memref<1600x1xf32, #tpu.memory_space<vmem>>, vector<1600x1xf32>
    %mul3A = vector.broadcast %get3A_19 : vector<1600x1xf32> to vector<1600x128xf32>
    %mul3A_20 = arith.mulf %dot_general3A_16, %mul3A : vector<1600x128xf32>
    %get3A_21 = arith.constant 0 : index
    %get3A_22 = arith.constant 0 : index
    %get3A_23 = vector.load %arg5[%get3A_21, %get3A_22] : memref<1x128xf32, #tpu.memory_space<vmem>>, vector<1x128xf32>
    %add3A_24 = vector.broadcast %get3A_23 : vector<1x128xf32> to vector<1600x128xf32>
    %add3A_25 = arith.addf %mul3A_20, %add3A_24 : vector<1600x128xf32>
    %max3A = arith.constant 0.000000e+00 : f32
    %max3A_26 = vector.broadcast %max3A : f32 to vector<1600x128xf32>
    %max3A_27 = arith.maximumf %add3A_25, %max3A_26 : vector<1600x128xf32>
    %convert_element_type3A = arith.truncf %max3A_27 : vector<1600x128xf32> to vector<1600x128xbf16>
    %swap3A = arith.constant 0 : index
    %swap3A_28 = arith.constant 0 : index
    %swap3A_29 = vector.load %arg6[%swap3A, %swap3A_28] : memref<1600x128xbf16, #tpu.memory_space<vmem>>, vector<1600x128xbf16>
    tpu.vector_store %arg6[%swap3A, %swap3A_28], %convert_element_type3A {strides = array<i32>} : memref<1600x128xbf16, #tpu.memory_space<vmem>>, vector<1600x128xbf16>,
    return
  }
  func.func @transform_0(%arg0: i32) -> (i32, i32, i32) {
    %c0_i32 = arith.constant 0 : i32
    %c0_i32_0 = arith.constant 0 : i32
    %c0_i32_1 = arith.constant 0 : i32
    return %c0_i32, %arg0, %c0_i32_0 : i32, i32, i32
  }
  func.func @transform_1(%arg0: i32) -> (i32, i32) {
    %c0_i32 = arith.constant 0 : i32
    %c0_i32_0 = arith.constant 0 : i32
    return %arg0, %c0_i32 : i32, i32
  }
  func.func @transform_2(%arg0: i32) -> (i32, i32) {
    %c0_i32 = arith.constant 0 : i32
    %c0_i32_0 = arith.constant 0 : i32
    return %arg0, %c0_i32 : i32, i32
  }
  func.func @transform_3(%arg0: i32) -> (i32, i32) {
    %c0_i32 = arith.constant 0 : i32
    %c0_i32_0 = arith.constant 0 : i32
    %c0_i32_1 = arith.constant 0 : i32
    return %c0_i32, %c0_i32_0 : i32, i32
  }
  func.func @transform_4(%arg0: i32) -> (i32, i32) {
    %c0_i32 = arith.constant 0 : i32
    %c0_i32_0 = arith.constant 0 : i32
    %c0_i32_1 = arith.constant 0 : i32
    return %c0_i32, %c0_i32_0 : i32, i32
  }
  func.func @transform_5(%arg0: i32) -> (i32, i32) {
    %c0_i32 = arith.constant 0 : i32
    %c0_i32_0 = arith.constant 0 : i32
    return %arg0, %c0_i32 : i32, i32
  }
}

</mosaic_0001>

<sc_bundles>
// kernel: kernel.12.cloned.1.call-start
scs
__scs_entry_jumppad:
0x0: {  	(pc) =	sbr.rel $0x88, $3  }
0x1: {  	(tag) =	ssettag $0x0;
	lr =	simm.s32 $0x1  }
0x2: {  	[smem:$0x3F9D] =	sst lr;
	_ =	strace $0xD0000000  }
0x3: {  	_ = 	snop  }
0x4: {  	_ = 	snop  }
0x5: {  	_ = 	snop  }
0x6: {  	_ = 	snop  }
0x7: {  	_ = 	snop  }
__scs_overlays_trampoline_lowered:
0x8: {  	[smem:$0x3FAC] =	sst s0  }
0x9: {  	[smem:$0x3FAD] =	sst s1  }
0xa: {  	[smem:$0x3FAE] =	sst s2  }
0xb: {  	[smem:$0x3FAF] =	sst s3  }
0xc: {  	[smem:$0x3FB0] =	sst s4  }
0xd: {  	[smem:$0x3FB1] =	sst s5  }
0xe: {  	[smem:$0x3FB2] =	sst s6  }
0xf: {  	[smem:$0x3FB3] =	sst s7  }
0x10: {  	[smem:$0x3FB4] =	sst s8  }
0x11: {  	[smem:$0x3FB5] =	sst s9;
	s0 =	simm.s32 @!p0 $0x0  }
0x12: {  	s1 =	sld [smem:$0x3F9B];
	s0 =	simm.s32 @p0 $0x1  }
0x13: {  	[smem:$0x3FB6] =	sst s0;
	s0 =	simm.s32 @!p1 $0x0  }
0x14: {  	s2 =	sld [smem:$0x3F9A];
	s0 =	simm.s32 @p1 $0x1  }
0x15: {  	[smem:$0x3FB7] =	sst s0;
	s0 =	simm.s32 @!p2 $0x0  }
0x16: {  	s3 =	sld [smem:$0x3FDB];
	s0 =	simm.s32 @p2 $0x1  }
0x17: {  	s4 =	simm.s32 $0x1BF5;
	[smem:$0x3FB9] =	sst s0  }
0x18: {  	s0 =	sld [smem:$0x3F9C];
	_ =	swait.ge [sflag:s4], $0x0  }
0x19: {  	s7 =	sld [smem:$0x3F9D]  }
0x1a: {  	s8 =	sadd.s32 $0xFFFFE003, lr  }
0x1b: {  	s9 =	sadd.s32 $0xFFFFFEF7, lr;
	s5 =	simm.s32 $0xFFFFFFFF;
	p2 =	slt.u32 s8, $0xFFFFF086  }
0x1c: {  	p1 =	slt.u32 s9, $0xF7A;
	s5 =	simm.s32 @!p2 $0x0  }
0x1d: {  	s5 =	simm.s32 @p1 $0x1;
	p0 =	seq.s32 s7, s2  }
0x1e: {  	s7 =	smul.u32 @!p0 $0xF7A, s2;
	p2 =	seq.s32 @!p0 s5, $0x0  }
0x1f: {  	s9 =	smul.u32 $0xF7A, s1;
	s8 =	simm.s32 @!p0 $0x1BF5;
	p2 =	por !p2, p0  }
0x20: {  	[sflag:s8] =	ssyncset.s32 @!p0 $0xFFFFF086;
	s6 =	sadd.s32 @!p0 s3, s7;
	s7 =	simm.s32 @!p0 $0x108  }
0x21: {  	s3 =	sadd.s32 s3, s9;
	s6 =	sadd.s32 @!p0 $0x88, s6;
	s7 =	simm.s32 @p2 $0x1082  }
0x22: {  	[simem:s7], [sflag:s8] =	dma.local @!p0 [hbm:s6], $0xF7A  }
0x23: {  	s9 =	sor.u32 $0xD0000000, s2;
	s6 =	simm.s32 $0x108;
	_ =	swait.ge @!p0 [sflag:s8], $0x0  }
0x24: {  	s3 =	sadd.s32 $0x88, s3;
	s6 =	simm.s32 @!p1 $0x1082;
	[sflag:s4] =	ssyncset.s32 $0xFFFFF086  }
0x25: {  	[simem:s6], [sflag:s4] =	dma.local [hbm:s3], $0xF7A  }
0x26: {  	[smem:$0x3F9D] =	sst s1;
	(tag) =	ssettag s2;
	_ =	strace s9  }
0x27: {  	s1 =	sld [smem:$0x3FAD]  }
0x28: {  	s2 =	sld [smem:$0x3FAE]  }
0x29: {  	s4 =	sld [smem:$0x3FB0]  }
0x2a: {  	p0 =	seq.s32 s5, $0x0;
	s5 =	sld [smem:$0x3FB1]  }
0x2b: {  	s6 =	sld [smem:$0x3FB2]  }
0x2c: {  	s7 =	sld [smem:$0x3FB3]  }
0x2d: {  	s3 =	simm.s32 $0x108;
	s8 =	sld [smem:$0x3FB4]  }
0x2e: {  	s3 =	simm.s32 @!p0 $0x1082;
	s9 =	sld [smem:$0x3FB5]  }
0x2f: {  	lr =	sadd.s32 s0, s3;
	s0 =	sld [smem:$0x3FAC]  }
0x30: {  	s3 =	sld [smem:$0x3FAF]  }
0x31: {  	[smem:$0x3FB8] =	sst s10  }
0x32: {  	s10 =	sld [smem:$0x3FB6];
	_ =	sdelay $0x3  }
0x33: {  	p0 =	seq.s32 s10, $0x1;
	s10 =	sld [smem:$0x3FB8];
	_ =	sdelay $0x3  }
0x34: {  	[smem:$0x3FB8] =	sst s10  }
0x35: {  	s10 =	sld [smem:$0x3FB7];
	_ =	sdelay $0x3  }
0x36: {  	p1 =	seq.s32 s10, $0x1;
	s10 =	sld [smem:$0x3FB8];
	_ =	sdelay $0x3  }
0x37: {  	[smem:$0x3FB8] =	sst s10  }
0x38: {  	s10 =	sld [smem:$0x3FB9]  }
0x39: {  	_ = 	snop;
	(pc) =	sbr.ind lr, $3  }
0x3a: {  	_ = 	snop  }
0x3b: {  	_ = 	snop  }
0x3c: {  	p2 =	seq.s32 s10, $0x1;
	s10 =	sld [smem:$0x3FB8]  }
0x3d: {  	_ =	shalt  }
0x3e: {  	_ =	shalt  }
0x3f: {  	_ =	shalt  }
0x40: {  	_ =	shalt  }
0x41: {  	_ =	shalt  }
0x42: {  	_ =	shalt  }
0x43: {  	_ =	shalt  }
0x44: {  	_ =	shalt  }
0x45: {  	_ =	shalt  }
0x46: {  	_ =	shalt  }
0x47: {  	_ =	shalt  }
0x48: {  	_ =	shalt  }
0x49: {  	_ =	shalt  }
0x4a: {  	_ =	shalt  }
0x4b: {  	_ =	shalt  }
0x4c: {  	_ =	shalt  }
0x4d: {  	_ =	shalt  }
0x4e: {  	_ =	shalt  }
0x4f: {  	_ =	shalt  }
0x50: {  	_ =	shalt  }
0x51: {  	_ =	shalt  }
0x52: {  	_ =	shalt  }
0x53: {  	_ =	shalt  }
0x54: {  	_ =	shalt  }
0x55: {  	_ =	shalt  }
0x56: {  	_ =	shalt  }
0x57: {  	_ =	shalt  }
0x58: {  	_ =	shalt  }
0x59: {  	_ =	shalt  }
0x5a: {  	_ =	shalt  }
0x5b: {  	_ =	shalt  }
0x5c: {  	_ =	shalt  }
0x5d: {  	_ =	shalt  }
0x5e: {  	_ =	shalt  }
0x5f: {  	_ =	shalt  }
0x60: {  	_ =	shalt  }
0x61: {  	_ =	shalt  }
0x62: {  	_ =	shalt  }
0x63: {  	_ =	shalt  }
0x64: {  	_ =	shalt  }
0x65: {  	_ =	shalt  }
0x66: {  	_ =	shalt  }
0x67: {  	_ =	shalt  }
0x68: {  	_ =	shalt  }
0x69: {  	_ =	shalt  }
0x6a: {  	_ =	shalt  }
0x6b: {  	_ =	shalt  }
0x6c: {  	_ =	shalt  }
0x6d: {  	_ =	shalt  }
0x6e: {  	_ =	shalt  }
0x6f: {  	_ =	shalt  }
0x70: {  	_ =	shalt  }
0x71: {  	_ =	shalt  }
0x72: {  	_ =	shalt  }
0x73: {  	_ =	shalt  }
0x74: {  	_ =	shalt  }
0x75: {  	_ =	shalt  }
0x76: {  	_ =	shalt  }
0x77: {  	_ =	shalt  }
0x78: {  	_ =	shalt  }
0x79: {  	_ =	shalt  }
0x7a: {  	_ =	shalt  }
0x7b: {  	_ =	shalt  }
0x7c: {  	_ =	shalt  }
0x7d: {  	_ =	shalt  }
0x7e: {  	_ =	shalt  }
0x7f: {  	_ =	shalt  }
0x80: {  	_ =	shalt  }
0x81: {  	_ =	shalt  }
0x82: {  	_ =	shalt  }
0x83: {  	_ =	shalt  }
0x84: {  	_ =	shalt  }
0x85: {  	_ =	shalt  }
0x86: {  	_ =	shalt  }
0x87: {  	_ =	shalt  }
.Lfunc_end0:
.L_simem_size_0:
called_computation.2_lowered:
.L_overlay_start_0:
0x88: {  	s2 =	sld [smem:$0x3FD9]  }
0x89: {  	s3 =	sld [smem:$0x3FFE];
	_ =	sdelay $0x1  }
0x8a: {  	s1 =	srdreg.scid  }
0x8b: {  	s0 =	sand.u32 $0x1, s1  }
0x8c: {  	s14 =	sshll.u32 s0, $0xA;
	s2 =	sadd.s32 s3, s2  }
0x8d: {  	s2 =	sadd.s32 s2, s14  }
0x8e: {  	[smem:$0x3FC4] =	sst s2  }
0x8f: {  	_ = 	snop  }
0x90: {  	s2 =	sld [smem:$0x3FD0];
	_ =	sdelay $0x2  }
0x91: {  	s15 =	simm.s32 $0xA;
	s4 =	simm.s32 $0x10  }
0x92: {  	[smem:s4], [sflag:s15] =	dma.local [hbm:s2], $0x1  }
0x93: {  	_ =	swait.eq [sflag:s15], $0x1  }
0x94: {  	[sflag:s15] =	ssyncset.done $0x0  }
0x95: {  	[sflag:s15] =	ssyncadd.s32 $0xFFFFFFFF  }
0x96: {  	s16 =	sld [smem:$0x11];
	(tm) =	ssettm $0x1  }
0x97: {  	s17 =	sld [smem:$0x3FFB];
	_ =	sdelay $0x3  }
0x98: {  	_ =	strace s17  }
0x99: {  	s3 =	sld [smem:$0x3FFC];
	_ =	sdelay $0x3  }
0x9a: {  	_ =	strace s3  }
0x9b: {  	s3 =	sld [smem:$0x3FFD];
	_ =	sdelay $0x3  }
0x9c: {  	_ =	strace s3  }
0x9d: {  	_ =	strace $0x8FFFFFFF  }
0x9e: {  	s18 =	sld [smem:$0x3FDB];
	_ =	sdelay $0x1  }
0x9f: {  	s19 =	simm.s32 $_scs_section_size  }
0xa0: {  	s5 =	simm.s32 $_size__tile_overlayer_lowered;
	s6 =	simm.s32 $_tile_overlayer_lowered  }
0xa1: {  	s22 =	simm.s32 $0x1BFF;
	s21 =	sshll.u32 s6, $0x1;
	s3 =	sadd.s32 s19, s18  }
0xa2: {  	s7 =	simm.s32 $0x0;
	s20 =	sshll.u32 s5, $0x1;
	s5 =	sadd.s32 s21, s3  }
0xa3: {  	[timem:s7], [sflag:s22] =	dma.local [hbm:s5], s20  }
0xa4: {  	_ =	swait.ge [sflag:s22], s20  }
0xa5: {  	s4 =	ssub.s32 $0x0, s20;
	[sflag:s22] =	ssyncset.done $0x0  }
0xa6: {  	[sflag:s22] =	ssyncadd.s32 s4;
	_ =	sdelay $0x1  }
0xa7: {  	s23 =	simm.s32 $0x1B8B  }
0xa8: {  	_ =	swait.ge [sflag:s23], $0x1  }
0xa9: {  	[sflag:s23] =	ssyncset.done $0x0  }
0xaa: {  	s25 =	simm.s32 $0x1B8E;
	s24 =	sld [smem:$0x3FFE];
	[sflag:s23] =	ssyncadd.s32 $0xFFFFFFFF  }
0xab: {  	s26 =	simm.s32 $execute0_lowered;
	[smem:$0x3FD2] =	sst s25  }
0xac: {  	s5 =	sshll.u32 s26, $0x1;
	_ =	strace $0x8000004C;
	[dreg:$0x1] =	wrdreg $0xFFFFFFFF  }
0xad: {  	s28 =	simm.s32 $_size_execute0_lowered;
	s3 =	sadd.s32 s3, s5;
	[dreg:$0x0] =	wrdreg $0x0  }
0xae: {  	s5 =	sshll.u32 s28, $0x1;
	[dreg:$0x2] =	wrdreg s3  }
0xaf: {  	[dreg:$0x3] =	wrdreg s5  }
0xb0: {  	[dreg:$0x4] =	wrdreg $0xC0  }
0xb1: {  	_ =	task [dreg:s7], $0x5FFFF  }
0xb2: {  	[dreg:$0x1] =	wrdreg $0xFFFFFFFF  }
0xb3: {  	[dreg:$0x0] =	wrdreg $0x60  }
0xb4: {  	[dreg:$0x2] =	wrdreg s16  }
0xb5: {  	[dreg:$0x3] =	wrdreg s24  }
0xb6: {  	[dreg:$0x4] =	wrdreg $0x9  }
0xb7: {  	_ =	task.clear_ibuf [dreg:s7], $0x5FFFF;
	_ =	strace $0x9000004C  }
0xb8: {  	s29 =	simm.s32 $0x9;
	_ =	strace $0x8000004E  }
0xb9: {  	_ =	swait.ge [sflag:s29], $0x1  }
0xba: {  	[sflag:s29] =	ssyncadd.s32 $0xFFFFFFFF  }
0xbb: {  	_ =	strace $0x9000004E  }
0xbc: {  	_ =	sfence  }
0xbd: {  	s30 =	sld [smem:$0x0];
	_ =	sdelay $0x2  }
0xbe: {  	s31 =	sshll.u32 s1, $0xD;
	s1 =	sshrl.u32 s1, $0x2  }
0xbf: {  	s3 =	sand.u32 $0x4000, s31;
	s1 =	sadd.s32 s1, s30  }
0xc0: {  	s0 =	sor.u32 s3, s0;
	s1 =	sshll.u32 s1, $0x11  }
0xc1: {  	s0 =	sor.u32 s1, s0  }
0xc2: {  	s0 =	sadd.s32 $0x8F2B, s0  }
0xc3: {  	[sflag:s0] =	ssyncadd.remote.s32 $0x1  }
0xc4: {  	_ =	sfence.sel $0xFFFF  }
0xc5: {  	[dreg:$0x0] =	wrdreg $0xFFFFFFFF;
	(pc) =	sbr.abs _section_cstart, $3  }
0xc6: {  	[dreg:$0x1] =	wrdreg $0xFFFFFFFF  }
0xc7: {  	_ =	task.clear_ibuf [dreg:s7], $0x2FFFF;
	_ =	strace $0x9FFFFFFF  }
0xc8: {  	(tm) =	ssettm $0x7FFFFFFF  }
0xc9: {  	_ =	shalt  }
tec
execute0_lowered:
.L_overlay_start_1:
0x0: {  	(tag) =	ssettag $0x1  }
0x1: {  	v0 =	vimm.s32 $0xBCAB9A89;
	v1 =	vimm.s32 $0xF0EFDECD;
	vm0 =	vcmask $0x1F10  }
0x2: {  	v2 =	vimm.s32 $0x78675645;
	v3 =	vimm.s32 $0xBDAC9B8A;
	v4 =	vimm.s32 $0xF1E0DFCE  }
0x3: {  	v5 =	vimm.s32 $0x35241302;
	v6 =	vimm.s32 $0x79685746;
	v7 =	vimm.s32 $0xBEAD9C8B  }
0x4: {  	v8 =	vimm.s32 $0xF2E1D0CF;
	v9 =	vimm.s32 $0x39281706;
	v10 =	vimm.s32 $0x7D6C5B4A  }
0x5: {  	v11 =	vimm.s32 $0xB2A1908F;
	v12 =	vimm.s32 $0xF6E5D4C3;
	v13 =	vimm.s32 $0x3D2C1B0A  }
0x6: {  	v14 =	vimm.s32 $0x71605F4E;
	v15 =	vimm.s32 $0xB6A59483;
	v16 =	vimm.s32 $0xFAE9D8C7  }
0x7: {  	v18 =	vimm.s32 $0xBAA99887;
	v19 =	vimm.s32 $0xFEEDDCCB;
	v20 =	vimm.s32 $0x3221100F  }
0x8: {  	v21 =	vimm.s32 $0x76655443;
	v0 =	vunpack.c.0.s8.s32 v0;
	v1 =	vunpack.c.0.s8.s32 v1  }
0x9: {  	v2 =	vunpack.c.0.s8.s32 v2;
	v3 =	vunpack.c.0.s8.s32 v3;
	v4 =	vunpack.c.0.s8.s32 v4  }
0xa: {  	v5 =	vunpack.c.0.s8.s32 v5;
	v6 =	vunpack.c.0.s8.s32 v6;
	v7 =	vunpack.c.0.s8.s32 v7  }
0xb: {  	v8 =	vunpack.c.0.s8.s32 v8;
	v9 =	vunpack.c.0.s8.s32 v9;
	v10 =	vunpack.c.0.s8.s32 v10  }
0xc: {  	v13 =	vunpack.c.0.s8.s32 v13;
	v0 =	vsel vm0, v1, v0;
	v1 =	vimm.s32 $0x34231201  }
0xd: {  	v20 =	vunpack.c.0.s8.s32 v20;
	v21 =	vunpack.c.0.s8.s32 v21;
	v1 =	vunpack.c.0.s8.s32 v1  }
0xe: {  	v14 =	vunpack.c.0.s8.s32 v14;
	v18 =	vunpack.c.0.s8.s32 v18;
	v19 =	vunpack.c.0.s8.s32 v19  }
0xf: {  	v63 =	vsel vm0, v21, v20;
	v1 =	vsel vm0, v2, v1;
	v2 =	vsel vm0, v6, v5  }
0x10: {  	v5 =	vimm.s32 $0xBFAE9D8C;
	v6 =	vimm.s32 $0xF3E2D1C0;
	v1 =	vcombine.low v1, v0  }
0x11: {  	v0 =	vsel vm0, v4, v3;
	v3 =	vimm.s32 $0x36251403;
	v4 =	vimm.s32 $0x7A695847  }
0x12: {  	v5 =	vunpack.c.0.s8.s32 v5;
	v6 =	vunpack.c.0.s8.s32 v6;
	v2 =	vcombine.low v2, v0  }
0x13: {  	v0 =	vsel vm0, v8, v7;
	v3 =	vunpack.c.0.s8.s32 v3;
	v4 =	vunpack.c.0.s8.s32 v4  }
0x14: {  	v7 =	vimm.s32 $0x37261504;
	v8 =	vimm.s32 $0x7B6A5948;
	v5 =	vsel vm0, v6, v5  }
0x15: {  	v3 =	vsel vm0, v4, v3;
	v4 =	vunpack.c.0.s8.s32 v7;
	v7 =	vunpack.c.0.s8.s32 v8  }
0x16: {  	v6 =	vimm.s32 $0xB0AF9E8D;
	v1 =	vand.u32 $0xFF, v1;
	v8 =	vimm.s32 $0xF4E3D2C1  }
0x17: {  	v6 =	vunpack.c.0.s8.s32 v6;
	v4 =	vsel vm0, v7, v4;
	v7 =	vunpack.c.0.s8.s32 v8  }
0x18: {  	v2 =	vand.u32 $0xFF, v2;
	v3 =	vcombine.low v3, v0;
	v4 =	vcombine.low v4, v5  }
0x19: {  	v5 =	vimm.s32 $0x38271605;
	v0 =	vsel vm0, v7, v6;
	v6 =	vimm.s32 $0x7C6B5A49  }
0x1a: {  	v8 =	vimm.s32 $0xF5E4D3C2;
	v5 =	vunpack.c.0.s8.s32 v5;
	v6 =	vunpack.c.0.s8.s32 v6  }
0x1b: {  	v8 =	vunpack.c.0.s8.s32 v8;
	v3 =	vand.u32 $0xFF, v3;
	v7 =	vimm.s32 $0xB1A09F8E  }
0x1c: {  	v7 =	vunpack.c.0.s8.s32 v7;
	v4 =	vand.u32 $0xFF, v4;
	v5 =	vsel vm0, v6, v5  }
0x1d: {  	v6 =	vunpack.c.0.s8.s32 v11;
	v11 =	vunpack.c.0.s8.s32 v12;
	v12 =	vimm.s32 $0x7F6E5D4C  }
0x1e: {  	v5 =	vcombine.low v5, v0;
	v0 =	vsel vm0, v8, v7;
	v7 =	vsel vm0, v10, v9  }
0x1f: {  	v8 =	vimm.s32 $0x7E6D5C4B;
	v9 =	vimm.s32 $0xB3A29180;
	v10 =	vimm.s32 $0xF7E6D5C4  }
0x20: {  	v7 =	vcombine.low v7, v0;
	v0 =	vsel vm0, v11, v6;
	v6 =	vimm.s32 $0x3A291807  }
0x21: {  	v8 =	vunpack.c.0.s8.s32 v8;
	v9 =	vunpack.c.0.s8.s32 v9;
	v6 =	vunpack.c.0.s8.s32 v6  }
0x22: {  	v10 =	vunpack.c.0.s8.s32 v10;
	v11 =	vimm.s32 $0x3B2A1908;
	v5 =	vand.u32 $0xFF, v5  }
0x23: {  	v6 =	vsel vm0, v8, v6;
	v8 =	vunpack.c.0.s8.s32 v11;
	v11 =	vunpack.c.0.s8.s32 v12  }
0x24: {  	v9 =	vsel vm0, v10, v9;
	v10 =	vimm.s32 $0xB4A39281;
	v12 =	vimm.s32 $0xF8E7D6C5  }
0x25: {  	v10 =	vunpack.c.0.s8.s32 v10;
	v8 =	vsel vm0, v11, v8;
	v11 =	vunpack.c.0.s8.s32 v12  }
0x26: {  	v12 =	vcombine.low v6, v0;
	v6 =	vimm.s32 $0x3C2B1A09;
	v8 =	vcombine.low v8, v9  }
0x27: {  	v9 =	vimm.s32 $0x706F5E4D;
	v6 =	vunpack.c.0.s8.s32 v6;
	v0 =	vsel vm0, v11, v10  }
0x28: {  	v9 =	vunpack.c.0.s8.s32 v9;
	v10 =	vimm.s32 $0xB5A49382;
	v11 =	vimm.s32 $0xF9E8D7C6  }
0x29: {  	v10 =	vunpack.c.0.s8.s32 v10;
	v11 =	vunpack.c.0.s8.s32 v11;
	v8 =	vand.u32 $0xFF, v8  }
0x2a: {  	v6 =	vsel vm0, v9, v6;
	v9 =	vunpack.c.0.s8.s32 v15;
	v15 =	vunpack.c.0.s8.s32 v16  }
0x2b: {  	v16 =	vcombine.low v6, v0;
	v0 =	vsel vm0, v11, v10;
	v6 =	vsel vm0, v14, v13  }
0x2c: {  	v11 =	vimm.s32 $0xB7A69584;
	v13 =	vimm.s32 $0xFBEAD9C8;
	v10 =	vcombine.low v6, v0  }
0x2d: {  	v0 =	vsel vm0, v15, v9;
	v6 =	vimm.s32 $0x3E2D1C0B;
	v9 =	vimm.s32 $0x7261504F  }
0x2e: {  	v14 =	vimm.s32 $0x3F2E1D0C;
	v6 =	vunpack.c.0.s8.s32 v6;
	v9 =	vunpack.c.0.s8.s32 v9  }
0x2f: {  	v11 =	vunpack.c.0.s8.s32 v11;
	v13 =	vunpack.c.0.s8.s32 v13;
	v15 =	vimm.s32 $0x73625140  }
0x30: {  	v6 =	vsel vm0, v9, v6;
	v9 =	vunpack.c.0.s8.s32 v14;
	v14 =	vunpack.c.0.s8.s32 v15  }
0x31: {  	s6 =	rddreg [dreg:$0x0];
	v15 =	vcombine.low v6, v0;
	v0 =	vsel vm0, v13, v11;
	v6 =	vimm.s32 $0xB8A79685  }
0x32: {  	s0 =	srdreg.scid;
	s5 =	rddreg [dreg:$0x1];
	v11 =	vimm.s32 $0xFCEBDAC9;
	v13 =	vimm.s32 $0x302F1E0D;
	v9 =	vsel vm0, v14, v9  }
0x33: {  	s3 =	simm.s32 $0x0;
	s11 =	simm.s32 $0x80;
	s12 =	simm.s32 $0xC400;
	v6 =	vunpack.c.0.s8.s32 v6;
	v11 =	vunpack.c.0.s8.s32 v11;
	v14 =	vimm.s32 $0x74635241  }
0x34: {  	s13 =	simm.s32 $0xE400;
	s14 =	simm.s32 $0x10400;
	s15 =	simm.s32 $0x12400;
	v17 =	vcombine.low v9, v0;
	v0 =	vunpack.c.0.s8.s32 v13;
	v9 =	vunpack.c.0.s8.s32 v14  }
0x35: {  	s16 =	simm.s32 $0x1;
	s17 =	simm.s32 $0x2;
	s18 =	simm.s32 $0x14480;
	v10 =	vand.u32 $0xFF, v10;
	v13 =	vimm.s32 $0xFDECDBCA;
	v14 =	vimm.s32 $0x75645342  }
0x36: {  	s19 =	simm.s32 $0x3;
	s20 =	simm.s32 $0x4;
	s4 =	sand.u32 $0x1, s0;
	v6 =	vsel vm0, v11, v6;
	v11 =	vimm.s32 $0xB9A89786;
	v0 =	vsel vm0, v9, v0  }
0x37: {  	s21 =	simm.s32 $0x14400;
	s0 =	stileid.u32;
	s1 =	sshll.u32 s4, $0x4;
	v9 =	vunpack.c.0.s8.s32 v11;
	v11 =	vunpack.c.0.s8.s32 v13;
	v13 =	vimm.s32 $0x31201F0E  }
0x38: {  	s22 =	simm.s32 $0x0;
	[smem:$0x7FF] =	sst s3;
	s1 =	sor.u32 s0, s1;
	v14 =	vunpack.c.0.s8.s32 v14;
	v13 =	vunpack.c.0.s8.s32 v13;
	v22 =	vcombine.low v0, v6  }
0x39: {  	s9 =	ssub.s32 $0x2, s4;
	s4 =	sadd.s32 $0x32800, s5;
	s2 =	smul.u32 $0x6200, s1;
	v0 =	vlaneseq.u32;
	v6 =	vand.u32 $0xFF, v7;
	v7 =	vand.u32 $0xFF, v12  }
0x3a: {  	s10 =	sshrl.u32 s9, $0x1;
	s1 =	rddreg [dreg:$0x2];
	_ =	strace $0x8000004D;
	v11 =	vsel vm0, v11, v9;
	v13 =	vsel vm0, v14, v13;
	v14 =	vsel vm0, v19, v18  }
0x3b: {  	s9 =	ssub.s32 s9, s10;
	s10 =	simm.s32 $0x6200;
	s7 =	sshrl.u32 s2, $0x3;
	v9 =	vand.u32 $0xFF, v16;
	v16 =	vcombine.low v13, v11;
	v18 =	vcombine.low v63, v14  }
0x3c: {  	s8 =	sadd.s32 s7, s5;
	s5 =	sadd.s32 $0x1800, s5;
	s6 =	sadd.s32 s6, s7;
	v12 =	vand.u32 $0xFF, v17;
	v0 =	vmul.u32 $0x11, v0;
	v11 =	vand.u32 $0xFF, v15  }
0x3d: {  	s7 =	sadd.s32 $0x1A000, s8;
	s8 =	smax.u32 s9, $0x1;
	s9 =	simm.s32 $0x5;
	v13 =	vand.u32 $0xFF, v22;
	v14 =	vand.u32 $0xFF, v16;
	v15 =	vand.u32 $0xFF, v18  }
.LBB2_1:
0x3e: {  	[tilespmem:s3], [sflag:$0x5] =	stream.linear.gather [hbm4b:s6+s3], $0x6200, $0x38;
	[tilespmem:$0x14580] =	vst v63  }
0x3f: {  	_ =	swait.ge [sflag:s9], $0x6200  }
0x40: {  	[sflag:s9] =	ssyncset.done $0x0  }
0x41: {  	[sflag:s9] =	ssyncadd.s32 $0xFFFF9E00  }
0x42: {  	[tilespmem:s10], [sflag:$0x5] =	stream.linear.gather [hbm4b:s7+s3], $0x6200, $0x38;
	[tilespmem:$0x14580] =	vst v63  }
0x43: {  	_ =	swait.ge [sflag:s9], $0x6200  }
0x44: {  	[sflag:s9] =	ssyncset.done $0x0  }
0x45: {  	[sflag:s9] =	ssyncadd.s32 $0xFFFF9E00  }
0x46: {  	[tilespmem:s12], [sflag:$0x1] =	stream.indirect.gather [hbm4b:s4+s11], $0x40, s3, s11, $0xb8;
	[tilespmem:$0x14580] =	vst v63  }
0x47: {  	s23 =	simm.s32 $0x0  }
0x48: {  	[tilespmem:s13], [sflag:$0x2] =	stream.indirect.gather [hbm4b:s4+s11], $0x40, s10, s11, $0xb8;
	[tilespmem:$0x14580] =	vst v63  }
.LBB2_2:
0x49: {  	s25 =	sshll.u32 s23, $0x8  }
0x4a: {  	s24 =	sor.u32 $0x80, s25  }
0x4b: {  	[tilespmem:s14], [sflag:$0x3] =	stream.indirect.gather [hbm4b:s4+s11], $0x40, s24, s11, $0xb8;
	[tilespmem:$0x14580] =	vst v63  }
0x4c: {  	s26 =	sadd.s32 $0x6280, s25  }
0x4d: {  	[tilespmem:s15], [sflag:$0x4] =	stream.indirect.gather [hbm4b:s4+s11], $0x40, s26, s11, $0xb8;
	[tilespmem:$0x14580] =	vst v63  }
0x4e: {  	_ =	swait.ge [sflag:s16], $0x2000  }
0x4f: {  	[sflag:s16] =	ssyncset.done $0x0  }
0x50: {  	[sflag:s16] =	ssyncadd.s32 $0xFFFFE000  }
0x51: {  	_ =	swait.ge [sflag:s17], $0x2000  }
0x52: {  	s28 =	sshll.u32 s23, $0x1;
	[sflag:s17] =	ssyncset.done $0x0  }
0x53: {  	s29 =	simm.s32 $0x14400;
	s26 =	simm.s32 $0x0;
	[sflag:s17] =	ssyncadd.s32 $0xFFFFE000  }
.LBB2_3:
0x54: {  	s30 =	sshra.s32 s26, $0x2  }
0x55: {  	v16 =	vld [tilespmem:s30+$0xC400]  }
0x56: {  	v17 =	vld [tilespmem:s30+$0xE400]  }
0x57: {  	v18 =	vld [tilespmem:s30+$0xC410]  }
0x58: {  	v19 =	vld [tilespmem:s30+$0xE410]  }
0x59: {  	v20 =	vld [tilespmem:s30+$0xC420]  }
0x5a: {  	v21 =	vld [tilespmem:s30+$0xE420]  }
0x5b: {  	v22 =	vld [tilespmem:s30+$0xC430]  }
0x5c: {  	v23 =	vld [tilespmem:s30+$0xE430]  }
0x5d: {  	v25 =	vld [tilespmem:s30+$0xC440];
	v24 =	vunpack.i.u.bf16.f32 v16;
	v16 =	vunpack.i.l.bf16.f32 v16  }
0x5e: {  	v26 =	vunpack.i.u.bf16.f32 v17;
	v17 =	vunpack.i.l.bf16.f32 v17;
	v27 =	vunpack.i.u.bf16.f32 v18  }
0x5f: {  	v29 =	vld [tilespmem:s30+$0xE440];
	v18 =	vunpack.i.l.bf16.f32 v18;
	v28 =	vunpack.i.u.bf16.f32 v19;
	v19 =	vunpack.i.l.bf16.f32 v19  }
0x60: {  	v30 =	vunpack.i.u.bf16.f32 v20;
	v20 =	vunpack.i.l.bf16.f32 v20;
	v31 =	vunpack.i.u.bf16.f32 v21  }
0x61: {  	v33 =	vld [tilespmem:s30+$0xC450];
	v21 =	vunpack.i.l.bf16.f32 v21;
	v32 =	vunpack.i.u.bf16.f32 v22;
	v22 =	vunpack.i.l.bf16.f32 v22  }
0x62: {  	v36 =	vld [tilespmem:s30+$0xE450];
	v34 =	vunpack.i.u.bf16.f32 v23;
	v23 =	vunpack.i.l.bf16.f32 v23;
	v35 =	vunpack.i.u.bf16.f32 v25  }
0x63: {  	v49 =	vld [tilespmem:s30+$0xC460];
	v25 =	vunpack.i.l.bf16.f32 v25;
	v16 =	vmul.f32 v17, v16;
	v17 =	vmul.f32 v26, v24  }
0x64: {  	v52 =	vld [tilespmem:s30+$0xE460];
	v48 =	vunpack.i.u.bf16.f32 v29;
	v18 =	vmul.f32 v19, v18;
	v50 =	vmul.f32 v28, v27  }
0x65: {  	v55 =	vld [tilespmem:s30+$0xC470];
	v51 =	vunpack.i.l.bf16.f32 v29;
	v20 =	vmul.f32 v21, v20;
	v53 =	vmul.f32 v31, v30  }
0x66: {  	v59 =	vld [tilespmem:s30+$0xE470];
	v54 =	vunpack.i.u.bf16.f32 v33;
	v22 =	vmul.f32 v23, v22;
	v56 =	vmul.f32 v34, v32  }
0x67: {  	v57 =	vunpack.i.l.bf16.f32 v33;
	v16 =	vadd.f32 v16, v17;
	v17 =	vadd.f32 v18, v50  }
0x68: {  	v58 =	vunpack.i.u.bf16.f32 v36;
	v20 =	vadd.f32 v20, v53;
	v60 =	vadd.f32 v22, v56  }
0x69: {  	v61 =	vunpack.i.l.bf16.f32 v36;
	v62 =	vunpack.i.u.bf16.f32 v49;
	v63 =	vunpack.i.u.bf16.f32 v52  }
0x6a: {  	v36 =	vunpack.i.l.bf16.f32 v55;
	v16 =	vadd.f32 v17, v16;
	v17 =	vadd.f32 v60, v20  }
0x6b: {  	v37 =	vunpack.i.u.bf16.f32 v59;
	v34 =	vunpack.i.u.bf16.f32 v55;
	v24 =	vmul.f32 v48, v35  }
0x6c: {  	v19 =	vunpack.i.l.bf16.f32 v59;
	v38 =	vmul.f32 v63, v62;
	v16 =	vadd.f32 v17, v16  }
0x6d: {  	v33 =	vunpack.i.l.bf16.f32 v52;
	v19 =	vmul.f32 v19, v36;
	v21 =	vmul.f32 v37, v34  }
0x6e: {  	v26 =	vunpack.i.l.bf16.f32 v49;
	v22 =	vmul.f32 v61, v57;
	v18 =	vmul.f32 v58, v54;
	[tilespmem:$0x14480] =	vst v16  }
0x6f: {  	v17 =	vmul.f32 v51, v25;
	v16 =	vmul.f32 v33, v26;
	v39 =	vld [tilespmem:s30+$0xC480]  }
0x70: {  	v19 =	vadd.f32 v19, v21;
	v18 =	vadd.f32 v22, v18;
	v40 =	vld [tilespmem:s30+$0xE480]  }
0x71: {  	v17 =	vadd.f32 v17, v24;
	v41 =	vld [tilespmem:s30+$0xC490];
	v16 =	vadd.f32 v16, v38  }
0x72: {  	v42 =	vld [tilespmem:s30+$0xE490]  }
0x73: {  	v43 =	vld [tilespmem:s30+$0xC4A0];
	v17 =	vadd.f32 v18, v17;
	v16 =	vadd.f32 v19, v16  }
0x74: {  	v44 =	vld [tilespmem:s30+$0xE4A0]  }
0x75: {  	v16 =	vadd.f32 v16, v17  }
0x76: {  	v45 =	vld [tilespmem:s30+$0xC4B0];
	v23 =	vunpack.i.l.bf16.f32 v39;
	v47 =	vunpack.i.u.bf16.f32 v40  }
0x77: {  	v17 =	vld [tilespmem:s30+$0xE4B0];
	v25 =	vunpack.i.l.bf16.f32 v40;
	v48 =	vunpack.i.u.bf16.f32 v41;
	v22 =	vunpack.i.l.bf16.f32 v41;
	[tilespmem:$0x14490] =	vst v16  }
0x78: {  	v49 =	vunpack.i.u.bf16.f32 v42;
	v20 =	vunpack.i.l.bf16.f32 v42;
	v51 =	vunpack.i.u.bf16.f32 v43;
	v46 =	vld [tilespmem:s30+$0xC4C0]  }
0x79: {  	v21 =	vunpack.i.l.bf16.f32 v43;
	v52 =	vunpack.i.u.bf16.f32 v44;
	v18 =	vunpack.i.l.bf16.f32 v44;
	v50 =	vld [tilespmem:s30+$0xE4C0]  }
0x7a: {  	v20 =	vmul.f32 v20, v22;
	v60 =	vmul.f32 v49, v48;
	v16 =	vunpack.i.u.bf16.f32 v39;
	v54 =	vld [tilespmem:s30+$0xC4D0]  }
0x7b: {  	v19 =	vunpack.i.l.bf16.f32 v45;
	v23 =	vmul.f32 v25, v23;
	v57 =	vld [tilespmem:s30+$0xE4D0];
	v16 =	vmul.f32 v47, v16  }
0x7c: {  	v18 =	vmul.f32 v18, v21;
	v63 =	vmul.f32 v52, v51;
	v59 =	vld [tilespmem:s30+$0xC4E0];
	v20 =	vadd.f32 v20, v60  }
0x7d: {  	v62 =	vld [tilespmem:s30+$0xE4E0];
	v55 =	vunpack.i.u.bf16.f32 v17;
	v17 =	vunpack.i.l.bf16.f32 v17;
	v16 =	vadd.f32 v23, v16  }
0x7e: {  	v53 =	vunpack.i.u.bf16.f32 v45;
	v38 =	vld [tilespmem:s30+$0xC4F0];
	v18 =	vadd.f32 v18, v63;
	v17 =	vmul.f32 v17, v19  }
0x7f: {  	v42 =	vld [tilespmem:s30+$0xE4F0];
	v39 =	vmul.f32 v55, v53;
	v16 =	vadd.f32 v20, v16;
	v56 =	vunpack.i.u.bf16.f32 v46  }
0x80: {  	v24 =	vunpack.i.l.bf16.f32 v46;
	v58 =	vunpack.i.u.bf16.f32 v50;
	v61 =	vunpack.i.l.bf16.f32 v50  }
0x81: {  	v37 =	vunpack.i.u.bf16.f32 v54;
	v40 =	vunpack.i.l.bf16.f32 v54;
	v17 =	vadd.f32 v17, v39  }
0x82: {  	v41 =	vunpack.i.u.bf16.f32 v57;
	v43 =	vunpack.i.l.bf16.f32 v57;
	v44 =	vunpack.i.u.bf16.f32 v59  }
0x83: {  	v26 =	vunpack.i.l.bf16.f32 v59;
	v45 =	vunpack.i.u.bf16.f32 v62;
	v17 =	vadd.f32 v17, v18  }
0x84: {  	v47 =	vunpack.i.u.bf16.f32 v38;
	v48 =	vunpack.i.l.bf16.f32 v38;
	v50 =	vunpack.i.u.bf16.f32 v42  }
0x85: {  	v49 =	vmul.f32 v58, v56;
	v19 =	vmul.f32 v43, v40;
	v16 =	vadd.f32 v17, v16  }
0x86: {  	v23 =	vunpack.i.l.bf16.f32 v42;
	v22 =	vmul.f32 v41, v37;
	v51 =	vmul.f32 v45, v44  }
0x87: {  	v46 =	vunpack.i.l.bf16.f32 v62;
	v23 =	vmul.f32 v23, v48;
	v20 =	vmul.f32 v50, v47;
	[tilespmem:$0x144A0] =	vst v16  }
0x88: {  	v17 =	vmul.f32 v61, v24;
	v16 =	vmul.f32 v46, v26;
	v52 =	vld [tilespmem:s30+$0xC500]  }
0x89: {  	v19 =	vadd.f32 v19, v22;
	v55 =	vadd.f32 v23, v20;
	v53 =	vld [tilespmem:s30+$0xE500]  }
0x8a: {  	v17 =	vadd.f32 v17, v49;
	v54 =	vld [tilespmem:s30+$0xC510];
	v16 =	vadd.f32 v16, v51  }
0x8b: {  	v56 =	vld [tilespmem:s30+$0xE510]  }
0x8c: {  	v57 =	vld [tilespmem:s30+$0xC520];
	v17 =	vadd.f32 v19, v17;
	v16 =	vadd.f32 v55, v16  }
0x8d: {  	v58 =	vld [tilespmem:s30+$0xE520]  }
0x8e: {  	v16 =	vadd.f32 v16, v17  }
0x8f: {  	v59 =	vld [tilespmem:s30+$0xC530];
	v21 =	vunpack.i.l.bf16.f32 v52;
	v61 =	vunpack.i.u.bf16.f32 v53  }
0x90: {  	v17 =	vld [tilespmem:s30+$0xE530];
	v25 =	vunpack.i.l.bf16.f32 v53;
	v62 =	vunpack.i.u.bf16.f32 v54;
	v22 =	vunpack.i.l.bf16.f32 v54;
	[tilespmem:$0x144B0] =	vst v16  }
0x91: {  	v63 =	vunpack.i.u.bf16.f32 v56;
	v20 =	vunpack.i.l.bf16.f32 v56;
	v41 =	vunpack.i.u.bf16.f32 v57;
	v60 =	vld [tilespmem:s30+$0xC540]  }
0x92: {  	v23 =	vunpack.i.l.bf16.f32 v57;
	v42 =	vunpack.i.u.bf16.f32 v58;
	v18 =	vunpack.i.l.bf16.f32 v58;
	v40 =	vld [tilespmem:s30+$0xE540]  }
0x93: {  	v20 =	vmul.f32 v20, v22;
	v50 =	vmul.f32 v63, v62;
	v16 =	vunpack.i.u.bf16.f32 v52;
	v44 =	vld [tilespmem:s30+$0xC550]  }
0x94: {  	v19 =	vunpack.i.l.bf16.f32 v59;
	v21 =	vmul.f32 v25, v21;
	v47 =	vld [tilespmem:s30+$0xE550];
	v16 =	vmul.f32 v61, v16  }
0x95: {  	v18 =	vmul.f32 v18, v23;
	v53 =	vmul.f32 v42, v41;
	v49 =	vld [tilespmem:s30+$0xC560];
	v20 =	vadd.f32 v20, v50  }
0x96: {  	v52 =	vld [tilespmem:s30+$0xE560];
	v45 =	vunpack.i.u.bf16.f32 v17;
	v17 =	vunpack.i.l.bf16.f32 v17;
	v16 =	vadd.f32 v21, v16  }
0x97: {  	v43 =	vunpack.i.u.bf16.f32 v59;
	v55 =	vld [tilespmem:s30+$0xC570];
	v18 =	vadd.f32 v18, v53;
	v17 =	vmul.f32 v17, v19  }
0x98: {  	v59 =	vld [tilespmem:s30+$0xE570];
	v56 =	vmul.f32 v45, v43;
	v16 =	vadd.f32 v20, v16;
	v46 =	vunpack.i.u.bf16.f32 v60  }
0x99: {  	v24 =	vunpack.i.l.bf16.f32 v60;
	v48 =	vunpack.i.u.bf16.f32 v40;
	v51 =	vunpack.i.l.bf16.f32 v40  }
0x9a: {  	v54 =	vunpack.i.u.bf16.f32 v44;
	v57 =	vunpack.i.l.bf16.f32 v44;
	v17 =	vadd.f32 v17, v56  }
0x9b: {  	v58 =	vunpack.i.u.bf16.f32 v47;
	v60 =	vunpack.i.l.bf16.f32 v47;
	v61 =	vunpack.i.u.bf16.f32 v49  }
0x9c: {  	v26 =	vunpack.i.l.bf16.f32 v49;
	v62 =	vunpack.i.u.bf16.f32 v52;
	v17 =	vadd.f32 v17, v18  }
0x9d: {  	v33 =	vunpack.i.u.bf16.f32 v55;
	v34 =	vunpack.i.l.bf16.f32 v55;
	v36 =	vunpack.i.u.bf16.f32 v59  }
0x9e: {  	v35 =	vmul.f32 v48, v46;
	v19 =	vmul.f32 v60, v57;
	v16 =	vadd.f32 v17, v16  }
0x9f: {  	v22 =	vunpack.i.l.bf16.f32 v59;
	v21 =	vmul.f32 v58, v54;
	v37 =	vmul.f32 v62, v61  }
0xa0: {  	v63 =	vunpack.i.l.bf16.f32 v52;
	v22 =	vmul.f32 v22, v34;
	v20 =	vmul.f32 v36, v33;
	[tilespmem:$0x144C0] =	vst v16  }
0xa1: {  	v17 =	vmul.f32 v51, v24;
	v16 =	vmul.f32 v63, v26;
	v38 =	vld [tilespmem:s30+$0xC580]  }
0xa2: {  	v19 =	vadd.f32 v19, v21;
	v41 =	vadd.f32 v22, v20;
	v39 =	vld [tilespmem:s30+$0xE580]  }
0xa3: {  	v17 =	vadd.f32 v17, v35;
	v40 =	vld [tilespmem:s30+$0xC590];
	v16 =	vadd.f32 v16, v37  }
0xa4: {  	v42 =	vld [tilespmem:s30+$0xE590]  }
0xa5: {  	v43 =	vld [tilespmem:s30+$0xC5A0];
	v17 =	vadd.f32 v19, v17;
	v16 =	vadd.f32 v41, v16  }
0xa6: {  	v44 =	vld [tilespmem:s30+$0xE5A0]  }
0xa7: {  	v16 =	vadd.f32 v16, v17  }
0xa8: {  	v45 =	vld [tilespmem:s30+$0xC5B0];
	v23 =	vunpack.i.l.bf16.f32 v38;
	v47 =	vunpack.i.u.bf16.f32 v39  }
0xa9: {  	v17 =	vld [tilespmem:s30+$0xE5B0];
	v25 =	vunpack.i.l.bf16.f32 v39;
	v48 =	vunpack.i.u.bf16.f32 v40;
	v21 =	vunpack.i.l.bf16.f32 v40;
	[tilespmem:$0x144D0] =	vst v16  }
0xaa: {  	v49 =	vunpack.i.u.bf16.f32 v42;
	v20 =	vunpack.i.l.bf16.f32 v42;
	v51 =	vunpack.i.u.bf16.f32 v43;
	v46 =	vld [tilespmem:s30+$0xC5C0]  }
0xab: {  	v22 =	vunpack.i.l.bf16.f32 v43;
	v52 =	vunpack.i.u.bf16.f32 v44;
	v18 =	vunpack.i.l.bf16.f32 v44;
	v50 =	vld [tilespmem:s30+$0xE5C0]  }
0xac: {  	v20 =	vmul.f32 v20, v21;
	v60 =	vmul.f32 v49, v48;
	v16 =	vunpack.i.u.bf16.f32 v38;
	v54 =	vld [tilespmem:s30+$0xC5D0]  }
0xad: {  	v19 =	vunpack.i.l.bf16.f32 v45;
	v23 =	vmul.f32 v25, v23;
	v57 =	vld [tilespmem:s30+$0xE5D0];
	v16 =	vmul.f32 v47, v16  }
0xae: {  	v18 =	vmul.f32 v18, v22;
	v63 =	vmul.f32 v52, v51;
	v59 =	vld [tilespmem:s30+$0xC5E0];
	v20 =	vadd.f32 v20, v60  }
0xaf: {  	v62 =	vld [tilespmem:s30+$0xE5E0];
	v55 =	vunpack.i.u.bf16.f32 v17;
	v17 =	vunpack.i.l.bf16.f32 v17;
	v16 =	vadd.f32 v23, v16  }
0xb0: {  	v53 =	vunpack.i.u.bf16.f32 v45;
	v38 =	vld [tilespmem:s30+$0xC5F0];
	v18 =	vadd.f32 v18, v63;
	v17 =	vmul.f32 v17, v19  }
0xb1: {  	v42 =	vld [tilespmem:s30+$0xE5F0];
	v39 =	vmul.f32 v55, v53;
	v16 =	vadd.f32 v20, v16;
	v56 =	vunpack.i.u.bf16.f32 v46  }
0xb2: {  	v24 =	vunpack.i.l.bf16.f32 v46;
	v58 =	vunpack.i.u.bf16.f32 v50;
	v61 =	vunpack.i.l.bf16.f32 v50  }
0xb3: {  	v37 =	vunpack.i.u.bf16.f32 v54;
	v40 =	vunpack.i.l.bf16.f32 v54;
	v17 =	vadd.f32 v17, v39  }
0xb4: {  	v41 =	vunpack.i.u.bf16.f32 v57;
	v43 =	vunpack.i.l.bf16.f32 v57;
	v44 =	vunpack.i.u.bf16.f32 v59  }
0xb5: {  	v26 =	vunpack.i.l.bf16.f32 v59;
	v45 =	vunpack.i.u.bf16.f32 v62;
	v17 =	vadd.f32 v17, v18  }
0xb6: {  	v47 =	vunpack.i.u.bf16.f32 v38;
	v48 =	vunpack.i.l.bf16.f32 v38;
	v50 =	vunpack.i.u.bf16.f32 v42  }
0xb7: {  	v49 =	vmul.f32 v58, v56;
	v19 =	vmul.f32 v43, v40;
	v16 =	vadd.f32 v17, v16  }
0xb8: {  	v23 =	vunpack.i.l.bf16.f32 v42;
	v21 =	vmul.f32 v41, v37;
	v51 =	vmul.f32 v45, v44  }
0xb9: {  	v46 =	vunpack.i.l.bf16.f32 v62;
	v23 =	vmul.f32 v23, v48;
	v20 =	vmul.f32 v50, v47;
	[tilespmem:$0x144E0] =	vst v16  }
0xba: {  	v17 =	vmul.f32 v61, v24;
	v16 =	vmul.f32 v46, v26;
	v52 =	vld [tilespmem:s30+$0xC600]  }
0xbb: {  	v19 =	vadd.f32 v19, v21;
	v55 =	vadd.f32 v23, v20;
	v53 =	vld [tilespmem:s30+$0xE600]  }
0xbc: {  	v17 =	vadd.f32 v17, v49;
	v54 =	vld [tilespmem:s30+$0xC610];
	v16 =	vadd.f32 v16, v51  }
0xbd: {  	v56 =	vld [tilespmem:s30+$0xE610]  }
0xbe: {  	v57 =	vld [tilespmem:s30+$0xC620];
	v17 =	vadd.f32 v19, v17;
	v16 =	vadd.f32 v55, v16  }
0xbf: {  	v58 =	vld [tilespmem:s30+$0xE620]  }
0xc0: {  	v16 =	vadd.f32 v16, v17  }
0xc1: {  	v59 =	vld [tilespmem:s30+$0xC630];
	v22 =	vunpack.i.l.bf16.f32 v52;
	v61 =	vunpack.i.u.bf16.f32 v53  }
0xc2: {  	v17 =	vld [tilespmem:s30+$0xE630];
	v25 =	vunpack.i.l.bf16.f32 v53;
	v62 =	vunpack.i.u.bf16.f32 v54;
	v21 =	vunpack.i.l.bf16.f32 v54;
	[tilespmem:$0x144F0] =	vst v16  }
0xc3: {  	v63 =	vunpack.i.u.bf16.f32 v56;
	v20 =	vunpack.i.l.bf16.f32 v56;
	v41 =	vunpack.i.u.bf16.f32 v57;
	v60 =	vld [tilespmem:s30+$0xC640]  }
0xc4: {  	v23 =	vunpack.i.l.bf16.f32 v57;
	v42 =	vunpack.i.u.bf16.f32 v58;
	v18 =	vunpack.i.l.bf16.f32 v58;
	v40 =	vld [tilespmem:s30+$0xE640]  }
0xc5: {  	v20 =	vmul.f32 v20, v21;
	v50 =	vmul.f32 v63, v62;
	v16 =	vunpack.i.u.bf16.f32 v52;
	v44 =	vld [tilespmem:s30+$0xC650]  }
0xc6: {  	v19 =	vunpack.i.l.bf16.f32 v59;
	v22 =	vmul.f32 v25, v22;
	v47 =	vld [tilespmem:s30+$0xE650];
	v16 =	vmul.f32 v61, v16  }
0xc7: {  	v18 =	vmul.f32 v18, v23;
	v53 =	vmul.f32 v42, v41;
	v49 =	vld [tilespmem:s30+$0xC660];
	v20 =	vadd.f32 v20, v50  }
0xc8: {  	v52 =	vld [tilespmem:s30+$0xE660];
	v45 =	vunpack.i.u.bf16.f32 v17;
	v17 =	vunpack.i.l.bf16.f32 v17;
	v16 =	vadd.f32 v22, v16  }
0xc9: {  	v43 =	vunpack.i.u.bf16.f32 v59;
	v55 =	vld [tilespmem:s30+$0xC670];
	v18 =	vadd.f32 v18, v53;
	v17 =	vmul.f32 v17, v19  }
0xca: {  	v59 =	vld [tilespmem:s30+$0xE670];
	v56 =	vmul.f32 v45, v43;
	v16 =	vadd.f32 v20, v16;
	v46 =	vunpack.i.u.bf16.f32 v60  }
0xcb: {  	v24 =	vunpack.i.l.bf16.f32 v60;
	v48 =	vunpack.i.u.bf16.f32 v40;
	v51 =	vunpack.i.l.bf16.f32 v40  }
0xcc: {  	v54 =	vunpack.i.u.bf16.f32 v44;
	v57 =	vunpack.i.l.bf16.f32 v44;
	v17 =	vadd.f32 v17, v56  }
0xcd: {  	v58 =	vunpack.i.u.bf16.f32 v47;
	v60 =	vunpack.i.l.bf16.f32 v47;
	v61 =	vunpack.i.u.bf16.f32 v49  }
0xce: {  	v26 =	vunpack.i.l.bf16.f32 v49;
	v62 =	vunpack.i.u.bf16.f32 v52;
	v17 =	vadd.f32 v17, v18  }
0xcf: {  	v33 =	vunpack.i.u.bf16.f32 v55;
	v34 =	vunpack.i.l.bf16.f32 v55;
	v37 =	vunpack.i.u.bf16.f32 v59  }
0xd0: {  	v36 =	vmul.f32 v48, v46;
	v19 =	vmul.f32 v60, v57;
	v16 =	vadd.f32 v17, v16  }
0xd1: {  	v22 =	vunpack.i.l.bf16.f32 v59;
	v21 =	vmul.f32 v58, v54;
	v38 =	vmul.f32 v62, v61  }
0xd2: {  	v63 =	vunpack.i.l.bf16.f32 v52;
	v22 =	vmul.f32 v22, v34;
	v20 =	vmul.f32 v37, v33;
	[tilespmem:$0x14500] =	vst v16  }
0xd3: {  	v17 =	vmul.f32 v51, v24;
	v16 =	vmul.f32 v63, v26;
	v39 =	vld [tilespmem:s30+$0xC680]  }
0xd4: {  	v19 =	vadd.f32 v19, v21;
	v42 =	vadd.f32 v22, v20;
	v40 =	vld [tilespmem:s30+$0xE680]  }
0xd5: {  	v17 =	vadd.f32 v17, v36;
	v41 =	vld [tilespmem:s30+$0xC690];
	v16 =	vadd.f32 v16, v38  }
0xd6: {  	v43 =	vld [tilespmem:s30+$0xE690]  }
0xd7: {  	v44 =	vld [tilespmem:s30+$0xC6A0];
	v17 =	vadd.f32 v19, v17;
	v16 =	vadd.f32 v42, v16  }
0xd8: {  	v45 =	vld [tilespmem:s30+$0xE6A0]  }
0xd9: {  	v16 =	vadd.f32 v16, v17  }
0xda: {  	v46 =	vld [tilespmem:s30+$0xC6B0];
	v23 =	vunpack.i.l.bf16.f32 v39;
	v48 =	vunpack.i.u.bf16.f32 v40  }
0xdb: {  	v17 =	vld [tilespmem:s30+$0xE6B0];
	v25 =	vunpack.i.l.bf16.f32 v40;
	v49 =	vunpack.i.u.bf16.f32 v41;
	v21 =	vunpack.i.l.bf16.f32 v41;
	[tilespmem:$0x14510] =	vst v16  }
0xdc: {  	v50 =	vunpack.i.u.bf16.f32 v43;
	v20 =	vunpack.i.l.bf16.f32 v43;
	v52 =	vunpack.i.u.bf16.f32 v44;
	v47 =	vld [tilespmem:s30+$0xC6C0]  }
0xdd: {  	v22 =	vunpack.i.l.bf16.f32 v44;
	v53 =	vunpack.i.u.bf16.f32 v45;
	v18 =	vunpack.i.l.bf16.f32 v45;
	v51 =	vld [tilespmem:s30+$0xE6C0]  }
0xde: {  	v20 =	vmul.f32 v20, v21;
	v61 =	vmul.f32 v50, v49;
	v16 =	vunpack.i.u.bf16.f32 v39;
	v55 =	vld [tilespmem:s30+$0xC6D0]  }
0xdf: {  	v19 =	vunpack.i.l.bf16.f32 v46;
	v23 =	vmul.f32 v25, v23;
	v58 =	vld [tilespmem:s30+$0xE6D0];
	v16 =	vmul.f32 v48, v16  }
0xe0: {  	v18 =	vmul.f32 v18, v22;
	v37 =	vmul.f32 v53, v52;
	v60 =	vld [tilespmem:s30+$0xC6E0];
	v20 =	vadd.f32 v20, v61  }
0xe1: {  	v63 =	vld [tilespmem:s30+$0xE6E0];
	v56 =	vunpack.i.u.bf16.f32 v17;
	v17 =	vunpack.i.l.bf16.f32 v17;
	v16 =	vadd.f32 v23, v16  }
0xe2: {  	v54 =	vunpack.i.u.bf16.f32 v46;
	v39 =	vld [tilespmem:s30+$0xC6F0];
	v18 =	vadd.f32 v18, v37;
	v17 =	vmul.f32 v17, v19  }
0xe3: {  	v43 =	vld [tilespmem:s30+$0xE6F0];
	v40 =	vmul.f32 v56, v54;
	v16 =	vadd.f32 v20, v16;
	v57 =	vunpack.i.u.bf16.f32 v47  }
0xe4: {  	v24 =	vunpack.i.l.bf16.f32 v47;
	v59 =	vunpack.i.u.bf16.f32 v51;
	v62 =	vunpack.i.l.bf16.f32 v51  }
0xe5: {  	v38 =	vunpack.i.u.bf16.f32 v55;
	v41 =	vunpack.i.l.bf16.f32 v55;
	v17 =	vadd.f32 v17, v40  }
0xe6: {  	v42 =	vunpack.i.u.bf16.f32 v58;
	v44 =	vunpack.i.l.bf16.f32 v58;
	v45 =	vunpack.i.u.bf16.f32 v60  }
0xe7: {  	v26 =	vunpack.i.l.bf16.f32 v60;
	v46 =	vunpack.i.u.bf16.f32 v63;
	v17 =	vadd.f32 v17, v18  }
0xe8: {  	v48 =	vunpack.i.u.bf16.f32 v39;
	v49 =	vunpack.i.l.bf16.f32 v39;
	v51 =	vunpack.i.u.bf16.f32 v43  }
0xe9: {  	v50 =	vmul.f32 v59, v57;
	v19 =	vmul.f32 v44, v41;
	v16 =	vadd.f32 v17, v16  }
0xea: {  	v23 =	vunpack.i.l.bf16.f32 v43;
	v21 =	vmul.f32 v42, v38;
	v52 =	vmul.f32 v46, v45  }
0xeb: {  	v47 =	vunpack.i.l.bf16.f32 v63;
	v23 =	vmul.f32 v23, v49;
	v20 =	vmul.f32 v51, v48;
	[tilespmem:$0x14520] =	vst v16  }
0xec: {  	v17 =	vmul.f32 v62, v24;
	v16 =	vmul.f32 v47, v26;
	v53 =	vld [tilespmem:s30+$0xC700]  }
0xed: {  	v19 =	vadd.f32 v19, v21;
	v56 =	vadd.f32 v23, v20;
	v54 =	vld [tilespmem:s30+$0xE700]  }
0xee: {  	v17 =	vadd.f32 v17, v50;
	v55 =	vld [tilespmem:s30+$0xC710];
	v16 =	vadd.f32 v16, v52  }
0xef: {  	v57 =	vld [tilespmem:s30+$0xE710]  }
0xf0: {  	v58 =	vld [tilespmem:s30+$0xC720];
	v17 =	vadd.f32 v19, v17;
	v16 =	vadd.f32 v56, v16  }
0xf1: {  	v59 =	vld [tilespmem:s30+$0xE720]  }
0xf2: {  	v16 =	vadd.f32 v16, v17  }
0xf3: {  	v60 =	vld [tilespmem:s30+$0xC730];
	v22 =	vunpack.i.l.bf16.f32 v53;
	v62 =	vunpack.i.u.bf16.f32 v54  }
0xf4: {  	v17 =	vld [tilespmem:s30+$0xE730];
	v25 =	vunpack.i.l.bf16.f32 v54;
	v63 =	vunpack.i.u.bf16.f32 v55;
	v21 =	vunpack.i.l.bf16.f32 v55;
	[tilespmem:$0x14530] =	vst v16  }
0xf5: {  	v40 =	vunpack.i.u.bf16.f32 v57;
	v20 =	vunpack.i.l.bf16.f32 v57;
	v42 =	vunpack.i.u.bf16.f32 v58;
	v61 =	vld [tilespmem:s30+$0xC740]  }
0xf6: {  	v23 =	vunpack.i.l.bf16.f32 v58;
	v43 =	vunpack.i.u.bf16.f32 v59;
	v18 =	vunpack.i.l.bf16.f32 v59;
	v41 =	vld [tilespmem:s30+$0xE740]  }
0xf7: {  	v20 =	vmul.f32 v20, v21;
	v51 =	vmul.f32 v40, v63;
	v16 =	vunpack.i.u.bf16.f32 v53;
	v45 =	vld [tilespmem:s30+$0xC750]  }
0xf8: {  	v19 =	vunpack.i.l.bf16.f32 v60;
	v22 =	vmul.f32 v25, v22;
	v48 =	vld [tilespmem:s30+$0xE750];
	v16 =	vmul.f32 v62, v16  }
0xf9: {  	v18 =	vmul.f32 v18, v23;
	v54 =	vmul.f32 v43, v42;
	v50 =	vld [tilespmem:s30+$0xC760];
	v20 =	vadd.f32 v20, v51  }
0xfa: {  	v53 =	vld [tilespmem:s30+$0xE760];
	v46 =	vunpack.i.u.bf16.f32 v17;
	v17 =	vunpack.i.l.bf16.f32 v17;
	v16 =	vadd.f32 v22, v16  }
0xfb: {  	v44 =	vunpack.i.u.bf16.f32 v60;
	v56 =	vld [tilespmem:s30+$0xC770];
	v18 =	vadd.f32 v18, v54;
	v17 =	vmul.f32 v17, v19  }
0xfc: {  	v60 =	vld [tilespmem:s30+$0xE770];
	v57 =	vmul.f32 v46, v44;
	v16 =	vadd.f32 v20, v16;
	v47 =	vunpack.i.u.bf16.f32 v61  }
0xfd: {  	v24 =	vunpack.i.l.bf16.f32 v61;
	v49 =	vunpack.i.u.bf16.f32 v41;
	v52 =	vunpack.i.l.bf16.f32 v41  }
0xfe: {  	v55 =	vunpack.i.u.bf16.f32 v45;
	v58 =	vunpack.i.l.bf16.f32 v45;
	v59 =	vunpack.i.u.bf16.f32 v48  }
0xff: {  	v17 =	vadd.f32 v17, v57;
	v61 =	vunpack.i.l.bf16.f32 v48;
	v62 =	vunpack.i.u.bf16.f32 v50  }
0x100: {  	v26 =	vunpack.i.l.bf16.f32 v50;
	v63 =	vunpack.i.u.bf16.f32 v53;
	v36 =	vunpack.i.u.bf16.f32 v56  }
0x101: {  	v37 =	vunpack.i.l.bf16.f32 v56;
	v39 =	vunpack.i.u.bf16.f32 v60;
	v17 =	vadd.f32 v17, v18  }
0x102: {  	v22 =	vunpack.i.l.bf16.f32 v60;
	v38 =	vmul.f32 v49, v47;
	v19 =	vmul.f32 v61, v58  }
0x103: {  	v21 =	vmul.f32 v59, v55;
	v40 =	vmul.f32 v63, v62;
	v16 =	vadd.f32 v17, v16  }
0x104: {  	v34 =	vunpack.i.l.bf16.f32 v53;
	v22 =	vmul.f32 v22, v37;
	v20 =	vmul.f32 v39, v36  }
0x105: {  	v17 =	vmul.f32 v52, v24;
	[tilespmem:$0x14540] =	vst v16;
	v16 =	vmul.f32 v34, v26  }
0x106: {  	v19 =	vadd.f32 v19, v21;
	v44 =	vadd.f32 v22, v20;
	v41 =	vld [tilespmem:s30+$0xC780]  }
0x107: {  	v17 =	vadd.f32 v17, v38;
	v42 =	vld [tilespmem:s30+$0xE780];
	v16 =	vadd.f32 v16, v40  }
0x108: {  	v43 =	vld [tilespmem:s30+$0xC790]  }
0x109: {  	v45 =	vld [tilespmem:s30+$0xE790];
	v17 =	vadd.f32 v19, v17;
	v16 =	vadd.f32 v44, v16  }
0x10a: {  	v46 =	vld [tilespmem:s30+$0xC7A0]  }
0x10b: {  	v47 =	vld [tilespmem:s30+$0xE7A0];
	v16 =	vadd.f32 v16, v17  }
0x10c: {  	v48 =	vld [tilespmem:s30+$0xC7B0];
	v49 =	vunpack.i.u.bf16.f32 v41  }
0x10d: {  	v17 =	vld [tilespmem:s30+$0xE7B0];
	v23 =	vunpack.i.l.bf16.f32 v41;
	v51 =	vunpack.i.u.bf16.f32 v42;
	v25 =	vunpack.i.l.bf16.f32 v42;
	[tilespmem:$0x14550] =	vst v16  }
0x10e: {  	v53 =	vunpack.i.u.bf16.f32 v43;
	v21 =	vunpack.i.l.bf16.f32 v43;
	v54 =	vunpack.i.u.bf16.f32 v45;
	v16 =	vld [tilespmem:s30+$0xC7C0]  }
0x10f: {  	v20 =	vunpack.i.l.bf16.f32 v45;
	v56 =	vunpack.i.u.bf16.f32 v46;
	v22 =	vunpack.i.l.bf16.f32 v46;
	v50 =	vld [tilespmem:s30+$0xE7C0]  }
0x110: {  	v58 =	vunpack.i.u.bf16.f32 v47;
	v18 =	vunpack.i.l.bf16.f32 v47;
	v23 =	vmul.f32 v25, v23;
	v52 =	vld [tilespmem:s30+$0xC7D0]  }
0x111: {  	v59 =	vunpack.i.u.bf16.f32 v48;
	v24 =	vmul.f32 v51, v49;
	v20 =	vmul.f32 v20, v21;
	v55 =	vld [tilespmem:s30+$0xE7D0]  }
0x112: {  	v19 =	vunpack.i.l.bf16.f32 v48;
	v62 =	vmul.f32 v54, v53;
	v18 =	vmul.f32 v18, v22;
	v57 =	vld [tilespmem:s30+$0xC7E0]  }
0x113: {  	v32 =	vmul.f32 v58, v56;
	v60 =	vld [tilespmem:s30+$0xE7E0];
	v37 =	vunpack.i.u.bf16.f32 v17;
	v17 =	vunpack.i.l.bf16.f32 v17  }
0x114: {  	v38 =	vld [tilespmem:s30+$0xC7F0];
	v23 =	vadd.f32 v23, v24;
	v20 =	vadd.f32 v20, v62;
	v17 =	vmul.f32 v17, v19  }
0x115: {  	v42 =	vld [tilespmem:s30+$0xE7F0];
	v39 =	vunpack.i.u.bf16.f32 v16;
	v16 =	vunpack.i.l.bf16.f32 v16;
	v40 =	vunpack.i.u.bf16.f32 v50  }
0x116: {  	v26 =	vunpack.i.l.bf16.f32 v50;
	v41 =	vunpack.i.u.bf16.f32 v52;
	v28 =	vunpack.i.l.bf16.f32 v52  }
0x117: {  	v43 =	vunpack.i.u.bf16.f32 v55;
	v31 =	vunpack.i.l.bf16.f32 v55;
	v44 =	vunpack.i.u.bf16.f32 v57  }
0x118: {  	v33 =	vunpack.i.l.bf16.f32 v57;
	v45 =	vunpack.i.u.bf16.f32 v60;
	v36 =	vunpack.i.l.bf16.f32 v60  }
0x119: {  	v46 =	vunpack.i.u.bf16.f32 v38;
	v61 =	vunpack.i.l.bf16.f32 v38;
	v38 =	vmul.f32 v37, v59  }
0x11a: {  	v63 =	vunpack.i.u.bf16.f32 v42;
	v16 =	vmul.f32 v26, v16;
	v39 =	vmul.f32 v40, v39  }
0x11b: {  	v34 =	vunpack.i.l.bf16.f32 v42;
	v40 =	vmul.f32 v31, v28;
	v42 =	vmul.f32 v43, v41  }
0x11c: {  	v18 =	vadd.f32 v18, v32;
	v43 =	vmul.f32 v36, v33;
	v45 =	vmul.f32 v45, v44  }
0x11d: {  	v47 =	vmul.f32 v34, v61;
	v48 =	vmul.f32 v63, v46;
	v17 =	vadd.f32 v17, v38  }
0x11e: {  	v16 =	vadd.f32 v16, v39;
	v21 =	vadd.f32 v40, v42  }
0x11f: {  	v22 =	vadd.f32 v43, v45;
	v19 =	vadd.f32 v47, v48  }
0x120: {  	v20 =	vadd.f32 v20, v23;
	v17 =	vadd.f32 v17, v18  }
0x121: {  	v16 =	vadd.f32 v21, v16;
	v49 =	vadd.f32 v19, v22  }
0x122: {  	v17 =	vadd.f32 v17, v20  }
0x123: {  	v16 =	vadd.f32 v49, v16  }
0x124: {  	[tilespmem:$0x14560] =	vst v17  }
0x125: {  	[tilespmem:$0x14570] =	vst v16  }
0x126: {  	v16 =	vld.idx.msk [tilespmem:v0+s18+$0x0], $0xffff  }
0x127: {  	v17 =	vld.idx.msk [tilespmem:v1+s18+$0x0], $0xffff  }
0x128: {  	v50 =	vld.idx.msk [tilespmem:v2+s18+$0x0], $0xffff  }
0x129: {  	v51 =	vld.idx.msk [tilespmem:v3+s18+$0x0], $0xffff  }
0x12a: {  	v52 =	vld.idx.msk [tilespmem:v4+s18+$0x0], $0xffff  }
0x12b: {  	v53 =	vld.idx.msk [tilespmem:v5+s18+$0x0], $0xffff  }
0x12c: {  	v54 =	vld.idx.msk [tilespmem:v6+s18+$0x0], $0xffff  }
0x12d: {  	v55 =	vld.idx.msk [tilespmem:v7+s18+$0x0], $0xffff  }
0x12e: {  	v56 =	vld.idx.msk [tilespmem:v8+s18+$0x0], $0xffff  }
0x12f: {  	v57 =	vld.idx.msk [tilespmem:v9+s18+$0x0], $0xffff  }
0x130: {  	v58 =	vld.idx.msk [tilespmem:v10+s18+$0x0], $0xffff  }
0x131: {  	v59 =	vld.idx.msk [tilespmem:v11+s18+$0x0], $0xffff  }
0x132: {  	v60 =	vld.idx.msk [tilespmem:v12+s18+$0x0], $0xffff  }
0x133: {  	v61 =	vld.idx.msk [tilespmem:v13+s18+$0x0], $0xffff;
	v16 =	vadd.f32 $0.0e+00, v16;
	v17 =	vadd.f32 $0.0e+00, v17  }
0x134: {  	v62 =	vld.idx.msk [tilespmem:v14+s18+$0x0], $0xffff;
	v18 =	vadd.f32 $0.0e+00, v50;
	v19 =	vadd.f32 $0.0e+00, v51  }
0x135: {  	v63 =	vld.idx.msk [tilespmem:v15+s18+$0x0], $0xffff;
	v16 =	vadd.f32 v52, v16;
	v17 =	vadd.f32 v53, v17  }
0x136: {  	v18 =	vadd.f32 v54, v18;
	v19 =	vadd.f32 v55, v19  }
0x137: {  	v16 =	vadd.f32 v56, v16;
	v17 =	vadd.f32 v57, v17  }
0x138: {  	v18 =	vadd.f32 v58, v18;
	v19 =	vadd.f32 v59, v19  }
0x139: {  	v16 =	vadd.f32 v60, v16;
	v17 =	vadd.f32 v61, v17  }
0x13a: {  	v18 =	vadd.f32 v62, v18;
	v19 =	vadd.f32 v63, v19;
	_ =	sdelay $0x1  }
0x13b: {  	v16 =	vadd.f32 v17, v16;
	v17 =	vadd.f32 v19, v18;
	_ =	sdelay $0x1  }
0x13c: {  	v16 =	vadd.f32 v17, v16;
	_ =	sdelay $0x1  }
0x13d: {  	v16 =	vsub.f32 $0.0e+00, v16;
	_ =	sdelay $0x1  }
0x13e: {  	v16 =	vmul.f32 $1.442695020e+00, v16;
	_ =	sdelay $0x1  }
0x13f: {  	(erf) = vpow2.f32 v16;
	_ =	sdelay $0x8  }
0x140: {  	v16 =	vpop (erf)  }
0x141: {  	v16 =	vadd.f32 $1.000000000e+00, v16;
	_ =	sdelay $0x1  }
0x142: {  	(erf) = vrcp.f32 v16;
	_ =	sdelay $0x6  }
0x143: {  	p0 =	sne.s32 s26, $0x7000  }
.Ltmp0:
0x144: {  	_ = 	snop;
	(pc) =	sbr.rel @p0 .LBB2_3-.Ltmp0, $3  }
0x145: {  	v16 =	vpop (erf)  }
0x146: {  	v16 =	vadd.f32 $1.000000000e-15, v16;
	_ =	sdelay $0x1  }
0x147: {  	s26 =	sadd.s32 $0x1000, s26;
	[tilespmem:s29+$0x0] =	vst v16;
	s29 =	sadd.s32 $0x10, s29  }
0x148: {  	s25 =	sadd.s32 s2, s25  }
0x149: {  	s25 =	sshrl.u32 s25, $0x3  }
0x14a: {  	s26 =	simm.s32 $0x14400;
	s29 =	sadd.s32 s5, s25;
	s25 =	simm.s32 $0x0  }
0x14b: {  	[hbm4b:s29+s25] =	stream.linear.scatter [tilespmem:s26], [sflag:$0x5], $0x80, $0x38;
	[tilespmem:$0x14580] =	vst v63  }
0x14c: {  	s28 =	smin.u32 s28, $0xC1;
	_ =	swait.ge [sflag:s9], $0x80  }
0x14d: {  	s28 =	sshll.u32 s28, $0x7;
	[sflag:s9] =	ssyncset.done $0x0  }
0x14e: {  	s31 =	sadd.s32 $0x100, s28;
	[sflag:s9] =	ssyncadd.s32 $0xFFFFFF80  }
0x14f: {  	[tilespmem:s12], [sflag:$0x1] =	stream.indirect.gather [hbm4b:s4+s11], $0x40, s31, s11, $0xb8;
	[tilespmem:$0x14580] =	vst v63  }
0x150: {  	s28 =	sadd.s32 $0x6300, s28  }
0x151: {  	[tilespmem:s13], [sflag:$0x2] =	stream.indirect.gather [hbm4b:s4+s11], $0x40, s28, s11, $0xb8;
	[tilespmem:$0x14580] =	vst v63  }
0x152: {  	_ =	swait.ge [sflag:s19], $0x2000  }
0x153: {  	[sflag:s19] =	ssyncset.done $0x0  }
0x154: {  	[sflag:s19] =	ssyncadd.s32 $0xFFFFE000  }
0x155: {  	_ =	swait.ge [sflag:s20], $0x2000  }
0x156: {  	[sflag:s20] =	ssyncset.done $0x0  }
0x157: {  	[sflag:s20] =	ssyncadd.s32 $0xFFFFE000  }
.LBB2_5:
0x158: {  	s28 =	sshra.s32 s25, $0x2  }
0x159: {  	v16 =	vld [tilespmem:s28+$0x10400]  }
0x15a: {  	v17 =	vld [tilespmem:s28+$0x12400]  }
0x15b: {  	v18 =	vld [tilespmem:s28+$0x10410]  }
0x15c: {  	v19 =	vld [tilespmem:s28+$0x12410]  }
0x15d: {  	v20 =	vld [tilespmem:s28+$0x10420]  }
0x15e: {  	v21 =	vld [tilespmem:s28+$0x12420]  }
0x15f: {  	v22 =	vld [tilespmem:s28+$0x10430]  }
0x160: {  	v23 =	vld [tilespmem:s28+$0x12430]  }
0x161: {  	v25 =	vld [tilespmem:s28+$0x10440];
	v24 =	vunpack.i.u.bf16.f32 v16;
	v16 =	vunpack.i.l.bf16.f32 v16  }
0x162: {  	v26 =	vunpack.i.u.bf16.f32 v17;
	v17 =	vunpack.i.l.bf16.f32 v17;
	v27 =	vunpack.i.u.bf16.f32 v18  }
0x163: {  	v29 =	vld [tilespmem:s28+$0x12440];
	v18 =	vunpack.i.l.bf16.f32 v18;
	v28 =	vunpack.i.u.bf16.f32 v19;
	v19 =	vunpack.i.l.bf16.f32 v19  }
0x164: {  	v30 =	vunpack.i.u.bf16.f32 v20;
	v20 =	vunpack.i.l.bf16.f32 v20;
	v31 =	vunpack.i.u.bf16.f32 v21  }
0x165: {  	v33 =	vld [tilespmem:s28+$0x10450];
	v21 =	vunpack.i.l.bf16.f32 v21;
	v32 =	vunpack.i.u.bf16.f32 v22;
	v22 =	vunpack.i.l.bf16.f32 v22  }
0x166: {  	v36 =	vld [tilespmem:s28+$0x12450];
	v34 =	vunpack.i.u.bf16.f32 v23;
	v23 =	vunpack.i.l.bf16.f32 v23;
	v35 =	vunpack.i.u.bf16.f32 v25  }
0x167: {  	v49 =	vld [tilespmem:s28+$0x10460];
	v25 =	vunpack.i.l.bf16.f32 v25;
	v16 =	vmul.f32 v17, v16;
	v17 =	vmul.f32 v26, v24  }
0x168: {  	v52 =	vld [tilespmem:s28+$0x12460];
	v48 =	vunpack.i.u.bf16.f32 v29;
	v18 =	vmul.f32 v19, v18;
	v50 =	vmul.f32 v28, v27  }
0x169: {  	v55 =	vld [tilespmem:s28+$0x10470];
	v51 =	vunpack.i.l.bf16.f32 v29;
	v20 =	vmul.f32 v21, v20;
	v53 =	vmul.f32 v31, v30  }
0x16a: {  	v59 =	vld [tilespmem:s28+$0x12470];
	v54 =	vunpack.i.u.bf16.f32 v33;
	v22 =	vmul.f32 v23, v22;
	v56 =	vmul.f32 v34, v32  }
0x16b: {  	v57 =	vunpack.i.l.bf16.f32 v33;
	v16 =	vadd.f32 v16, v17;
	v17 =	vadd.f32 v18, v50  }
0x16c: {  	v58 =	vunpack.i.u.bf16.f32 v36;
	v20 =	vadd.f32 v20, v53;
	v60 =	vadd.f32 v22, v56  }
0x16d: {  	v61 =	vunpack.i.l.bf16.f32 v36;
	v62 =	vunpack.i.u.bf16.f32 v49;
	v63 =	vunpack.i.u.bf16.f32 v52  }
0x16e: {  	v36 =	vunpack.i.l.bf16.f32 v55;
	v16 =	vadd.f32 v17, v16;
	v17 =	vadd.f32 v60, v20  }
0x16f: {  	v37 =	vunpack.i.u.bf16.f32 v59;
	v34 =	vunpack.i.u.bf16.f32 v55;
	v24 =	vmul.f32 v48, v35  }
0x170: {  	v19 =	vunpack.i.l.bf16.f32 v59;
	v38 =	vmul.f32 v63, v62;
	v16 =	vadd.f32 v17, v16  }
0x171: {  	v33 =	vunpack.i.l.bf16.f32 v52;
	v19 =	vmul.f32 v19, v36;
	v21 =	vmul.f32 v37, v34  }
0x172: {  	v26 =	vunpack.i.l.bf16.f32 v49;
	v22 =	vmul.f32 v61, v57;
	v18 =	vmul.f32 v58, v54;
	[tilespmem:$0x14480] =	vst v16  }
0x173: {  	v17 =	vmul.f32 v51, v25;
	v16 =	vmul.f32 v33, v26;
	v39 =	vld [tilespmem:s28+$0x10480]  }
0x174: {  	v19 =	vadd.f32 v19, v21;
	v18 =	vadd.f32 v22, v18;
	v40 =	vld [tilespmem:s28+$0x12480]  }
0x175: {  	v17 =	vadd.f32 v17, v24;
	v41 =	vld [tilespmem:s28+$0x10490];
	v16 =	vadd.f32 v16, v38  }
0x176: {  	v42 =	vld [tilespmem:s28+$0x12490]  }
0x177: {  	v43 =	vld [tilespmem:s28+$0x104A0];
	v17 =	vadd.f32 v18, v17;
	v16 =	vadd.f32 v19, v16  }
0x178: {  	v44 =	vld [tilespmem:s28+$0x124A0]  }
0x179: {  	v16 =	vadd.f32 v16, v17  }
0x17a: {  	v45 =	vld [tilespmem:s28+$0x104B0];
	v23 =	vunpack.i.l.bf16.f32 v39;
	v47 =	vunpack.i.u.bf16.f32 v40  }
0x17b: {  	v17 =	vld [tilespmem:s28+$0x124B0];
	v25 =	vunpack.i.l.bf16.f32 v40;
	v48 =	vunpack.i.u.bf16.f32 v41;
	v22 =	vunpack.i.l.bf16.f32 v41;
	[tilespmem:$0x14490] =	vst v16  }
0x17c: {  	v49 =	vunpack.i.u.bf16.f32 v42;
	v20 =	vunpack.i.l.bf16.f32 v42;
	v51 =	vunpack.i.u.bf16.f32 v43;
	v46 =	vld [tilespmem:s28+$0x104C0]  }
0x17d: {  	v21 =	vunpack.i.l.bf16.f32 v43;
	v52 =	vunpack.i.u.bf16.f32 v44;
	v18 =	vunpack.i.l.bf16.f32 v44;
	v50 =	vld [tilespmem:s28+$0x124C0]  }
0x17e: {  	v20 =	vmul.f32 v20, v22;
	v60 =	vmul.f32 v49, v48;
	v16 =	vunpack.i.u.bf16.f32 v39;
	v54 =	vld [tilespmem:s28+$0x104D0]  }
0x17f: {  	v19 =	vunpack.i.l.bf16.f32 v45;
	v23 =	vmul.f32 v25, v23;
	v57 =	vld [tilespmem:s28+$0x124D0];
	v16 =	vmul.f32 v47, v16  }
0x180: {  	v18 =	vmul.f32 v18, v21;
	v63 =	vmul.f32 v52, v51;
	v59 =	vld [tilespmem:s28+$0x104E0];
	v20 =	vadd.f32 v20, v60  }
0x181: {  	v62 =	vld [tilespmem:s28+$0x124E0];
	v55 =	vunpack.i.u.bf16.f32 v17;
	v17 =	vunpack.i.l.bf16.f32 v17;
	v16 =	vadd.f32 v23, v16  }
0x182: {  	v53 =	vunpack.i.u.bf16.f32 v45;
	v38 =	vld [tilespmem:s28+$0x104F0];
	v18 =	vadd.f32 v18, v63;
	v17 =	vmul.f32 v17, v19  }
0x183: {  	v42 =	vld [tilespmem:s28+$0x124F0];
	v39 =	vmul.f32 v55, v53;
	v16 =	vadd.f32 v20, v16;
	v56 =	vunpack.i.u.bf16.f32 v46  }
0x184: {  	v24 =	vunpack.i.l.bf16.f32 v46;
	v58 =	vunpack.i.u.bf16.f32 v50;
	v61 =	vunpack.i.l.bf16.f32 v50  }
0x185: {  	v37 =	vunpack.i.u.bf16.f32 v54;
	v40 =	vunpack.i.l.bf16.f32 v54;
	v17 =	vadd.f32 v17, v39  }
0x186: {  	v41 =	vunpack.i.u.bf16.f32 v57;
	v43 =	vunpack.i.l.bf16.f32 v57;
	v44 =	vunpack.i.u.bf16.f32 v59  }
0x187: {  	v26 =	vunpack.i.l.bf16.f32 v59;
	v45 =	vunpack.i.u.bf16.f32 v62;
	v17 =	vadd.f32 v17, v18  }
0x188: {  	v47 =	vunpack.i.u.bf16.f32 v38;
	v48 =	vunpack.i.l.bf16.f32 v38;
	v50 =	vunpack.i.u.bf16.f32 v42  }
0x189: {  	v49 =	vmul.f32 v58, v56;
	v19 =	vmul.f32 v43, v40;
	v16 =	vadd.f32 v17, v16  }
0x18a: {  	v23 =	vunpack.i.l.bf16.f32 v42;
	v22 =	vmul.f32 v41, v37;
	v51 =	vmul.f32 v45, v44  }
0x18b: {  	v46 =	vunpack.i.l.bf16.f32 v62;
	v23 =	vmul.f32 v23, v48;
	v20 =	vmul.f32 v50, v47;
	[tilespmem:$0x144A0] =	vst v16  }
0x18c: {  	v17 =	vmul.f32 v61, v24;
	v16 =	vmul.f32 v46, v26;
	v52 =	vld [tilespmem:s28+$0x10500]  }
0x18d: {  	v19 =	vadd.f32 v19, v22;
	v55 =	vadd.f32 v23, v20;
	v53 =	vld [tilespmem:s28+$0x12500]  }
0x18e: {  	v17 =	vadd.f32 v17, v49;
	v54 =	vld [tilespmem:s28+$0x10510];
	v16 =	vadd.f32 v16, v51  }
0x18f: {  	v56 =	vld [tilespmem:s28+$0x12510]  }
0x190: {  	v57 =	vld [tilespmem:s28+$0x10520];
	v17 =	vadd.f32 v19, v17;
	v16 =	vadd.f32 v55, v16  }
0x191: {  	v58 =	vld [tilespmem:s28+$0x12520]  }
0x192: {  	v16 =	vadd.f32 v16, v17  }
0x193: {  	v59 =	vld [tilespmem:s28+$0x10530];
	v21 =	vunpack.i.l.bf16.f32 v52;
	v61 =	vunpack.i.u.bf16.f32 v53  }
0x194: {  	v17 =	vld [tilespmem:s28+$0x12530];
	v25 =	vunpack.i.l.bf16.f32 v53;
	v62 =	vunpack.i.u.bf16.f32 v54;
	v22 =	vunpack.i.l.bf16.f32 v54;
	[tilespmem:$0x144B0] =	vst v16  }
0x195: {  	v63 =	vunpack.i.u.bf16.f32 v56;
	v20 =	vunpack.i.l.bf16.f32 v56;
	v41 =	vunpack.i.u.bf16.f32 v57;
	v60 =	vld [tilespmem:s28+$0x10540]  }
0x196: {  	v23 =	vunpack.i.l.bf16.f32 v57;
	v42 =	vunpack.i.u.bf16.f32 v58;
	v18 =	vunpack.i.l.bf16.f32 v58;
	v40 =	vld [tilespmem:s28+$0x12540]  }
0x197: {  	v20 =	vmul.f32 v20, v22;
	v50 =	vmul.f32 v63, v62;
	v16 =	vunpack.i.u.bf16.f32 v52;
	v44 =	vld [tilespmem:s28+$0x10550]  }
0x198: {  	v19 =	vunpack.i.l.bf16.f32 v59;
	v21 =	vmul.f32 v25, v21;
	v47 =	vld [tilespmem:s28+$0x12550];
	v16 =	vmul.f32 v61, v16  }
0x199: {  	v18 =	vmul.f32 v18, v23;
	v53 =	vmul.f32 v42, v41;
	v49 =	vld [tilespmem:s28+$0x10560];
	v20 =	vadd.f32 v20, v50  }
0x19a: {  	v52 =	vld [tilespmem:s28+$0x12560];
	v45 =	vunpack.i.u.bf16.f32 v17;
	v17 =	vunpack.i.l.bf16.f32 v17;
	v16 =	vadd.f32 v21, v16  }
0x19b: {  	v43 =	vunpack.i.u.bf16.f32 v59;
	v55 =	vld [tilespmem:s28+$0x10570];
	v18 =	vadd.f32 v18, v53;
	v17 =	vmul.f32 v17, v19  }
0x19c: {  	v59 =	vld [tilespmem:s28+$0x12570];
	v56 =	vmul.f32 v45, v43;
	v16 =	vadd.f32 v20, v16;
	v46 =	vunpack.i.u.bf16.f32 v60  }
0x19d: {  	v24 =	vunpack.i.l.bf16.f32 v60;
	v48 =	vunpack.i.u.bf16.f32 v40;
	v51 =	vunpack.i.l.bf16.f32 v40  }
0x19e: {  	v54 =	vunpack.i.u.bf16.f32 v44;
	v57 =	vunpack.i.l.bf16.f32 v44;
	v17 =	vadd.f32 v17, v56  }
0x19f: {  	v58 =	vunpack.i.u.bf16.f32 v47;
	v60 =	vunpack.i.l.bf16.f32 v47;
	v61 =	vunpack.i.u.bf16.f32 v49  }
0x1a0: {  	v26 =	vunpack.i.l.bf16.f32 v49;
	v62 =	vunpack.i.u.bf16.f32 v52;
	v17 =	vadd.f32 v17, v18  }
0x1a1: {  	v33 =	vunpack.i.u.bf16.f32 v55;
	v34 =	vunpack.i.l.bf16.f32 v55;
	v36 =	vunpack.i.u.bf16.f32 v59  }
0x1a2: {  	v35 =	vmul.f32 v48, v46;
	v19 =	vmul.f32 v60, v57;
	v16 =	vadd.f32 v17, v16  }
0x1a3: {  	v22 =	vunpack.i.l.bf16.f32 v59;
	v21 =	vmul.f32 v58, v54;
	v37 =	vmul.f32 v62, v61  }
0x1a4: {  	v63 =	vunpack.i.l.bf16.f32 v52;
	v22 =	vmul.f32 v22, v34;
	v20 =	vmul.f32 v36, v33;
	[tilespmem:$0x144C0] =	vst v16  }
0x1a5: {  	v17 =	vmul.f32 v51, v24;
	v16 =	vmul.f32 v63, v26;
	v38 =	vld [tilespmem:s28+$0x10580]  }
0x1a6: {  	v19 =	vadd.f32 v19, v21;
	v41 =	vadd.f32 v22, v20;
	v39 =	vld [tilespmem:s28+$0x12580]  }
0x1a7: {  	v17 =	vadd.f32 v17, v35;
	v40 =	vld [tilespmem:s28+$0x10590];
	v16 =	vadd.f32 v16, v37  }
0x1a8: {  	v42 =	vld [tilespmem:s28+$0x12590]  }
0x1a9: {  	v43 =	vld [tilespmem:s28+$0x105A0];
	v17 =	vadd.f32 v19, v17;
	v16 =	vadd.f32 v41, v16  }
0x1aa: {  	v44 =	vld [tilespmem:s28+$0x125A0]  }
0x1ab: {  	v16 =	vadd.f32 v16, v17  }
0x1ac: {  	v45 =	vld [tilespmem:s28+$0x105B0];
	v23 =	vunpack.i.l.bf16.f32 v38;
	v47 =	vunpack.i.u.bf16.f32 v39  }
0x1ad: {  	v17 =	vld [tilespmem:s28+$0x125B0];
	v25 =	vunpack.i.l.bf16.f32 v39;
	v48 =	vunpack.i.u.bf16.f32 v40;
	v21 =	vunpack.i.l.bf16.f32 v40;
	[tilespmem:$0x144D0] =	vst v16  }
0x1ae: {  	v49 =	vunpack.i.u.bf16.f32 v42;
	v20 =	vunpack.i.l.bf16.f32 v42;
	v51 =	vunpack.i.u.bf16.f32 v43;
	v46 =	vld [tilespmem:s28+$0x105C0]  }
0x1af: {  	v22 =	vunpack.i.l.bf16.f32 v43;
	v52 =	vunpack.i.u.bf16.f32 v44;
	v18 =	vunpack.i.l.bf16.f32 v44;
	v50 =	vld [tilespmem:s28+$0x125C0]  }
0x1b0: {  	v20 =	vmul.f32 v20, v21;
	v60 =	vmul.f32 v49, v48;
	v16 =	vunpack.i.u.bf16.f32 v38;
	v54 =	vld [tilespmem:s28+$0x105D0]  }
0x1b1: {  	v19 =	vunpack.i.l.bf16.f32 v45;
	v23 =	vmul.f32 v25, v23;
	v57 =	vld [tilespmem:s28+$0x125D0];
	v16 =	vmul.f32 v47, v16  }
0x1b2: {  	v18 =	vmul.f32 v18, v22;
	v63 =	vmul.f32 v52, v51;
	v59 =	vld [tilespmem:s28+$0x105E0];
	v20 =	vadd.f32 v20, v60  }
0x1b3: {  	v62 =	vld [tilespmem:s28+$0x125E0];
	v55 =	vunpack.i.u.bf16.f32 v17;
	v17 =	vunpack.i.l.bf16.f32 v17;
	v16 =	vadd.f32 v23, v16  }
0x1b4: {  	v53 =	vunpack.i.u.bf16.f32 v45;
	v38 =	vld [tilespmem:s28+$0x105F0];
	v18 =	vadd.f32 v18, v63;
	v17 =	vmul.f32 v17, v19  }
0x1b5: {  	v42 =	vld [tilespmem:s28+$0x125F0];
	v39 =	vmul.f32 v55, v53;
	v16 =	vadd.f32 v20, v16;
	v56 =	vunpack.i.u.bf16.f32 v46  }
0x1b6: {  	v24 =	vunpack.i.l.bf16.f32 v46;
	v58 =	vunpack.i.u.bf16.f32 v50;
	v61 =	vunpack.i.l.bf16.f32 v50  }
0x1b7: {  	v37 =	vunpack.i.u.bf16.f32 v54;
	v40 =	vunpack.i.l.bf16.f32 v54;
	v17 =	vadd.f32 v17, v39  }
0x1b8: {  	v41 =	vunpack.i.u.bf16.f32 v57;
	v43 =	vunpack.i.l.bf16.f32 v57;
	v44 =	vunpack.i.u.bf16.f32 v59  }
0x1b9: {  	v26 =	vunpack.i.l.bf16.f32 v59;
	v45 =	vunpack.i.u.bf16.f32 v62;
	v17 =	vadd.f32 v17, v18  }
0x1ba: {  	v47 =	vunpack.i.u.bf16.f32 v38;
	v48 =	vunpack.i.l.bf16.f32 v38;
	v50 =	vunpack.i.u.bf16.f32 v42  }
0x1bb: {  	v49 =	vmul.f32 v58, v56;
	v19 =	vmul.f32 v43, v40;
	v16 =	vadd.f32 v17, v16  }
0x1bc: {  	v23 =	vunpack.i.l.bf16.f32 v42;
	v21 =	vmul.f32 v41, v37;
	v51 =	vmul.f32 v45, v44  }
0x1bd: {  	v46 =	vunpack.i.l.bf16.f32 v62;
	v23 =	vmul.f32 v23, v48;
	v20 =	vmul.f32 v50, v47;
	[tilespmem:$0x144E0] =	vst v16  }
0x1be: {  	v17 =	vmul.f32 v61, v24;
	v16 =	vmul.f32 v46, v26;
	v52 =	vld [tilespmem:s28+$0x10600]  }
0x1bf: {  	v19 =	vadd.f32 v19, v21;
	v55 =	vadd.f32 v23, v20;
	v53 =	vld [tilespmem:s28+$0x12600]  }
0x1c0: {  	v17 =	vadd.f32 v17, v49;
	v54 =	vld [tilespmem:s28+$0x10610];
	v16 =	vadd.f32 v16, v51  }
0x1c1: {  	v56 =	vld [tilespmem:s28+$0x12610]  }
0x1c2: {  	v57 =	vld [tilespmem:s28+$0x10620];
	v17 =	vadd.f32 v19, v17;
	v16 =	vadd.f32 v55, v16  }
0x1c3: {  	v58 =	vld [tilespmem:s28+$0x12620]  }
0x1c4: {  	v16 =	vadd.f32 v16, v17  }
0x1c5: {  	v59 =	vld [tilespmem:s28+$0x10630];
	v22 =	vunpack.i.l.bf16.f32 v52;
	v61 =	vunpack.i.u.bf16.f32 v53  }
0x1c6: {  	v17 =	vld [tilespmem:s28+$0x12630];
	v25 =	vunpack.i.l.bf16.f32 v53;
	v62 =	vunpack.i.u.bf16.f32 v54;
	v21 =	vunpack.i.l.bf16.f32 v54;
	[tilespmem:$0x144F0] =	vst v16  }
0x1c7: {  	v63 =	vunpack.i.u.bf16.f32 v56;
	v20 =	vunpack.i.l.bf16.f32 v56;
	v41 =	vunpack.i.u.bf16.f32 v57;
	v60 =	vld [tilespmem:s28+$0x10640]  }
0x1c8: {  	v23 =	vunpack.i.l.bf16.f32 v57;
	v42 =	vunpack.i.u.bf16.f32 v58;
	v18 =	vunpack.i.l.bf16.f32 v58;
	v40 =	vld [tilespmem:s28+$0x12640]  }
0x1c9: {  	v20 =	vmul.f32 v20, v21;
	v50 =	vmul.f32 v63, v62;
	v16 =	vunpack.i.u.bf16.f32 v52;
	v44 =	vld [tilespmem:s28+$0x10650]  }
0x1ca: {  	v19 =	vunpack.i.l.bf16.f32 v59;
	v22 =	vmul.f32 v25, v22;
	v47 =	vld [tilespmem:s28+$0x12650];
	v16 =	vmul.f32 v61, v16  }
0x1cb: {  	v18 =	vmul.f32 v18, v23;
	v53 =	vmul.f32 v42, v41;
	v49 =	vld [tilespmem:s28+$0x10660];
	v20 =	vadd.f32 v20, v50  }
0x1cc: {  	v52 =	vld [tilespmem:s28+$0x12660];
	v45 =	vunpack.i.u.bf16.f32 v17;
	v17 =	vunpack.i.l.bf16.f32 v17;
	v16 =	vadd.f32 v22, v16  }
0x1cd: {  	v43 =	vunpack.i.u.bf16.f32 v59;
	v55 =	vld [tilespmem:s28+$0x10670];
	v18 =	vadd.f32 v18, v53;
	v17 =	vmul.f32 v17, v19  }
0x1ce: {  	v59 =	vld [tilespmem:s28+$0x12670];
	v56 =	vmul.f32 v45, v43;
	v16 =	vadd.f32 v20, v16;
	v46 =	vunpack.i.u.bf16.f32 v60  }
0x1cf: {  	v24 =	vunpack.i.l.bf16.f32 v60;
	v48 =	vunpack.i.u.bf16.f32 v40;
	v51 =	vunpack.i.l.bf16.f32 v40  }
0x1d0: {  	v54 =	vunpack.i.u.bf16.f32 v44;
	v57 =	vunpack.i.l.bf16.f32 v44;
	v17 =	vadd.f32 v17, v56  }
0x1d1: {  	v58 =	vunpack.i.u.bf16.f32 v47;
	v60 =	vunpack.i.l.bf16.f32 v47;
	v61 =	vunpack.i.u.bf16.f32 v49  }
0x1d2: {  	v26 =	vunpack.i.l.bf16.f32 v49;
	v62 =	vunpack.i.u.bf16.f32 v52;
	v17 =	vadd.f32 v17, v18  }
0x1d3: {  	v33 =	vunpack.i.u.bf16.f32 v55;
	v34 =	vunpack.i.l.bf16.f32 v55;
	v37 =	vunpack.i.u.bf16.f32 v59  }
0x1d4: {  	v36 =	vmul.f32 v48, v46;
	v19 =	vmul.f32 v60, v57;
	v16 =	vadd.f32 v17, v16  }
0x1d5: {  	v22 =	vunpack.i.l.bf16.f32 v59;
	v21 =	vmul.f32 v58, v54;
	v38 =	vmul.f32 v62, v61  }
0x1d6: {  	v63 =	vunpack.i.l.bf16.f32 v52;
	v22 =	vmul.f32 v22, v34;
	v20 =	vmul.f32 v37, v33;
	[tilespmem:$0x14500] =	vst v16  }
0x1d7: {  	v17 =	vmul.f32 v51, v24;
	v16 =	vmul.f32 v63, v26;
	v39 =	vld [tilespmem:s28+$0x10680]  }
0x1d8: {  	v19 =	vadd.f32 v19, v21;
	v42 =	vadd.f32 v22, v20;
	v40 =	vld [tilespmem:s28+$0x12680]  }
0x1d9: {  	v17 =	vadd.f32 v17, v36;
	v41 =	vld [tilespmem:s28+$0x10690];
	v16 =	vadd.f32 v16, v38  }
0x1da: {  	v43 =	vld [tilespmem:s28+$0x12690]  }
0x1db: {  	v44 =	vld [tilespmem:s28+$0x106A0];
	v17 =	vadd.f32 v19, v17;
	v16 =	vadd.f32 v42, v16  }
0x1dc: {  	v45 =	vld [tilespmem:s28+$0x126A0]  }
0x1dd: {  	v16 =	vadd.f32 v16, v17  }
0x1de: {  	v46 =	vld [tilespmem:s28+$0x106B0];
	v23 =	vunpack.i.l.bf16.f32 v39;
	v48 =	vunpack.i.u.bf16.f32 v40  }
0x1df: {  	v17 =	vld [tilespmem:s28+$0x126B0];
	v25 =	vunpack.i.l.bf16.f32 v40;
	v49 =	vunpack.i.u.bf16.f32 v41;
	v21 =	vunpack.i.l.bf16.f32 v41;
	[tilespmem:$0x14510] =	vst v16  }
0x1e0: {  	v50 =	vunpack.i.u.bf16.f32 v43;
	v20 =	vunpack.i.l.bf16.f32 v43;
	v52 =	vunpack.i.u.bf16.f32 v44;
	v47 =	vld [tilespmem:s28+$0x106C0]  }
0x1e1: {  	v22 =	vunpack.i.l.bf16.f32 v44;
	v53 =	vunpack.i.u.bf16.f32 v45;
	v18 =	vunpack.i.l.bf16.f32 v45;
	v51 =	vld [tilespmem:s28+$0x126C0]  }
0x1e2: {  	v20 =	vmul.f32 v20, v21;
	v61 =	vmul.f32 v50, v49;
	v16 =	vunpack.i.u.bf16.f32 v39;
	v55 =	vld [tilespmem:s28+$0x106D0]  }
0x1e3: {  	v19 =	vunpack.i.l.bf16.f32 v46;
	v23 =	vmul.f32 v25, v23;
	v58 =	vld [tilespmem:s28+$0x126D0];
	v16 =	vmul.f32 v48, v16  }
0x1e4: {  	v18 =	vmul.f32 v18, v22;
	v37 =	vmul.f32 v53, v52;
	v60 =	vld [tilespmem:s28+$0x106E0];
	v20 =	vadd.f32 v20, v61  }
0x1e5: {  	v63 =	vld [tilespmem:s28+$0x126E0];
	v56 =	vunpack.i.u.bf16.f32 v17;
	v17 =	vunpack.i.l.bf16.f32 v17;
	v16 =	vadd.f32 v23, v16  }
0x1e6: {  	v54 =	vunpack.i.u.bf16.f32 v46;
	v39 =	vld [tilespmem:s28+$0x106F0];
	v18 =	vadd.f32 v18, v37;
	v17 =	vmul.f32 v17, v19  }
0x1e7: {  	v43 =	vld [tilespmem:s28+$0x126F0];
	v40 =	vmul.f32 v56, v54;
	v16 =	vadd.f32 v20, v16;
	v57 =	vunpack.i.u.bf16.f32 v47  }
0x1e8: {  	v24 =	vunpack.i.l.bf16.f32 v47;
	v59 =	vunpack.i.u.bf16.f32 v51;
	v62 =	vunpack.i.l.bf16.f32 v51  }
0x1e9: {  	v38 =	vunpack.i.u.bf16.f32 v55;
	v41 =	vunpack.i.l.bf16.f32 v55;
	v17 =	vadd.f32 v17, v40  }
0x1ea: {  	v42 =	vunpack.i.u.bf16.f32 v58;
	v44 =	vunpack.i.l.bf16.f32 v58;
	v45 =	vunpack.i.u.bf16.f32 v60  }
0x1eb: {  	v26 =	vunpack.i.l.bf16.f32 v60;
	v46 =	vunpack.i.u.bf16.f32 v63;
	v17 =	vadd.f32 v17, v18  }
0x1ec: {  	v48 =	vunpack.i.u.bf16.f32 v39;
	v49 =	vunpack.i.l.bf16.f32 v39;
	v51 =	vunpack.i.u.bf16.f32 v43  }
0x1ed: {  	v50 =	vmul.f32 v59, v57;
	v19 =	vmul.f32 v44, v41;
	v16 =	vadd.f32 v17, v16  }
0x1ee: {  	v23 =	vunpack.i.l.bf16.f32 v43;
	v21 =	vmul.f32 v42, v38;
	v52 =	vmul.f32 v46, v45  }
0x1ef: {  	v47 =	vunpack.i.l.bf16.f32 v63;
	v23 =	vmul.f32 v23, v49;
	v20 =	vmul.f32 v51, v48;
	[tilespmem:$0x14520] =	vst v16  }
0x1f0: {  	v17 =	vmul.f32 v62, v24;
	v16 =	vmul.f32 v47, v26;
	v53 =	vld [tilespmem:s28+$0x10700]  }
0x1f1: {  	v19 =	vadd.f32 v19, v21;
	v56 =	vadd.f32 v23, v20;
	v54 =	vld [tilespmem:s28+$0x12700]  }
0x1f2: {  	v17 =	vadd.f32 v17, v50;
	v55 =	vld [tilespmem:s28+$0x10710];
	v16 =	vadd.f32 v16, v52  }
0x1f3: {  	v57 =	vld [tilespmem:s28+$0x12710]  }
0x1f4: {  	v58 =	vld [tilespmem:s28+$0x10720];
	v17 =	vadd.f32 v19, v17;
	v16 =	vadd.f32 v56, v16  }
0x1f5: {  	v59 =	vld [tilespmem:s28+$0x12720]  }
0x1f6: {  	v16 =	vadd.f32 v16, v17  }
0x1f7: {  	v60 =	vld [tilespmem:s28+$0x10730];
	v22 =	vunpack.i.l.bf16.f32 v53;
	v62 =	vunpack.i.u.bf16.f32 v54  }
0x1f8: {  	v17 =	vld [tilespmem:s28+$0x12730];
	v25 =	vunpack.i.l.bf16.f32 v54;
	v63 =	vunpack.i.u.bf16.f32 v55;
	v21 =	vunpack.i.l.bf16.f32 v55;
	[tilespmem:$0x14530] =	vst v16  }
0x1f9: {  	v40 =	vunpack.i.u.bf16.f32 v57;
	v20 =	vunpack.i.l.bf16.f32 v57;
	v42 =	vunpack.i.u.bf16.f32 v58;
	v61 =	vld [tilespmem:s28+$0x10740]  }
0x1fa: {  	v23 =	vunpack.i.l.bf16.f32 v58;
	v43 =	vunpack.i.u.bf16.f32 v59;
	v18 =	vunpack.i.l.bf16.f32 v59;
	v41 =	vld [tilespmem:s28+$0x12740]  }
0x1fb: {  	v20 =	vmul.f32 v20, v21;
	v51 =	vmul.f32 v40, v63;
	v16 =	vunpack.i.u.bf16.f32 v53;
	v45 =	vld [tilespmem:s28+$0x10750]  }
0x1fc: {  	v19 =	vunpack.i.l.bf16.f32 v60;
	v22 =	vmul.f32 v25, v22;
	v48 =	vld [tilespmem:s28+$0x12750];
	v16 =	vmul.f32 v62, v16  }
0x1fd: {  	v18 =	vmul.f32 v18, v23;
	v54 =	vmul.f32 v43, v42;
	v50 =	vld [tilespmem:s28+$0x10760];
	v20 =	vadd.f32 v20, v51  }
0x1fe: {  	v53 =	vld [tilespmem:s28+$0x12760];
	v46 =	vunpack.i.u.bf16.f32 v17;
	v17 =	vunpack.i.l.bf16.f32 v17;
	v16 =	vadd.f32 v22, v16  }
0x1ff: {  	v44 =	vunpack.i.u.bf16.f32 v60;
	v56 =	vld [tilespmem:s28+$0x10770];
	v18 =	vadd.f32 v18, v54;
	v17 =	vmul.f32 v17, v19  }
0x200: {  	v60 =	vld [tilespmem:s28+$0x12770];
	v57 =	vmul.f32 v46, v44;
	v16 =	vadd.f32 v20, v16;
	v47 =	vunpack.i.u.bf16.f32 v61  }
0x201: {  	v24 =	vunpack.i.l.bf16.f32 v61;
	v49 =	vunpack.i.u.bf16.f32 v41;
	v52 =	vunpack.i.l.bf16.f32 v41  }
0x202: {  	v55 =	vunpack.i.u.bf16.f32 v45;
	v58 =	vunpack.i.l.bf16.f32 v45;
	v59 =	vunpack.i.u.bf16.f32 v48  }
0x203: {  	v17 =	vadd.f32 v17, v57;
	v61 =	vunpack.i.l.bf16.f32 v48;
	v62 =	vunpack.i.u.bf16.f32 v50  }
0x204: {  	v26 =	vunpack.i.l.bf16.f32 v50;
	v63 =	vunpack.i.u.bf16.f32 v53;
	v36 =	vunpack.i.u.bf16.f32 v56  }
0x205: {  	v37 =	vunpack.i.l.bf16.f32 v56;
	v39 =	vunpack.i.u.bf16.f32 v60;
	v17 =	vadd.f32 v17, v18  }
0x206: {  	v22 =	vunpack.i.l.bf16.f32 v60;
	v38 =	vmul.f32 v49, v47;
	v19 =	vmul.f32 v61, v58  }
0x207: {  	v21 =	vmul.f32 v59, v55;
	v40 =	vmul.f32 v63, v62;
	v16 =	vadd.f32 v17, v16  }
0x208: {  	v34 =	vunpack.i.l.bf16.f32 v53;
	v22 =	vmul.f32 v22, v37;
	v20 =	vmul.f32 v39, v36  }
0x209: {  	v17 =	vmul.f32 v52, v24;
	[tilespmem:$0x14540] =	vst v16;
	v16 =	vmul.f32 v34, v26  }
0x20a: {  	v19 =	vadd.f32 v19, v21;
	v44 =	vadd.f32 v22, v20;
	v41 =	vld [tilespmem:s28+$0x10780]  }
0x20b: {  	v17 =	vadd.f32 v17, v38;
	v42 =	vld [tilespmem:s28+$0x12780];
	v16 =	vadd.f32 v16, v40  }
0x20c: {  	v43 =	vld [tilespmem:s28+$0x10790]  }
0x20d: {  	v45 =	vld [tilespmem:s28+$0x12790];
	v17 =	vadd.f32 v19, v17;
	v16 =	vadd.f32 v44, v16  }
0x20e: {  	v46 =	vld [tilespmem:s28+$0x107A0]  }
0x20f: {  	v47 =	vld [tilespmem:s28+$0x127A0];
	v16 =	vadd.f32 v16, v17  }
0x210: {  	v48 =	vld [tilespmem:s28+$0x107B0];
	v49 =	vunpack.i.u.bf16.f32 v41  }
0x211: {  	v17 =	vld [tilespmem:s28+$0x127B0];
	v23 =	vunpack.i.l.bf16.f32 v41;
	v51 =	vunpack.i.u.bf16.f32 v42;
	v25 =	vunpack.i.l.bf16.f32 v42;
	[tilespmem:$0x14550] =	vst v16  }
0x212: {  	v53 =	vunpack.i.u.bf16.f32 v43;
	v21 =	vunpack.i.l.bf16.f32 v43;
	v54 =	vunpack.i.u.bf16.f32 v45;
	v16 =	vld [tilespmem:s28+$0x107C0]  }
0x213: {  	v20 =	vunpack.i.l.bf16.f32 v45;
	v56 =	vunpack.i.u.bf16.f32 v46;
	v22 =	vunpack.i.l.bf16.f32 v46;
	v50 =	vld [tilespmem:s28+$0x127C0]  }
0x214: {  	v58 =	vunpack.i.u.bf16.f32 v47;
	v18 =	vunpack.i.l.bf16.f32 v47;
	v23 =	vmul.f32 v25, v23;
	v52 =	vld [tilespmem:s28+$0x107D0]  }
0x215: {  	v59 =	vunpack.i.u.bf16.f32 v48;
	v24 =	vmul.f32 v51, v49;
	v20 =	vmul.f32 v20, v21;
	v55 =	vld [tilespmem:s28+$0x127D0]  }
0x216: {  	v19 =	vunpack.i.l.bf16.f32 v48;
	v62 =	vmul.f32 v54, v53;
	v18 =	vmul.f32 v18, v22;
	v57 =	vld [tilespmem:s28+$0x107E0]  }
0x217: {  	v32 =	vmul.f32 v58, v56;
	v60 =	vld [tilespmem:s28+$0x127E0];
	v37 =	vunpack.i.u.bf16.f32 v17;
	v17 =	vunpack.i.l.bf16.f32 v17  }
0x218: {  	v38 =	vld [tilespmem:s28+$0x107F0];
	v23 =	vadd.f32 v23, v24;
	v20 =	vadd.f32 v20, v62;
	v17 =	vmul.f32 v17, v19  }
0x219: {  	v42 =	vld [tilespmem:s28+$0x127F0];
	v39 =	vunpack.i.u.bf16.f32 v16;
	v16 =	vunpack.i.l.bf16.f32 v16;
	v40 =	vunpack.i.u.bf16.f32 v50  }
0x21a: {  	v26 =	vunpack.i.l.bf16.f32 v50;
	v41 =	vunpack.i.u.bf16.f32 v52;
	v28 =	vunpack.i.l.bf16.f32 v52  }
0x21b: {  	v43 =	vunpack.i.u.bf16.f32 v55;
	v31 =	vunpack.i.l.bf16.f32 v55;
	v44 =	vunpack.i.u.bf16.f32 v57  }
0x21c: {  	v33 =	vunpack.i.l.bf16.f32 v57;
	v45 =	vunpack.i.u.bf16.f32 v60;
	v36 =	vunpack.i.l.bf16.f32 v60  }
0x21d: {  	v46 =	vunpack.i.u.bf16.f32 v38;
	v61 =	vunpack.i.l.bf16.f32 v38;
	v38 =	vmul.f32 v37, v59  }
0x21e: {  	v63 =	vunpack.i.u.bf16.f32 v42;
	v16 =	vmul.f32 v26, v16;
	v39 =	vmul.f32 v40, v39  }
0x21f: {  	v34 =	vunpack.i.l.bf16.f32 v42;
	v40 =	vmul.f32 v31, v28;
	v42 =	vmul.f32 v43, v41  }
0x220: {  	v18 =	vadd.f32 v18, v32;
	v43 =	vmul.f32 v36, v33;
	v45 =	vmul.f32 v45, v44  }
0x221: {  	v47 =	vmul.f32 v34, v61;
	v48 =	vmul.f32 v63, v46;
	v17 =	vadd.f32 v17, v38  }
0x222: {  	v16 =	vadd.f32 v16, v39;
	v21 =	vadd.f32 v40, v42  }
0x223: {  	v22 =	vadd.f32 v43, v45;
	v19 =	vadd.f32 v47, v48  }
0x224: {  	v20 =	vadd.f32 v20, v23;
	v17 =	vadd.f32 v17, v18  }
0x225: {  	v16 =	vadd.f32 v21, v16;
	v49 =	vadd.f32 v19, v22  }
0x226: {  	v17 =	vadd.f32 v17, v20  }
0x227: {  	v16 =	vadd.f32 v49, v16  }
0x228: {  	[tilespmem:$0x14560] =	vst v17  }
0x229: {  	[tilespmem:$0x14570] =	vst v16  }
0x22a: {  	v16 =	vld.idx.msk [tilespmem:v0+s18+$0x0], $0xffff  }
0x22b: {  	v17 =	vld.idx.msk [tilespmem:v1+s18+$0x0], $0xffff  }
0x22c: {  	v50 =	vld.idx.msk [tilespmem:v2+s18+$0x0], $0xffff  }
0x22d: {  	v51 =	vld.idx.msk [tilespmem:v3+s18+$0x0], $0xffff  }
0x22e: {  	v52 =	vld.idx.msk [tilespmem:v4+s18+$0x0], $0xffff  }
0x22f: {  	v53 =	vld.idx.msk [tilespmem:v5+s18+$0x0], $0xffff  }
0x230: {  	v54 =	vld.idx.msk [tilespmem:v6+s18+$0x0], $0xffff  }
0x231: {  	v55 =	vld.idx.msk [tilespmem:v7+s18+$0x0], $0xffff  }
0x232: {  	v56 =	vld.idx.msk [tilespmem:v8+s18+$0x0], $0xffff  }
0x233: {  	v57 =	vld.idx.msk [tilespmem:v9+s18+$0x0], $0xffff  }
0x234: {  	v58 =	vld.idx.msk [tilespmem:v10+s18+$0x0], $0xffff  }
0x235: {  	v59 =	vld.idx.msk [tilespmem:v11+s18+$0x0], $0xffff  }
0x236: {  	v60 =	vld.idx.msk [tilespmem:v12+s18+$0x0], $0xffff  }
0x237: {  	v61 =	vld.idx.msk [tilespmem:v13+s18+$0x0], $0xffff;
	v16 =	vadd.f32 $0.0e+00, v16;
	v17 =	vadd.f32 $0.0e+00, v17  }
0x238: {  	v62 =	vld.idx.msk [tilespmem:v14+s18+$0x0], $0xffff;
	v18 =	vadd.f32 $0.0e+00, v50;
	v19 =	vadd.f32 $0.0e+00, v51  }
0x239: {  	v63 =	vld.idx.msk [tilespmem:v15+s18+$0x0], $0xffff;
	v16 =	vadd.f32 v52, v16;
	v17 =	vadd.f32 v53, v17  }
0x23a: {  	v18 =	vadd.f32 v54, v18;
	v19 =	vadd.f32 v55, v19  }
0x23b: {  	v16 =	vadd.f32 v56, v16;
	v17 =	vadd.f32 v57, v17  }
0x23c: {  	v18 =	vadd.f32 v58, v18;
	v19 =	vadd.f32 v59, v19  }
0x23d: {  	v16 =	vadd.f32 v60, v16;
	v17 =	vadd.f32 v61, v17  }
0x23e: {  	v18 =	vadd.f32 v62, v18;
	v19 =	vadd.f32 v63, v19;
	_ =	sdelay $0x1  }
0x23f: {  	v16 =	vadd.f32 v17, v16;
	v17 =	vadd.f32 v19, v18;
	_ =	sdelay $0x1  }
0x240: {  	v16 =	vadd.f32 v17, v16;
	_ =	sdelay $0x1  }
0x241: {  	v16 =	vsub.f32 $0.0e+00, v16;
	_ =	sdelay $0x1  }
0x242: {  	v16 =	vmul.f32 $1.442695020e+00, v16;
	_ =	sdelay $0x1  }
0x243: {  	(erf) = vpow2.f32 v16;
	_ =	sdelay $0x8  }
0x244: {  	v16 =	vpop (erf)  }
0x245: {  	v16 =	vadd.f32 $1.000000000e+00, v16;
	_ =	sdelay $0x1  }
0x246: {  	(erf) = vrcp.f32 v16;
	_ =	sdelay $0x6  }
0x247: {  	p0 =	sne.s32 s25, $0x7000  }
.Ltmp1:
0x248: {  	_ = 	snop;
	(pc) =	sbr.rel @p0 .LBB2_5-.Ltmp1, $3  }
0x249: {  	v16 =	vpop (erf)  }
0x24a: {  	v16 =	vadd.f32 $1.000000000e-15, v16;
	_ =	sdelay $0x1  }
0x24b: {  	s25 =	sadd.s32 $0x1000, s25;
	[tilespmem:s26+$0x0] =	vst v16;
	s26 =	sadd.s32 $0x10, s26  }
0x24c: {  	s24 =	sadd.s32 s2, s24;
	s23 =	sadd.s32 $0x1, s23  }
0x24d: {  	s24 =	sshrl.u32 s24, $0x3;
	p0 =	sne.s32 s23, $0x62  }
.Ltmp2:
0x24e: {  	s24 =	sadd.s32 s5, s24;
	(pc) =	sbr.rel @p0 .LBB2_2-.Ltmp2, $4  }
0x24f: {  	[hbm4b:s24+s3] =	stream.linear.scatter [tilespmem:s21], [sflag:$0x5], $0x80, $0x38;
	[tilespmem:$0x14580] =	vst v63  }
0x250: {  	_ =	swait.ge [sflag:s9], $0x80  }
0x251: {  	[sflag:s9] =	ssyncset.done $0x0  }
0x252: {  	[sflag:s9] =	ssyncadd.s32 $0xFFFFFF80  }
0x253: {  	s22 =	sadd.s32 $0x1, s22  }
0x254: {  	_ =	swait.ge [sflag:s16], $0x2000;
	p0 =	sne.s32 s22, s8  }
.Ltmp3:
0x255: {  	[sflag:s16] =	ssyncset.done $0x0;
	(pc) =	sbr.rel @p0 .LBB2_1-.Ltmp3, $4  }
0x256: {  	[sflag:s16] =	ssyncadd.s32 $0xFFFFE000  }
0x257: {  	_ =	swait.ge [sflag:s17], $0x2000  }
0x258: {  	[sflag:s17] =	ssyncset.done $0x0  }
0x259: {  	[sflag:s17] =	ssyncadd.s32 $0xFFFFE000  }
0x25a: {  	_ =	sfence.sel $0x180000  }
0x25b: {  	[bflag:$0x0] =	sbarrier.arrive $0xFFFF  }
0x25c: {  	p0 =	sne.s32 s0, $0x0;
	_ =	strace $0x9000004D  }
0x25d: {  	s0 =	sadd.s32 @!p0 $0x100000, s1;
	[bflag:$0x2] =	sbarrier.arrive $0xFFFF  }
0x25e: {  	[sflag:s0] =	ssyncadd.tile.s32 @!p0 $0x1;
	_ =	shalt  }
.Lfunc_end2:
_tile_overlayer_lowered:
.L_overlay_start_2:
0x25f: {  	(tag) =	ssettag $0x2  }
0x260: {  	s0 =	rddreg [dreg:$0x0];
	s2 =	stileid.u32  }
0x261: {  	s1 =	rddreg [dreg:$0x1];
	p0 =	sne.s32 s2, $0x0  }
0x262: {  	s3 =	rddreg [dreg:$0x2];
	[bflag:$0x3] =	sbarrier.arrive $0xFFFF;
	s2 =	simm.s32 @!p0 $0x1C05  }
0x263: {  	[timem:s3], [sflag:s2] =	dma.local @!p0 [hbm:s0], s1  }
0x264: {  	s0 =	simm.s32 @!p0 $0x5  }
0x265: {  	_ =	swait.ge @!p0 [sflag:s0], s1  }
0x266: {  	s1 =	ssub.s32 @!p0 $0x0, s1;
	[sflag:s0] =	ssyncset.done @!p0 $0x0  }
0x267: {  	[sflag:s0] =	ssyncadd.s32 @!p0 s1  }
0x268: {  	[bflag:$0x3] =	sbarrier.arrive $0xFFFF  }
0x269: {  	_ =	shalt  }

// kernel: kernel.6.cloned.1.call-start
scs
__scs_entry_jumppad:
0x0: {  	(pc) =	sbr.rel $0x88, $3  }
0x1: {  	(tag) =	ssettag $0x0;
	lr =	simm.s32 $0x1  }
0x2: {  	[smem:$0x3F9D] =	sst lr;
	_ =	strace $0xD0000000  }
0x3: {  	_ = 	snop  }
0x4: {  	_ = 	snop  }
0x5: {  	_ = 	snop  }
0x6: {  	_ = 	snop  }
0x7: {  	_ = 	snop  }
__scs_overlays_trampoline_lowered:
0x8: {  	[smem:$0x3FAC] =	sst s0  }
0x9: {  	[smem:$0x3FAD] =	sst s1  }
0xa: {  	[smem:$0x3FAE] =	sst s2  }
0xb: {  	[smem:$0x3FAF] =	sst s3  }
0xc: {  	[smem:$0x3FB0] =	sst s4  }
0xd: {  	[smem:$0x3FB1] =	sst s5  }
0xe: {  	[smem:$0x3FB2] =	sst s6  }
0xf: {  	[smem:$0x3FB3] =	sst s7  }
0x10: {  	[smem:$0x3FB4] =	sst s8  }
0x11: {  	[smem:$0x3FB5] =	sst s9;
	s0 =	simm.s32 @!p0 $0x0  }
0x12: {  	s1 =	sld [smem:$0x3F9B];
	s0 =	simm.s32 @p0 $0x1  }
0x13: {  	[smem:$0x3FB6] =	sst s0;
	s0 =	simm.s32 @!p1 $0x0  }
0x14: {  	s2 =	sld [smem:$0x3F9A];
	s0 =	simm.s32 @p1 $0x1  }
0x15: {  	[smem:$0x3FB7] =	sst s0;
	s0 =	simm.s32 @!p2 $0x0  }
0x16: {  	s3 =	sld [smem:$0x3FDB];
	s0 =	simm.s32 @p2 $0x1  }
0x17: {  	s4 =	simm.s32 $0x1BF5;
	[smem:$0x3FB9] =	sst s0  }
0x18: {  	s0 =	sld [smem:$0x3F9C];
	_ =	swait.ge [sflag:s4], $0x0  }
0x19: {  	s7 =	sld [smem:$0x3F9D]  }
0x1a: {  	s8 =	sadd.s32 $0xFFFFE003, lr  }
0x1b: {  	s9 =	sadd.s32 $0xFFFFFEF7, lr;
	s5 =	simm.s32 $0xFFFFFFFF;
	p2 =	slt.u32 s8, $0xFFFFF086  }
0x1c: {  	p1 =	slt.u32 s9, $0xF7A;
	s5 =	simm.s32 @!p2 $0x0  }
0x1d: {  	s5 =	simm.s32 @p1 $0x1;
	p0 =	seq.s32 s7, s2  }
0x1e: {  	s7 =	smul.u32 @!p0 $0xF7A, s2;
	p2 =	seq.s32 @!p0 s5, $0x0  }
0x1f: {  	s9 =	smul.u32 $0xF7A, s1;
	s8 =	simm.s32 @!p0 $0x1BF5;
	p2 =	por !p2, p0  }
0x20: {  	[sflag:s8] =	ssyncset.s32 @!p0 $0xFFFFF086;
	s6 =	sadd.s32 @!p0 s3, s7;
	s7 =	simm.s32 @!p0 $0x108  }
0x21: {  	s3 =	sadd.s32 s3, s9;
	s6 =	sadd.s32 @!p0 $0x88, s6;
	s7 =	simm.s32 @p2 $0x1082  }
0x22: {  	[simem:s7], [sflag:s8] =	dma.local @!p0 [hbm:s6], $0xF7A  }
0x23: {  	s9 =	sor.u32 $0xD0000000, s2;
	s6 =	simm.s32 $0x108;
	_ =	swait.ge @!p0 [sflag:s8], $0x0  }
0x24: {  	s3 =	sadd.s32 $0x88, s3;
	s6 =	simm.s32 @!p1 $0x1082;
	[sflag:s4] =	ssyncset.s32 $0xFFFFF086  }
0x25: {  	[simem:s6], [sflag:s4] =	dma.local [hbm:s3], $0xF7A  }
0x26: {  	[smem:$0x3F9D] =	sst s1;
	(tag) =	ssettag s2;
	_ =	strace s9  }
0x27: {  	s1 =	sld [smem:$0x3FAD]  }
0x28: {  	s2 =	sld [smem:$0x3FAE]  }
0x29: {  	s4 =	sld [smem:$0x3FB0]  }
0x2a: {  	p0 =	seq.s32 s5, $0x0;
	s5 =	sld [smem:$0x3FB1]  }
0x2b: {  	s6 =	sld [smem:$0x3FB2]  }
0x2c: {  	s7 =	sld [smem:$0x3FB3]  }
0x2d: {  	s3 =	simm.s32 $0x108;
	s8 =	sld [smem:$0x3FB4]  }
0x2e: {  	s3 =	simm.s32 @!p0 $0x1082;
	s9 =	sld [smem:$0x3FB5]  }
0x2f: {  	lr =	sadd.s32 s0, s3;
	s0 =	sld [smem:$0x3FAC]  }
0x30: {  	s3 =	sld [smem:$0x3FAF]  }
0x31: {  	[smem:$0x3FB8] =	sst s10  }
0x32: {  	s10 =	sld [smem:$0x3FB6];
	_ =	sdelay $0x3  }
0x33: {  	p0 =	seq.s32 s10, $0x1;
	s10 =	sld [smem:$0x3FB8];
	_ =	sdelay $0x3  }
0x34: {  	[smem:$0x3FB8] =	sst s10  }
0x35: {  	s10 =	sld [smem:$0x3FB7];
	_ =	sdelay $0x3  }
0x36: {  	p1 =	seq.s32 s10, $0x1;
	s10 =	sld [smem:$0x3FB8];
	_ =	sdelay $0x3  }
0x37: {  	[smem:$0x3FB8] =	sst s10  }
0x38: {  	s10 =	sld [smem:$0x3FB9]  }
0x39: {  	_ = 	snop;
	(pc) =	sbr.ind lr, $3  }
0x3a: {  	_ = 	snop  }
0x3b: {  	_ = 	snop  }
0x3c: {  	p2 =	seq.s32 s10, $0x1;
	s10 =	sld [smem:$0x3FB8]  }
0x3d: {  	_ =	shalt  }
0x3e: {  	_ =	shalt  }
0x3f: {  	_ =	shalt  }
0x40: {  	_ =	shalt  }
0x41: {  	_ =	shalt  }
0x42: {  	_ =	shalt  }
0x43: {  	_ =	shalt  }
0x44: {  	_ =	shalt  }
0x45: {  	_ =	shalt  }
0x46: {  	_ =	shalt  }
0x47: {  	_ =	shalt  }
0x48: {  	_ =	shalt  }
0x49: {  	_ =	shalt  }
0x4a: {  	_ =	shalt  }
0x4b: {  	_ =	shalt  }
0x4c: {  	_ =	shalt  }
0x4d: {  	_ =	shalt  }
0x4e: {  	_ =	shalt  }
0x4f: {  	_ =	shalt  }
0x50: {  	_ =	shalt  }
0x51: {  	_ =	shalt  }
0x52: {  	_ =	shalt  }
0x53: {  	_ =	shalt  }
0x54: {  	_ =	shalt  }
0x55: {  	_ =	shalt  }
0x56: {  	_ =	shalt  }
0x57: {  	_ =	shalt  }
0x58: {  	_ =	shalt  }
0x59: {  	_ =	shalt  }
0x5a: {  	_ =	shalt  }
0x5b: {  	_ =	shalt  }
0x5c: {  	_ =	shalt  }
0x5d: {  	_ =	shalt  }
0x5e: {  	_ =	shalt  }
0x5f: {  	_ =	shalt  }
0x60: {  	_ =	shalt  }
0x61: {  	_ =	shalt  }
0x62: {  	_ =	shalt  }
0x63: {  	_ =	shalt  }
0x64: {  	_ =	shalt  }
0x65: {  	_ =	shalt  }
0x66: {  	_ =	shalt  }
0x67: {  	_ =	shalt  }
0x68: {  	_ =	shalt  }
0x69: {  	_ =	shalt  }
0x6a: {  	_ =	shalt  }
0x6b: {  	_ =	shalt  }
0x6c: {  	_ =	shalt  }
0x6d: {  	_ =	shalt  }
0x6e: {  	_ =	shalt  }
0x6f: {  	_ =	shalt  }
0x70: {  	_ =	shalt  }
0x71: {  	_ =	shalt  }
0x72: {  	_ =	shalt  }
0x73: {  	_ =	shalt  }
0x74: {  	_ =	shalt  }
0x75: {  	_ =	shalt  }
0x76: {  	_ =	shalt  }
0x77: {  	_ =	shalt  }
0x78: {  	_ =	shalt  }
0x79: {  	_ =	shalt  }
0x7a: {  	_ =	shalt  }
0x7b: {  	_ =	shalt  }
0x7c: {  	_ =	shalt  }
0x7d: {  	_ =	shalt  }
0x7e: {  	_ =	shalt  }
0x7f: {  	_ =	shalt  }
0x80: {  	_ =	shalt  }
0x81: {  	_ =	shalt  }
0x82: {  	_ =	shalt  }
0x83: {  	_ =	shalt  }
0x84: {  	_ =	shalt  }
0x85: {  	_ =	shalt  }
0x86: {  	_ =	shalt  }
0x87: {  	_ =	shalt  }
.Lfunc_end0:
.L_simem_size_0:
called_computation_lowered:
.L_overlay_start_0:
0x88: {  	s2 =	sld [smem:$0x3FD9]  }
0x89: {  	s3 =	sld [smem:$0x3FFE];
	_ =	sdelay $0x1  }
0x8a: {  	s1 =	srdreg.scid  }
0x8b: {  	s0 =	sand.u32 $0x1, s1  }
0x8c: {  	s16 =	sshll.u32 s0, $0xA;
	s2 =	sadd.s32 s3, s2  }
0x8d: {  	s2 =	sadd.s32 s2, s16  }
0x8e: {  	[smem:$0x3FC4] =	sst s2  }
0x8f: {  	_ = 	snop  }
0x90: {  	(tm) =	ssettm $0x1  }
0x91: {  	s17 =	sld [smem:$0x3FFB];
	_ =	sdelay $0x3  }
0x92: {  	_ =	strace s17  }
0x93: {  	s2 =	sld [smem:$0x3FFC];
	_ =	sdelay $0x3  }
0x94: {  	_ =	strace s2  }
0x95: {  	s2 =	sld [smem:$0x3FFD];
	_ =	sdelay $0x3  }
0x96: {  	_ =	strace s2  }
0x97: {  	_ =	strace $0x8FFFFFFF  }
0x98: {  	s18 =	sld [smem:$0x3FDB];
	_ =	sdelay $0x1  }
0x99: {  	s19 =	simm.s32 $_scs_section_size  }
0x9a: {  	s4 =	simm.s32 $_size__tile_overlayer_lowered;
	s5 =	simm.s32 $_tile_overlayer_lowered  }
0x9b: {  	s22 =	simm.s32 $0x1BFF;
	s21 =	sshll.u32 s5, $0x1;
	s2 =	sadd.s32 s19, s18  }
0x9c: {  	s6 =	simm.s32 $0x0;
	s20 =	sshll.u32 s4, $0x1;
	s4 =	sadd.s32 s21, s2  }
0x9d: {  	[timem:s6], [sflag:s22] =	dma.local [hbm:s4], s20  }
0x9e: {  	_ =	swait.ge [sflag:s22], s20  }
0x9f: {  	s3 =	ssub.s32 $0x0, s20;
	[sflag:s22] =	ssyncset.done $0x0  }
0xa0: {  	[sflag:s22] =	ssyncadd.s32 s3;
	_ =	sdelay $0x1  }
0xa1: {  	s23 =	simm.s32 $0x1B8B  }
0xa2: {  	_ =	swait.ge [sflag:s23], $0x1  }
0xa3: {  	[sflag:s23] =	ssyncset.done $0x0  }
0xa4: {  	s25 =	simm.s32 $0x1B8E;
	s24 =	sld [smem:$0x3FFE];
	[sflag:s23] =	ssyncadd.s32 $0xFFFFFFFF  }
0xa5: {  	s26 =	simm.s32 $execute0_lowered;
	[smem:$0x3FD2] =	sst s25  }
0xa6: {  	s4 =	sshll.u32 s26, $0x1;
	_ =	strace $0x80000046;
	[dreg:$0x1] =	wrdreg $0xFFFFFFFF  }
0xa7: {  	s28 =	simm.s32 $_size_execute0_lowered;
	s2 =	sadd.s32 s2, s4;
	[dreg:$0x0] =	wrdreg $0x0  }
0xa8: {  	s4 =	sshll.u32 s28, $0x1;
	[dreg:$0x2] =	wrdreg s2  }
0xa9: {  	[dreg:$0x3] =	wrdreg s4  }
0xaa: {  	[dreg:$0x4] =	wrdreg $0xC0  }
0xab: {  	_ =	task [dreg:s6], $0x5FFFF  }
0xac: {  	[dreg:$0x1] =	wrdreg $0xFFFFFFFF  }
0xad: {  	[dreg:$0x0] =	wrdreg $0x60  }
0xae: {  	[dreg:$0x2] =	wrdreg s24  }
0xaf: {  	[dreg:$0x3] =	wrdreg $0x0  }
0xb0: {  	[dreg:$0x4] =	wrdreg $0x9  }
0xb1: {  	_ =	task.clear_ibuf [dreg:s6], $0x5FFFF;
	_ =	strace $0x90000046  }
0xb2: {  	s29 =	simm.s32 $0x9;
	_ =	strace $0x80000048  }
0xb3: {  	_ =	swait.ge [sflag:s29], $0x1  }
0xb4: {  	[sflag:s29] =	ssyncadd.s32 $0xFFFFFFFF  }
0xb5: {  	_ =	strace $0x90000048  }
0xb6: {  	_ =	sfence  }
0xb7: {  	s30 =	sld [smem:$0x0];
	_ =	sdelay $0x2  }
0xb8: {  	s31 =	sshll.u32 s1, $0xD;
	s1 =	sshrl.u32 s1, $0x2  }
0xb9: {  	s3 =	sand.u32 $0x4000, s31;
	s1 =	sadd.s32 s1, s30  }
0xba: {  	s0 =	sor.u32 s3, s0;
	s1 =	sshll.u32 s1, $0x11  }
0xbb: {  	s0 =	sor.u32 s1, s0  }
0xbc: {  	s0 =	sadd.s32 $0x8F2B, s0  }
0xbd: {  	[sflag:s0] =	ssyncadd.remote.s32 $0x1  }
0xbe: {  	_ =	sfence.sel $0xFFFF  }
0xbf: {  	[dreg:$0x0] =	wrdreg $0xFFFFFFFF;
	(pc) =	sbr.abs _section_cstart, $3  }
0xc0: {  	[dreg:$0x1] =	wrdreg $0xFFFFFFFF  }
0xc1: {  	_ =	task.clear_ibuf [dreg:s6], $0x2FFFF;
	_ =	strace $0x9FFFFFFF  }
0xc2: {  	(tm) =	ssettm $0x7FFFFFFF  }
0xc3: {  	_ =	shalt  }
tec
execute0_lowered:
.L_overlay_start_1:
0x0: {  	(tag) =	ssettag $0x1  }
0x1: {  	s5 =	rddreg [dreg:$0x0]  }
0x2: {  	s0 =	srdreg.scid;
	s2 =	rddreg [dreg:$0x1]  }
0x3: {  	s3 =	simm.s32 $0x0;
	s11 =	simm.s32 $0x80;
	s4 =	sand.u32 $0x1, s0  }
0x4: {  	s12 =	simm.s32 $0x12A00;
	s0 =	stileid.u32;
	s7 =	smul.u32 $0xC8000, s4  }
0x5: {  	[smem:$0x7FF] =	sst s3;
	s1 =	sshll.u32 s4, $0x4;
	s8 =	smul.u32 $0xC800, s0  }
0x6: {  	s9 =	smul.u32 $0x32000, s0;
	s4 =	ssub.s32 $0x2, s4;
	s13 =	sshll.u32 s0, $0x6  }
0x7: {  	s1 =	sor.u32 s0, s1;
	s10 =	sshrl.u32 s4, $0x1;
	s13 =	sor.u32 $0x1C01, s13  }
0x8: {  	s6 =	smul.u32 $0xC40, s1;
	s1 =	rddreg [dreg:$0x2];
	_ =	strace $0x80000047  }
0x9: {  	s7 =	sadd.s32 s8, s7;
	s9 =	sshrl.u32 s9, $0x2;
	s10 =	ssub.s32 s4, s10  }
0xa: {  	s14 =	sadd.s32 s8, s2;
	s8 =	simm.s32 $0x13200;
	s7 =	sshrl.u32 s7, $0x3  }
0xb: {  	s4 =	sadd.s32 s9, s2;
	s9 =	simm.s32 $0x1;
	s6 =	sadd.s32 s6, s5  }
0xc: {  	s14 =	sshrl.u32 s14, $0x3;
	s7 =	sadd.s32 s7, s5;
	s5 =	sadd.s32 $0x1800, s6  }
0xd: {  	v0 =	vimm.f32 $1.000000000e+00;
	v1 =	vimm.f32 $0.0e+00;
	s6 =	sadd.s32 $0x32800, s7;
	s7 =	smax.u32 s10, $0x1;
	s10 =	simm.s32 $0xC800  }
.LBB2_1:
0xe: {  	s15 =	simm.s32 $0x0  }
.LBB2_2:
0xf: {  	p0 =	sne.s32 s15, $0x1FC0  }
.Ltmp0:
0x10: {  	_ = 	snop;
	(pc) =	sbr.rel @p0 .LBB2_2-.Ltmp0, $4  }
0x11: {  	_ = 	snop  }
0x12: {  	s16 =	sshra.s32 s15, $0x2  }
0x13: {  	[tilespmem:s16+$0x12A00] =	vst v0  }
0x14: {  	s15 =	sadd.s32 $0x40, s15;
	[tilespmem:s16+$0x13200] =	vst v1  }
0x15: {  	s15 =	sadd.s32 $0x0, s4  }
0x16: {  	[spmem:s15] =	stream.linear.scatter [tilespmem:s8], [sflag:$0x1], $0x800, $0x38;
	[tilespmem:$0x13A00] =	vst v63  }
0x17: {  	s15 =	simm.s32 $0x2000;
	_ =	swait.ge [sflag:s9], $0x800  }
.LBB2_4:
0x18: {  	s16 =	sshra.s32 s15, $0x2;
	[sflag:s9] =	ssyncset.done $0x0;
	p0 =	sne.s32 s15, $0x30000  }
.Ltmp1:
0x19: {  	s16 =	sadd.s32 s16, s4;
	[sflag:s9] =	ssyncadd.s32 $0xFFFFF800;
	(pc) =	sbr.rel @p0 .LBB2_4-.Ltmp1, $3  }
0x1a: {  	[spmem:s16] =	stream.linear.scatter [tilespmem:s8], [sflag:$0x1], $0x800, $0x38;
	[tilespmem:$0x13A00] =	vst v63  }
0x1b: {  	s15 =	sadd.s32 $0x2000, s15;
	_ =	sdelay $0x1  }
0x1c: {  	_ =	swait.ge [sflag:s9], $0x800  }
0x1d: {  	[sflag:s9] =	ssyncset.done $0x0  }
0x1e: {  	[sflag:s9] =	ssyncadd.s32 $0xFFFFF800  }
0x1f: {  	s15 =	simm.s32 $0x0;
	[bflag:$0x0] =	sbarrier.arrive $0xFFFF  }
0x20: {  	[tilespmem:s10], [sflag:$0x1] =	stream.linear.gather [hbm4b:s5+s15], $0x6200, $0x38;
	[tilespmem:$0x13A00] =	vst v63  }
0x21: {  	_ =	swait.ge [sflag:s9], $0x6200  }
0x22: {  	[sflag:s9] =	ssyncset.done $0x0  }
0x23: {  	s31 =	simm.s32 $0xC800;
	[sflag:s9] =	ssyncadd.s32 $0xFFFF9E00  }
0x24: {  	[spmem:s2] =	stream.indirect.scatter.add.f32 [tilespmem:s12], [sflag:$0x1], $0x10, s31, s11, $0xb8;
	[tilespmem:$0x13A00] =	vst v63  }
0x25: {  	s15 =	simm.s32 $0x200;
	_ =	swait.ge [sflag:s9], $0x800  }
.LBB2_6:
0x26: {  	s16 =	sshra.s32 s15, $0x2;
	[sflag:s9] =	ssyncset.done $0x0;
	p0 =	sne.s32 s15, $0x18600  }
.Ltmp2:
0x27: {  	s16 =	sadd.s32 $0xC800, s16;
	[sflag:s9] =	ssyncadd.s32 $0xFFFFF800;
	(pc) =	sbr.rel @p0 .LBB2_6-.Ltmp2, $3  }
0x28: {  	[spmem:s2] =	stream.indirect.scatter.add.f32 [tilespmem:s12], [sflag:$0x1], $0x10, s16, s11, $0xb8;
	[tilespmem:$0x13A00] =	vst v63  }
0x29: {  	s15 =	sadd.s32 $0x200, s15;
	_ =	sdelay $0x1  }
0x2a: {  	_ =	swait.ge [sflag:s9], $0x800  }
0x2b: {  	[sflag:s9] =	ssyncset.done $0x0;
	s3 =	sadd.s32 $0x1, s3  }
0x2c: {  	[sflag:s9] =	ssyncadd.s32 $0xFFFFF800;
	p0 =	sne.s32 s3, s7  }
.Ltmp3:
0x2d: {  	[bflag:$0x0] =	sbarrier.arrive $0xFFFF;
	(pc) =	sbr.rel @p0 .LBB2_1-.Ltmp3, $4  }
0x2e: {  	[hbm:s6], [sflag:s13] =	dma.local [spmem:s14], $0x1900  }
0x2f: {  	_ =	swait.ge [sflag:s9], $0x1900  }
0x30: {  	[sflag:s9] =	ssyncset.done $0x0  }
0x31: {  	[sflag:s9] =	ssyncadd.s32 $0xFFFFE700  }
0x32: {  	_ =	sfence.sel $0x180000  }
0x33: {  	[bflag:$0x0] =	sbarrier.arrive $0xFFFF  }
0x34: {  	p0 =	sne.s32 s0, $0x0;
	_ =	strace $0x90000047  }
0x35: {  	s0 =	sadd.s32 @!p0 $0x100000, s1;
	[bflag:$0x2] =	sbarrier.arrive $0xFFFF  }
0x36: {  	[sflag:s0] =	ssyncadd.tile.s32 @!p0 $0x1;
	_ =	shalt  }
.Lfunc_end2:
_tile_overlayer_lowered:
.L_overlay_start_2:
0x37: {  	(tag) =	ssettag $0x2  }
0x38: {  	s0 =	rddreg [dreg:$0x0];
	s2 =	stileid.u32  }
0x39: {  	s1 =	rddreg [dreg:$0x1];
	p0 =	sne.s32 s2, $0x0  }
0x3a: {  	s3 =	rddreg [dreg:$0x2];
	[bflag:$0x3] =	sbarrier.arrive $0xFFFF;
	s2 =	simm.s32 @!p0 $0x1C01  }
0x3b: {  	[timem:s3], [sflag:s2] =	dma.local @!p0 [hbm:s0], s1  }
0x3c: {  	s0 =	simm.s32 @!p0 $0x1  }
0x3d: {  	_ =	swait.ge @!p0 [sflag:s0], s1  }
0x3e: {  	s1 =	ssub.s32 @!p0 $0x0, s1;
	[sflag:s0] =	ssyncset.done @!p0 $0x0  }
0x3f: {  	[sflag:s0] =	ssyncadd.s32 @!p0 s1  }
0x40: {  	[bflag:$0x3] =	sbarrier.arrive $0xFFFF  }
0x41: {  	_ =	shalt  }

// kernel: kernel.9.cloned.1.call-start
scs
__scs_entry_jumppad:
0x0: {  	(pc) =	sbr.rel $0x88, $3  }
0x1: {  	(tag) =	ssettag $0x0;
	lr =	simm.s32 $0x1  }
0x2: {  	[smem:$0x3F9D] =	sst lr;
	_ =	strace $0xD0000000  }
0x3: {  	_ = 	snop  }
0x4: {  	_ = 	snop  }
0x5: {  	_ = 	snop  }
0x6: {  	_ = 	snop  }
0x7: {  	_ = 	snop  }
__scs_overlays_trampoline_lowered:
0x8: {  	[smem:$0x3FAC] =	sst s0  }
0x9: {  	[smem:$0x3FAD] =	sst s1  }
0xa: {  	[smem:$0x3FAE] =	sst s2  }
0xb: {  	[smem:$0x3FAF] =	sst s3  }
0xc: {  	[smem:$0x3FB0] =	sst s4  }
0xd: {  	[smem:$0x3FB1] =	sst s5  }
0xe: {  	[smem:$0x3FB2] =	sst s6  }
0xf: {  	[smem:$0x3FB3] =	sst s7  }
0x10: {  	[smem:$0x3FB4] =	sst s8  }
0x11: {  	[smem:$0x3FB5] =	sst s9;
	s0 =	simm.s32 @!p0 $0x0  }
0x12: {  	s1 =	sld [smem:$0x3F9B];
	s0 =	simm.s32 @p0 $0x1  }
0x13: {  	[smem:$0x3FB6] =	sst s0;
	s0 =	simm.s32 @!p1 $0x0  }
0x14: {  	s2 =	sld [smem:$0x3F9A];
	s0 =	simm.s32 @p1 $0x1  }
0x15: {  	[smem:$0x3FB7] =	sst s0;
	s0 =	simm.s32 @!p2 $0x0  }
0x16: {  	s3 =	sld [smem:$0x3FDB];
	s0 =	simm.s32 @p2 $0x1  }
0x17: {  	s4 =	simm.s32 $0x1BF5;
	[smem:$0x3FB9] =	sst s0  }
0x18: {  	s0 =	sld [smem:$0x3F9C];
	_ =	swait.ge [sflag:s4], $0x0  }
0x19: {  	s7 =	sld [smem:$0x3F9D]  }
0x1a: {  	s8 =	sadd.s32 $0xFFFFE003, lr  }
0x1b: {  	s9 =	sadd.s32 $0xFFFFFEF7, lr;
	s5 =	simm.s32 $0xFFFFFFFF;
	p2 =	slt.u32 s8, $0xFFFFF086  }
0x1c: {  	p1 =	slt.u32 s9, $0xF7A;
	s5 =	simm.s32 @!p2 $0x0  }
0x1d: {  	s5 =	simm.s32 @p1 $0x1;
	p0 =	seq.s32 s7, s2  }
0x1e: {  	s7 =	smul.u32 @!p0 $0xF7A, s2;
	p2 =	seq.s32 @!p0 s5, $0x0  }
0x1f: {  	s9 =	smul.u32 $0xF7A, s1;
	s8 =	simm.s32 @!p0 $0x1BF5;
	p2 =	por !p2, p0  }
0x20: {  	[sflag:s8] =	ssyncset.s32 @!p0 $0xFFFFF086;
	s6 =	sadd.s32 @!p0 s3, s7;
	s7 =	simm.s32 @!p0 $0x108  }
0x21: {  	s3 =	sadd.s32 s3, s9;
	s6 =	sadd.s32 @!p0 $0x88, s6;
	s7 =	simm.s32 @p2 $0x1082  }
0x22: {  	[simem:s7], [sflag:s8] =	dma.local @!p0 [hbm:s6], $0xF7A  }
0x23: {  	s9 =	sor.u32 $0xD0000000, s2;
	s6 =	simm.s32 $0x108;
	_ =	swait.ge @!p0 [sflag:s8], $0x0  }
0x24: {  	s3 =	sadd.s32 $0x88, s3;
	s6 =	simm.s32 @!p1 $0x1082;
	[sflag:s4] =	ssyncset.s32 $0xFFFFF086  }
0x25: {  	[simem:s6], [sflag:s4] =	dma.local [hbm:s3], $0xF7A  }
0x26: {  	[smem:$0x3F9D] =	sst s1;
	(tag) =	ssettag s2;
	_ =	strace s9  }
0x27: {  	s1 =	sld [smem:$0x3FAD]  }
0x28: {  	s2 =	sld [smem:$0x3FAE]  }
0x29: {  	s4 =	sld [smem:$0x3FB0]  }
0x2a: {  	p0 =	seq.s32 s5, $0x0;
	s5 =	sld [smem:$0x3FB1]  }
0x2b: {  	s6 =	sld [smem:$0x3FB2]  }
0x2c: {  	s7 =	sld [smem:$0x3FB3]  }
0x2d: {  	s3 =	simm.s32 $0x108;
	s8 =	sld [smem:$0x3FB4]  }
0x2e: {  	s3 =	simm.s32 @!p0 $0x1082;
	s9 =	sld [smem:$0x3FB5]  }
0x2f: {  	lr =	sadd.s32 s0, s3;
	s0 =	sld [smem:$0x3FAC]  }
0x30: {  	s3 =	sld [smem:$0x3FAF]  }
0x31: {  	[smem:$0x3FB8] =	sst s10  }
0x32: {  	s10 =	sld [smem:$0x3FB6];
	_ =	sdelay $0x3  }
0x33: {  	p0 =	seq.s32 s10, $0x1;
	s10 =	sld [smem:$0x3FB8];
	_ =	sdelay $0x3  }
0x34: {  	[smem:$0x3FB8] =	sst s10  }
0x35: {  	s10 =	sld [smem:$0x3FB7];
	_ =	sdelay $0x3  }
0x36: {  	p1 =	seq.s32 s10, $0x1;
	s10 =	sld [smem:$0x3FB8];
	_ =	sdelay $0x3  }
0x37: {  	[smem:$0x3FB8] =	sst s10  }
0x38: {  	s10 =	sld [smem:$0x3FB9]  }
0x39: {  	_ = 	snop;
	(pc) =	sbr.ind lr, $3  }
0x3a: {  	_ = 	snop  }
0x3b: {  	_ = 	snop  }
0x3c: {  	p2 =	seq.s32 s10, $0x1;
	s10 =	sld [smem:$0x3FB8]  }
0x3d: {  	_ =	shalt  }
0x3e: {  	_ =	shalt  }
0x3f: {  	_ =	shalt  }
0x40: {  	_ =	shalt  }
0x41: {  	_ =	shalt  }
0x42: {  	_ =	shalt  }
0x43: {  	_ =	shalt  }
0x44: {  	_ =	shalt  }
0x45: {  	_ =	shalt  }
0x46: {  	_ =	shalt  }
0x47: {  	_ =	shalt  }
0x48: {  	_ =	shalt  }
0x49: {  	_ =	shalt  }
0x4a: {  	_ =	shalt  }
0x4b: {  	_ =	shalt  }
0x4c: {  	_ =	shalt  }
0x4d: {  	_ =	shalt  }
0x4e: {  	_ =	shalt  }
0x4f: {  	_ =	shalt  }
0x50: {  	_ =	shalt  }
0x51: {  	_ =	shalt  }
0x52: {  	_ =	shalt  }
0x53: {  	_ =	shalt  }
0x54: {  	_ =	shalt  }
0x55: {  	_ =	shalt  }
0x56: {  	_ =	shalt  }
0x57: {  	_ =	shalt  }
0x58: {  	_ =	shalt  }
0x59: {  	_ =	shalt  }
0x5a: {  	_ =	shalt  }
0x5b: {  	_ =	shalt  }
0x5c: {  	_ =	shalt  }
0x5d: {  	_ =	shalt  }
0x5e: {  	_ =	shalt  }
0x5f: {  	_ =	shalt  }
0x60: {  	_ =	shalt  }
0x61: {  	_ =	shalt  }
0x62: {  	_ =	shalt  }
0x63: {  	_ =	shalt  }
0x64: {  	_ =	shalt  }
0x65: {  	_ =	shalt  }
0x66: {  	_ =	shalt  }
0x67: {  	_ =	shalt  }
0x68: {  	_ =	shalt  }
0x69: {  	_ =	shalt  }
0x6a: {  	_ =	shalt  }
0x6b: {  	_ =	shalt  }
0x6c: {  	_ =	shalt  }
0x6d: {  	_ =	shalt  }
0x6e: {  	_ =	shalt  }
0x6f: {  	_ =	shalt  }
0x70: {  	_ =	shalt  }
0x71: {  	_ =	shalt  }
0x72: {  	_ =	shalt  }
0x73: {  	_ =	shalt  }
0x74: {  	_ =	shalt  }
0x75: {  	_ =	shalt  }
0x76: {  	_ =	shalt  }
0x77: {  	_ =	shalt  }
0x78: {  	_ =	shalt  }
0x79: {  	_ =	shalt  }
0x7a: {  	_ =	shalt  }
0x7b: {  	_ =	shalt  }
0x7c: {  	_ =	shalt  }
0x7d: {  	_ =	shalt  }
0x7e: {  	_ =	shalt  }
0x7f: {  	_ =	shalt  }
0x80: {  	_ =	shalt  }
0x81: {  	_ =	shalt  }
0x82: {  	_ =	shalt  }
0x83: {  	_ =	shalt  }
0x84: {  	_ =	shalt  }
0x85: {  	_ =	shalt  }
0x86: {  	_ =	shalt  }
0x87: {  	_ =	shalt  }
.Lfunc_end0:
.L_simem_size_0:
called_computation.1_lowered:
.L_overlay_start_0:
0x88: {  	s2 =	sld [smem:$0x3FD9]  }
0x89: {  	s3 =	sld [smem:$0x3FFE];
	_ =	sdelay $0x1  }
0x8a: {  	s1 =	srdreg.scid  }
0x8b: {  	s0 =	sand.u32 $0x1, s1  }
0x8c: {  	s14 =	sshll.u32 s0, $0xA;
	s2 =	sadd.s32 s3, s2  }
0x8d: {  	s2 =	sadd.s32 s2, s14  }
0x8e: {  	[smem:$0x3FC4] =	sst s2  }
0x8f: {  	_ = 	snop  }
0x90: {  	s2 =	sld [smem:$0x3FD0];
	_ =	sdelay $0x2  }
0x91: {  	s15 =	simm.s32 $0xA;
	s4 =	simm.s32 $0x10  }
0x92: {  	[smem:s4], [sflag:s15] =	dma.local [hbm:s2], $0x1  }
0x93: {  	_ =	swait.eq [sflag:s15], $0x1  }
0x94: {  	[sflag:s15] =	ssyncset.done $0x0  }
0x95: {  	[sflag:s15] =	ssyncadd.s32 $0xFFFFFFFF  }
0x96: {  	s16 =	sld [smem:$0x11];
	(tm) =	ssettm $0x1  }
0x97: {  	s17 =	sld [smem:$0x3FFB];
	_ =	sdelay $0x3  }
0x98: {  	_ =	strace s17  }
0x99: {  	s3 =	sld [smem:$0x3FFC];
	_ =	sdelay $0x3  }
0x9a: {  	_ =	strace s3  }
0x9b: {  	s3 =	sld [smem:$0x3FFD];
	_ =	sdelay $0x3  }
0x9c: {  	_ =	strace s3  }
0x9d: {  	_ =	strace $0x8FFFFFFF  }
0x9e: {  	s18 =	sld [smem:$0x3FDB];
	_ =	sdelay $0x1  }
0x9f: {  	s19 =	simm.s32 $_scs_section_size  }
0xa0: {  	s5 =	simm.s32 $_size__tile_overlayer_lowered;
	s6 =	simm.s32 $_tile_overlayer_lowered  }
0xa1: {  	s22 =	simm.s32 $0x1BFF;
	s21 =	sshll.u32 s6, $0x1;
	s3 =	sadd.s32 s19, s18  }
0xa2: {  	s7 =	simm.s32 $0x0;
	s20 =	sshll.u32 s5, $0x1;
	s5 =	sadd.s32 s21, s3  }
0xa3: {  	[timem:s7], [sflag:s22] =	dma.local [hbm:s5], s20  }
0xa4: {  	_ =	swait.ge [sflag:s22], s20  }
0xa5: {  	s4 =	ssub.s32 $0x0, s20;
	[sflag:s22] =	ssyncset.done $0x0  }
0xa6: {  	[sflag:s22] =	ssyncadd.s32 s4;
	_ =	sdelay $0x1  }
0xa7: {  	s23 =	simm.s32 $0x1B8B  }
0xa8: {  	_ =	swait.ge [sflag:s23], $0x1  }
0xa9: {  	[sflag:s23] =	ssyncset.done $0x0  }
0xaa: {  	s25 =	simm.s32 $0x1B8E;
	s24 =	sld [smem:$0x3FFE];
	[sflag:s23] =	ssyncadd.s32 $0xFFFFFFFF  }
0xab: {  	s26 =	simm.s32 $execute0_lowered;
	[smem:$0x3FD2] =	sst s25  }
0xac: {  	s5 =	sshll.u32 s26, $0x1;
	_ =	strace $0x80000049;
	[dreg:$0x1] =	wrdreg $0xFFFFFFFF  }
0xad: {  	s28 =	simm.s32 $_size_execute0_lowered;
	s3 =	sadd.s32 s3, s5;
	[dreg:$0x0] =	wrdreg $0x0  }
0xae: {  	s5 =	sshll.u32 s28, $0x1;
	[dreg:$0x2] =	wrdreg s3  }
0xaf: {  	[dreg:$0x3] =	wrdreg s5  }
0xb0: {  	[dreg:$0x4] =	wrdreg $0xC0  }
0xb1: {  	_ =	task [dreg:s7], $0x5FFFF  }
0xb2: {  	[dreg:$0x1] =	wrdreg $0xFFFFFFFF  }
0xb3: {  	[dreg:$0x0] =	wrdreg $0x60  }
0xb4: {  	[dreg:$0x2] =	wrdreg s16  }
0xb5: {  	[dreg:$0x3] =	wrdreg s24  }
0xb6: {  	[dreg:$0x4] =	wrdreg $0x0  }
0xb7: {  	[dreg:$0x5] =	wrdreg $0x9  }
0xb8: {  	_ =	task.clear_ibuf [dreg:s7], $0x6FFFF;
	_ =	strace $0x90000049  }
0xb9: {  	s29 =	simm.s32 $0x9;
	_ =	strace $0x8000004B  }
0xba: {  	_ =	swait.ge [sflag:s29], $0x1  }
0xbb: {  	[sflag:s29] =	ssyncadd.s32 $0xFFFFFFFF  }
0xbc: {  	_ =	strace $0x9000004B  }
0xbd: {  	_ =	sfence  }
0xbe: {  	s30 =	sld [smem:$0x0];
	_ =	sdelay $0x2  }
0xbf: {  	s31 =	sshll.u32 s1, $0xD;
	s1 =	sshrl.u32 s1, $0x2  }
0xc0: {  	s3 =	sand.u32 $0x4000, s31;
	s1 =	sadd.s32 s1, s30  }
0xc1: {  	s0 =	sor.u32 s3, s0;
	s1 =	sshll.u32 s1, $0x11  }
0xc2: {  	s0 =	sor.u32 s1, s0  }
0xc3: {  	s0 =	sadd.s32 $0x8F2B, s0  }
0xc4: {  	[sflag:s0] =	ssyncadd.remote.s32 $0x1  }
0xc5: {  	_ =	sfence.sel $0xFFFF  }
0xc6: {  	[dreg:$0x0] =	wrdreg $0xFFFFFFFF;
	(pc) =	sbr.abs _section_cstart, $3  }
0xc7: {  	[dreg:$0x1] =	wrdreg $0xFFFFFFFF  }
0xc8: {  	_ =	task.clear_ibuf [dreg:s7], $0x2FFFF;
	_ =	strace $0x9FFFFFFF  }
0xc9: {  	(tm) =	ssettm $0x7FFFFFFF  }
tec
execute0_lowered:
.L_overlay_start_1:
0x0: {  	(tag) =	ssettag $0x1  }
0x1: {  	s0 =	srdreg.scid;
	s8 =	stileid.u32  }
0x2: {  	s0 =	sand.u32 $0x1, s0;
	s3 =	smul.u32 $0x6200, s8  }
0x3: {  	s4 =	rddreg [dreg:$0x0];
	s1 =	smul.u32 $0x62000, s0  }
0x4: {  	s5 =	rddreg [dreg:$0x1]  }
0x5: {  	s2 =	rddreg [dreg:$0x2];
	s1 =	sadd.s32 s3, s1;
	s3 =	simm.s32 $0x0  }
0x6: {  	s17 =	simm.s32 $0x19080;
	[smem:$0x7FF] =	sst s3  }
0x7: {  	s18 =	simm.s32 $0x19100;
	_ =	strace $0x8000004A;
	[dreg:$0x6] =	wrdreg s17  }
0x8: {  	s19 =	simm.s32 $0x19180;
	[dreg:$0x7] =	wrdreg s18  }
0x9: {  	s20 =	simm.s32 $0x19E80;
	[dreg:$0x8] =	wrdreg s19  }
0xa: {  	s21 =	simm.s32 $0x19F00;
	[dreg:$0x9] =	wrdreg s20  }
0xb: {  	s22 =	simm.s32 $0x19F80;
	[dreg:$0xa] =	wrdreg s21  }
0xc: {  	s23 =	simm.s32 $0x19200;
	[dreg:$0xb] =	wrdreg s22  }
0xd: {  	s24 =	simm.s32 $0x19280;
	[dreg:$0xc] =	wrdreg s23  }
0xe: {  	s25 =	simm.s32 $0x19300;
	[dreg:$0xd] =	wrdreg s24  }
0xf: {  	s26 =	simm.s32 $0x19380;
	[dreg:$0xe] =	wrdreg s25  }
0x10: {  	s7 =	simm.s32 $0x1A100;
	[dreg:$0xf] =	wrdreg s26  }
0x11: {  	s9 =	simm.s32 $0x1A180;
	[dreg:$0x12] =	wrdreg s7  }
0x12: {  	s10 =	simm.s32 $0x19400;
	[dreg:$0x13] =	wrdreg s9  }
0x13: {  	s11 =	simm.s32 $0x19480;
	[dreg:$0x14] =	wrdreg s10  }
0x14: {  	s13 =	simm.s32 $0x19500;
	[dreg:$0x15] =	wrdreg s11  }
0x15: {  	s14 =	simm.s32 $0x19580;
	[dreg:$0x16] =	wrdreg s13  }
0x16: {  	s15 =	simm.s32 $0x1A200;
	s16 =	simm.s32 $0x1A280;
	[dreg:$0x17] =	wrdreg s14  }
0x17: {  	s28 =	simm.s32 $0x19D00;
	s1 =	sshrl.u32 s1, $0x3;
	[dreg:$0x18] =	wrdreg s15  }
0x18: {  	s6 =	sadd.s32 s1, s5;
	s1 =	sadd.s32 s1, s4;
	[dreg:$0x19] =	wrdreg s16  }
0x19: {  	s29 =	simm.s32 $0x19D80;
	s4 =	simm.s32 $0x1A000;
	[dreg:$0x5] =	wrdreg s1  }
0x1a: {  	s30 =	simm.s32 $0x1AA00;
	s17 =	simm.s32 $0x1A300;
	[dreg:$0x10] =	wrdreg s4  }
0x1b: {  	s31 =	simm.s32 $0x1AA80;
	s18 =	simm.s32 $0x1A380;
	[dreg:$0x1a] =	wrdreg s17  }
0x1c: {  	s12 =	smul.u32 $0x190000, s0;
	s19 =	simm.s32 $0x19600;
	[dreg:$0x1b] =	wrdreg s18  }
0x1d: {  	s0 =	ssub.s32 $0x2, s0;
	s21 =	simm.s32 $0x19680;
	[dreg:$0x1c] =	wrdreg s19  }
0x1e: {  	s7 =	smul.u32 $0x19000, s8;
	s22 =	simm.s32 $0x19700;
	[dreg:$0x1d] =	wrdreg s21  }
0x1f: {  	s20 =	sshrl.u32 s0, $0x1;
	s23 =	simm.s32 $0x19780;
	[dreg:$0x1e] =	wrdreg s22  }
0x20: {  	s8 =	smul.u32 $0x64000, s8;
	s25 =	simm.s32 $0x1A400;
	[dreg:$0x1f] =	wrdreg s23  }
0x21: {  	s26 =	simm.s32 $0x1A480;
	s9 =	simm.s32 $0x1A580;
	[smem:$0x7E7] =	sst s25  }
0x22: {  	s10 =	simm.s32 $0x19800;
	s11 =	simm.s32 $0x19880;
	[smem:$0x7E9] =	sst s26  }
0x23: {  	s13 =	simm.s32 $0x19980;
	s14 =	simm.s32 $0x1A600;
	[smem:$0x7EC] =	sst s9  }
0x24: {  	s15 =	simm.s32 $0x1A680;
	s16 =	simm.s32 $0x1A700;
	[smem:$0x7ED] =	sst s10  }
0x25: {  	s6 =	sadd.s32 $0x1800, s6;
	s4 =	sadd.s32 $0xFA800, s5;
	[smem:$0x7EE] =	sst s11  }
0x26: {  	s0 =	ssub.s32 s0, s20;
	s9 =	simm.s32 $0x9;
	[smem:$0x7F0] =	sst s13  }
0x27: {  	s10 =	simm.s32 $0x19000;
	s11 =	simm.s32 $0x19E00;
	[smem:$0x7F1] =	sst s14  }
0x28: {  	s13 =	simm.s32 $0x1BC00;
	[smem:$0x7F2] =	sst s15;
	s14 =	simm.s32 $0x1CC00  }
0x29: {  	[smem:$0x7F3] =	sst s16;
	s17 =	simm.s32 $0x1A780;
	s15 =	simm.s32 $0x1DC00  }
0x2a: {  	s18 =	simm.s32 $0x19A00;
	s16 =	simm.s32 $0x1;
	[dreg:$0x4] =	wrdreg s6  }
0x2b: {  	s19 =	simm.s32 $0x19A80;
	s20 =	simm.s32 $0x19B00;
	[smem:$0x7F4] =	sst s17  }
0x2c: {  	s21 =	simm.s32 $0x19B80;
	s22 =	simm.s32 $0x1A800;
	[smem:$0x7F5] =	sst s18  }
0x2d: {  	s23 =	simm.s32 $0x1A880;
	s25 =	simm.s32 $0x1A980;
	[smem:$0x7F6] =	sst s19  }
0x2e: {  	s1 =	simm.s32 $0x1AB00;
	s6 =	simm.s32 $0x1A080;
	[smem:$0x7F7] =	sst s20  }
0x2f: {  	s24 =	sshrl.u32 s8, $0x2;
	s0 =	smax.u32 s0, $0x1;
	[smem:$0x7F8] =	sst s21  }
0x30: {  	s8 =	simm.s32 $0x1AC00;
	s17 =	simm.s32 $0x2;
	[smem:$0x7F9] =	sst s22  }
0x31: {  	s18 =	simm.s32 $0x3;
	s19 =	simm.s32 $0x4;
	[smem:$0x7FA] =	sst s23  }
0x32: {  	s20 =	simm.s32 $0x5;
	s21 =	simm.s32 $0x6;
	[smem:$0x7FC] =	sst s25  }
0x33: {  	s22 =	simm.s32 $0x7;
	s23 =	simm.s32 $0x8;
	[dreg:$0x11] =	wrdreg s6  }
0x34: {  	s6 =	sadd.s32 s7, s12;
	s7 =	sadd.s32 s7, s2;
	[smem:$0x7EB] =	sst s0  }
0x35: {  	s12 =	simm.s32 $0x19900;
	s0 =	simm.s32 $0x1AB80;
	s6 =	sshrl.u32 s6, $0x3  }
0x36: {  	[smem:$0x7EF] =	sst s12;
	s26 =	sshrl.u32 s7, $0x3;
	s6 =	sadd.s32 s6, s5  }
0x37: {  	s5 =	sadd.s32 s24, s2;
	s24 =	simm.s32 $0x1A900;
	[smem:$0x7FD] =	sst s26  }
0x38: {  	s12 =	simm.s32 $0x80;
	s6 =	sadd.s32 $0x12C800, s6;
	[smem:$0x7FB] =	sst s24  }
0x39: {  	s7 =	simm.s32 $0x0;
	[smem:$0x7E8] =	sst s6;
	s6 =	simm.s32 $0x1A500  }
0x3a: {  	v0 =	vimm.f32 $0.0e+00;
	s26 =	simm.s32 $0x19C80;
	s24 =	simm.s32 $0x19C00;
	[smem:$0x7EA] =	sst s6  }
.LBB2_1:
0x3b: {  	[smem:$0x7E6] =	sst s7;
	s6 =	simm.s32 $0x0  }
.LBB2_2:
0x3c: {  	p0 =	sne.s32 s6, $0x3F80  }
.Ltmp0:
0x3d: {  	_ = 	snop;
	(pc) =	sbr.rel @p0 .LBB2_2-.Ltmp0, $4  }
0x3e: {  	_ = 	snop  }
0x3f: {  	s7 =	sshra.s32 s6, $0x2  }
0x40: {  	[tilespmem:s7+$0x1AC00] =	vst v0  }
0x41: {  	s6 =	sadd.s32 $0x80, s6;
	[tilespmem:s7+$0x1AC10] =	vst v0  }
0x42: {  	s6 =	sadd.s32 $0x0, s5  }
0x43: {  	[spmem:s6] =	stream.linear.scatter [tilespmem:s8], [sflag:$0x9], $0x1000, $0x38;
	[tilespmem:$0x1EC00] =	vst v63  }
0x44: {  	s7 =	simm.s32 $0x4000;
	_ =	swait.ge [sflag:s9], $0x1000  }
.LBB2_4:
0x45: {  	s6 =	sshra.s32 s7, $0x2;
	[sflag:s9] =	ssyncset.done $0x0;
	p0 =	sne.s32 s7, $0x60000  }
.Ltmp1:
0x46: {  	s6 =	sadd.s32 s6, s5;
	[sflag:s9] =	ssyncadd.s32 $0xFFFFF000;
	(pc) =	sbr.rel @p0 .LBB2_4-.Ltmp1, $3  }
0x47: {  	[spmem:s6] =	stream.linear.scatter [tilespmem:s8], [sflag:$0x9], $0x1000, $0x38;
	[tilespmem:$0x1EC00] =	vst v63  }
0x48: {  	s7 =	sadd.s32 $0x4000, s7;
	_ =	sdelay $0x1  }
0x49: {  	_ =	swait.ge [sflag:s9], $0x1000  }
0x4a: {  	[sflag:s9] =	ssyncset.done $0x0  }
0x4b: {  	[sflag:s9] =	ssyncadd.s32 $0xFFFFF000  }
0x4c: {  	[bflag:$0x0] =	sbarrier.arrive $0xFFFF  }
0x4d: {  	s6 =	rddreg [dreg:$0x5]  }
0x4e: {  	s6 =	sadd.s32 $0x0, s6  }
0x4f: {  	[tilespmem:s10], [sflag:$0x9] =	stream.linear.gather [hbm4b:s6+s3], $0xE00, $0x38;
	[tilespmem:$0x1EC00] =	vst v63  }
0x50: {  	_ =	swait.ge [sflag:s9], $0xE00  }
0x51: {  	s7 =	rddreg [dreg:$0x4];
	[sflag:s9] =	ssyncset.done $0x0  }
0x52: {  	[sflag:s9] =	ssyncadd.s32 $0xFFFFF200;
	s6 =	sadd.s32 $0x0, s7  }
0x53: {  	[tilespmem:s11], [sflag:$0x9] =	stream.linear.gather [hbm4b:s6+s3], $0xE00, $0x38;
	[tilespmem:$0x1EC00] =	vst v63  }
0x54: {  	_ =	swait.ge [sflag:s9], $0xE00  }
0x55: {  	[sflag:s9] =	ssyncset.done $0x0  }
0x56: {  	[sflag:s9] =	ssyncadd.s32 $0xFFFFF200  }
0x57: {  	[tilespmem:s8], [sflag:$0x1] =	stream.indirect.gather [hbm4b:s4+s12], $0x20, s10, s12, $0xb8;
	[tilespmem:$0x1EC00] =	vst v63  }
0x58: {  	s25 =	rddreg [dreg:$0x6]  }
0x59: {  	[tilespmem:s13], [sflag:$0x2] =	stream.indirect.gather [hbm4b:s4+s12], $0x20, s25, s12, $0xb8;
	[tilespmem:$0x1EC00] =	vst v63  }
0x5a: {  	s7 =	rddreg [dreg:$0x7]  }
0x5b: {  	[tilespmem:s14], [sflag:$0x3] =	stream.indirect.gather [hbm4b:s4+s12], $0x20, s7, s12, $0xb8;
	[tilespmem:$0x1EC00] =	vst v63  }
0x5c: {  	s25 =	rddreg [dreg:$0x8]  }
0x5d: {  	[tilespmem:s15], [sflag:$0x4] =	stream.indirect.gather [hbm4b:s4+s12], $0x20, s25, s12, $0xb8;
	[tilespmem:$0x1EC00] =	vst v63  }
0x5e: {  	_ =	swait.ge [sflag:s16], $0x1000  }
0x5f: {  	[sflag:s16] =	ssyncset.done $0x0  }
0x60: {  	[sflag:s16] =	ssyncadd.s32 $0xFFFFF000  }
0x61: {  	[spmem:s2] =	stream.indirect.scatter.add.f32 [tilespmem:s8], [sflag:$0x5], $0x20, s11, s12, $0xb8;
	[tilespmem:$0x1EC00] =	vst v63  }
0x62: {  	_ =	swait.ge [sflag:s17], $0x1000  }
0x63: {  	[sflag:s17] =	ssyncset.done $0x0  }
0x64: {  	s25 =	rddreg [dreg:$0x9];
	[sflag:s17] =	ssyncadd.s32 $0xFFFFF000  }
0x65: {  	[spmem:s2] =	stream.indirect.scatter.add.f32 [tilespmem:s13], [sflag:$0x6], $0x20, s25, s12, $0xb8;
	[tilespmem:$0x1EC00] =	vst v63  }
0x66: {  	_ =	swait.ge [sflag:s18], $0x1000  }
0x67: {  	[sflag:s18] =	ssyncset.done $0x0  }
0x68: {  	s7 =	rddreg [dreg:$0xa];
	[sflag:s18] =	ssyncadd.s32 $0xFFFFF000  }
0x69: {  	[spmem:s2] =	stream.indirect.scatter.add.f32 [tilespmem:s14], [sflag:$0x7], $0x20, s7, s12, $0xb8;
	[tilespmem:$0x1EC00] =	vst v63  }
0x6a: {  	_ =	swait.ge [sflag:s19], $0x1000  }
0x6b: {  	[sflag:s19] =	ssyncset.done $0x0  }
0x6c: {  	s25 =	rddreg [dreg:$0xb];
	[sflag:s19] =	ssyncadd.s32 $0xFFFFF000  }
0x6d: {  	[spmem:s2] =	stream.indirect.scatter.add.f32 [tilespmem:s15], [sflag:$0x8], $0x20, s25, s12, $0xb8;
	[tilespmem:$0x1EC00] =	vst v63  }
0x6e: {  	_ =	swait.ge [sflag:s20], $0x1000  }
0x6f: {  	[sflag:s20] =	ssyncset.done $0x0  }
0x70: {  	s7 =	rddreg [dreg:$0xc];
	[sflag:s20] =	ssyncadd.s32 $0xFFFFF000  }
0x71: {  	[tilespmem:s8], [sflag:$0x1] =	stream.indirect.gather [hbm4b:s4+s12], $0x20, s7, s12, $0xb8;
	[tilespmem:$0x1EC00] =	vst v63  }
0x72: {  	_ =	swait.ge [sflag:s21], $0x1000  }
0x73: {  	[sflag:s21] =	ssyncset.done $0x0  }
0x74: {  	s25 =	rddreg [dreg:$0xd];
	[sflag:s21] =	ssyncadd.s32 $0xFFFFF000  }
0x75: {  	[tilespmem:s13], [sflag:$0x2] =	stream.indirect.gather [hbm4b:s4+s12], $0x20, s25, s12, $0xb8;
	[tilespmem:$0x1EC00] =	vst v63  }
0x76: {  	_ =	swait.ge [sflag:s22], $0x1000  }
0x77: {  	[sflag:s22] =	ssyncset.done $0x0  }
0x78: {  	s7 =	rddreg [dreg:$0xe];
	[sflag:s22] =	ssyncadd.s32 $0xFFFFF000  }
0x79: {  	[tilespmem:s14], [sflag:$0x3] =	stream.indirect.gather [hbm4b:s4+s12], $0x20, s7, s12, $0xb8;
	[tilespmem:$0x1EC00] =	vst v63  }
0x7a: {  	_ =	swait.ge [sflag:s23], $0x1000  }
0x7b: {  	[sflag:s23] =	ssyncset.done $0x0  }
0x7c: {  	s25 =	rddreg [dreg:$0xf];
	[sflag:s23] =	ssyncadd.s32 $0xFFFFF000  }
0x7d: {  	[tilespmem:s15], [sflag:$0x4] =	stream.indirect.gather [hbm4b:s4+s12], $0x20, s25, s12, $0xb8;
	[tilespmem:$0x1EC00] =	vst v63  }
0x7e: {  	_ =	swait.ge [sflag:s16], $0x1000  }
0x7f: {  	[sflag:s16] =	ssyncset.done $0x0  }
0x80: {  	s7 =	rddreg [dreg:$0x10];
	[sflag:s16] =	ssyncadd.s32 $0xFFFFF000  }
0x81: {  	[spmem:s2] =	stream.indirect.scatter.add.f32 [tilespmem:s8], [sflag:$0x5], $0x20, s7, s12, $0xb8;
	[tilespmem:$0x1EC00] =	vst v63  }
0x82: {  	_ =	swait.ge [sflag:s17], $0x1000  }
0x83: {  	[sflag:s17] =	ssyncset.done $0x0  }
0x84: {  	s25 =	rddreg [dreg:$0x11];
	[sflag:s17] =	ssyncadd.s32 $0xFFFFF000  }
0x85: {  	[spmem:s2] =	stream.indirect.scatter.add.f32 [tilespmem:s13], [sflag:$0x6], $0x20, s25, s12, $0xb8;
	[tilespmem:$0x1EC00] =	vst v63  }
0x86: {  	_ =	swait.ge [sflag:s18], $0x1000  }
0x87: {  	[sflag:s18] =	ssyncset.done $0x0  }
0x88: {  	s7 =	rddreg [dreg:$0x12];
	[sflag:s18] =	ssyncadd.s32 $0xFFFFF000  }
0x89: {  	[spmem:s2] =	stream.indirect.scatter.add.f32 [tilespmem:s14], [sflag:$0x7], $0x20, s7, s12, $0xb8;
	[tilespmem:$0x1EC00] =	vst v63  }
0x8a: {  	_ =	swait.ge [sflag:s19], $0x1000  }
0x8b: {  	[sflag:s19] =	ssyncset.done $0x0  }
0x8c: {  	s25 =	rddreg [dreg:$0x13];
	[sflag:s19] =	ssyncadd.s32 $0xFFFFF000  }
0x8d: {  	[spmem:s2] =	stream.indirect.scatter.add.f32 [tilespmem:s15], [sflag:$0x8], $0x20, s25, s12, $0xb8;
	[tilespmem:$0x1EC00] =	vst v63  }
0x8e: {  	_ =	swait.ge [sflag:s20], $0x1000  }
0x8f: {  	[sflag:s20] =	ssyncset.done $0x0  }
0x90: {  	s7 =	rddreg [dreg:$0x14];
	[sflag:s20] =	ssyncadd.s32 $0xFFFFF000  }
0x91: {  	[tilespmem:s8], [sflag:$0x1] =	stream.indirect.gather [hbm4b:s4+s12], $0x20, s7, s12, $0xb8;
	[tilespmem:$0x1EC00] =	vst v63  }
0x92: {  	_ =	swait.ge [sflag:s21], $0x1000  }
0x93: {  	[sflag:s21] =	ssyncset.done $0x0  }
0x94: {  	s25 =	rddreg [dreg:$0x15];
	[sflag:s21] =	ssyncadd.s32 $0xFFFFF000  }
0x95: {  	[tilespmem:s13], [sflag:$0x2] =	stream.indirect.gather [hbm4b:s4+s12], $0x20, s25, s12, $0xb8;
	[tilespmem:$0x1EC00] =	vst v63  }
0x96: {  	_ =	swait.ge [sflag:s22], $0x1000  }
0x97: {  	[sflag:s22] =	ssyncset.done $0x0  }
0x98: {  	s7 =	rddreg [dreg:$0x16];
	[sflag:s22] =	ssyncadd.s32 $0xFFFFF000  }
0x99: {  	[tilespmem:s14], [sflag:$0x3] =	stream.indirect.gather [hbm4b:s4+s12], $0x20, s7, s12, $0xb8;
	[tilespmem:$0x1EC00] =	vst v63  }
0x9a: {  	_ =	swait.ge [sflag:s23], $0x1000  }
0x9b: {  	[sflag:s23] =	ssyncset.done $0x0  }
0x9c: {  	s25 =	rddreg [dreg:$0x17];
	[sflag:s23] =	ssyncadd.s32 $0xFFFFF000  }
0x9d: {  	[tilespmem:s15], [sflag:$0x4] =	stream.indirect.gather [hbm4b:s4+s12], $0x20, s25, s12, $0xb8;
	[tilespmem:$0x1EC00] =	vst v63  }
0x9e: {  	_ =	swait.ge [sflag:s16], $0x1000  }
0x9f: {  	[sflag:s16] =	ssyncset.done $0x0  }
0xa0: {  	s7 =	rddreg [dreg:$0x18];
	[sflag:s16] =	ssyncadd.s32 $0xFFFFF000  }
0xa1: {  	[spmem:s2] =	stream.indirect.scatter.add.f32 [tilespmem:s8], [sflag:$0x5], $0x20, s7, s12, $0xb8;
	[tilespmem:$0x1EC00] =	vst v63  }
0xa2: {  	_ =	swait.ge [sflag:s17], $0x1000  }
0xa3: {  	[sflag:s17] =	ssyncset.done $0x0  }
0xa4: {  	s25 =	rddreg [dreg:$0x19];
	[sflag:s17] =	ssyncadd.s32 $0xFFFFF000  }
0xa5: {  	[spmem:s2] =	stream.indirect.scatter.add.f32 [tilespmem:s13], [sflag:$0x6], $0x20, s25, s12, $0xb8;
	[tilespmem:$0x1EC00] =	vst v63  }
0xa6: {  	_ =	swait.ge [sflag:s18], $0x1000  }
0xa7: {  	[sflag:s18] =	ssyncset.done $0x0  }
0xa8: {  	s7 =	rddreg [dreg:$0x1a];
	[sflag:s18] =	ssyncadd.s32 $0xFFFFF000  }
0xa9: {  	[spmem:s2] =	stream.indirect.scatter.add.f32 [tilespmem:s14], [sflag:$0x7], $0x20, s7, s12, $0xb8;
	[tilespmem:$0x1EC00] =	vst v63  }
0xaa: {  	_ =	swait.ge [sflag:s19], $0x1000  }
0xab: {  	[sflag:s19] =	ssyncset.done $0x0  }
0xac: {  	s25 =	rddreg [dreg:$0x1b];
	[sflag:s19] =	ssyncadd.s32 $0xFFFFF000  }
0xad: {  	[spmem:s2] =	stream.indirect.scatter.add.f32 [tilespmem:s15], [sflag:$0x8], $0x20, s25, s12, $0xb8;
	[tilespmem:$0x1EC00] =	vst v63  }
0xae: {  	_ =	swait.ge [sflag:s20], $0x1000  }
0xaf: {  	[sflag:s20] =	ssyncset.done $0x0  }
0xb0: {  	s7 =	rddreg [dreg:$0x1c];
	[sflag:s20] =	ssyncadd.s32 $0xFFFFF000  }
0xb1: {  	[tilespmem:s8], [sflag:$0x1] =	stream.indirect.gather [hbm4b:s4+s12], $0x20, s7, s12, $0xb8;
	[tilespmem:$0x1EC00] =	vst v63  }
0xb2: {  	_ =	swait.ge [sflag:s21], $0x1000  }
0xb3: {  	[sflag:s21] =	ssyncset.done $0x0  }
0xb4: {  	s25 =	rddreg [dreg:$0x1d];
	[sflag:s21] =	ssyncadd.s32 $0xFFFFF000  }
0xb5: {  	[tilespmem:s13], [sflag:$0x2] =	stream.indirect.gather [hbm4b:s4+s12], $0x20, s25, s12, $0xb8;
	[tilespmem:$0x1EC00] =	vst v63  }
0xb6: {  	_ =	swait.ge [sflag:s22], $0x1000  }
0xb7: {  	[sflag:s22] =	ssyncset.done $0x0  }
0xb8: {  	s7 =	rddreg [dreg:$0x1e];
	[sflag:s22] =	ssyncadd.s32 $0xFFFFF000  }
0xb9: {  	[tilespmem:s14], [sflag:$0x3] =	stream.indirect.gather [hbm4b:s4+s12], $0x20, s7, s12, $0xb8;
	[tilespmem:$0x1EC00] =	vst v63  }
0xba: {  	_ =	swait.ge [sflag:s23], $0x1000  }
0xbb: {  	[sflag:s23] =	ssyncset.done $0x0  }
0xbc: {  	s25 =	rddreg [dreg:$0x1f];
	[sflag:s23] =	ssyncadd.s32 $0xFFFFF000  }
0xbd: {  	[tilespmem:s15], [sflag:$0x4] =	stream.indirect.gather [hbm4b:s4+s12], $0x20, s25, s12, $0xb8;
	[tilespmem:$0x1EC00] =	vst v63  }
0xbe: {  	_ =	swait.ge [sflag:s16], $0x1000  }
0xbf: {  	s7 =	sld [smem:$0x7E7]  }
0xc0: {  	[sflag:s16] =	ssyncset.done $0x0  }
0xc1: {  	[sflag:s16] =	ssyncadd.s32 $0xFFFFF000  }
0xc2: {  	[spmem:s2] =	stream.indirect.scatter.add.f32 [tilespmem:s8], [sflag:$0x5], $0x20, s7, s12, $0xb8;
	[tilespmem:$0x1EC00] =	vst v63  }
0xc3: {  	_ =	swait.ge [sflag:s17], $0x1000  }
0xc4: {  	s25 =	sld [smem:$0x7E9]  }
0xc5: {  	[sflag:s17] =	ssyncset.done $0x0  }
0xc6: {  	[sflag:s17] =	ssyncadd.s32 $0xFFFFF000  }
0xc7: {  	[spmem:s2] =	stream.indirect.scatter.add.f32 [tilespmem:s13], [sflag:$0x6], $0x20, s25, s12, $0xb8;
	[tilespmem:$0x1EC00] =	vst v63  }
0xc8: {  	_ =	swait.ge [sflag:s18], $0x1000  }
0xc9: {  	s7 =	sld [smem:$0x7EA]  }
0xca: {  	[sflag:s18] =	ssyncset.done $0x0  }
0xcb: {  	[sflag:s18] =	ssyncadd.s32 $0xFFFFF000  }
0xcc: {  	[spmem:s2] =	stream.indirect.scatter.add.f32 [tilespmem:s14], [sflag:$0x7], $0x20, s7, s12, $0xb8;
	[tilespmem:$0x1EC00] =	vst v63  }
0xcd: {  	_ =	swait.ge [sflag:s19], $0x1000  }
0xce: {  	s25 =	sld [smem:$0x7EC]  }
0xcf: {  	[sflag:s19] =	ssyncset.done $0x0  }
0xd0: {  	[sflag:s19] =	ssyncadd.s32 $0xFFFFF000  }
0xd1: {  	[spmem:s2] =	stream.indirect.scatter.add.f32 [tilespmem:s15], [sflag:$0x8], $0x20, s25, s12, $0xb8;
	[tilespmem:$0x1EC00] =	vst v63  }
0xd2: {  	_ =	swait.ge [sflag:s20], $0x1000  }
0xd3: {  	s7 =	sld [smem:$0x7ED]  }
0xd4: {  	[sflag:s20] =	ssyncset.done $0x0  }
0xd5: {  	[sflag:s20] =	ssyncadd.s32 $0xFFFFF000  }
0xd6: {  	[tilespmem:s8], [sflag:$0x1] =	stream.indirect.gather [hbm4b:s4+s12], $0x20, s7, s12, $0xb8;
	[tilespmem:$0x1EC00] =	vst v63  }
0xd7: {  	_ =	swait.ge [sflag:s21], $0x1000  }
0xd8: {  	s25 =	sld [smem:$0x7EE]  }
0xd9: {  	[sflag:s21] =	ssyncset.done $0x0  }
0xda: {  	[sflag:s21] =	ssyncadd.s32 $0xFFFFF000  }
0xdb: {  	[tilespmem:s13], [sflag:$0x2] =	stream.indirect.gather [hbm4b:s4+s12], $0x20, s25, s12, $0xb8;
	[tilespmem:$0x1EC00] =	vst v63  }
0xdc: {  	_ =	swait.ge [sflag:s22], $0x1000  }
0xdd: {  	s7 =	sld [smem:$0x7EF]  }
0xde: {  	[sflag:s22] =	ssyncset.done $0x0  }
0xdf: {  	[sflag:s22] =	ssyncadd.s32 $0xFFFFF000  }
0xe0: {  	[tilespmem:s14], [sflag:$0x3] =	stream.indirect.gather [hbm4b:s4+s12], $0x20, s7, s12, $0xb8;
	[tilespmem:$0x1EC00] =	vst v63  }
0xe1: {  	_ =	swait.ge [sflag:s23], $0x1000  }
0xe2: {  	s25 =	sld [smem:$0x7F0]  }
0xe3: {  	[sflag:s23] =	ssyncset.done $0x0  }
0xe4: {  	[sflag:s23] =	ssyncadd.s32 $0xFFFFF000  }
0xe5: {  	[tilespmem:s15], [sflag:$0x4] =	stream.indirect.gather [hbm4b:s4+s12], $0x20, s25, s12, $0xb8;
	[tilespmem:$0x1EC00] =	vst v63  }
0xe6: {  	_ =	swait.ge [sflag:s16], $0x1000  }
0xe7: {  	s7 =	sld [smem:$0x7F1]  }
0xe8: {  	[sflag:s16] =	ssyncset.done $0x0  }
0xe9: {  	[sflag:s16] =	ssyncadd.s32 $0xFFFFF000  }
0xea: {  	[spmem:s2] =	stream.indirect.scatter.add.f32 [tilespmem:s8], [sflag:$0x5], $0x20, s7, s12, $0xb8;
	[tilespmem:$0x1EC00] =	vst v63  }
0xeb: {  	_ =	swait.ge [sflag:s17], $0x1000  }
0xec: {  	s25 =	sld [smem:$0x7F2]  }
0xed: {  	[sflag:s17] =	ssyncset.done $0x0  }
0xee: {  	[sflag:s17] =	ssyncadd.s32 $0xFFFFF000  }
0xef: {  	[spmem:s2] =	stream.indirect.scatter.add.f32 [tilespmem:s13], [sflag:$0x6], $0x20, s25, s12, $0xb8;
	[tilespmem:$0x1EC00] =	vst v63  }
0xf0: {  	_ =	swait.ge [sflag:s18], $0x1000  }
0xf1: {  	s7 =	sld [smem:$0x7F3]  }
0xf2: {  	[sflag:s18] =	ssyncset.done $0x0  }
0xf3: {  	[sflag:s18] =	ssyncadd.s32 $0xFFFFF000  }
0xf4: {  	[spmem:s2] =	stream.indirect.scatter.add.f32 [tilespmem:s14], [sflag:$0x7], $0x20, s7, s12, $0xb8;
	[tilespmem:$0x1EC00] =	vst v63  }
0xf5: {  	_ =	swait.ge [sflag:s19], $0x1000  }
0xf6: {  	s25 =	sld [smem:$0x7F4]  }
0xf7: {  	[sflag:s19] =	ssyncset.done $0x0  }
0xf8: {  	[sflag:s19] =	ssyncadd.s32 $0xFFFFF000  }
0xf9: {  	[spmem:s2] =	stream.indirect.scatter.add.f32 [tilespmem:s15], [sflag:$0x8], $0x20, s25, s12, $0xb8;
	[tilespmem:$0x1EC00] =	vst v63  }
0xfa: {  	_ =	swait.ge [sflag:s20], $0x1000  }
0xfb: {  	s7 =	sld [smem:$0x7F5]  }
0xfc: {  	[sflag:s20] =	ssyncset.done $0x0  }
0xfd: {  	[sflag:s20] =	ssyncadd.s32 $0xFFFFF000  }
0xfe: {  	[tilespmem:s8], [sflag:$0x1] =	stream.indirect.gather [hbm4b:s4+s12], $0x20, s7, s12, $0xb8;
	[tilespmem:$0x1EC00] =	vst v63  }
0xff: {  	_ =	swait.ge [sflag:s21], $0x1000  }
0x100: {  	s25 =	sld [smem:$0x7F6]  }
0x101: {  	[sflag:s21] =	ssyncset.done $0x0  }
0x102: {  	[sflag:s21] =	ssyncadd.s32 $0xFFFFF000  }
0x103: {  	[tilespmem:s13], [sflag:$0x2] =	stream.indirect.gather [hbm4b:s4+s12], $0x20, s25, s12, $0xb8;
	[tilespmem:$0x1EC00] =	vst v63  }
0x104: {  	_ =	swait.ge [sflag:s22], $0x1000  }
0x105: {  	s7 =	sld [smem:$0x7F7]  }
0x106: {  	[sflag:s22] =	ssyncset.done $0x0  }
0x107: {  	[sflag:s22] =	ssyncadd.s32 $0xFFFFF000  }
0x108: {  	[tilespmem:s14], [sflag:$0x3] =	stream.indirect.gather [hbm4b:s4+s12], $0x20, s7, s12, $0xb8;
	[tilespmem:$0x1EC00] =	vst v63  }
0x109: {  	_ =	swait.ge [sflag:s23], $0x1000  }
0x10a: {  	s25 =	sld [smem:$0x7F8]  }
0x10b: {  	[sflag:s23] =	ssyncset.done $0x0  }
0x10c: {  	[sflag:s23] =	ssyncadd.s32 $0xFFFFF000  }
0x10d: {  	[tilespmem:s15], [sflag:$0x4] =	stream.indirect.gather [hbm4b:s4+s12], $0x20, s25, s12, $0xb8;
	[tilespmem:$0x1EC00] =	vst v63  }
0x10e: {  	_ =	swait.ge [sflag:s16], $0x1000  }
0x10f: {  	s7 =	sld [smem:$0x7F9]  }
0x110: {  	[sflag:s16] =	ssyncset.done $0x0  }
0x111: {  	[sflag:s16] =	ssyncadd.s32 $0xFFFFF000  }
0x112: {  	[spmem:s2] =	stream.indirect.scatter.add.f32 [tilespmem:s8], [sflag:$0x5], $0x20, s7, s12, $0xb8;
	[tilespmem:$0x1EC00] =	vst v63  }
0x113: {  	_ =	swait.ge [sflag:s17], $0x1000  }
0x114: {  	s25 =	sld [smem:$0x7FA]  }
0x115: {  	[sflag:s17] =	ssyncset.done $0x0  }
0x116: {  	[sflag:s17] =	ssyncadd.s32 $0xFFFFF000  }
0x117: {  	[spmem:s2] =	stream.indirect.scatter.add.f32 [tilespmem:s13], [sflag:$0x6], $0x20, s25, s12, $0xb8;
	[tilespmem:$0x1EC00] =	vst v63  }
0x118: {  	_ =	swait.ge [sflag:s18], $0x1000  }
0x119: {  	s7 =	sld [smem:$0x7FB]  }
0x11a: {  	[sflag:s18] =	ssyncset.done $0x0  }
0x11b: {  	[sflag:s18] =	ssyncadd.s32 $0xFFFFF000  }
0x11c: {  	[spmem:s2] =	stream.indirect.scatter.add.f32 [tilespmem:s14], [sflag:$0x7], $0x20, s7, s12, $0xb8;
	[tilespmem:$0x1EC00] =	vst v63  }
0x11d: {  	_ =	swait.ge [sflag:s19], $0x1000  }
0x11e: {  	s25 =	sld [smem:$0x7FC]  }
0x11f: {  	[sflag:s19] =	ssyncset.done $0x0  }
0x120: {  	[sflag:s19] =	ssyncadd.s32 $0xFFFFF000  }
0x121: {  	[spmem:s2] =	stream.indirect.scatter.add.f32 [tilespmem:s15], [sflag:$0x8], $0x20, s25, s12, $0xb8;
	[tilespmem:$0x1EC00] =	vst v63  }
0x122: {  	_ =	swait.ge [sflag:s20], $0x1000  }
0x123: {  	[sflag:s20] =	ssyncset.done $0x0  }
0x124: {  	[sflag:s20] =	ssyncadd.s32 $0xFFFFF000  }
0x125: {  	[tilespmem:s8], [sflag:$0x1] =	stream.indirect.gather [hbm4b:s4+s12], $0x20, s24, s12, $0xb8;
	[tilespmem:$0x1EC00] =	vst v63  }
0x126: {  	_ =	swait.ge [sflag:s21], $0x1000  }
0x127: {  	[sflag:s21] =	ssyncset.done $0x0  }
0x128: {  	[sflag:s21] =	ssyncadd.s32 $0xFFFFF000  }
0x129: {  	[tilespmem:s13], [sflag:$0x2] =	stream.indirect.gather [hbm4b:s4+s12], $0x20, s26, s12, $0xb8;
	[tilespmem:$0x1EC00] =	vst v63  }
0x12a: {  	_ =	swait.ge [sflag:s22], $0x1000  }
0x12b: {  	[sflag:s22] =	ssyncset.done $0x0  }
0x12c: {  	[sflag:s22] =	ssyncadd.s32 $0xFFFFF000  }
0x12d: {  	[tilespmem:s14], [sflag:$0x3] =	stream.indirect.gather [hbm4b:s4+s12], $0x20, s28, s12, $0xb8;
	[tilespmem:$0x1EC00] =	vst v63  }
0x12e: {  	_ =	swait.ge [sflag:s23], $0x1000  }
0x12f: {  	[sflag:s23] =	ssyncset.done $0x0  }
0x130: {  	[sflag:s23] =	ssyncadd.s32 $0xFFFFF000  }
0x131: {  	[tilespmem:s15], [sflag:$0x4] =	stream.indirect.gather [hbm4b:s4+s12], $0x20, s29, s12, $0xb8;
	[tilespmem:$0x1EC00] =	vst v63  }
0x132: {  	_ =	swait.ge [sflag:s16], $0x1000  }
0x133: {  	[sflag:s16] =	ssyncset.done $0x0  }
0x134: {  	[sflag:s16] =	ssyncadd.s32 $0xFFFFF000  }
0x135: {  	[spmem:s2] =	stream.indirect.scatter.add.f32 [tilespmem:s8], [sflag:$0x5], $0x20, s30, s12, $0xb8;
	[tilespmem:$0x1EC00] =	vst v63  }
0x136: {  	_ =	swait.ge [sflag:s17], $0x1000  }
0x137: {  	[sflag:s17] =	ssyncset.done $0x0  }
0x138: {  	[sflag:s17] =	ssyncadd.s32 $0xFFFFF000  }
0x139: {  	[spmem:s2] =	stream.indirect.scatter.add.f32 [tilespmem:s13], [sflag:$0x6], $0x20, s31, s12, $0xb8;
	[tilespmem:$0x1EC00] =	vst v63  }
0x13a: {  	_ =	swait.ge [sflag:s18], $0x1000  }
0x13b: {  	[sflag:s18] =	ssyncset.done $0x0  }
0x13c: {  	[sflag:s18] =	ssyncadd.s32 $0xFFFFF000  }
0x13d: {  	[spmem:s2] =	stream.indirect.scatter.add.f32 [tilespmem:s14], [sflag:$0x7], $0x20, s1, s12, $0xb8;
	[tilespmem:$0x1EC00] =	vst v63  }
0x13e: {  	_ =	swait.ge [sflag:s19], $0x1000  }
0x13f: {  	[sflag:s19] =	ssyncset.done $0x0  }
0x140: {  	[sflag:s19] =	ssyncadd.s32 $0xFFFFF000  }
0x141: {  	[spmem:s2] =	stream.indirect.scatter.add.f32 [tilespmem:s15], [sflag:$0x8], $0x20, s0, s12, $0xb8;
	[tilespmem:$0x1EC00] =	vst v63  }
0x142: {  	_ =	swait.ge [sflag:s20], $0x1000  }
0x143: {  	[sflag:s20] =	ssyncset.done $0x0  }
0x144: {  	[sflag:s20] =	ssyncadd.s32 $0xFFFFF000  }
0x145: {  	[tilespmem:s8], [sflag:$0x1] =	stream.indirect.gather [hbm4b:s4+s12], $0x20, s29, s12, $0xb8;
	[tilespmem:$0x1EC00] =	vst v63  }
0x146: {  	_ =	swait.ge [sflag:s21], $0x1000  }
0x147: {  	[sflag:s21] =	ssyncset.done $0x0  }
0x148: {  	[sflag:s21] =	ssyncadd.s32 $0xFFFFF000  }
0x149: {  	[tilespmem:s13], [sflag:$0x2] =	stream.indirect.gather [hbm4b:s4+s12], $0x20, s29, s12, $0xb8;
	[tilespmem:$0x1EC00] =	vst v63  }
0x14a: {  	_ =	swait.ge [sflag:s22], $0x1000  }
0x14b: {  	[sflag:s22] =	ssyncset.done $0x0  }
0x14c: {  	[sflag:s22] =	ssyncadd.s32 $0xFFFFF000  }
0x14d: {  	[tilespmem:s14], [sflag:$0x3] =	stream.indirect.gather [hbm4b:s4+s12], $0x20, s29, s12, $0xb8;
	[tilespmem:$0x1EC00] =	vst v63  }
0x14e: {  	_ =	swait.ge [sflag:s23], $0x1000  }
0x14f: {  	[sflag:s23] =	ssyncset.done $0x0  }
0x150: {  	[sflag:s23] =	ssyncadd.s32 $0xFFFFF000  }
0x151: {  	[tilespmem:s15], [sflag:$0x4] =	stream.indirect.gather [hbm4b:s4+s12], $0x20, s29, s12, $0xb8;
	[tilespmem:$0x1EC00] =	vst v63  }
0x152: {  	_ =	swait.ge [sflag:s16], $0x1000  }
0x153: {  	[sflag:s16] =	ssyncset.done $0x0  }
0x154: {  	[sflag:s16] =	ssyncadd.s32 $0xFFFFF000  }
0x155: {  	_ =	swait.ge [sflag:s17], $0x1000  }
0x156: {  	[sflag:s17] =	ssyncset.done $0x0  }
0x157: {  	[sflag:s17] =	ssyncadd.s32 $0xFFFFF000  }
0x158: {  	_ =	swait.ge [sflag:s18], $0x1000  }
0x159: {  	[sflag:s18] =	ssyncset.done $0x0  }
0x15a: {  	[sflag:s18] =	ssyncadd.s32 $0xFFFFF000  }
0x15b: {  	s7 =	simm.s32 $0x1C0;
	_ =	swait.ge [sflag:s19], $0x1000  }
0x15c: {  	s25 =	simm.s32 $0x380;
	s6 =	rddreg [dreg:$0x5];
	[sflag:s19] =	ssyncset.done $0x0  }
.LBB2_6:
0x15d: {  	[sflag:s19] =	ssyncadd.s32 $0xFFFFF000;
	s6 =	sadd.s32 s7, s6  }
0x15e: {  	[tilespmem:s10], [sflag:$0x9] =	stream.linear.gather [hbm4b:s6+s3], $0xE00, $0x38;
	[tilespmem:$0x1EC00] =	vst v63  }
0x15f: {  	_ =	swait.ge [sflag:s9], $0xE00  }
0x160: {  	s6 =	rddreg [dreg:$0x4];
	[sflag:s9] =	ssyncset.done $0x0  }
0x161: {  	[sflag:s9] =	ssyncadd.s32 $0xFFFFF200;
	s6 =	sadd.s32 s7, s6  }
0x162: {  	[tilespmem:s11], [sflag:$0x9] =	stream.linear.gather [hbm4b:s6+s3], $0xE00, $0x38;
	[tilespmem:$0x1EC00] =	vst v63  }
0x163: {  	_ =	swait.ge [sflag:s9], $0xE00  }
0x164: {  	[sflag:s9] =	ssyncset.done $0x0  }
0x165: {  	[sflag:s9] =	ssyncadd.s32 $0xFFFFF200  }
0x166: {  	[tilespmem:s8], [sflag:$0x1] =	stream.indirect.gather [hbm4b:s4+s12], $0x20, s10, s12, $0xb8;
	[tilespmem:$0x1EC00] =	vst v63  }
0x167: {  	s24 =	smov.u32 s25;
	s6 =	rddreg [dreg:$0x6]  }
0x168: {  	[tilespmem:s13], [sflag:$0x2] =	stream.indirect.gather [hbm4b:s4+s12], $0x20, s6, s12, $0xb8;
	[tilespmem:$0x1EC00] =	vst v63  }
0x169: {  	s7 =	smov.u32 s24;
	s24 =	rddreg [dreg:$0x7]  }
0x16a: {  	[tilespmem:s14], [sflag:$0x3] =	stream.indirect.gather [hbm4b:s4+s12], $0x20, s24, s12, $0xb8;
	[tilespmem:$0x1EC00] =	vst v63  }
0x16b: {  	s6 =	rddreg [dreg:$0x8]  }
0x16c: {  	[tilespmem:s15], [sflag:$0x4] =	stream.indirect.gather [hbm4b:s4+s12], $0x20, s6, s12, $0xb8;
	[tilespmem:$0x1EC00] =	vst v63  }
0x16d: {  	_ =	swait.ge [sflag:s16], $0x1000  }
0x16e: {  	[sflag:s16] =	ssyncset.done $0x0  }
0x16f: {  	[sflag:s16] =	ssyncadd.s32 $0xFFFFF000  }
0x170: {  	[spmem:s2] =	stream.indirect.scatter.add.f32 [tilespmem:s8], [sflag:$0x5], $0x20, s11, s12, $0xb8;
	[tilespmem:$0x1EC00] =	vst v63  }
0x171: {  	_ =	swait.ge [sflag:s17], $0x1000  }
0x172: {  	[sflag:s17] =	ssyncset.done $0x0  }
0x173: {  	s6 =	rddreg [dreg:$0x9];
	[sflag:s17] =	ssyncadd.s32 $0xFFFFF000  }
0x174: {  	[spmem:s2] =	stream.indirect.scatter.add.f32 [tilespmem:s13], [sflag:$0x6], $0x20, s6, s12, $0xb8;
	[tilespmem:$0x1EC00] =	vst v63  }
0x175: {  	_ =	swait.ge [sflag:s18], $0x1000  }
0x176: {  	[sflag:s18] =	ssyncset.done $0x0  }
0x177: {  	s6 =	rddreg [dreg:$0xa];
	[sflag:s18] =	ssyncadd.s32 $0xFFFFF000  }
0x178: {  	[spmem:s2] =	stream.indirect.scatter.add.f32 [tilespmem:s14], [sflag:$0x7], $0x20, s6, s12, $0xb8;
	[tilespmem:$0x1EC00] =	vst v63  }
0x179: {  	_ =	swait.ge [sflag:s19], $0x1000  }
0x17a: {  	[sflag:s19] =	ssyncset.done $0x0  }
0x17b: {  	s6 =	rddreg [dreg:$0xb];
	[sflag:s19] =	ssyncadd.s32 $0xFFFFF000  }
0x17c: {  	[spmem:s2] =	stream.indirect.scatter.add.f32 [tilespmem:s15], [sflag:$0x8], $0x20, s6, s12, $0xb8;
	[tilespmem:$0x1EC00] =	vst v63  }
0x17d: {  	_ =	swait.ge [sflag:s20], $0x1000  }
0x17e: {  	[sflag:s20] =	ssyncset.done $0x0  }
0x17f: {  	s6 =	rddreg [dreg:$0xc];
	[sflag:s20] =	ssyncadd.s32 $0xFFFFF000  }
0x180: {  	[tilespmem:s8], [sflag:$0x1] =	stream.indirect.gather [hbm4b:s4+s12], $0x20, s6, s12, $0xb8;
	[tilespmem:$0x1EC00] =	vst v63  }
0x181: {  	_ =	swait.ge [sflag:s21], $0x1000  }
0x182: {  	[sflag:s21] =	ssyncset.done $0x0  }
0x183: {  	s6 =	rddreg [dreg:$0xd];
	[sflag:s21] =	ssyncadd.s32 $0xFFFFF000  }
0x184: {  	[tilespmem:s13], [sflag:$0x2] =	stream.indirect.gather [hbm4b:s4+s12], $0x20, s6, s12, $0xb8;
	[tilespmem:$0x1EC00] =	vst v63  }
0x185: {  	_ =	swait.ge [sflag:s22], $0x1000  }
0x186: {  	[sflag:s22] =	ssyncset.done $0x0  }
0x187: {  	s6 =	rddreg [dreg:$0xe];
	[sflag:s22] =	ssyncadd.s32 $0xFFFFF000  }
0x188: {  	[tilespmem:s14], [sflag:$0x3] =	stream.indirect.gather [hbm4b:s4+s12], $0x20, s6, s12, $0xb8;
	[tilespmem:$0x1EC00] =	vst v63  }
0x189: {  	_ =	swait.ge [sflag:s23], $0x1000  }
0x18a: {  	[sflag:s23] =	ssyncset.done $0x0  }
0x18b: {  	s6 =	rddreg [dreg:$0xf];
	[sflag:s23] =	ssyncadd.s32 $0xFFFFF000  }
0x18c: {  	[tilespmem:s15], [sflag:$0x4] =	stream.indirect.gather [hbm4b:s4+s12], $0x20, s6, s12, $0xb8;
	[tilespmem:$0x1EC00] =	vst v63  }
0x18d: {  	_ =	swait.ge [sflag:s16], $0x1000  }
0x18e: {  	[sflag:s16] =	ssyncset.done $0x0  }
0x18f: {  	s6 =	rddreg [dreg:$0x10];
	[sflag:s16] =	ssyncadd.s32 $0xFFFFF000  }
0x190: {  	[spmem:s2] =	stream.indirect.scatter.add.f32 [tilespmem:s8], [sflag:$0x5], $0x20, s6, s12, $0xb8;
	[tilespmem:$0x1EC00] =	vst v63  }
0x191: {  	_ =	swait.ge [sflag:s17], $0x1000  }
0x192: {  	[sflag:s17] =	ssyncset.done $0x0  }
0x193: {  	s6 =	rddreg [dreg:$0x11];
	[sflag:s17] =	ssyncadd.s32 $0xFFFFF000  }
0x194: {  	[spmem:s2] =	stream.indirect.scatter.add.f32 [tilespmem:s13], [sflag:$0x6], $0x20, s6, s12, $0xb8;
	[tilespmem:$0x1EC00] =	vst v63  }
0x195: {  	_ =	swait.ge [sflag:s18], $0x1000  }
0x196: {  	[sflag:s18] =	ssyncset.done $0x0  }
0x197: {  	s6 =	rddreg [dreg:$0x12];
	[sflag:s18] =	ssyncadd.s32 $0xFFFFF000  }
0x198: {  	[spmem:s2] =	stream.indirect.scatter.add.f32 [tilespmem:s14], [sflag:$0x7], $0x20, s6, s12, $0xb8;
	[tilespmem:$0x1EC00] =	vst v63  }
0x199: {  	_ =	swait.ge [sflag:s19], $0x1000  }
0x19a: {  	[sflag:s19] =	ssyncset.done $0x0  }
0x19b: {  	s6 =	rddreg [dreg:$0x13];
	[sflag:s19] =	ssyncadd.s32 $0xFFFFF000  }
0x19c: {  	[spmem:s2] =	stream.indirect.scatter.add.f32 [tilespmem:s15], [sflag:$0x8], $0x20, s6, s12, $0xb8;
	[tilespmem:$0x1EC00] =	vst v63  }
0x19d: {  	_ =	swait.ge [sflag:s20], $0x1000  }
0x19e: {  	[sflag:s20] =	ssyncset.done $0x0  }
0x19f: {  	s6 =	rddreg [dreg:$0x14];
	[sflag:s20] =	ssyncadd.s32 $0xFFFFF000  }
0x1a0: {  	[tilespmem:s8], [sflag:$0x1] =	stream.indirect.gather [hbm4b:s4+s12], $0x20, s6, s12, $0xb8;
	[tilespmem:$0x1EC00] =	vst v63  }
0x1a1: {  	_ =	swait.ge [sflag:s21], $0x1000  }
0x1a2: {  	[sflag:s21] =	ssyncset.done $0x0  }
0x1a3: {  	s6 =	rddreg [dreg:$0x15];
	[sflag:s21] =	ssyncadd.s32 $0xFFFFF000  }
0x1a4: {  	[tilespmem:s13], [sflag:$0x2] =	stream.indirect.gather [hbm4b:s4+s12], $0x20, s6, s12, $0xb8;
	[tilespmem:$0x1EC00] =	vst v63  }
0x1a5: {  	_ =	swait.ge [sflag:s22], $0x1000  }
0x1a6: {  	[sflag:s22] =	ssyncset.done $0x0  }
0x1a7: {  	s6 =	rddreg [dreg:$0x16];
	[sflag:s22] =	ssyncadd.s32 $0xFFFFF000  }
0x1a8: {  	[tilespmem:s14], [sflag:$0x3] =	stream.indirect.gather [hbm4b:s4+s12], $0x20, s6, s12, $0xb8;
	[tilespmem:$0x1EC00] =	vst v63  }
0x1a9: {  	_ =	swait.ge [sflag:s23], $0x1000  }
0x1aa: {  	[sflag:s23] =	ssyncset.done $0x0  }
0x1ab: {  	s6 =	rddreg [dreg:$0x17];
	[sflag:s23] =	ssyncadd.s32 $0xFFFFF000  }
0x1ac: {  	[tilespmem:s15], [sflag:$0x4] =	stream.indirect.gather [hbm4b:s4+s12], $0x20, s6, s12, $0xb8;
	[tilespmem:$0x1EC00] =	vst v63  }
0x1ad: {  	_ =	swait.ge [sflag:s16], $0x1000  }
0x1ae: {  	[sflag:s16] =	ssyncset.done $0x0  }
0x1af: {  	s6 =	rddreg [dreg:$0x18];
	[sflag:s16] =	ssyncadd.s32 $0xFFFFF000  }
0x1b0: {  	[spmem:s2] =	stream.indirect.scatter.add.f32 [tilespmem:s8], [sflag:$0x5], $0x20, s6, s12, $0xb8;
	[tilespmem:$0x1EC00] =	vst v63  }
0x1b1: {  	_ =	swait.ge [sflag:s17], $0x1000  }
0x1b2: {  	[sflag:s17] =	ssyncset.done $0x0  }
0x1b3: {  	s6 =	rddreg [dreg:$0x19];
	[sflag:s17] =	ssyncadd.s32 $0xFFFFF000  }
0x1b4: {  	[spmem:s2] =	stream.indirect.scatter.add.f32 [tilespmem:s13], [sflag:$0x6], $0x20, s6, s12, $0xb8;
	[tilespmem:$0x1EC00] =	vst v63  }
0x1b5: {  	_ =	swait.ge [sflag:s18], $0x1000  }
0x1b6: {  	[sflag:s18] =	ssyncset.done $0x0  }
0x1b7: {  	s6 =	rddreg [dreg:$0x1a];
	[sflag:s18] =	ssyncadd.s32 $0xFFFFF000  }
0x1b8: {  	[spmem:s2] =	stream.indirect.scatter.add.f32 [tilespmem:s14], [sflag:$0x7], $0x20, s6, s12, $0xb8;
	[tilespmem:$0x1EC00] =	vst v63  }
0x1b9: {  	_ =	swait.ge [sflag:s19], $0x1000  }
0x1ba: {  	[sflag:s19] =	ssyncset.done $0x0  }
0x1bb: {  	s6 =	rddreg [dreg:$0x1b];
	[sflag:s19] =	ssyncadd.s32 $0xFFFFF000  }
0x1bc: {  	[spmem:s2] =	stream.indirect.scatter.add.f32 [tilespmem:s15], [sflag:$0x8], $0x20, s6, s12, $0xb8;
	[tilespmem:$0x1EC00] =	vst v63  }
0x1bd: {  	_ =	swait.ge [sflag:s20], $0x1000  }
0x1be: {  	[sflag:s20] =	ssyncset.done $0x0  }
0x1bf: {  	s6 =	rddreg [dreg:$0x1c];
	[sflag:s20] =	ssyncadd.s32 $0xFFFFF000  }
0x1c0: {  	[tilespmem:s8], [sflag:$0x1] =	stream.indirect.gather [hbm4b:s4+s12], $0x20, s6, s12, $0xb8;
	[tilespmem:$0x1EC00] =	vst v63  }
0x1c1: {  	_ =	swait.ge [sflag:s21], $0x1000  }
0x1c2: {  	[sflag:s21] =	ssyncset.done $0x0  }
0x1c3: {  	s6 =	rddreg [dreg:$0x1d];
	[sflag:s21] =	ssyncadd.s32 $0xFFFFF000  }
0x1c4: {  	[tilespmem:s13], [sflag:$0x2] =	stream.indirect.gather [hbm4b:s4+s12], $0x20, s6, s12, $0xb8;
	[tilespmem:$0x1EC00] =	vst v63  }
0x1c5: {  	_ =	swait.ge [sflag:s22], $0x1000  }
0x1c6: {  	[sflag:s22] =	ssyncset.done $0x0  }
0x1c7: {  	s6 =	rddreg [dreg:$0x1e];
	[sflag:s22] =	ssyncadd.s32 $0xFFFFF000  }
0x1c8: {  	[tilespmem:s14], [sflag:$0x3] =	stream.indirect.gather [hbm4b:s4+s12], $0x20, s6, s12, $0xb8;
	[tilespmem:$0x1EC00] =	vst v63  }
0x1c9: {  	_ =	swait.ge [sflag:s23], $0x1000  }
0x1ca: {  	[sflag:s23] =	ssyncset.done $0x0  }
0x1cb: {  	s6 =	rddreg [dreg:$0x1f];
	[sflag:s23] =	ssyncadd.s32 $0xFFFFF000  }
0x1cc: {  	[tilespmem:s15], [sflag:$0x4] =	stream.indirect.gather [hbm4b:s4+s12], $0x20, s6, s12, $0xb8;
	[tilespmem:$0x1EC00] =	vst v63  }
0x1cd: {  	_ =	swait.ge [sflag:s16], $0x1000  }
0x1ce: {  	s6 =	sld [smem:$0x7E7]  }
0x1cf: {  	[sflag:s16] =	ssyncset.done $0x0  }
0x1d0: {  	[sflag:s16] =	ssyncadd.s32 $0xFFFFF000  }
0x1d1: {  	[spmem:s2] =	stream.indirect.scatter.add.f32 [tilespmem:s8], [sflag:$0x5], $0x20, s6, s12, $0xb8;
	[tilespmem:$0x1EC00] =	vst v63  }
0x1d2: {  	_ =	swait.ge [sflag:s17], $0x1000  }
0x1d3: {  	s6 =	sld [smem:$0x7E9]  }
0x1d4: {  	[sflag:s17] =	ssyncset.done $0x0  }
0x1d5: {  	[sflag:s17] =	ssyncadd.s32 $0xFFFFF000  }
0x1d6: {  	[spmem:s2] =	stream.indirect.scatter.add.f32 [tilespmem:s13], [sflag:$0x6], $0x20, s6, s12, $0xb8;
	[tilespmem:$0x1EC00] =	vst v63  }
0x1d7: {  	_ =	swait.ge [sflag:s18], $0x1000  }
0x1d8: {  	s6 =	sld [smem:$0x7EA]  }
0x1d9: {  	[sflag:s18] =	ssyncset.done $0x0  }
0x1da: {  	[sflag:s18] =	ssyncadd.s32 $0xFFFFF000  }
0x1db: {  	[spmem:s2] =	stream.indirect.scatter.add.f32 [tilespmem:s14], [sflag:$0x7], $0x20, s6, s12, $0xb8;
	[tilespmem:$0x1EC00] =	vst v63  }
0x1dc: {  	_ =	swait.ge [sflag:s19], $0x1000  }
0x1dd: {  	s6 =	sld [smem:$0x7EC]  }
0x1de: {  	[sflag:s19] =	ssyncset.done $0x0  }
0x1df: {  	[sflag:s19] =	ssyncadd.s32 $0xFFFFF000  }
0x1e0: {  	[spmem:s2] =	stream.indirect.scatter.add.f32 [tilespmem:s15], [sflag:$0x8], $0x20, s6, s12, $0xb8;
	[tilespmem:$0x1EC00] =	vst v63  }
0x1e1: {  	_ =	swait.ge [sflag:s20], $0x1000  }
0x1e2: {  	s6 =	sld [smem:$0x7ED]  }
0x1e3: {  	[sflag:s20] =	ssyncset.done $0x0  }
0x1e4: {  	[sflag:s20] =	ssyncadd.s32 $0xFFFFF000  }
0x1e5: {  	[tilespmem:s8], [sflag:$0x1] =	stream.indirect.gather [hbm4b:s4+s12], $0x20, s6, s12, $0xb8;
	[tilespmem:$0x1EC00] =	vst v63  }
0x1e6: {  	_ =	swait.ge [sflag:s21], $0x1000  }
0x1e7: {  	s6 =	sld [smem:$0x7EE]  }
0x1e8: {  	[sflag:s21] =	ssyncset.done $0x0  }
0x1e9: {  	[sflag:s21] =	ssyncadd.s32 $0xFFFFF000  }
0x1ea: {  	[tilespmem:s13], [sflag:$0x2] =	stream.indirect.gather [hbm4b:s4+s12], $0x20, s6, s12, $0xb8;
	[tilespmem:$0x1EC00] =	vst v63  }
0x1eb: {  	_ =	swait.ge [sflag:s22], $0x1000  }
0x1ec: {  	s6 =	sld [smem:$0x7EF]  }
0x1ed: {  	[sflag:s22] =	ssyncset.done $0x0  }
0x1ee: {  	[sflag:s22] =	ssyncadd.s32 $0xFFFFF000  }
0x1ef: {  	[tilespmem:s14], [sflag:$0x3] =	stream.indirect.gather [hbm4b:s4+s12], $0x20, s6, s12, $0xb8;
	[tilespmem:$0x1EC00] =	vst v63  }
0x1f0: {  	_ =	swait.ge [sflag:s23], $0x1000  }
0x1f1: {  	s6 =	sld [smem:$0x7F0]  }
0x1f2: {  	[sflag:s23] =	ssyncset.done $0x0  }
0x1f3: {  	[sflag:s23] =	ssyncadd.s32 $0xFFFFF000  }
0x1f4: {  	[tilespmem:s15], [sflag:$0x4] =	stream.indirect.gather [hbm4b:s4+s12], $0x20, s6, s12, $0xb8;
	[tilespmem:$0x1EC00] =	vst v63  }
0x1f5: {  	_ =	swait.ge [sflag:s16], $0x1000  }
0x1f6: {  	s6 =	sld [smem:$0x7F1]  }
0x1f7: {  	[sflag:s16] =	ssyncset.done $0x0  }
0x1f8: {  	[sflag:s16] =	ssyncadd.s32 $0xFFFFF000  }
0x1f9: {  	[spmem:s2] =	stream.indirect.scatter.add.f32 [tilespmem:s8], [sflag:$0x5], $0x20, s6, s12, $0xb8;
	[tilespmem:$0x1EC00] =	vst v63  }
0x1fa: {  	_ =	swait.ge [sflag:s17], $0x1000  }
0x1fb: {  	s6 =	sld [smem:$0x7F2]  }
0x1fc: {  	[sflag:s17] =	ssyncset.done $0x0  }
0x1fd: {  	[sflag:s17] =	ssyncadd.s32 $0xFFFFF000  }
0x1fe: {  	[spmem:s2] =	stream.indirect.scatter.add.f32 [tilespmem:s13], [sflag:$0x6], $0x20, s6, s12, $0xb8;
	[tilespmem:$0x1EC00] =	vst v63  }
0x1ff: {  	_ =	swait.ge [sflag:s18], $0x1000  }
0x200: {  	s6 =	sld [smem:$0x7F3]  }
0x201: {  	[sflag:s18] =	ssyncset.done $0x0  }
0x202: {  	[sflag:s18] =	ssyncadd.s32 $0xFFFFF000  }
0x203: {  	[spmem:s2] =	stream.indirect.scatter.add.f32 [tilespmem:s14], [sflag:$0x7], $0x20, s6, s12, $0xb8;
	[tilespmem:$0x1EC00] =	vst v63  }
0x204: {  	_ =	swait.ge [sflag:s19], $0x1000  }
0x205: {  	s6 =	sld [smem:$0x7F4]  }
0x206: {  	[sflag:s19] =	ssyncset.done $0x0  }
0x207: {  	[sflag:s19] =	ssyncadd.s32 $0xFFFFF000  }
0x208: {  	[spmem:s2] =	stream.indirect.scatter.add.f32 [tilespmem:s15], [sflag:$0x8], $0x20, s6, s12, $0xb8;
	[tilespmem:$0x1EC00] =	vst v63  }
0x209: {  	_ =	swait.ge [sflag:s20], $0x1000  }
0x20a: {  	s6 =	sld [smem:$0x7F5]  }
0x20b: {  	[sflag:s20] =	ssyncset.done $0x0  }
0x20c: {  	[sflag:s20] =	ssyncadd.s32 $0xFFFFF000  }
0x20d: {  	[tilespmem:s8], [sflag:$0x1] =	stream.indirect.gather [hbm4b:s4+s12], $0x20, s6, s12, $0xb8;
	[tilespmem:$0x1EC00] =	vst v63  }
0x20e: {  	_ =	swait.ge [sflag:s21], $0x1000  }
0x20f: {  	s6 =	sld [smem:$0x7F6]  }
0x210: {  	[sflag:s21] =	ssyncset.done $0x0  }
0x211: {  	[sflag:s21] =	ssyncadd.s32 $0xFFFFF000  }
0x212: {  	[tilespmem:s13], [sflag:$0x2] =	stream.indirect.gather [hbm4b:s4+s12], $0x20, s6, s12, $0xb8;
	[tilespmem:$0x1EC00] =	vst v63  }
0x213: {  	_ =	swait.ge [sflag:s22], $0x1000  }
0x214: {  	s6 =	sld [smem:$0x7F7]  }
0x215: {  	[sflag:s22] =	ssyncset.done $0x0  }
0x216: {  	[sflag:s22] =	ssyncadd.s32 $0xFFFFF000  }
0x217: {  	[tilespmem:s14], [sflag:$0x3] =	stream.indirect.gather [hbm4b:s4+s12], $0x20, s6, s12, $0xb8;
	[tilespmem:$0x1EC00] =	vst v63  }
0x218: {  	_ =	swait.ge [sflag:s23], $0x1000  }
0x219: {  	s6 =	sld [smem:$0x7F8]  }
0x21a: {  	[sflag:s23] =	ssyncset.done $0x0  }
0x21b: {  	[sflag:s23] =	ssyncadd.s32 $0xFFFFF000  }
0x21c: {  	[tilespmem:s15], [sflag:$0x4] =	stream.indirect.gather [hbm4b:s4+s12], $0x20, s6, s12, $0xb8;
	[tilespmem:$0x1EC00] =	vst v63  }
0x21d: {  	_ =	swait.ge [sflag:s16], $0x1000  }
0x21e: {  	s6 =	sld [smem:$0x7F9]  }
0x21f: {  	[sflag:s16] =	ssyncset.done $0x0  }
0x220: {  	[sflag:s16] =	ssyncadd.s32 $0xFFFFF000  }
0x221: {  	[spmem:s2] =	stream.indirect.scatter.add.f32 [tilespmem:s8], [sflag:$0x5], $0x20, s6, s12, $0xb8;
	[tilespmem:$0x1EC00] =	vst v63  }
0x222: {  	_ =	swait.ge [sflag:s17], $0x1000  }
0x223: {  	s6 =	sld [smem:$0x7FA]  }
0x224: {  	[sflag:s17] =	ssyncset.done $0x0  }
0x225: {  	[sflag:s17] =	ssyncadd.s32 $0xFFFFF000  }
0x226: {  	[spmem:s2] =	stream.indirect.scatter.add.f32 [tilespmem:s13], [sflag:$0x6], $0x20, s6, s12, $0xb8;
	[tilespmem:$0x1EC00] =	vst v63  }
0x227: {  	_ =	swait.ge [sflag:s18], $0x1000  }
0x228: {  	s6 =	sld [smem:$0x7FB]  }
0x229: {  	[sflag:s18] =	ssyncset.done $0x0  }
0x22a: {  	[sflag:s18] =	ssyncadd.s32 $0xFFFFF000  }
0x22b: {  	[spmem:s2] =	stream.indirect.scatter.add.f32 [tilespmem:s14], [sflag:$0x7], $0x20, s6, s12, $0xb8;
	[tilespmem:$0x1EC00] =	vst v63  }
0x22c: {  	_ =	swait.ge [sflag:s19], $0x1000  }
0x22d: {  	s6 =	sld [smem:$0x7FC]  }
0x22e: {  	[sflag:s19] =	ssyncset.done $0x0  }
0x22f: {  	[sflag:s19] =	ssyncadd.s32 $0xFFFFF000  }
0x230: {  	[spmem:s2] =	stream.indirect.scatter.add.f32 [tilespmem:s15], [sflag:$0x8], $0x20, s6, s12, $0xb8;
	[tilespmem:$0x1EC00] =	vst v63  }
0x231: {  	_ =	swait.ge [sflag:s20], $0x1000  }
0x232: {  	[sflag:s20] =	ssyncset.done $0x0  }
0x233: {  	s24 =	simm.s32 $0x19C00;
	[sflag:s20] =	ssyncadd.s32 $0xFFFFF000  }
0x234: {  	[tilespmem:s8], [sflag:$0x1] =	stream.indirect.gather [hbm4b:s4+s12], $0x20, s24, s12, $0xb8;
	[tilespmem:$0x1EC00] =	vst v63  }
0x235: {  	_ =	swait.ge [sflag:s21], $0x1000  }
0x236: {  	[sflag:s21] =	ssyncset.done $0x0  }
0x237: {  	[sflag:s21] =	ssyncadd.s32 $0xFFFFF000  }
0x238: {  	[tilespmem:s13], [sflag:$0x2] =	stream.indirect.gather [hbm4b:s4+s12], $0x20, s26, s12, $0xb8;
	[tilespmem:$0x1EC00] =	vst v63  }
0x239: {  	_ =	swait.ge [sflag:s22], $0x1000  }
0x23a: {  	[sflag:s22] =	ssyncset.done $0x0  }
0x23b: {  	[sflag:s22] =	ssyncadd.s32 $0xFFFFF000  }
0x23c: {  	[tilespmem:s14], [sflag:$0x3] =	stream.indirect.gather [hbm4b:s4+s12], $0x20, s28, s12, $0xb8;
	[tilespmem:$0x1EC00] =	vst v63  }
0x23d: {  	_ =	swait.ge [sflag:s23], $0x1000  }
0x23e: {  	[sflag:s23] =	ssyncset.done $0x0  }
0x23f: {  	[sflag:s23] =	ssyncadd.s32 $0xFFFFF000  }
0x240: {  	[tilespmem:s15], [sflag:$0x4] =	stream.indirect.gather [hbm4b:s4+s12], $0x20, s29, s12, $0xb8;
	[tilespmem:$0x1EC00] =	vst v63  }
0x241: {  	_ =	swait.ge [sflag:s16], $0x1000  }
0x242: {  	[sflag:s16] =	ssyncset.done $0x0  }
0x243: {  	[sflag:s16] =	ssyncadd.s32 $0xFFFFF000  }
0x244: {  	[spmem:s2] =	stream.indirect.scatter.add.f32 [tilespmem:s8], [sflag:$0x5], $0x20, s30, s12, $0xb8;
	[tilespmem:$0x1EC00] =	vst v63  }
0x245: {  	_ =	swait.ge [sflag:s17], $0x1000  }
0x246: {  	[sflag:s17] =	ssyncset.done $0x0  }
0x247: {  	[sflag:s17] =	ssyncadd.s32 $0xFFFFF000  }
0x248: {  	[spmem:s2] =	stream.indirect.scatter.add.f32 [tilespmem:s13], [sflag:$0x6], $0x20, s31, s12, $0xb8;
	[tilespmem:$0x1EC00] =	vst v63  }
0x249: {  	_ =	swait.ge [sflag:s18], $0x1000  }
0x24a: {  	[sflag:s18] =	ssyncset.done $0x0  }
0x24b: {  	[sflag:s18] =	ssyncadd.s32 $0xFFFFF000  }
0x24c: {  	[spmem:s2] =	stream.indirect.scatter.add.f32 [tilespmem:s14], [sflag:$0x7], $0x20, s1, s12, $0xb8;
	[tilespmem:$0x1EC00] =	vst v63  }
0x24d: {  	_ =	swait.ge [sflag:s19], $0x1000  }
0x24e: {  	[sflag:s19] =	ssyncset.done $0x0  }
0x24f: {  	[sflag:s19] =	ssyncadd.s32 $0xFFFFF000  }
0x250: {  	[spmem:s2] =	stream.indirect.scatter.add.f32 [tilespmem:s15], [sflag:$0x8], $0x20, s0, s12, $0xb8;
	[tilespmem:$0x1EC00] =	vst v63  }
0x251: {  	_ =	swait.ge [sflag:s20], $0x1000  }
0x252: {  	[sflag:s20] =	ssyncset.done $0x0  }
0x253: {  	[sflag:s20] =	ssyncadd.s32 $0xFFFFF000  }
0x254: {  	[tilespmem:s8], [sflag:$0x1] =	stream.indirect.gather [hbm4b:s4+s12], $0x20, s29, s12, $0xb8;
	[tilespmem:$0x1EC00] =	vst v63  }
0x255: {  	_ =	swait.ge [sflag:s21], $0x1000  }
0x256: {  	[sflag:s21] =	ssyncset.done $0x0  }
0x257: {  	[sflag:s21] =	ssyncadd.s32 $0xFFFFF000  }
0x258: {  	[tilespmem:s13], [sflag:$0x2] =	stream.indirect.gather [hbm4b:s4+s12], $0x20, s29, s12, $0xb8;
	[tilespmem:$0x1EC00] =	vst v63  }
0x259: {  	_ =	swait.ge [sflag:s22], $0x1000  }
0x25a: {  	[sflag:s22] =	ssyncset.done $0x0  }
0x25b: {  	[sflag:s22] =	ssyncadd.s32 $0xFFFFF000  }
0x25c: {  	[tilespmem:s14], [sflag:$0x3] =	stream.indirect.gather [hbm4b:s4+s12], $0x20, s29, s12, $0xb8;
	[tilespmem:$0x1EC00] =	vst v63  }
0x25d: {  	_ =	swait.ge [sflag:s23], $0x1000  }
0x25e: {  	[sflag:s23] =	ssyncset.done $0x0  }
0x25f: {  	[sflag:s23] =	ssyncadd.s32 $0xFFFFF000  }
0x260: {  	[tilespmem:s15], [sflag:$0x4] =	stream.indirect.gather [hbm4b:s4+s12], $0x20, s29, s12, $0xb8;
	[tilespmem:$0x1EC00] =	vst v63  }
0x261: {  	_ =	swait.ge [sflag:s16], $0x1000  }
0x262: {  	[sflag:s16] =	ssyncset.done $0x0  }
0x263: {  	[sflag:s16] =	ssyncadd.s32 $0xFFFFF000  }
0x264: {  	_ =	swait.ge [sflag:s17], $0x1000  }
0x265: {  	[sflag:s17] =	ssyncset.done $0x0  }
0x266: {  	p0 =	sne.s32 s25, $0xA80;
	[sflag:s17] =	ssyncadd.s32 $0xFFFFF000  }
.Ltmp2:
0x267: {  	_ =	swait.ge [sflag:s18], $0x1000;
	(pc) =	sbr.rel @p0 .LBB2_6-.Ltmp2, $4  }
0x268: {  	[sflag:s18] =	ssyncset.done $0x0  }
0x269: {  	[sflag:s18] =	ssyncadd.s32 $0xFFFFF000  }
0x26a: {  	_ =	swait.ge [sflag:s19], $0x1000  }
0x26b: {  	s25 =	sadd.s32 $0x1C0, s25;
	s6 =	rddreg [dreg:$0x5];
	[sflag:s19] =	ssyncset.done $0x0  }
0x26c: {  	[sflag:s19] =	ssyncadd.s32 $0xFFFFF000;
	s6 =	sadd.s32 s7, s6  }
0x26d: {  	[tilespmem:s10], [sflag:$0x9] =	stream.linear.gather [hbm4b:s6+s3], $0xE00, $0x38;
	[tilespmem:$0x1EC00] =	vst v63  }
0x26e: {  	_ =	swait.ge [sflag:s9], $0xE00  }
0x26f: {  	s25 =	rddreg [dreg:$0x4];
	[sflag:s9] =	ssyncset.done $0x0  }
0x270: {  	[sflag:s9] =	ssyncadd.s32 $0xFFFFF200;
	s6 =	sadd.s32 s7, s25  }
0x271: {  	[tilespmem:s11], [sflag:$0x9] =	stream.linear.gather [hbm4b:s6+s3], $0xE00, $0x38;
	[tilespmem:$0x1EC00] =	vst v63  }
0x272: {  	_ =	swait.ge [sflag:s9], $0xE00  }
0x273: {  	[sflag:s9] =	ssyncset.done $0x0  }
0x274: {  	[sflag:s9] =	ssyncadd.s32 $0xFFFFF200  }
0x275: {  	[tilespmem:s8], [sflag:$0x1] =	stream.indirect.gather [hbm4b:s4+s12], $0x20, s10, s12, $0xb8;
	[tilespmem:$0x1EC00] =	vst v63  }
0x276: {  	s25 =	rddreg [dreg:$0x6]  }
0x277: {  	[tilespmem:s13], [sflag:$0x2] =	stream.indirect.gather [hbm4b:s4+s12], $0x20, s25, s12, $0xb8;
	[tilespmem:$0x1EC00] =	vst v63  }
0x278: {  	s7 =	rddreg [dreg:$0x7]  }
0x279: {  	[tilespmem:s14], [sflag:$0x3] =	stream.indirect.gather [hbm4b:s4+s12], $0x20, s7, s12, $0xb8;
	[tilespmem:$0x1EC00] =	vst v63  }
0x27a: {  	s25 =	rddreg [dreg:$0x8]  }
0x27b: {  	[tilespmem:s15], [sflag:$0x4] =	stream.indirect.gather [hbm4b:s4+s12], $0x20, s25, s12, $0xb8;
	[tilespmem:$0x1EC00] =	vst v63  }
0x27c: {  	_ =	swait.ge [sflag:s16], $0x1000  }
0x27d: {  	[sflag:s16] =	ssyncset.done $0x0  }
0x27e: {  	[sflag:s16] =	ssyncadd.s32 $0xFFFFF000  }
0x27f: {  	[spmem:s2] =	stream.indirect.scatter.add.f32 [tilespmem:s8], [sflag:$0x5], $0x20, s11, s12, $0xb8;
	[tilespmem:$0x1EC00] =	vst v63  }
0x280: {  	_ =	swait.ge [sflag:s17], $0x1000  }
0x281: {  	[sflag:s17] =	ssyncset.done $0x0  }
0x282: {  	s7 =	rddreg [dreg:$0x9];
	[sflag:s17] =	ssyncadd.s32 $0xFFFFF000  }
0x283: {  	[spmem:s2] =	stream.indirect.scatter.add.f32 [tilespmem:s13], [sflag:$0x6], $0x20, s7, s12, $0xb8;
	[tilespmem:$0x1EC00] =	vst v63  }
0x284: {  	_ =	swait.ge [sflag:s18], $0x1000  }
0x285: {  	[sflag:s18] =	ssyncset.done $0x0  }
0x286: {  	s25 =	rddreg [dreg:$0xa];
	[sflag:s18] =	ssyncadd.s32 $0xFFFFF000  }
0x287: {  	[spmem:s2] =	stream.indirect.scatter.add.f32 [tilespmem:s14], [sflag:$0x7], $0x20, s25, s12, $0xb8;
	[tilespmem:$0x1EC00] =	vst v63  }
0x288: {  	_ =	swait.ge [sflag:s19], $0x1000  }
0x289: {  	[sflag:s19] =	ssyncset.done $0x0  }
0x28a: {  	s7 =	rddreg [dreg:$0xb];
	[sflag:s19] =	ssyncadd.s32 $0xFFFFF000  }
0x28b: {  	[spmem:s2] =	stream.indirect.scatter.add.f32 [tilespmem:s15], [sflag:$0x8], $0x20, s7, s12, $0xb8;
	[tilespmem:$0x1EC00] =	vst v63  }
0x28c: {  	_ =	swait.ge [sflag:s20], $0x1000  }
0x28d: {  	[sflag:s20] =	ssyncset.done $0x0  }
0x28e: {  	s25 =	rddreg [dreg:$0xc];
	[sflag:s20] =	ssyncadd.s32 $0xFFFFF000  }
0x28f: {  	[tilespmem:s8], [sflag:$0x1] =	stream.indirect.gather [hbm4b:s4+s12], $0x20, s25, s12, $0xb8;
	[tilespmem:$0x1EC00] =	vst v63  }
0x290: {  	_ =	swait.ge [sflag:s21], $0x1000  }
0x291: {  	[sflag:s21] =	ssyncset.done $0x0  }
0x292: {  	s7 =	rddreg [dreg:$0xd];
	[sflag:s21] =	ssyncadd.s32 $0xFFFFF000  }
0x293: {  	[tilespmem:s13], [sflag:$0x2] =	stream.indirect.gather [hbm4b:s4+s12], $0x20, s7, s12, $0xb8;
	[tilespmem:$0x1EC00] =	vst v63  }
0x294: {  	_ =	swait.ge [sflag:s22], $0x1000  }
0x295: {  	[sflag:s22] =	ssyncset.done $0x0  }
0x296: {  	s25 =	rddreg [dreg:$0xe];
	[sflag:s22] =	ssyncadd.s32 $0xFFFFF000  }
0x297: {  	[tilespmem:s14], [sflag:$0x3] =	stream.indirect.gather [hbm4b:s4+s12], $0x20, s25, s12, $0xb8;
	[tilespmem:$0x1EC00] =	vst v63  }
0x298: {  	_ =	swait.ge [sflag:s23], $0x1000  }
0x299: {  	[sflag:s23] =	ssyncset.done $0x0  }
0x29a: {  	s7 =	rddreg [dreg:$0xf];
	[sflag:s23] =	ssyncadd.s32 $0xFFFFF000  }
0x29b: {  	[tilespmem:s15], [sflag:$0x4] =	stream.indirect.gather [hbm4b:s4+s12], $0x20, s7, s12, $0xb8;
	[tilespmem:$0x1EC00] =	vst v63  }
0x29c: {  	_ =	swait.ge [sflag:s16], $0x1000  }
0x29d: {  	[sflag:s16] =	ssyncset.done $0x0  }
0x29e: {  	s25 =	rddreg [dreg:$0x10];
	[sflag:s16] =	ssyncadd.s32 $0xFFFFF000  }
0x29f: {  	[spmem:s2] =	stream.indirect.scatter.add.f32 [tilespmem:s8], [sflag:$0x5], $0x20, s25, s12, $0xb8;
	[tilespmem:$0x1EC00] =	vst v63  }
0x2a0: {  	_ =	swait.ge [sflag:s17], $0x1000  }
0x2a1: {  	[sflag:s17] =	ssyncset.done $0x0  }
0x2a2: {  	s7 =	rddreg [dreg:$0x11];
	[sflag:s17] =	ssyncadd.s32 $0xFFFFF000  }
0x2a3: {  	[spmem:s2] =	stream.indirect.scatter.add.f32 [tilespmem:s13], [sflag:$0x6], $0x20, s7, s12, $0xb8;
	[tilespmem:$0x1EC00] =	vst v63  }
0x2a4: {  	_ =	swait.ge [sflag:s18], $0x1000  }
0x2a5: {  	[sflag:s18] =	ssyncset.done $0x0  }
0x2a6: {  	s25 =	rddreg [dreg:$0x12];
	[sflag:s18] =	ssyncadd.s32 $0xFFFFF000  }
0x2a7: {  	[spmem:s2] =	stream.indirect.scatter.add.f32 [tilespmem:s14], [sflag:$0x7], $0x20, s25, s12, $0xb8;
	[tilespmem:$0x1EC00] =	vst v63  }
0x2a8: {  	_ =	swait.ge [sflag:s19], $0x1000  }
0x2a9: {  	[sflag:s19] =	ssyncset.done $0x0  }
0x2aa: {  	s7 =	rddreg [dreg:$0x13];
	[sflag:s19] =	ssyncadd.s32 $0xFFFFF000  }
0x2ab: {  	[spmem:s2] =	stream.indirect.scatter.add.f32 [tilespmem:s15], [sflag:$0x8], $0x20, s7, s12, $0xb8;
	[tilespmem:$0x1EC00] =	vst v63  }
0x2ac: {  	_ =	swait.ge [sflag:s20], $0x1000  }
0x2ad: {  	[sflag:s20] =	ssyncset.done $0x0  }
0x2ae: {  	s25 =	rddreg [dreg:$0x14];
	[sflag:s20] =	ssyncadd.s32 $0xFFFFF000  }
0x2af: {  	[tilespmem:s8], [sflag:$0x1] =	stream.indirect.gather [hbm4b:s4+s12], $0x20, s25, s12, $0xb8;
	[tilespmem:$0x1EC00] =	vst v63  }
0x2b0: {  	_ =	swait.ge [sflag:s21], $0x1000  }
0x2b1: {  	[sflag:s21] =	ssyncset.done $0x0  }
0x2b2: {  	s7 =	rddreg [dreg:$0x15];
	[sflag:s21] =	ssyncadd.s32 $0xFFFFF000  }
0x2b3: {  	[tilespmem:s13], [sflag:$0x2] =	stream.indirect.gather [hbm4b:s4+s12], $0x20, s7, s12, $0xb8;
	[tilespmem:$0x1EC00] =	vst v63  }
0x2b4: {  	_ =	swait.ge [sflag:s22], $0x1000  }
0x2b5: {  	[sflag:s22] =	ssyncset.done $0x0  }
0x2b6: {  	s25 =	rddreg [dreg:$0x16];
	[sflag:s22] =	ssyncadd.s32 $0xFFFFF000  }
0x2b7: {  	[tilespmem:s14], [sflag:$0x3] =	stream.indirect.gather [hbm4b:s4+s12], $0x20, s25, s12, $0xb8;
	[tilespmem:$0x1EC00] =	vst v63  }
0x2b8: {  	_ =	swait.ge [sflag:s23], $0x1000  }
0x2b9: {  	[sflag:s23] =	ssyncset.done $0x0  }
0x2ba: {  	s7 =	rddreg [dreg:$0x17];
	[sflag:s23] =	ssyncadd.s32 $0xFFFFF000  }
0x2bb: {  	[tilespmem:s15], [sflag:$0x4] =	stream.indirect.gather [hbm4b:s4+s12], $0x20, s7, s12, $0xb8;
	[tilespmem:$0x1EC00] =	vst v63  }
0x2bc: {  	_ =	swait.ge [sflag:s16], $0x1000  }
0x2bd: {  	[sflag:s16] =	ssyncset.done $0x0  }
0x2be: {  	s25 =	rddreg [dreg:$0x18];
	[sflag:s16] =	ssyncadd.s32 $0xFFFFF000  }
0x2bf: {  	[spmem:s2] =	stream.indirect.scatter.add.f32 [tilespmem:s8], [sflag:$0x5], $0x20, s25, s12, $0xb8;
	[tilespmem:$0x1EC00] =	vst v63  }
0x2c0: {  	_ =	swait.ge [sflag:s17], $0x1000  }
0x2c1: {  	[sflag:s17] =	ssyncset.done $0x0  }
0x2c2: {  	s7 =	rddreg [dreg:$0x19];
	[sflag:s17] =	ssyncadd.s32 $0xFFFFF000  }
0x2c3: {  	[spmem:s2] =	stream.indirect.scatter.add.f32 [tilespmem:s13], [sflag:$0x6], $0x20, s7, s12, $0xb8;
	[tilespmem:$0x1EC00] =	vst v63  }
0x2c4: {  	_ =	swait.ge [sflag:s18], $0x1000  }
0x2c5: {  	[sflag:s18] =	ssyncset.done $0x0  }
0x2c6: {  	s25 =	rddreg [dreg:$0x1a];
	[sflag:s18] =	ssyncadd.s32 $0xFFFFF000  }
0x2c7: {  	[spmem:s2] =	stream.indirect.scatter.add.f32 [tilespmem:s14], [sflag:$0x7], $0x20, s25, s12, $0xb8;
	[tilespmem:$0x1EC00] =	vst v63  }
0x2c8: {  	_ =	swait.ge [sflag:s19], $0x1000  }
0x2c9: {  	[sflag:s19] =	ssyncset.done $0x0  }
0x2ca: {  	s7 =	rddreg [dreg:$0x1b];
	[sflag:s19] =	ssyncadd.s32 $0xFFFFF000  }
0x2cb: {  	[spmem:s2] =	stream.indirect.scatter.add.f32 [tilespmem:s15], [sflag:$0x8], $0x20, s7, s12, $0xb8;
	[tilespmem:$0x1EC00] =	vst v63  }
0x2cc: {  	_ =	swait.ge [sflag:s20], $0x1000  }
0x2cd: {  	[sflag:s20] =	ssyncset.done $0x0  }
0x2ce: {  	s25 =	rddreg [dreg:$0x1c];
	[sflag:s20] =	ssyncadd.s32 $0xFFFFF000  }
0x2cf: {  	[tilespmem:s8], [sflag:$0x1] =	stream.indirect.gather [hbm4b:s4+s12], $0x20, s25, s12, $0xb8;
	[tilespmem:$0x1EC00] =	vst v63  }
0x2d0: {  	_ =	swait.ge [sflag:s21], $0x1000  }
0x2d1: {  	[sflag:s21] =	ssyncset.done $0x0  }
0x2d2: {  	s7 =	rddreg [dreg:$0x1d];
	[sflag:s21] =	ssyncadd.s32 $0xFFFFF000  }
0x2d3: {  	[tilespmem:s13], [sflag:$0x2] =	stream.indirect.gather [hbm4b:s4+s12], $0x20, s7, s12, $0xb8;
	[tilespmem:$0x1EC00] =	vst v63  }
0x2d4: {  	_ =	swait.ge [sflag:s22], $0x1000  }
0x2d5: {  	[sflag:s22] =	ssyncset.done $0x0  }
0x2d6: {  	s25 =	rddreg [dreg:$0x1e];
	[sflag:s22] =	ssyncadd.s32 $0xFFFFF000  }
0x2d7: {  	[tilespmem:s14], [sflag:$0x3] =	stream.indirect.gather [hbm4b:s4+s12], $0x20, s25, s12, $0xb8;
	[tilespmem:$0x1EC00] =	vst v63  }
0x2d8: {  	_ =	swait.ge [sflag:s23], $0x1000  }
0x2d9: {  	[sflag:s23] =	ssyncset.done $0x0  }
0x2da: {  	s7 =	rddreg [dreg:$0x1f];
	[sflag:s23] =	ssyncadd.s32 $0xFFFFF000  }
0x2db: {  	[tilespmem:s15], [sflag:$0x4] =	stream.indirect.gather [hbm4b:s4+s12], $0x20, s7, s12, $0xb8;
	[tilespmem:$0x1EC00] =	vst v63  }
0x2dc: {  	_ =	swait.ge [sflag:s16], $0x1000  }
0x2dd: {  	s25 =	sld [smem:$0x7E7]  }
0x2de: {  	[sflag:s16] =	ssyncset.done $0x0  }
0x2df: {  	[sflag:s16] =	ssyncadd.s32 $0xFFFFF000  }
0x2e0: {  	[spmem:s2] =	stream.indirect.scatter.add.f32 [tilespmem:s8], [sflag:$0x5], $0x20, s25, s12, $0xb8;
	[tilespmem:$0x1EC00] =	vst v63  }
0x2e1: {  	_ =	swait.ge [sflag:s17], $0x1000  }
0x2e2: {  	s7 =	sld [smem:$0x7E9]  }
0x2e3: {  	[sflag:s17] =	ssyncset.done $0x0  }
0x2e4: {  	[sflag:s17] =	ssyncadd.s32 $0xFFFFF000  }
0x2e5: {  	[spmem:s2] =	stream.indirect.scatter.add.f32 [tilespmem:s13], [sflag:$0x6], $0x20, s7, s12, $0xb8;
	[tilespmem:$0x1EC00] =	vst v63  }
0x2e6: {  	_ =	swait.ge [sflag:s18], $0x1000  }
0x2e7: {  	s25 =	sld [smem:$0x7EA]  }
0x2e8: {  	[sflag:s18] =	ssyncset.done $0x0  }
0x2e9: {  	[sflag:s18] =	ssyncadd.s32 $0xFFFFF000  }
0x2ea: {  	[spmem:s2] =	stream.indirect.scatter.add.f32 [tilespmem:s14], [sflag:$0x7], $0x20, s25, s12, $0xb8;
	[tilespmem:$0x1EC00] =	vst v63  }
0x2eb: {  	_ =	swait.ge [sflag:s19], $0x1000  }
0x2ec: {  	s7 =	sld [smem:$0x7EC]  }
0x2ed: {  	[sflag:s19] =	ssyncset.done $0x0  }
0x2ee: {  	[sflag:s19] =	ssyncadd.s32 $0xFFFFF000  }
0x2ef: {  	[spmem:s2] =	stream.indirect.scatter.add.f32 [tilespmem:s15], [sflag:$0x8], $0x20, s7, s12, $0xb8;
	[tilespmem:$0x1EC00] =	vst v63  }
0x2f0: {  	_ =	swait.ge [sflag:s20], $0x1000  }
0x2f1: {  	s25 =	sld [smem:$0x7ED]  }
0x2f2: {  	[sflag:s20] =	ssyncset.done $0x0  }
0x2f3: {  	[sflag:s20] =	ssyncadd.s32 $0xFFFFF000  }
0x2f4: {  	[tilespmem:s8], [sflag:$0x1] =	stream.indirect.gather [hbm4b:s4+s12], $0x20, s25, s12, $0xb8;
	[tilespmem:$0x1EC00] =	vst v63  }
0x2f5: {  	_ =	swait.ge [sflag:s21], $0x1000  }
0x2f6: {  	s7 =	sld [smem:$0x7EE]  }
0x2f7: {  	[sflag:s21] =	ssyncset.done $0x0  }
0x2f8: {  	[sflag:s21] =	ssyncadd.s32 $0xFFFFF000  }
0x2f9: {  	[tilespmem:s13], [sflag:$0x2] =	stream.indirect.gather [hbm4b:s4+s12], $0x20, s7, s12, $0xb8;
	[tilespmem:$0x1EC00] =	vst v63  }
0x2fa: {  	_ =	swait.ge [sflag:s22], $0x1000  }
0x2fb: {  	s25 =	sld [smem:$0x7EF]  }
0x2fc: {  	[sflag:s22] =	ssyncset.done $0x0  }
0x2fd: {  	[sflag:s22] =	ssyncadd.s32 $0xFFFFF000  }
0x2fe: {  	[tilespmem:s14], [sflag:$0x3] =	stream.indirect.gather [hbm4b:s4+s12], $0x20, s25, s12, $0xb8;
	[tilespmem:$0x1EC00] =	vst v63  }
0x2ff: {  	_ =	swait.ge [sflag:s23], $0x1000  }
0x300: {  	s7 =	sld [smem:$0x7F0]  }
0x301: {  	[sflag:s23] =	ssyncset.done $0x0  }
0x302: {  	[sflag:s23] =	ssyncadd.s32 $0xFFFFF000  }
0x303: {  	[tilespmem:s15], [sflag:$0x4] =	stream.indirect.gather [hbm4b:s4+s12], $0x20, s7, s12, $0xb8;
	[tilespmem:$0x1EC00] =	vst v63  }
0x304: {  	_ =	swait.ge [sflag:s16], $0x1000  }
0x305: {  	s25 =	sld [smem:$0x7F1]  }
0x306: {  	[sflag:s16] =	ssyncset.done $0x0  }
0x307: {  	[sflag:s16] =	ssyncadd.s32 $0xFFFFF000  }
0x308: {  	[spmem:s2] =	stream.indirect.scatter.add.f32 [tilespmem:s8], [sflag:$0x5], $0x20, s25, s12, $0xb8;
	[tilespmem:$0x1EC00] =	vst v63  }
0x309: {  	_ =	swait.ge [sflag:s17], $0x1000  }
0x30a: {  	s7 =	sld [smem:$0x7F2]  }
0x30b: {  	[sflag:s17] =	ssyncset.done $0x0  }
0x30c: {  	[sflag:s17] =	ssyncadd.s32 $0xFFFFF000  }
0x30d: {  	[spmem:s2] =	stream.indirect.scatter.add.f32 [tilespmem:s13], [sflag:$0x6], $0x20, s7, s12, $0xb8;
	[tilespmem:$0x1EC00] =	vst v63  }
0x30e: {  	_ =	swait.ge [sflag:s18], $0x1000  }
0x30f: {  	s25 =	sld [smem:$0x7F3]  }
0x310: {  	[sflag:s18] =	ssyncset.done $0x0  }
0x311: {  	[sflag:s18] =	ssyncadd.s32 $0xFFFFF000  }
0x312: {  	[spmem:s2] =	stream.indirect.scatter.add.f32 [tilespmem:s14], [sflag:$0x7], $0x20, s25, s12, $0xb8;
	[tilespmem:$0x1EC00] =	vst v63  }
0x313: {  	_ =	swait.ge [sflag:s19], $0x1000  }
0x314: {  	s7 =	sld [smem:$0x7F4]  }
0x315: {  	[sflag:s19] =	ssyncset.done $0x0  }
0x316: {  	[sflag:s19] =	ssyncadd.s32 $0xFFFFF000  }
0x317: {  	[spmem:s2] =	stream.indirect.scatter.add.f32 [tilespmem:s15], [sflag:$0x8], $0x20, s7, s12, $0xb8;
	[tilespmem:$0x1EC00] =	vst v63  }
0x318: {  	_ =	swait.ge [sflag:s20], $0x1000  }
0x319: {  	s25 =	sld [smem:$0x7F5]  }
0x31a: {  	[sflag:s20] =	ssyncset.done $0x0  }
0x31b: {  	[sflag:s20] =	ssyncadd.s32 $0xFFFFF000  }
0x31c: {  	[tilespmem:s8], [sflag:$0x1] =	stream.indirect.gather [hbm4b:s4+s12], $0x20, s25, s12, $0xb8;
	[tilespmem:$0x1EC00] =	vst v63  }
0x31d: {  	_ =	swait.ge [sflag:s21], $0x1000  }
0x31e: {  	s7 =	sld [smem:$0x7F6]  }
0x31f: {  	[sflag:s21] =	ssyncset.done $0x0  }
0x320: {  	[sflag:s21] =	ssyncadd.s32 $0xFFFFF000  }
0x321: {  	[tilespmem:s13], [sflag:$0x2] =	stream.indirect.gather [hbm4b:s4+s12], $0x20, s7, s12, $0xb8;
	[tilespmem:$0x1EC00] =	vst v63  }
0x322: {  	_ =	swait.ge [sflag:s22], $0x1000  }
0x323: {  	s25 =	sld [smem:$0x7F7]  }
0x324: {  	[sflag:s22] =	ssyncset.done $0x0  }
0x325: {  	[sflag:s22] =	ssyncadd.s32 $0xFFFFF000  }
0x326: {  	[tilespmem:s14], [sflag:$0x3] =	stream.indirect.gather [hbm4b:s4+s12], $0x20, s25, s12, $0xb8;
	[tilespmem:$0x1EC00] =	vst v63  }
0x327: {  	_ =	swait.ge [sflag:s23], $0x1000  }
0x328: {  	s7 =	sld [smem:$0x7F8]  }
0x329: {  	[sflag:s23] =	ssyncset.done $0x0  }
0x32a: {  	[sflag:s23] =	ssyncadd.s32 $0xFFFFF000  }
0x32b: {  	[tilespmem:s15], [sflag:$0x4] =	stream.indirect.gather [hbm4b:s4+s12], $0x20, s7, s12, $0xb8;
	[tilespmem:$0x1EC00] =	vst v63  }
0x32c: {  	_ =	swait.ge [sflag:s16], $0x1000  }
0x32d: {  	s25 =	sld [smem:$0x7F9]  }
0x32e: {  	[sflag:s16] =	ssyncset.done $0x0  }
0x32f: {  	[sflag:s16] =	ssyncadd.s32 $0xFFFFF000  }
0x330: {  	[spmem:s2] =	stream.indirect.scatter.add.f32 [tilespmem:s8], [sflag:$0x5], $0x20, s25, s12, $0xb8;
	[tilespmem:$0x1EC00] =	vst v63  }
0x331: {  	_ =	swait.ge [sflag:s17], $0x1000  }
0x332: {  	s7 =	sld [smem:$0x7FA]  }
0x333: {  	[sflag:s17] =	ssyncset.done $0x0  }
0x334: {  	[sflag:s17] =	ssyncadd.s32 $0xFFFFF000  }
0x335: {  	[spmem:s2] =	stream.indirect.scatter.add.f32 [tilespmem:s13], [sflag:$0x6], $0x20, s7, s12, $0xb8;
	[tilespmem:$0x1EC00] =	vst v63  }
0x336: {  	_ =	swait.ge [sflag:s18], $0x1000  }
0x337: {  	s25 =	sld [smem:$0x7FB]  }
0x338: {  	[sflag:s18] =	ssyncset.done $0x0  }
0x339: {  	[sflag:s18] =	ssyncadd.s32 $0xFFFFF000  }
0x33a: {  	[spmem:s2] =	stream.indirect.scatter.add.f32 [tilespmem:s14], [sflag:$0x7], $0x20, s25, s12, $0xb8;
	[tilespmem:$0x1EC00] =	vst v63  }
0x33b: {  	_ =	swait.ge [sflag:s19], $0x1000  }
0x33c: {  	s7 =	sld [smem:$0x7FC]  }
0x33d: {  	[sflag:s19] =	ssyncset.done $0x0  }
0x33e: {  	[sflag:s19] =	ssyncadd.s32 $0xFFFFF000  }
0x33f: {  	[spmem:s2] =	stream.indirect.scatter.add.f32 [tilespmem:s15], [sflag:$0x8], $0x20, s7, s12, $0xb8;
	[tilespmem:$0x1EC00] =	vst v63  }
0x340: {  	_ =	swait.ge [sflag:s20], $0x1000  }
0x341: {  	[sflag:s20] =	ssyncset.done $0x0  }
0x342: {  	[sflag:s20] =	ssyncadd.s32 $0xFFFFF000  }
0x343: {  	[tilespmem:s8], [sflag:$0x1] =	stream.indirect.gather [hbm4b:s4+s12], $0x20, s24, s12, $0xb8;
	[tilespmem:$0x1EC00] =	vst v63  }
0x344: {  	_ =	swait.ge [sflag:s21], $0x1000  }
0x345: {  	[sflag:s21] =	ssyncset.done $0x0  }
0x346: {  	[sflag:s21] =	ssyncadd.s32 $0xFFFFF000  }
0x347: {  	[tilespmem:s13], [sflag:$0x2] =	stream.indirect.gather [hbm4b:s4+s12], $0x20, s26, s12, $0xb8;
	[tilespmem:$0x1EC00] =	vst v63  }
0x348: {  	_ =	swait.ge [sflag:s22], $0x1000  }
0x349: {  	[sflag:s22] =	ssyncset.done $0x0  }
0x34a: {  	[sflag:s22] =	ssyncadd.s32 $0xFFFFF000  }
0x34b: {  	[tilespmem:s14], [sflag:$0x3] =	stream.indirect.gather [hbm4b:s4+s12], $0x20, s28, s12, $0xb8;
	[tilespmem:$0x1EC00] =	vst v63  }
0x34c: {  	_ =	swait.ge [sflag:s23], $0x1000  }
0x34d: {  	[sflag:s23] =	ssyncset.done $0x0  }
0x34e: {  	[sflag:s23] =	ssyncadd.s32 $0xFFFFF000  }
0x34f: {  	[tilespmem:s15], [sflag:$0x4] =	stream.indirect.gather [hbm4b:s4+s12], $0x20, s29, s12, $0xb8;
	[tilespmem:$0x1EC00] =	vst v63  }
0x350: {  	_ =	swait.ge [sflag:s16], $0x1000  }
0x351: {  	[sflag:s16] =	ssyncset.done $0x0  }
0x352: {  	[sflag:s16] =	ssyncadd.s32 $0xFFFFF000  }
0x353: {  	[spmem:s2] =	stream.indirect.scatter.add.f32 [tilespmem:s8], [sflag:$0x5], $0x20, s30, s12, $0xb8;
	[tilespmem:$0x1EC00] =	vst v63  }
0x354: {  	_ =	swait.ge [sflag:s17], $0x1000  }
0x355: {  	[sflag:s17] =	ssyncset.done $0x0  }
0x356: {  	[sflag:s17] =	ssyncadd.s32 $0xFFFFF000  }
0x357: {  	[spmem:s2] =	stream.indirect.scatter.add.f32 [tilespmem:s13], [sflag:$0x6], $0x20, s31, s12, $0xb8;
	[tilespmem:$0x1EC00] =	vst v63  }
0x358: {  	_ =	swait.ge [sflag:s18], $0x1000  }
0x359: {  	[sflag:s18] =	ssyncset.done $0x0  }
0x35a: {  	[sflag:s18] =	ssyncadd.s32 $0xFFFFF000  }
0x35b: {  	[spmem:s2] =	stream.indirect.scatter.add.f32 [tilespmem:s14], [sflag:$0x7], $0x20, s1, s12, $0xb8;
	[tilespmem:$0x1EC00] =	vst v63  }
0x35c: {  	_ =	swait.ge [sflag:s19], $0x1000  }
0x35d: {  	[sflag:s19] =	ssyncset.done $0x0  }
0x35e: {  	[sflag:s19] =	ssyncadd.s32 $0xFFFFF000  }
0x35f: {  	[spmem:s2] =	stream.indirect.scatter.add.f32 [tilespmem:s15], [sflag:$0x8], $0x20, s0, s12, $0xb8;
	[tilespmem:$0x1EC00] =	vst v63  }
0x360: {  	_ =	swait.ge [sflag:s20], $0x1000  }
0x361: {  	[sflag:s20] =	ssyncset.done $0x0  }
0x362: {  	[sflag:s20] =	ssyncadd.s32 $0xFFFFF000  }
0x363: {  	[tilespmem:s8], [sflag:$0x1] =	stream.indirect.gather [hbm4b:s4+s12], $0x20, s29, s12, $0xb8;
	[tilespmem:$0x1EC00] =	vst v63  }
0x364: {  	_ =	swait.ge [sflag:s21], $0x1000  }
0x365: {  	[sflag:s21] =	ssyncset.done $0x0  }
0x366: {  	[sflag:s21] =	ssyncadd.s32 $0xFFFFF000  }
0x367: {  	[tilespmem:s13], [sflag:$0x2] =	stream.indirect.gather [hbm4b:s4+s12], $0x20, s29, s12, $0xb8;
	[tilespmem:$0x1EC00] =	vst v63  }
0x368: {  	_ =	swait.ge [sflag:s22], $0x1000  }
0x369: {  	[sflag:s22] =	ssyncset.done $0x0  }
0x36a: {  	[sflag:s22] =	ssyncadd.s32 $0xFFFFF000  }
0x36b: {  	[tilespmem:s14], [sflag:$0x3] =	stream.indirect.gather [hbm4b:s4+s12], $0x20, s29, s12, $0xb8;
	[tilespmem:$0x1EC00] =	vst v63  }
0x36c: {  	_ =	swait.ge [sflag:s23], $0x1000  }
0x36d: {  	[sflag:s23] =	ssyncset.done $0x0  }
0x36e: {  	[sflag:s23] =	ssyncadd.s32 $0xFFFFF000  }
0x36f: {  	[tilespmem:s15], [sflag:$0x4] =	stream.indirect.gather [hbm4b:s4+s12], $0x20, s29, s12, $0xb8;
	[tilespmem:$0x1EC00] =	vst v63  }
0x370: {  	_ =	swait.ge [sflag:s16], $0x1000  }
0x371: {  	[sflag:s16] =	ssyncset.done $0x0  }
0x372: {  	[sflag:s16] =	ssyncadd.s32 $0xFFFFF000  }
0x373: {  	_ =	swait.ge [sflag:s17], $0x1000  }
0x374: {  	[sflag:s17] =	ssyncset.done $0x0  }
0x375: {  	[sflag:s17] =	ssyncadd.s32 $0xFFFFF000  }
0x376: {  	_ =	swait.ge [sflag:s18], $0x1000  }
0x377: {  	[sflag:s18] =	ssyncset.done $0x0  }
0x378: {  	[sflag:s18] =	ssyncadd.s32 $0xFFFFF000  }
0x379: {  	_ =	swait.ge [sflag:s19], $0x1000  }
0x37a: {  	[sflag:s19] =	ssyncset.done $0x0  }
0x37b: {  	[sflag:s19] =	ssyncadd.s32 $0xFFFFF000  }
0x37c: {  	[bflag:$0x0] =	sbarrier.arrive $0xFFFF  }
0x37d: {  	s25 =	stileid.u32;
	s7 =	sld [smem:$0x7E8]  }
0x37e: {  	s6 =	sshll.u32 s25, $0x6;
	s25 =	sld [smem:$0x7FD];
	_ =	sdelay $0x1  }
0x37f: {  	s6 =	sor.u32 $0x1C09, s6  }
0x380: {  	[hbm:s7], [sflag:s6] =	dma.local [spmem:s25], $0x3200  }
0x381: {  	_ =	swait.ge [sflag:s9], $0x3200  }
0x382: {  	s6 =	sld [smem:$0x7E6]  }
0x383: {  	s25 =	sld [smem:$0x7EB];
	_ =	sdelay $0x1  }
0x384: {  	s7 =	sadd.s32 $0x1, s6  }
0x385: {  	p0 =	sne.s32 s7, s25  }
.Ltmp3:
0x386: {  	_ = 	snop;
	(pc) =	sbr.rel @p0 .LBB2_1-.Ltmp3, $3  }
0x387: {  	_ =	sdelay $0x1  }
0x388: {  	[sflag:s9] =	ssyncset.done $0x0  }
0x389: {  	[sflag:s9] =	ssyncadd.s32 $0xFFFFCE00  }
0x38a: {  	_ =	sfence.sel $0x180000  }
0x38b: {  	[bflag:$0x0] =	sbarrier.arrive $0xFFFF  }
0x38c: {  	_ =	strace $0x9000004A  }
0x38d: {  	s0 =	stileid.u32;
	[bflag:$0x2] =	sbarrier.arrive $0xFFFF  }
0x38e: {  	p0 =	sne.s32 s0, $0x0;
	s0 =	rddreg [dreg:$0x3]  }
0x38f: {  	s0 =	sadd.s32 @!p0 $0x100000, s0  }
0x390: {  	[sflag:s0] =	ssyncadd.tile.s32 @!p0 $0x1;
	_ =	shalt  }
.Lfunc_end2:
_tile_overlayer_lowered:
.L_overlay_start_2:
0x391: {  	(tag) =	ssettag $0x2  }
0x392: {  	s0 =	rddreg [dreg:$0x0];
	s2 =	stileid.u32  }
0x393: {  	s1 =	rddreg [dreg:$0x1];
	p0 =	sne.s32 s2, $0x0  }
0x394: {  	s3 =	rddreg [dreg:$0x2];
	[bflag:$0x3] =	sbarrier.arrive $0xFFFF;
	s2 =	simm.s32 @!p0 $0x1C09  }
0x395: {  	[timem:s3], [sflag:s2] =	dma.local @!p0 [hbm:s0], s1  }
0x396: {  	s0 =	simm.s32 @!p0 $0x9  }
0x397: {  	_ =	swait.ge @!p0 [sflag:s0], s1  }
0x398: {  	s1 =	ssub.s32 @!p0 $0x0, s1;
	[sflag:s0] =	ssyncset.done @!p0 $0x0  }
0x399: {  	[sflag:s0] =	ssyncadd.s32 @!p0 s1  }
0x39a: {  	[bflag:$0x3] =	sbarrier.arrive $0xFFFF  }
0x39b: {  	_ =	shalt  }

</sc_bundles>
